<compile_context>
chip_gen: v7x
topology: tpu7x:2x2x1
jax: 0.10.2.dev20260603
libtpu: 0.0.44.dev20260713+nightly
codegen_flags: <defaults>
</compile_context>

<pallas_src>
import functools

import jax
import jax.numpy as jnp
from jax import lax
from jax.experimental import pallas as pl
from jax.experimental.pallas import tpu as pltpu
from jax.experimental.pallas import tpu_sc as plsc

T = 4096
D = 768
F = 2048
E = 16
K = 2

B = 256
NB = (T * K) // B + (E - 1)
NPAD = NB * B

NC = 2
NS = 16
NW = NC * NS
TOK_W = T // NW
SUB = 64

@functools.cache
def _mesh():
    return plsc.VectorSubcoreMesh(
        core_axis_name="c", subcore_axis_name="s", num_cores=NC, num_subcores=NS
    )


def _routing(topk_indices):
    flat = topk_indices.reshape(-1).astype(jnp.int32)
    oh = (jnp.arange(E, dtype=jnp.int32)[:, None] == flat[None, :]).astype(
        jnp.int32
    )
    csum = jnp.cumsum(oh, axis=1)
    counts = csum[:, -1]
    nblk = (counts + B - 1) // B
    blk_off = (jnp.cumsum(nblk) - nblk).astype(jnp.int32)
    dst = jnp.sum(oh * (blk_off[:, None] * B + csum - 1), axis=0)
    num_used = jnp.sum(nblk).astype(jnp.int32)
    bids = jnp.arange(NB, dtype=jnp.int32)
    be = jnp.sum((bids[:, None] >= blk_off[None, :]).astype(jnp.int32), axis=1) - 1
    expert_of = be[jnp.minimum(bids, num_used - 1)]
    wait_flag = jnp.concatenate(
        [jnp.ones((1,), jnp.int32),
         (expert_of[1:] != expert_of[:-1]).astype(jnp.int32)]
    )
    run_id = jnp.cumsum(wait_flag) - 1
    num_runs = run_id[-1] + 1
    expert_by_run = jnp.zeros((NB,), jnp.int32).at[run_id].set(expert_of)
    nxt = jnp.minimum(run_id + 1, num_runs - 1)
    issue_expert = expert_by_run[nxt]
    issue_flag = wait_flag * (run_id + 1 < num_runs).astype(jnp.int32)
    slot_of = run_id % 2
    issue_slot = (run_id + 1) % 2
    tab = jnp.stack(
        [expert_of, wait_flag, slot_of, issue_flag, issue_expert, issue_slot]
    )
    nu = num_used[None]
    dst2 = dst.reshape(T, K)
    return dst2[:, 0], dst2[:, 1], nu, tab


@functools.cache
def _dispatch_kernel():
    @functools.partial(
        pl.kernel,
        out_type=jax.ShapeDtypeStruct((NPAD, D), jnp.float32),
        mesh=_mesh(),
        scratch_types=[
            pltpu.VMEM((TOK_W, D), jnp.float32),
            pltpu.VMEM((TOK_W,), jnp.int32),
            pltpu.VMEM((TOK_W,), jnp.int32),
            pltpu.SemaphoreType.DMA,
            pltpu.SemaphoreType.DMA,
        ],
    )
    def _dispatch(hid_hbm, dst0_hbm, dst1_hbm, xpad_hbm, rows_v, i0_v, i1_v, s0, s1):
        wid = lax.axis_index("s") * NC + lax.axis_index("c")
        base = wid * TOK_W
        pltpu.sync_copy(hid_hbm.at[pl.ds(base, TOK_W)], rows_v)
        pltpu.sync_copy(dst0_hbm.at[pl.ds(base, TOK_W)], i0_v)
        pltpu.sync_copy(dst1_hbm.at[pl.ds(base, TOK_W)], i1_v)
        c0 = pltpu.async_copy(rows_v, xpad_hbm.at[i0_v], s0)
        c1 = pltpu.async_copy(rows_v, xpad_hbm.at[i1_v], s1)
        c0.wait()
        c1.wait()

    return _dispatch


@functools.cache
def _combine_kernel():
    @functools.partial(
        pl.kernel,
        out_type=jax.ShapeDtypeStruct((T, D), jnp.float32),
        mesh=_mesh(),
        scratch_types=[
            pltpu.VMEM((SUB, D), jnp.float32),
            pltpu.VMEM((SUB, D), jnp.float32),
            pltpu.VMEM((SUB,), jnp.int32),
            pltpu.VMEM((SUB,), jnp.int32),
            pltpu.VMEM((SUB + 16,), jnp.float32),
            pltpu.VMEM((SUB + 16,), jnp.float32),
            pltpu.SemaphoreType.DMA,
            pltpu.SemaphoreType.DMA,
        ],
    )
    def _combine(
        ypad_hbm, dst0_hbm, dst1_hbm, w0_hbm, w1_hbm, out_hbm,
        y0_v, y1_v, i0_v, i1_v, w0_v, w1_v, s0, s1,
    ):
        wid = lax.axis_index("s") * NC + lax.axis_index("c")
        for sub in range(TOK_W // SUB):
            base = wid * TOK_W + sub * SUB
            pltpu.sync_copy(dst0_hbm.at[pl.ds(base, SUB)], i0_v)
            pltpu.sync_copy(dst1_hbm.at[pl.ds(base, SUB)], i1_v)
            pltpu.sync_copy(w0_hbm.at[pl.ds(base, SUB)], w0_v.at[pl.ds(0, SUB)])
            pltpu.sync_copy(w1_hbm.at[pl.ds(base, SUB)], w1_v.at[pl.ds(0, SUB)])
            pltpu.async_copy(ypad_hbm.at[i0_v], y0_v, s0).wait()
            pltpu.async_copy(ypad_hbm.at[i1_v], y1_v, s1).wait()

            def row_body(r, carry):
                a = w0_v[pl.ds(r, 16)][0]
                b = w1_v[pl.ds(r, 16)][0]
                for cb in range(D // 16):
                    sl = pl.ds(cb * 16, 16)
                    y0_v[r, sl] = a * y0_v[r, sl] + b * y1_v[r, sl]
                return carry

            lax.fori_loop(0, SUB, row_body, 0)
            pltpu.sync_copy(y0_v, out_hbm.at[pl.ds(base, SUB)])

    return _combine


def _ffn_body(
    nu_ref, tab_ref, x_ref, wg_hbm, wu_hbm, wd_hbm, y_ref,
    wg_v, wu_v, wd_v, sg, su, sd,
):
    b = pl.program_id(0)

    def start_fetch(e, slot):
        pltpu.make_async_copy(wg_hbm.at[e], wg_v.at[slot], sg.at[slot]).start()
        pltpu.make_async_copy(wu_hbm.at[e], wu_v.at[slot], su.at[slot]).start()
        pltpu.make_async_copy(wd_hbm.at[e], wd_v.at[slot], sd.at[slot]).start()

    def wait_fetch(slot):
        pltpu.make_async_copy(wg_hbm.at[0], wg_v.at[slot], sg.at[slot]).wait()
        pltpu.make_async_copy(wu_hbm.at[0], wu_v.at[slot], su.at[slot]).wait()
        pltpu.make_async_copy(wd_hbm.at[0], wd_v.at[slot], sd.at[slot]).wait()

    slot = tab_ref[2, b]

    @pl.when(b == 0)
    def _():
        start_fetch(tab_ref[0, 0], slot)

    @pl.when(tab_ref[3, b] == 1)
    def _():
        start_fetch(tab_ref[4, b], tab_ref[5, b])

    @pl.when(tab_ref[1, b] == 1)
    def _():
        wait_fetch(slot)

    @pl.when(b < nu_ref[0])
    def _():
        x = x_ref[...]
        g = jnp.dot(x, wg_v[slot], preferred_element_type=jnp.float32)
        u = jnp.dot(x, wu_v[slot], preferred_element_type=jnp.float32)
        h = g * jax.nn.sigmoid(g) * u
        y_ref[...] = jnp.dot(h, wd_v[slot], preferred_element_type=jnp.float32)


def _ffn(nu, tab, x_pad, W_gate, W_up, W_down):
    grid_spec = pltpu.PrefetchScalarGridSpec(
        num_scalar_prefetch=2,
        grid=(NB,),
        in_specs=[
            pl.BlockSpec((B, D), lambda b, nu_, m: (jnp.minimum(b, nu_[0] - 1), 0)),
            pl.BlockSpec(memory_space=pltpu.HBM),
            pl.BlockSpec(memory_space=pltpu.HBM),
            pl.BlockSpec(memory_space=pltpu.HBM),
        ],
        out_specs=pl.BlockSpec(
            (B, D), lambda b, nu_, m: (jnp.minimum(b, nu_[0] - 1), 0)
        ),
        scratch_shapes=[
            pltpu.VMEM((2, D, F), jnp.float32),
            pltpu.VMEM((2, D, F), jnp.float32),
            pltpu.VMEM((2, F, D), jnp.float32),
            pltpu.SemaphoreType.DMA((2,)),
            pltpu.SemaphoreType.DMA((2,)),
            pltpu.SemaphoreType.DMA((2,)),
        ],
    )
    return pl.pallas_call(
        _ffn_body,
        grid_spec=grid_spec,
        out_shape=jax.ShapeDtypeStruct((NPAD, D), jnp.float32),
        compiler_params=pltpu.CompilerParams(
            dimension_semantics=("arbitrary",),
            vmem_limit_bytes=100 * 1024 * 1024,
        ),
    )(nu, tab, x_pad, W_gate, W_up, W_down)


def kernel(hidden_states, topk_indices, topk_weights, W_gate, W_up, W_down):
    dst0, dst1, nu, tab = _routing(topk_indices)
    x_pad = _dispatch_kernel()(hidden_states, dst0, dst1)
    y_pad = _ffn(nu, tab, x_pad, W_gate, W_up, W_down)
    w = topk_weights.astype(jnp.float32)
    out = _combine_kernel()(y_pad, dst0, dst1, w[:, 0], w[:, 1])
    return out

# --- scband reference (transcript-rebuilt; emitter-appended) ---
"""Pipeline reference for scband-mo-elayer-62388694942421 (READ-ONLY COPY).

The authoritative reference and input builder live on the scoring server;
editing this copy changes nothing except your own understanding.
"""

import jax, jax.numpy as jnp
import numpy as np

T = 4096
D_MODEL = 768
D_FF = 2048
E = 16
TOP_K = 2


def setup_inputs(seed: int = 0) -> dict:
    key = jax.random.key(seed)
    k1, k2, k3, k4, k5, k6 = jax.random.split(key, 6)
    hidden_states = jax.random.normal(k1, (T, D_MODEL), dtype=jnp.float32)
    topk_indices = jax.random.randint(k2, (T, TOP_K), 0, E, dtype=jnp.int64)
    topk_weights = jax.random.uniform(k3, (T, TOP_K), dtype=jnp.float32)
    W_gate = jax.random.normal(k4, (E, D_MODEL, D_FF), dtype=jnp.float32) * 0.02
    W_up = jax.random.normal(k5, (E, D_MODEL, D_FF), dtype=jnp.float32) * 0.02
    W_down = jax.random.normal(k6, (E, D_FF, D_MODEL), dtype=jnp.float32) * 0.02
    return {
        "hidden_states": hidden_states,
        "topk_indices": topk_indices,
        "topk_weights": topk_weights,
        "W_gate": W_gate,
        "W_up": W_up,
        "W_down": W_down,
    }


def reference(hidden_states, topk_indices, topk_weights, W_gate, W_up, W_down):
    # Faithful MoE dispatch/compute/combine:
    # 1) permute token-expert pairs so tokens are grouped by expert (dispatch)
    # 2) run each expert's SwiGLU FFN on its contiguous token block
    # 3) unpermute and weighted-combine back to token order (combine)
    T_, d = hidden_states.shape
    K = topk_indices.shape[1]
    num_experts = W_gate.shape[0]

    flat_idx = topk_indices.reshape(-1)
    perm_j = jnp.argsort(flat_idx, stable=True)  # permute_tokens
    token_ids_j = perm_j // K  # source token of each sorted (token, expert) pair
    expert_sorted = jnp.take(flat_idx, perm_j, axis=0)  # expert id per sorted pair

    x_sorted = jnp.take(hidden_states, token_ids_j, axis=0)  # [T*K, d] grouped by expert

    def expert_body(e, y_acc):
        h = jax.nn.silu(x_sorted @ W_gate[e]) * (x_sorted @ W_up[e])
        y_e = h @ W_down[e]
        row_mask = (expert_sorted == e)[:, None]
        return jnp.where(row_mask, y_e, y_acc)

    y_init = jnp.zeros((T_ * K, d), dtype=hidden_states.dtype)
    y_sorted = jax.lax.fori_loop(0, num_experts, expert_body, y_init)  # [T*K, d]

    w_sorted = jnp.take(topk_weights.reshape(-1), perm_j, axis=0)  # [T*K]
    out = jnp.zeros((T_, d), dtype=hidden_states.dtype).at[token_ids_j].add(
        y_sorted * w_sorted[:, None]
    )  # unpermute_tokens + weighted combine
    return out

if __name__ == "__main__":
    import jax
    _d = setup_inputs()
    print(jax.jit(kernel)(*tuple(_d.values())))

</pallas_src>

<mosaic_0001>
#map = affine_map<(d0, d1) -> (0, 0)>
#map1 = affine_map<(d0, d1) -> (0)>
module attributes {stable_mosaic.version = 14 : i64} {
  func.func @_dispatch(%arg0: i32, %arg1: i32, %arg2: memref<4096x768xf32, #tpu.memory_space<hbm>>, %arg3: memref<4096xi32, #tpu.memory_space<hbm>>, %arg4: memref<4096xi32, #tpu.memory_space<hbm>>, %arg5: memref<12032x768xf32, #tpu.memory_space<hbm>>, %arg6: memref<128x768xf32, #tpu.memory_space<vmem>>, %arg7: memref<128xi32, #tpu.memory_space<vmem>>, %arg8: memref<128xi32, #tpu.memory_space<vmem>>, %arg9: memref<!tpu.dma_semaphore, #tpu.memory_space<semaphore_mem>>, %arg10: memref<!tpu.dma_semaphore, #tpu.memory_space<semaphore_mem>>) attributes {dimension_semantics = [#tpu.dimension_semantics<core_parallel>, #tpu.dimension_semantics<subcore_parallel>], iteration_bounds = array<i64: 2, 16>, scalar_prefetch = 0 : i64, scratch_operands = 5 : i64, tpu.core_type = #tpu.core_type<sc_vector_subcore>, window_params = [{transform_indices = #map}, {transform_indices = #map1}, {transform_indices = #map1}, {transform_indices = #map}]} {
    %mul3A = arith.constant 2 : i32
    %mul3A_0 = arith.muli %arg1, %mul3A : i32
    %add3A = arith.addi %mul3A_0, %arg0 : i32
    %mul3A_1 = arith.constant 128 : i32
    %mul3A_2 = arith.muli %add3A, %mul3A_1 : i32
    "tpu.region"() ({
      %run_scoped3A = tpu.sem_alloc : memref<!tpu.dma_semaphore, #tpu.memory_space<semaphore_mem>>
      %dma_start3A_13 = arith.constant 0 : i32
      %dma_start3A_14 = tpu.memref_slice %arg2[%mul3A_2, %dma_start3A_13] : memref<4096x768xf32, #tpu.memory_space<hbm>> -> memref<128x768xf32, #tpu.memory_space<hbm>>
      %dma_start3A_15 = arith.constant 0 : i32
      %dma_start3A_16 = tpu.memref_slice %arg2[%mul3A_2, %dma_start3A_15] : memref<4096x768xf32, #tpu.memory_space<hbm>> -> memref<128x768xf32, #tpu.memory_space<hbm>>
      tpu.enqueue_dma source(%dma_start3A_16 : memref<128x768xf32, #tpu.memory_space<hbm>>) target(%arg6 : memref<128x768xf32, #tpu.memory_space<vmem>>) target_semaphore(%run_scoped3A : memref<!tpu.dma_semaphore, #tpu.memory_space<semaphore_mem>>)
      %dma_wait3A_17 = arith.constant 0 : i32
      %dma_wait3A_18 = tpu.memref_slice %arg2[%mul3A_2, %dma_wait3A_17] : memref<4096x768xf32, #tpu.memory_space<hbm>> -> memref<128x768xf32, #tpu.memory_space<hbm>>
      %dma_wait3A_19 = arith.constant 0 : i32
      %dma_wait3A_20 = tpu.memref_slice %arg2[%mul3A_2, %dma_wait3A_19] : memref<4096x768xf32, #tpu.memory_space<hbm>> -> memref<128x768xf32, #tpu.memory_space<hbm>>
      tpu.wait_dma2 semaphore(%run_scoped3A : memref<!tpu.dma_semaphore, #tpu.memory_space<semaphore_mem>>) src(%dma_wait3A_20 : memref<128x768xf32, #tpu.memory_space<hbm>>) dst(%arg6 : memref<128x768xf32, #tpu.memory_space<vmem>>)
      tpu.yield
    }) : () -> ()
    "tpu.region"() ({
      %run_scoped3A = tpu.sem_alloc : memref<!tpu.dma_semaphore, #tpu.memory_space<semaphore_mem>>
      %dma_start3A_13 = tpu.memref_slice %arg3[%mul3A_2] : memref<4096xi32, #tpu.memory_space<hbm>> -> memref<128xi32, #tpu.memory_space<hbm>>
      %dma_start3A_14 = tpu.memref_slice %arg3[%mul3A_2] : memref<4096xi32, #tpu.memory_space<hbm>> -> memref<128xi32, #tpu.memory_space<hbm>>
      tpu.enqueue_dma source(%dma_start3A_14 : memref<128xi32, #tpu.memory_space<hbm>>) target(%arg7 : memref<128xi32, #tpu.memory_space<vmem>>) target_semaphore(%run_scoped3A : memref<!tpu.dma_semaphore, #tpu.memory_space<semaphore_mem>>)
      %dma_wait3A_15 = tpu.memref_slice %arg3[%mul3A_2] : memref<4096xi32, #tpu.memory_space<hbm>> -> memref<128xi32, #tpu.memory_space<hbm>>
      %dma_wait3A_16 = tpu.memref_slice %arg3[%mul3A_2] : memref<4096xi32, #tpu.memory_space<hbm>> -> memref<128xi32, #tpu.memory_space<hbm>>
      tpu.wait_dma2 semaphore(%run_scoped3A : memref<!tpu.dma_semaphore, #tpu.memory_space<semaphore_mem>>) src(%dma_wait3A_16 : memref<128xi32, #tpu.memory_space<hbm>>) dst(%arg7 : memref<128xi32, #tpu.memory_space<vmem>>)
      tpu.yield
    }) : () -> ()
    "tpu.region"() ({
      %run_scoped3A = tpu.sem_alloc : memref<!tpu.dma_semaphore, #tpu.memory_space<semaphore_mem>>
      %dma_start3A_13 = tpu.memref_slice %arg4[%mul3A_2] : memref<4096xi32, #tpu.memory_space<hbm>> -> memref<128xi32, #tpu.memory_space<hbm>>
      %dma_start3A_14 = tpu.memref_slice %arg4[%mul3A_2] : memref<4096xi32, #tpu.memory_space<hbm>> -> memref<128xi32, #tpu.memory_space<hbm>>
      tpu.enqueue_dma source(%dma_start3A_14 : memref<128xi32, #tpu.memory_space<hbm>>) target(%arg8 : memref<128xi32, #tpu.memory_space<vmem>>) target_semaphore(%run_scoped3A : memref<!tpu.dma_semaphore, #tpu.memory_space<semaphore_mem>>)
      %dma_wait3A_15 = tpu.memref_slice %arg4[%mul3A_2] : memref<4096xi32, #tpu.memory_space<hbm>> -> memref<128xi32, #tpu.memory_space<hbm>>
      %dma_wait3A_16 = tpu.memref_slice %arg4[%mul3A_2] : memref<4096xi32, #tpu.memory_space<hbm>> -> memref<128xi32, #tpu.memory_space<hbm>>
      tpu.wait_dma2 semaphore(%run_scoped3A : memref<!tpu.dma_semaphore, #tpu.memory_space<semaphore_mem>>) src(%dma_wait3A_16 : memref<128xi32, #tpu.memory_space<hbm>>) dst(%arg8 : memref<128xi32, #tpu.memory_space<vmem>>)
      tpu.yield
    }) : () -> ()
    %dma_start3A = arith.constant 0 : i32
    %dma_start3A_3 = arith.constant 0 : i32
    %dma_start3A_4 = tpu.memref_slice %arg5[%dma_start3A, %dma_start3A_3] : memref<12032x768xf32, #tpu.memory_space<hbm>> -> memref<12032x768xf32, #tpu.memory_space<hbm>>
    tpu.enqueue_indirect_dma source(%arg6 : memref<128x768xf32, #tpu.memory_space<vmem>>) target(%dma_start3A_4 : memref<12032x768xf32, #tpu.memory_space<hbm>>) offsets(%arg7 : memref<128xi32, #tpu.memory_space<vmem>>) semaphore(%arg9 : memref<!tpu.dma_semaphore, #tpu.memory_space<semaphore_mem>>)
    %dma_start3A_5 = arith.constant 0 : i32
    %dma_start3A_6 = arith.constant 0 : i32
    %dma_start3A_7 = tpu.memref_slice %arg5[%dma_start3A_5, %dma_start3A_6] : memref<12032x768xf32, #tpu.memory_space<hbm>> -> memref<12032x768xf32, #tpu.memory_space<hbm>>
    tpu.enqueue_indirect_dma source(%arg6 : memref<128x768xf32, #tpu.memory_space<vmem>>) target(%dma_start3A_7 : memref<12032x768xf32, #tpu.memory_space<hbm>>) offsets(%arg8 : memref<128xi32, #tpu.memory_space<vmem>>) semaphore(%arg10 : memref<!tpu.dma_semaphore, #tpu.memory_space<semaphore_mem>>)
    %dma_wait3A = arith.constant 0 : i32
    %dma_wait3A_8 = arith.constant 0 : i32
    %dma_wait3A_9 = tpu.memref_slice %arg5[%dma_wait3A, %dma_wait3A_8] : memref<12032x768xf32, #tpu.memory_space<hbm>> -> memref<12032x768xf32, #tpu.memory_space<hbm>>
    tpu.wait_indirect_dma semaphore(%arg9 : memref<!tpu.dma_semaphore, #tpu.memory_space<semaphore_mem>>) src(%arg6 : memref<128x768xf32, #tpu.memory_space<vmem>>) dst(%dma_wait3A_9 : memref<12032x768xf32, #tpu.memory_space<hbm>>)
    %dma_wait3A_10 = arith.constant 0 : i32
    %dma_wait3A_11 = arith.constant 0 : i32
    %dma_wait3A_12 = tpu.memref_slice %arg5[%dma_wait3A_10, %dma_wait3A_11] : memref<12032x768xf32, #tpu.memory_space<hbm>> -> memref<12032x768xf32, #tpu.memory_space<hbm>>
    tpu.wait_indirect_dma semaphore(%arg10 : memref<!tpu.dma_semaphore, #tpu.memory_space<semaphore_mem>>) src(%arg6 : memref<128x768xf32, #tpu.memory_space<vmem>>) dst(%dma_wait3A_12 : memref<12032x768xf32, #tpu.memory_space<hbm>>)
    return
  }
}

#map = affine_map<(d0, d1) -> (0, 0)>
#map1 = affine_map<(d0, d1) -> (0)>
module attributes {stable_mosaic.version = 14 : i64} {
  func.func @_combine(%arg0: i32, %arg1: i32, %arg2: memref<12032x768xf32, #tpu.memory_space<hbm>>, %arg3: memref<4096xi32, #tpu.memory_space<hbm>>, %arg4: memref<4096xi32, #tpu.memory_space<hbm>>, %arg5: memref<4096xf32, #tpu.memory_space<hbm>>, %arg6: memref<4096xf32, #tpu.memory_space<hbm>>, %arg7: memref<4096x768xf32, #tpu.memory_space<hbm>>, %arg8: memref<64x768xf32, #tpu.memory_space<vmem>>, %arg9: memref<64x768xf32, #tpu.memory_space<vmem>>, %arg10: memref<64xi32, #tpu.memory_space<vmem>>, %arg11: memref<64xi32, #tpu.memory_space<vmem>>, %arg12: memref<80xf32, #tpu.memory_space<vmem>>, %arg13: memref<80xf32, #tpu.memory_space<vmem>>, %arg14: memref<!tpu.dma_semaphore, #tpu.memory_space<semaphore_mem>>, %arg15: memref<!tpu.dma_semaphore, #tpu.memory_space<semaphore_mem>>) attributes {dimension_semantics = [#tpu.dimension_semantics<core_parallel>, #tpu.dimension_semantics<subcore_parallel>], iteration_bounds = array<i64: 2, 16>, scalar_prefetch = 0 : i64, scratch_operands = 8 : i64, tpu.core_type = #tpu.core_type<sc_vector_subcore>, window_params = [{transform_indices = #map}, {transform_indices = #map1}, {transform_indices = #map1}, {transform_indices = #map1}, {transform_indices = #map1}, {transform_indices = #map}]} {
    %mul3A = arith.constant 2 : i32
    %mul3A_0 = arith.muli %arg1, %mul3A : i32
    %add3A = arith.addi %mul3A_0, %arg0 : i32
    %mul3A_1 = arith.constant 128 : i32
    %mul3A_2 = arith.muli %add3A, %mul3A_1 : i32
    %add3A_3 = arith.constant 0 : i32
    %add3A_4 = arith.addi %mul3A_2, %add3A_3 : i32
    "tpu.region"() ({
      %run_scoped3A = tpu.sem_alloc : memref<!tpu.dma_semaphore, #tpu.memory_space<semaphore_mem>>
      %dma_start3A_42 = tpu.memref_slice %arg3[%add3A_4] : memref<4096xi32, #tpu.memory_space<hbm>> -> memref<64xi32, #tpu.memory_space<hbm>>
      %dma_start3A_43 = tpu.memref_slice %arg3[%add3A_4] : memref<4096xi32, #tpu.memory_space<hbm>> -> memref<64xi32, #tpu.memory_space<hbm>>
      tpu.enqueue_dma source(%dma_start3A_43 : memref<64xi32, #tpu.memory_space<hbm>>) target(%arg10 : memref<64xi32, #tpu.memory_space<vmem>>) target_semaphore(%run_scoped3A : memref<!tpu.dma_semaphore, #tpu.memory_space<semaphore_mem>>)
      %dma_wait3A_44 = tpu.memref_slice %arg3[%add3A_4] : memref<4096xi32, #tpu.memory_space<hbm>> -> memref<64xi32, #tpu.memory_space<hbm>>
      %dma_wait3A_45 = tpu.memref_slice %arg3[%add3A_4] : memref<4096xi32, #tpu.memory_space<hbm>> -> memref<64xi32, #tpu.memory_space<hbm>>
      tpu.wait_dma2 semaphore(%run_scoped3A : memref<!tpu.dma_semaphore, #tpu.memory_space<semaphore_mem>>) src(%dma_wait3A_45 : memref<64xi32, #tpu.memory_space<hbm>>) dst(%arg10 : memref<64xi32, #tpu.memory_space<vmem>>)
      tpu.yield
    }) : () -> ()
    "tpu.region"() ({
      %run_scoped3A = tpu.sem_alloc : memref<!tpu.dma_semaphore, #tpu.memory_space<semaphore_mem>>
      %dma_start3A_42 = tpu.memref_slice %arg4[%add3A_4] : memref<4096xi32, #tpu.memory_space<hbm>> -> memref<64xi32, #tpu.memory_space<hbm>>
      %dma_start3A_43 = tpu.memref_slice %arg4[%add3A_4] : memref<4096xi32, #tpu.memory_space<hbm>> -> memref<64xi32, #tpu.memory_space<hbm>>
      tpu.enqueue_dma source(%dma_start3A_43 : memref<64xi32, #tpu.memory_space<hbm>>) target(%arg11 : memref<64xi32, #tpu.memory_space<vmem>>) target_semaphore(%run_scoped3A : memref<!tpu.dma_semaphore, #tpu.memory_space<semaphore_mem>>)
      %dma_wait3A_44 = tpu.memref_slice %arg4[%add3A_4] : memref<4096xi32, #tpu.memory_space<hbm>> -> memref<64xi32, #tpu.memory_space<hbm>>
      %dma_wait3A_45 = tpu.memref_slice %arg4[%add3A_4] : memref<4096xi32, #tpu.memory_space<hbm>> -> memref<64xi32, #tpu.memory_space<hbm>>
      tpu.wait_dma2 semaphore(%run_scoped3A : memref<!tpu.dma_semaphore, #tpu.memory_space<semaphore_mem>>) src(%dma_wait3A_45 : memref<64xi32, #tpu.memory_space<hbm>>) dst(%arg11 : memref<64xi32, #tpu.memory_space<vmem>>)
      tpu.yield
    }) : () -> ()
    "tpu.region"() ({
      %run_scoped3A = tpu.sem_alloc : memref<!tpu.dma_semaphore, #tpu.memory_space<semaphore_mem>>
      %dma_start3A_42 = arith.constant 0 : i32
      %dma_start3A_43 = tpu.memref_slice %arg12[%dma_start3A_42] : memref<80xf32, #tpu.memory_space<vmem>> -> memref<64xf32, #tpu.memory_space<vmem>>
      %dma_start3A_44 = tpu.memref_slice %arg5[%add3A_4] : memref<4096xf32, #tpu.memory_space<hbm>> -> memref<64xf32, #tpu.memory_space<hbm>>
      %dma_start3A_45 = arith.constant 0 : i32
      %dma_start3A_46 = tpu.memref_slice %arg12[%dma_start3A_45] : memref<80xf32, #tpu.memory_space<vmem>> -> memref<64xf32, #tpu.memory_space<vmem>>
      %dma_start3A_47 = tpu.memref_slice %arg5[%add3A_4] : memref<4096xf32, #tpu.memory_space<hbm>> -> memref<64xf32, #tpu.memory_space<hbm>>
      tpu.enqueue_dma source(%dma_start3A_47 : memref<64xf32, #tpu.memory_space<hbm>>) target(%dma_start3A_46 : memref<64xf32, #tpu.memory_space<vmem>>) target_semaphore(%run_scoped3A : memref<!tpu.dma_semaphore, #tpu.memory_space<semaphore_mem>>)
      %dma_wait3A_48 = arith.constant 0 : i32
      %dma_wait3A_49 = tpu.memref_slice %arg12[%dma_wait3A_48] : memref<80xf32, #tpu.memory_space<vmem>> -> memref<64xf32, #tpu.memory_space<vmem>>
      %dma_wait3A_50 = tpu.memref_slice %arg5[%add3A_4] : memref<4096xf32, #tpu.memory_space<hbm>> -> memref<64xf32, #tpu.memory_space<hbm>>
      %dma_wait3A_51 = arith.constant 0 : i32
      %dma_wait3A_52 = tpu.memref_slice %arg12[%dma_wait3A_51] : memref<80xf32, #tpu.memory_space<vmem>> -> memref<64xf32, #tpu.memory_space<vmem>>
      %dma_wait3A_53 = tpu.memref_slice %arg5[%add3A_4] : memref<4096xf32, #tpu.memory_space<hbm>> -> memref<64xf32, #tpu.memory_space<hbm>>
      tpu.wait_dma2 semaphore(%run_scoped3A : memref<!tpu.dma_semaphore, #tpu.memory_space<semaphore_mem>>) src(%dma_wait3A_53 : memref<64xf32, #tpu.memory_space<hbm>>) dst(%dma_wait3A_52 : memref<64xf32, #tpu.memory_space<vmem>>)
      tpu.yield
    }) : () -> ()
    "tpu.region"() ({
      %run_scoped3A = tpu.sem_alloc : memref<!tpu.dma_semaphore, #tpu.memory_space<semaphore_mem>>
      %dma_start3A_42 = arith.constant 0 : i32
      %dma_start3A_43 = tpu.memref_slice %arg13[%dma_start3A_42] : memref<80xf32, #tpu.memory_space<vmem>> -> memref<64xf32, #tpu.memory_space<vmem>>
      %dma_start3A_44 = tpu.memref_slice %arg6[%add3A_4] : memref<4096xf32, #tpu.memory_space<hbm>> -> memref<64xf32, #tpu.memory_space<hbm>>
      %dma_start3A_45 = arith.constant 0 : i32
      %dma_start3A_46 = tpu.memref_slice %arg13[%dma_start3A_45] : memref<80xf32, #tpu.memory_space<vmem>> -> memref<64xf32, #tpu.memory_space<vmem>>
      %dma_start3A_47 = tpu.memref_slice %arg6[%add3A_4] : memref<4096xf32, #tpu.memory_space<hbm>> -> memref<64xf32, #tpu.memory_space<hbm>>
      tpu.enqueue_dma source(%dma_start3A_47 : memref<64xf32, #tpu.memory_space<hbm>>) target(%dma_start3A_46 : memref<64xf32, #tpu.memory_space<vmem>>) target_semaphore(%run_scoped3A : memref<!tpu.dma_semaphore, #tpu.memory_space<semaphore_mem>>)
      %dma_wait3A_48 = arith.constant 0 : i32
      %dma_wait3A_49 = tpu.memref_slice %arg13[%dma_wait3A_48] : memref<80xf32, #tpu.memory_space<vmem>> -> memref<64xf32, #tpu.memory_space<vmem>>
      %dma_wait3A_50 = tpu.memref_slice %arg6[%add3A_4] : memref<4096xf32, #tpu.memory_space<hbm>> -> memref<64xf32, #tpu.memory_space<hbm>>
      %dma_wait3A_51 = arith.constant 0 : i32
      %dma_wait3A_52 = tpu.memref_slice %arg13[%dma_wait3A_51] : memref<80xf32, #tpu.memory_space<vmem>> -> memref<64xf32, #tpu.memory_space<vmem>>
      %dma_wait3A_53 = tpu.memref_slice %arg6[%add3A_4] : memref<4096xf32, #tpu.memory_space<hbm>> -> memref<64xf32, #tpu.memory_space<hbm>>
      tpu.wait_dma2 semaphore(%run_scoped3A : memref<!tpu.dma_semaphore, #tpu.memory_space<semaphore_mem>>) src(%dma_wait3A_53 : memref<64xf32, #tpu.memory_space<hbm>>) dst(%dma_wait3A_52 : memref<64xf32, #tpu.memory_space<vmem>>)
      tpu.yield
    }) : () -> ()
    %dma_start3A = arith.constant 0 : i32
    %dma_start3A_5 = arith.constant 0 : i32
    %dma_start3A_6 = tpu.memref_slice %arg2[%dma_start3A, %dma_start3A_5] : memref<12032x768xf32, #tpu.memory_space<hbm>> -> memref<12032x768xf32, #tpu.memory_space<hbm>>
    tpu.enqueue_indirect_dma source(%dma_start3A_6 : memref<12032x768xf32, #tpu.memory_space<hbm>>) target(%arg8 : memref<64x768xf32, #tpu.memory_space<vmem>>) offsets(%arg10 : memref<64xi32, #tpu.memory_space<vmem>>) semaphore(%arg14 : memref<!tpu.dma_semaphore, #tpu.memory_space<semaphore_mem>>)
    %dma_wait3A = arith.constant 0 : i32
    %dma_wait3A_7 = arith.constant 0 : i32
    %dma_wait3A_8 = tpu.memref_slice %arg2[%dma_wait3A, %dma_wait3A_7] : memref<12032x768xf32, #tpu.memory_space<hbm>> -> memref<12032x768xf32, #tpu.memory_space<hbm>>
    tpu.wait_indirect_dma semaphore(%arg14 : memref<!tpu.dma_semaphore, #tpu.memory_space<semaphore_mem>>) src(%dma_wait3A_8 : memref<12032x768xf32, #tpu.memory_space<hbm>>) dst(%arg8 : memref<64x768xf32, #tpu.memory_space<vmem>>)
    %dma_start3A_9 = arith.constant 0 : i32
    %dma_start3A_10 = arith.constant 0 : i32
    %dma_start3A_11 = tpu.memref_slice %arg2[%dma_start3A_9, %dma_start3A_10] : memref<12032x768xf32, #tpu.memory_space<hbm>> -> memref<12032x768xf32, #tpu.memory_space<hbm>>
    tpu.enqueue_indirect_dma source(%dma_start3A_11 : memref<12032x768xf32, #tpu.memory_space<hbm>>) target(%arg9 : memref<64x768xf32, #tpu.memory_space<vmem>>) offsets(%arg11 : memref<64xi32, #tpu.memory_space<vmem>>) semaphore(%arg15 : memref<!tpu.dma_semaphore, #tpu.memory_space<semaphore_mem>>)
    %dma_wait3A_12 = arith.constant 0 : i32
    %dma_wait3A_13 = arith.constant 0 : i32
    %dma_wait3A_14 = tpu.memref_slice %arg2[%dma_wait3A_12, %dma_wait3A_13] : memref<12032x768xf32, #tpu.memory_space<hbm>> -> memref<12032x768xf32, #tpu.memory_space<hbm>>
    tpu.wait_indirect_dma semaphore(%arg15 : memref<!tpu.dma_semaphore, #tpu.memory_space<semaphore_mem>>) src(%dma_wait3A_14 : memref<12032x768xf32, #tpu.memory_space<hbm>>) dst(%arg9 : memref<64x768xf32, #tpu.memory_space<vmem>>)
    %scan3A = arith.constant 0 : i32
    %scan3A_15 = arith.constant 0 : i32
    %scan3A_16 = arith.constant 64 : i32
    %scan3A_17 = arith.addi %scan3A_15, %scan3A_16 : i32
    %scan3A_18 = arith.constant 1 : i32
    scf.for %scan3A_42 = %scan3A_15 to %scan3A_17 step %scan3A_18  : i32 {
      %get3A = arith.index_cast %scan3A_42 : i32 to index
      %get3A_43 = tpu.vector_load %arg12[%get3A] {strides = array<i32>} : memref<80xf32, #tpu.memory_space<vmem>>, vector<16xf32>,
      %get3A_44 = vector.shape_cast %get3A_43 : vector<16xf32> to vector<16xf32>
      %slice3A = vector.extract_strided_slice %get3A_44 {offsets = [0], sizes = [1], strides = [1]} : vector<16xf32> to vector<1xf32>
      %squeeze3A = vector.extract %slice3A[0] : f32 from vector<1xf32>
      %get3A_45 = arith.index_cast %scan3A_42 : i32 to index
      %get3A_46 = tpu.vector_load %arg13[%get3A_45] {strides = array<i32>} : memref<80xf32, #tpu.memory_space<vmem>>, vector<16xf32>,
      %get3A_47 = vector.shape_cast %get3A_46 : vector<16xf32> to vector<16xf32>
      %slice3A_48 = vector.extract_strided_slice %get3A_47 {offsets = [0], sizes = [1], strides = [1]} : vector<16xf32> to vector<1xf32>
      %squeeze3A_49 = vector.extract %slice3A_48[0] : f32 from vector<1xf32>
      %get3A_50 = arith.index_cast %scan3A_42 : i32 to index
      %get3A_51 = arith.constant 0 : index
      %get3A_52 = tpu.vector_load %arg8[%get3A_50, %get3A_51] {strides = array<i32>} : memref<64x768xf32, #tpu.memory_space<vmem>>, vector<1x16xf32>,
      %get3A_53 = vector.shape_cast %get3A_52 : vector<1x16xf32> to vector<16xf32>
      %mul3A_54 = vector.broadcast %squeeze3A : f32 to vector<16xf32>
      %mul3A_55 = arith.mulf %mul3A_54, %get3A_53 : vector<16xf32>
      %get3A_56 = arith.index_cast %scan3A_42 : i32 to index
      %get3A_57 = arith.constant 0 : index
      %get3A_58 = tpu.vector_load %arg9[%get3A_56, %get3A_57] {strides = array<i32>} : memref<64x768xf32, #tpu.memory_space<vmem>>, vector<1x16xf32>,
      %get3A_59 = vector.shape_cast %get3A_58 : vector<1x16xf32> to vector<16xf32>
      %mul3A_60 = vector.broadcast %squeeze3A_49 : f32 to vector<16xf32>
      %mul3A_61 = arith.mulf %mul3A_60, %get3A_59 : vector<16xf32>
      %add3A_62 = arith.addf %mul3A_55, %mul3A_61 : vector<16xf32>
      %swap3A = arith.index_cast %scan3A_42 : i32 to index
      %swap3A_63 = arith.constant 0 : index
      %swap3A_64 = tpu.vector_load %arg8[%swap3A, %swap3A_63] {strides = array<i32>} : memref<64x768xf32, #tpu.memory_space<vmem>>, vector<1x16xf32>,
      %swap3A_65 = vector.shape_cast %swap3A_64 : vector<1x16xf32> to vector<16xf32>
      %swap3A_66 = vector.shape_cast %add3A_62 : vector<16xf32> to vector<1x16xf32>
      tpu.vector_store %arg8[%swap3A, %swap3A_63], %swap3A_66 {strides = array<i32>} : memref<64x768xf32, #tpu.memory_space<vmem>>, vector<1x16xf32>,
      %get3A_67 = arith.index_cast %scan3A_42 : i32 to index
      %get3A_68 = arith.constant 16 : index
      %get3A_69 = tpu.vector_load %arg8[%get3A_67, %get3A_68] {strides = array<i32>} : memref<64x768xf32, #tpu.memory_space<vmem>>, vector<1x16xf32>,
      %get3A_70 = vector.shape_cast %get3A_69 : vector<1x16xf32> to vector<16xf32>
      %mul3A_71 = vector.broadcast %squeeze3A : f32 to vector<16xf32>
      %mul3A_72 = arith.mulf %mul3A_71, %get3A_70 : vector<16xf32>
      %get3A_73 = arith.index_cast %scan3A_42 : i32 to index
      %get3A_74 = arith.constant 16 : index
      %get3A_75 = tpu.vector_load %arg9[%get3A_73, %get3A_74] {strides = array<i32>} : memref<64x768xf32, #tpu.memory_space<vmem>>, vector<1x16xf32>,
      %get3A_76 = vector.shape_cast %get3A_75 : vector<1x16xf32> to vector<16xf32>
      %mul3A_77 = vector.broadcast %squeeze3A_49 : f32 to vector<16xf32>
      %mul3A_78 = arith.mulf %mul3A_77, %get3A_76 : vector<16xf32>
      %add3A_79 = arith.addf %mul3A_72, %mul3A_78 : vector<16xf32>
      %swap3A_80 = arith.index_cast %scan3A_42 : i32 to index
      %swap3A_81 = arith.constant 16 : index
      %swap3A_82 = tpu.vector_load %arg8[%swap3A_80, %swap3A_81] {strides = array<i32>} : memref<64x768xf32, #tpu.memory_space<vmem>>, vector<1x16xf32>,
      %swap3A_83 = vector.shape_cast %swap3A_82 : vector<1x16xf32> to vector<16xf32>
      %swap3A_84 = vector.shape_cast %add3A_79 : vector<16xf32> to vector<1x16xf32>
      tpu.vector_store %arg8[%swap3A_80, %swap3A_81], %swap3A_84 {strides = array<i32>} : memref<64x768xf32, #tpu.memory_space<vmem>>, vector<1x16xf32>,
      %get3A_85 = arith.index_cast %scan3A_42 : i32 to index
      %get3A_86 = arith.constant 32 : index
      %get3A_87 = tpu.vector_load %arg8[%get3A_85, %get3A_86] {strides = array<i32>} : memref<64x768xf32, #tpu.memory_space<vmem>>, vector<1x16xf32>,
      %get3A_88 = vector.shape_cast %get3A_87 : vector<1x16xf32> to vector<16xf32>
      %mul3A_89 = vector.broadcast %squeeze3A : f32 to vector<16xf32>
      %mul3A_90 = arith.mulf %mul3A_89, %get3A_88 : vector<16xf32>
      %get3A_91 = arith.index_cast %scan3A_42 : i32 to index
      %get3A_92 = arith.constant 32 : index
      %get3A_93 = tpu.vector_load %arg9[%get3A_91, %get3A_92] {strides = array<i32>} : memref<64x768xf32, #tpu.memory_space<vmem>>, vector<1x16xf32>,
      %get3A_94 = vector.shape_cast %get3A_93 : vector<1x16xf32> to vector<16xf32>
      %mul3A_95 = vector.broadcast %squeeze3A_49 : f32 to vector<16xf32>
      %mul3A_96 = arith.mulf %mul3A_95, %get3A_94 : vector<16xf32>
      %add3A_97 = arith.addf %mul3A_90, %mul3A_96 : vector<16xf32>
      %swap3A_98 = arith.index_cast %scan3A_42 : i32 to index
      %swap3A_99 = arith.constant 32 : index
      %swap3A_100 = tpu.vector_load %arg8[%swap3A_98, %swap3A_99] {strides = array<i32>} : memref<64x768xf32, #tpu.memory_space<vmem>>, vector<1x16xf32>,
      %swap3A_101 = vector.shape_cast %swap3A_100 : vector<1x16xf32> to vector<16xf32>
      %swap3A_102 = vector.shape_cast %add3A_97 : vector<16xf32> to vector<1x16xf32>
      tpu.vector_store %arg8[%swap3A_98, %swap3A_99], %swap3A_102 {strides = array<i32>} : memref<64x768xf32, #tpu.memory_space<vmem>>, vector<1x16xf32>,
      %get3A_103 = arith.index_cast %scan3A_42 : i32 to index
      %get3A_104 = arith.constant 48 : index
      %get3A_105 = tpu.vector_load %arg8[%get3A_103, %get3A_104] {strides = array<i32>} : memref<64x768xf32, #tpu.memory_space<vmem>>, vector<1x16xf32>,
      %get3A_106 = vector.shape_cast %get3A_105 : vector<1x16xf32> to vector<16xf32>
      %mul3A_107 = vector.broadcast %squeeze3A : f32 to vector<16xf32>
      %mul3A_108 = arith.mulf %mul3A_107, %get3A_106 : vector<16xf32>
      %get3A_109 = arith.index_cast %scan3A_42 : i32 to index
      %get3A_110 = arith.constant 48 : index
      %get3A_111 = tpu.vector_load %arg9[%get3A_109, %get3A_110] {strides = array<i32>} : memref<64x768xf32, #tpu.memory_space<vmem>>, vector<1x16xf32>,
      %get3A_112 = vector.shape_cast %get3A_111 : vector<1x16xf32> to vector<16xf32>
      %mul3A_113 = vector.broadcast %squeeze3A_49 : f32 to vector<16xf32>
      %mul3A_114 = arith.mulf %mul3A_113, %get3A_112 : vector<16xf32>
      %add3A_115 = arith.addf %mul3A_108, %mul3A_114 : vector<16xf32>
      %swap3A_116 = arith.index_cast %scan3A_42 : i32 to index
      %swap3A_117 = arith.constant 48 : index
      %swap3A_118 = tpu.vector_load %arg8[%swap3A_116, %swap3A_117] {strides = array<i32>} : memref<64x768xf32, #tpu.memory_space<vmem>>, vector<1x16xf32>,
      %swap3A_119 = vector.shape_cast %swap3A_118 : vector<1x16xf32> to vector<16xf32>
      %swap3A_120 = vector.shape_cast %add3A_115 : vector<16xf32> to vector<1x16xf32>
      tpu.vector_store %arg8[%swap3A_116, %swap3A_117], %swap3A_120 {strides = array<i32>} : memref<64x768xf32, #tpu.memory_space<vmem>>, vector<1x16xf32>,
      %get3A_121 = arith.index_cast %scan3A_42 : i32 to index
      %get3A_122 = arith.constant 64 : index
      %get3A_123 = tpu.vector_load %arg8[%get3A_121, %get3A_122] {strides = array<i32>} : memref<64x768xf32, #tpu.memory_space<vmem>>, vector<1x16xf32>,
      %get3A_124 = vector.shape_cast %get3A_123 : vector<1x16xf32> to vector<16xf32>
      %mul3A_125 = vector.broadcast %squeeze3A : f32 to vector<16xf32>
      %mul3A_126 = arith.mulf %mul3A_125, %get3A_124 : vector<16xf32>
      %get3A_127 = arith.index_cast %scan3A_42 : i32 to index
      %get3A_128 = arith.constant 64 : index
      %get3A_129 = tpu.vector_load %arg9[%get3A_127, %get3A_128] {strides = array<i32>} : memref<64x768xf32, #tpu.memory_space<vmem>>, vector<1x16xf32>,
      %get3A_130 = vector.shape_cast %get3A_129 : vector<1x16xf32> to vector<16xf32>
      %mul3A_131 = vector.broadcast %squeeze3A_49 : f32 to vector<16xf32>
      %mul3A_132 = arith.mulf %mul3A_131, %get3A_130 : vector<16xf32>
      %add3A_133 = arith.addf %mul3A_126, %mul3A_132 : vector<16xf32>
      %swap3A_134 = arith.index_cast %scan3A_42 : i32 to index
      %swap3A_135 = arith.constant 64 : index
      %swap3A_136 = tpu.vector_load %arg8[%swap3A_134, %swap3A_135] {strides = array<i32>} : memref<64x768xf32, #tpu.memory_space<vmem>>, vector<1x16xf32>,
      %swap3A_137 = vector.shape_cast %swap3A_136 : vector<1x16xf32> to vector<16xf32>
      %swap3A_138 = vector.shape_cast %add3A_133 : vector<16xf32> to vector<1x16xf32>
      tpu.vector_store %arg8[%swap3A_134, %swap3A_135], %swap3A_138 {strides = array<i32>} : memref<64x768xf32, #tpu.memory_space<vmem>>, vector<1x16xf32>,
      %get3A_139 = arith.index_cast %scan3A_42 : i32 to index
      %get3A_140 = arith.constant 80 : index
      %get3A_141 = tpu.vector_load %arg8[%get3A_139, %get3A_140] {strides = array<i32>} : memref<64x768xf32, #tpu.memory_space<vmem>>, vector<1x16xf32>,
      %get3A_142 = vector.shape_cast %get3A_141 : vector<1x16xf32> to vector<16xf32>
      %mul3A_143 = vector.broadcast %squeeze3A : f32 to vector<16xf32>
      %mul3A_144 = arith.mulf %mul3A_143, %get3A_142 : vector<16xf32>
      %get3A_145 = arith.index_cast %scan3A_42 : i32 to index
      %get3A_146 = arith.constant 80 : index
      %get3A_147 = tpu.vector_load %arg9[%get3A_145, %get3A_146] {strides = array<i32>} : memref<64x768xf32, #tpu.memory_space<vmem>>, vector<1x16xf32>,
      %get3A_148 = vector.shape_cast %get3A_147 : vector<1x16xf32> to vector<16xf32>
      %mul3A_149 = vector.broadcast %squeeze3A_49 : f32 to vector<16xf32>
      %mul3A_150 = arith.mulf %mul3A_149, %get3A_148 : vector<16xf32>
      %add3A_151 = arith.addf %mul3A_144, %mul3A_150 : vector<16xf32>
      %swap3A_152 = arith.index_cast %scan3A_42 : i32 to index
      %swap3A_153 = arith.constant 80 : index
      %swap3A_154 = tpu.vector_load %arg8[%swap3A_152, %swap3A_153] {strides = array<i32>} : memref<64x768xf32, #tpu.memory_space<vmem>>, vector<1x16xf32>,
      %swap3A_155 = vector.shape_cast %swap3A_154 : vector<1x16xf32> to vector<16xf32>
      %swap3A_156 = vector.shape_cast %add3A_151 : vector<16xf32> to vector<1x16xf32>
      tpu.vector_store %arg8[%swap3A_152, %swap3A_153], %swap3A_156 {strides = array<i32>} : memref<64x768xf32, #tpu.memory_space<vmem>>, vector<1x16xf32>,
      %get3A_157 = arith.index_cast %scan3A_42 : i32 to index
      %get3A_158 = arith.constant 96 : index
      %get3A_159 = tpu.vector_load %arg8[%get3A_157, %get3A_158] {strides = array<i32>} : memref<64x768xf32, #tpu.memory_space<vmem>>, vector<1x16xf32>,
      %get3A_160 = vector.shape_cast %get3A_159 : vector<1x16xf32> to vector<16xf32>
      %mul3A_161 = vector.broadcast %squeeze3A : f32 to vector<16xf32>
      %mul3A_162 = arith.mulf %mul3A_161, %get3A_160 : vector<16xf32>
      %get3A_163 = arith.index_cast %scan3A_42 : i32 to index
      %get3A_164 = arith.constant 96 : index
      %get3A_165 = tpu.vector_load %arg9[%get3A_163, %get3A_164] {strides = array<i32>} : memref<64x768xf32, #tpu.memory_space<vmem>>, vector<1x16xf32>,
      %get3A_166 = vector.shape_cast %get3A_165 : vector<1x16xf32> to vector<16xf32>
      %mul3A_167 = vector.broadcast %squeeze3A_49 : f32 to vector<16xf32>
      %mul3A_168 = arith.mulf %mul3A_167, %get3A_166 : vector<16xf32>
      %add3A_169 = arith.addf %mul3A_162, %mul3A_168 : vector<16xf32>
      %swap3A_170 = arith.index_cast %scan3A_42 : i32 to index
      %swap3A_171 = arith.constant 96 : index
      %swap3A_172 = tpu.vector_load %arg8[%swap3A_170, %swap3A_171] {strides = array<i32>} : memref<64x768xf32, #tpu.memory_space<vmem>>, vector<1x16xf32>,
      %swap3A_173 = vector.shape_cast %swap3A_172 : vector<1x16xf32> to vector<16xf32>
      %swap3A_174 = vector.shape_cast %add3A_169 : vector<16xf32> to vector<1x16xf32>
      tpu.vector_store %arg8[%swap3A_170, %swap3A_171], %swap3A_174 {strides = array<i32>} : memref<64x768xf32, #tpu.memory_space<vmem>>, vector<1x16xf32>,
      %get3A_175 = arith.index_cast %scan3A_42 : i32 to index
      %get3A_176 = arith.constant 112 : index
      %get3A_177 = tpu.vector_load %arg8[%get3A_175, %get3A_176] {strides = array<i32>} : memref<64x768xf32, #tpu.memory_space<vmem>>, vector<1x16xf32>,
      %get3A_178 = vector.shape_cast %get3A_177 : vector<1x16xf32> to vector<16xf32>
      %mul3A_179 = vector.broadcast %squeeze3A : f32 to vector<16xf32>
      %mul3A_180 = arith.mulf %mul3A_179, %get3A_178 : vector<16xf32>
      %get3A_181 = arith.index_cast %scan3A_42 : i32 to index
      %get3A_182 = arith.constant 112 : index
      %get3A_183 = tpu.vector_load %arg9[%get3A_181, %get3A_182] {strides = array<i32>} : memref<64x768xf32, #tpu.memory_space<vmem>>, vector<1x16xf32>,
      %get3A_184 = vector.shape_cast %get3A_183 : vector<1x16xf32> to vector<16xf32>
      %mul3A_185 = vector.broadcast %squeeze3A_49 : f32 to vector<16xf32>
      %mul3A_186 = arith.mulf %mul3A_185, %get3A_184 : vector<16xf32>
      %add3A_187 = arith.addf %mul3A_180, %mul3A_186 : vector<16xf32>
      %swap3A_188 = arith.index_cast %scan3A_42 : i32 to index
      %swap3A_189 = arith.constant 112 : index
      %swap3A_190 = tpu.vector_load %arg8[%swap3A_188, %swap3A_189] {strides = array<i32>} : memref<64x768xf32, #tpu.memory_space<vmem>>, vector<1x16xf32>,
      %swap3A_191 = vector.shape_cast %swap3A_190 : vector<1x16xf32> to vector<16xf32>
      %swap3A_192 = vector.shape_cast %add3A_187 : vector<16xf32> to vector<1x16xf32>
      tpu.vector_store %arg8[%swap3A_188, %swap3A_189], %swap3A_192 {strides = array<i32>} : memref<64x768xf32, #tpu.memory_space<vmem>>, vector<1x16xf32>,
      %get3A_193 = arith.index_cast %scan3A_42 : i32 to index
      %get3A_194 = arith.constant 128 : index
      %get3A_195 = tpu.vector_load %arg8[%get3A_193, %get3A_194] {strides = array<i32>} : memref<64x768xf32, #tpu.memory_space<vmem>>, vector<1x16xf32>,
      %get3A_196 = vector.shape_cast %get3A_195 : vector<1x16xf32> to vector<16xf32>
      %mul3A_197 = vector.broadcast %squeeze3A : f32 to vector<16xf32>
      %mul3A_198 = arith.mulf %mul3A_197, %get3A_196 : vector<16xf32>
      %get3A_199 = arith.index_cast %scan3A_42 : i32 to index
      %get3A_200 = arith.constant 128 : index
      %get3A_201 = tpu.vector_load %arg9[%get3A_199, %get3A_200] {strides = array<i32>} : memref<64x768xf32, #tpu.memory_space<vmem>>, vector<1x16xf32>,
      %get3A_202 = vector.shape_cast %get3A_201 : vector<1x16xf32> to vector<16xf32>
      %mul3A_203 = vector.broadcast %squeeze3A_49 : f32 to vector<16xf32>
      %mul3A_204 = arith.mulf %mul3A_203, %get3A_202 : vector<16xf32>
      %add3A_205 = arith.addf %mul3A_198, %mul3A_204 : vector<16xf32>
      %swap3A_206 = arith.index_cast %scan3A_42 : i32 to index
      %swap3A_207 = arith.constant 128 : index
      %swap3A_208 = tpu.vector_load %arg8[%swap3A_206, %swap3A_207] {strides = array<i32>} : memref<64x768xf32, #tpu.memory_space<vmem>>, vector<1x16xf32>,
      %swap3A_209 = vector.shape_cast %swap3A_208 : vector<1x16xf32> to vector<16xf32>
      %swap3A_210 = vector.shape_cast %add3A_205 : vector<16xf32> to vector<1x16xf32>
      tpu.vector_store %arg8[%swap3A_206, %swap3A_207], %swap3A_210 {strides = array<i32>} : memref<64x768xf32, #tpu.memory_space<vmem>>, vector<1x16xf32>,
      %get3A_211 = arith.index_cast %scan3A_42 : i32 to index
      %get3A_212 = arith.constant 144 : index
      %get3A_213 = tpu.vector_load %arg8[%get3A_211, %get3A_212] {strides = array<i32>} : memref<64x768xf32, #tpu.memory_space<vmem>>, vector<1x16xf32>,
      %get3A_214 = vector.shape_cast %get3A_213 : vector<1x16xf32> to vector<16xf32>
      %mul3A_215 = vector.broadcast %squeeze3A : f32 to vector<16xf32>
      %mul3A_216 = arith.mulf %mul3A_215, %get3A_214 : vector<16xf32>
      %get3A_217 = arith.index_cast %scan3A_42 : i32 to index
      %get3A_218 = arith.constant 144 : index
      %get3A_219 = tpu.vector_load %arg9[%get3A_217, %get3A_218] {strides = array<i32>} : memref<64x768xf32, #tpu.memory_space<vmem>>, vector<1x16xf32>,
      %get3A_220 = vector.shape_cast %get3A_219 : vector<1x16xf32> to vector<16xf32>
      %mul3A_221 = vector.broadcast %squeeze3A_49 : f32 to vector<16xf32>
      %mul3A_222 = arith.mulf %mul3A_221, %get3A_220 : vector<16xf32>
      %add3A_223 = arith.addf %mul3A_216, %mul3A_222 : vector<16xf32>
      %swap3A_224 = arith.index_cast %scan3A_42 : i32 to index
      %swap3A_225 = arith.constant 144 : index
      %swap3A_226 = tpu.vector_load %arg8[%swap3A_224, %swap3A_225] {strides = array<i32>} : memref<64x768xf32, #tpu.memory_space<vmem>>, vector<1x16xf32>,
      %swap3A_227 = vector.shape_cast %swap3A_226 : vector<1x16xf32> to vector<16xf32>
      %swap3A_228 = vector.shape_cast %add3A_223 : vector<16xf32> to vector<1x16xf32>
      tpu.vector_store %arg8[%swap3A_224, %swap3A_225], %swap3A_228 {strides = array<i32>} : memref<64x768xf32, #tpu.memory_space<vmem>>, vector<1x16xf32>,
      %get3A_229 = arith.index_cast %scan3A_42 : i32 to index
      %get3A_230 = arith.constant 160 : index
      %get3A_231 = tpu.vector_load %arg8[%get3A_229, %get3A_230] {strides = array<i32>} : memref<64x768xf32, #tpu.memory_space<vmem>>, vector<1x16xf32>,
      %get3A_232 = vector.shape_cast %get3A_231 : vector<1x16xf32> to vector<16xf32>
      %mul3A_233 = vector.broadcast %squeeze3A : f32 to vector<16xf32>
      %mul3A_234 = arith.mulf %mul3A_233, %get3A_232 : vector<16xf32>
      %get3A_235 = arith.index_cast %scan3A_42 : i32 to index
      %get3A_236 = arith.constant 160 : index
      %get3A_237 = tpu.vector_load %arg9[%get3A_235, %get3A_236] {strides = array<i32>} : memref<64x768xf32, #tpu.memory_space<vmem>>, vector<1x16xf32>,
      %get3A_238 = vector.shape_cast %get3A_237 : vector<1x16xf32> to vector<16xf32>
      %mul3A_239 = vector.broadcast %squeeze3A_49 : f32 to vector<16xf32>
      %mul3A_240 = arith.mulf %mul3A_239, %get3A_238 : vector<16xf32>
      %add3A_241 = arith.addf %mul3A_234, %mul3A_240 : vector<16xf32>
      %swap3A_242 = arith.index_cast %scan3A_42 : i32 to index
      %swap3A_243 = arith.constant 160 : index
      %swap3A_244 = tpu.vector_load %arg8[%swap3A_242, %swap3A_243] {strides = array<i32>} : memref<64x768xf32, #tpu.memory_space<vmem>>, vector<1x16xf32>,
      %swap3A_245 = vector.shape_cast %swap3A_244 : vector<1x16xf32> to vector<16xf32>
      %swap3A_246 = vector.shape_cast %add3A_241 : vector<16xf32> to vector<1x16xf32>
      tpu.vector_store %arg8[%swap3A_242, %swap3A_243], %swap3A_246 {strides = array<i32>} : memref<64x768xf32, #tpu.memory_space<vmem>>, vector<1x16xf32>,
      %get3A_247 = arith.index_cast %scan3A_42 : i32 to index
      %get3A_248 = arith.constant 176 : index
      %get3A_249 = tpu.vector_load %arg8[%get3A_247, %get3A_248] {strides = array<i32>} : memref<64x768xf32, #tpu.memory_space<vmem>>, vector<1x16xf32>,
      %get3A_250 = vector.shape_cast %get3A_249 : vector<1x16xf32> to vector<16xf32>
      %mul3A_251 = vector.broadcast %squeeze3A : f32 to vector<16xf32>
      %mul3A_252 = arith.mulf %mul3A_251, %get3A_250 : vector<16xf32>
      %get3A_253 = arith.index_cast %scan3A_42 : i32 to index
      %get3A_254 = arith.constant 176 : index
      %get3A_255 = tpu.vector_load %arg9[%get3A_253, %get3A_254] {strides = array<i32>} : memref<64x768xf32, #tpu.memory_space<vmem>>, vector<1x16xf32>,
      %get3A_256 = vector.shape_cast %get3A_255 : vector<1x16xf32> to vector<16xf32>
      %mul3A_257 = vector.broadcast %squeeze3A_49 : f32 to vector<16xf32>
      %mul3A_258 = arith.mulf %mul3A_257, %get3A_256 : vector<16xf32>
      %add3A_259 = arith.addf %mul3A_252, %mul3A_258 : vector<16xf32>
      %swap3A_260 = arith.index_cast %scan3A_42 : i32 to index
      %swap3A_261 = arith.constant 176 : index
      %swap3A_262 = tpu.vector_load %arg8[%swap3A_260, %swap3A_261] {strides = array<i32>} : memref<64x768xf32, #tpu.memory_space<vmem>>, vector<1x16xf32>,
      %swap3A_263 = vector.shape_cast %swap3A_262 : vector<1x16xf32> to vector<16xf32>
      %swap3A_264 = vector.shape_cast %add3A_259 : vector<16xf32> to vector<1x16xf32>
      tpu.vector_store %arg8[%swap3A_260, %swap3A_261], %swap3A_264 {strides = array<i32>} : memref<64x768xf32, #tpu.memory_space<vmem>>, vector<1x16xf32>,
      %get3A_265 = arith.index_cast %scan3A_42 : i32 to index
      %get3A_266 = arith.constant 192 : index
      %get3A_267 = tpu.vector_load %arg8[%get3A_265, %get3A_266] {strides = array<i32>} : memref<64x768xf32, #tpu.memory_space<vmem>>, vector<1x16xf32>,
      %get3A_268 = vector.shape_cast %get3A_267 : vector<1x16xf32> to vector<16xf32>
      %mul3A_269 = vector.broadcast %squeeze3A : f32 to vector<16xf32>
      %mul3A_270 = arith.mulf %mul3A_269, %get3A_268 : vector<16xf32>
      %get3A_271 = arith.index_cast %scan3A_42 : i32 to index
      %get3A_272 = arith.constant 192 : index
      %get3A_273 = tpu.vector_load %arg9[%get3A_271, %get3A_272] {strides = array<i32>} : memref<64x768xf32, #tpu.memory_space<vmem>>, vector<1x16xf32>,
      %get3A_274 = vector.shape_cast %get3A_273 : vector<1x16xf32> to vector<16xf32>
      %mul3A_275 = vector.broadcast %squeeze3A_49 : f32 to vector<16xf32>
      %mul3A_276 = arith.mulf %mul3A_275, %get3A_274 : vector<16xf32>
      %add3A_277 = arith.addf %mul3A_270, %mul3A_276 : vector<16xf32>
      %swap3A_278 = arith.index_cast %scan3A_42 : i32 to index
      %swap3A_279 = arith.constant 192 : index
      %swap3A_280 = tpu.vector_load %arg8[%swap3A_278, %swap3A_279] {strides = array<i32>} : memref<64x768xf32, #tpu.memory_space<vmem>>, vector<1x16xf32>,
      %swap3A_281 = vector.shape_cast %swap3A_280 : vector<1x16xf32> to vector<16xf32>
      %swap3A_282 = vector.shape_cast %add3A_277 : vector<16xf32> to vector<1x16xf32>
      tpu.vector_store %arg8[%swap3A_278, %swap3A_279], %swap3A_282 {strides = array<i32>} : memref<64x768xf32, #tpu.memory_space<vmem>>, vector<1x16xf32>,
      %get3A_283 = arith.index_cast %scan3A_42 : i32 to index
      %get3A_284 = arith.constant 208 : index
      %get3A_285 = tpu.vector_load %arg8[%get3A_283, %get3A_284] {strides = array<i32>} : memref<64x768xf32, #tpu.memory_space<vmem>>, vector<1x16xf32>,
      %get3A_286 = vector.shape_cast %get3A_285 : vector<1x16xf32> to vector<16xf32>
      %mul3A_287 = vector.broadcast %squeeze3A : f32 to vector<16xf32>
      %mul3A_288 = arith.mulf %mul3A_287, %get3A_286 : vector<16xf32>
      %get3A_289 = arith.index_cast %scan3A_42 : i32 to index
      %get3A_290 = arith.constant 208 : index
      %get3A_291 = tpu.vector_load %arg9[%get3A_289, %get3A_290] {strides = array<i32>} : memref<64x768xf32, #tpu.memory_space<vmem>>, vector<1x16xf32>,
      %get3A_292 = vector.shape_cast %get3A_291 : vector<1x16xf32> to vector<16xf32>
      %mul3A_293 = vector.broadcast %squeeze3A_49 : f32 to vector<16xf32>
      %mul3A_294 = arith.mulf %mul3A_293, %get3A_292 : vector<16xf32>
      %add3A_295 = arith.addf %mul3A_288, %mul3A_294 : vector<16xf32>
      %swap3A_296 = arith.index_cast %scan3A_42 : i32 to index
      %swap3A_297 = arith.constant 208 : index
      %swap3A_298 = tpu.vector_load %arg8[%swap3A_296, %swap3A_297] {strides = array<i32>} : memref<64x768xf32, #tpu.memory_space<vmem>>, vector<1x16xf32>,
      %swap3A_299 = vector.shape_cast %swap3A_298 : vector<1x16xf32> to vector<16xf32>
      %swap3A_300 = vector.shape_cast %add3A_295 : vector<16xf32> to vector<1x16xf32>
      tpu.vector_store %arg8[%swap3A_296, %swap3A_297], %swap3A_300 {strides = array<i32>} : memref<64x768xf32, #tpu.memory_space<vmem>>, vector<1x16xf32>,
      %get3A_301 = arith.index_cast %scan3A_42 : i32 to index
      %get3A_302 = arith.constant 224 : index
      %get3A_303 = tpu.vector_load %arg8[%get3A_301, %get3A_302] {strides = array<i32>} : memref<64x768xf32, #tpu.memory_space<vmem>>, vector<1x16xf32>,
      %get3A_304 = vector.shape_cast %get3A_303 : vector<1x16xf32> to vector<16xf32>
      %mul3A_305 = vector.broadcast %squeeze3A : f32 to vector<16xf32>
      %mul3A_306 = arith.mulf %mul3A_305, %get3A_304 : vector<16xf32>
      %get3A_307 = arith.index_cast %scan3A_42 : i32 to index
      %get3A_308 = arith.constant 224 : index
      %get3A_309 = tpu.vector_load %arg9[%get3A_307, %get3A_308] {strides = array<i32>} : memref<64x768xf32, #tpu.memory_space<vmem>>, vector<1x16xf32>,
      %get3A_310 = vector.shape_cast %get3A_309 : vector<1x16xf32> to vector<16xf32>
      %mul3A_311 = vector.broadcast %squeeze3A_49 : f32 to vector<16xf32>
      %mul3A_312 = arith.mulf %mul3A_311, %get3A_310 : vector<16xf32>
      %add3A_313 = arith.addf %mul3A_306, %mul3A_312 : vector<16xf32>
      %swap3A_314 = arith.index_cast %scan3A_42 : i32 to index
      %swap3A_315 = arith.constant 224 : index
      %swap3A_316 = tpu.vector_load %arg8[%swap3A_314, %swap3A_315] {strides = array<i32>} : memref<64x768xf32, #tpu.memory_space<vmem>>, vector<1x16xf32>,
      %swap3A_317 = vector.shape_cast %swap3A_316 : vector<1x16xf32> to vector<16xf32>
      %swap3A_318 = vector.shape_cast %add3A_313 : vector<16xf32> to vector<1x16xf32>
      tpu.vector_store %arg8[%swap3A_314, %swap3A_315], %swap3A_318 {strides = array<i32>} : memref<64x768xf32, #tpu.memory_space<vmem>>, vector<1x16xf32>,
      %get3A_319 = arith.index_cast %scan3A_42 : i32 to index
      %get3A_320 = arith.constant 240 : index
      %get3A_321 = tpu.vector_load %arg8[%get3A_319, %get3A_320] {strides = array<i32>} : memref<64x768xf32, #tpu.memory_space<vmem>>, vector<1x16xf32>,
      %get3A_322 = vector.shape_cast %get3A_321 : vector<1x16xf32> to vector<16xf32>
      %mul3A_323 = vector.broadcast %squeeze3A : f32 to vector<16xf32>
      %mul3A_324 = arith.mulf %mul3A_323, %get3A_322 : vector<16xf32>
      %get3A_325 = arith.index_cast %scan3A_42 : i32 to index
      %get3A_326 = arith.constant 240 : index
      %get3A_327 = tpu.vector_load %arg9[%get3A_325, %get3A_326] {strides = array<i32>} : memref<64x768xf32, #tpu.memory_space<vmem>>, vector<1x16xf32>,
      %get3A_328 = vector.shape_cast %get3A_327 : vector<1x16xf32> to vector<16xf32>
      %mul3A_329 = vector.broadcast %squeeze3A_49 : f32 to vector<16xf32>
      %mul3A_330 = arith.mulf %mul3A_329, %get3A_328 : vector<16xf32>
      %add3A_331 = arith.addf %mul3A_324, %mul3A_330 : vector<16xf32>
      %swap3A_332 = arith.index_cast %scan3A_42 : i32 to index
      %swap3A_333 = arith.constant 240 : index
      %swap3A_334 = tpu.vector_load %arg8[%swap3A_332, %swap3A_333] {strides = array<i32>} : memref<64x768xf32, #tpu.memory_space<vmem>>, vector<1x16xf32>,
      %swap3A_335 = vector.shape_cast %swap3A_334 : vector<1x16xf32> to vector<16xf32>
      %swap3A_336 = vector.shape_cast %add3A_331 : vector<16xf32> to vector<1x16xf32>
      tpu.vector_store %arg8[%swap3A_332, %swap3A_333], %swap3A_336 {strides = array<i32>} : memref<64x768xf32, #tpu.memory_space<vmem>>, vector<1x16xf32>,
      %get3A_337 = arith.index_cast %scan3A_42 : i32 to index
      %get3A_338 = arith.constant 256 : index
      %get3A_339 = tpu.vector_load %arg8[%get3A_337, %get3A_338] {strides = array<i32>} : memref<64x768xf32, #tpu.memory_space<vmem>>, vector<1x16xf32>,
      %get3A_340 = vector.shape_cast %get3A_339 : vector<1x16xf32> to vector<16xf32>
      %mul3A_341 = vector.broadcast %squeeze3A : f32 to vector<16xf32>
      %mul3A_342 = arith.mulf %mul3A_341, %get3A_340 : vector<16xf32>
      %get3A_343 = arith.index_cast %scan3A_42 : i32 to index
      %get3A_344 = arith.constant 256 : index
      %get3A_345 = tpu.vector_load %arg9[%get3A_343, %get3A_344] {strides = array<i32>} : memref<64x768xf32, #tpu.memory_space<vmem>>, vector<1x16xf32>,
      %get3A_346 = vector.shape_cast %get3A_345 : vector<1x16xf32> to vector<16xf32>
      %mul3A_347 = vector.broadcast %squeeze3A_49 : f32 to vector<16xf32>
      %mul3A_348 = arith.mulf %mul3A_347, %get3A_346 : vector<16xf32>
      %add3A_349 = arith.addf %mul3A_342, %mul3A_348 : vector<16xf32>
      %swap3A_350 = arith.index_cast %scan3A_42 : i32 to index
      %swap3A_351 = arith.constant 256 : index
      %swap3A_352 = tpu.vector_load %arg8[%swap3A_350, %swap3A_351] {strides = array<i32>} : memref<64x768xf32, #tpu.memory_space<vmem>>, vector<1x16xf32>,
      %swap3A_353 = vector.shape_cast %swap3A_352 : vector<1x16xf32> to vector<16xf32>
      %swap3A_354 = vector.shape_cast %add3A_349 : vector<16xf32> to vector<1x16xf32>
      tpu.vector_store %arg8[%swap3A_350, %swap3A_351], %swap3A_354 {strides = array<i32>} : memref<64x768xf32, #tpu.memory_space<vmem>>, vector<1x16xf32>,
      %get3A_355 = arith.index_cast %scan3A_42 : i32 to index
      %get3A_356 = arith.constant 272 : index
      %get3A_357 = tpu.vector_load %arg8[%get3A_355, %get3A_356] {strides = array<i32>} : memref<64x768xf32, #tpu.memory_space<vmem>>, vector<1x16xf32>,
      %get3A_358 = vector.shape_cast %get3A_357 : vector<1x16xf32> to vector<16xf32>
      %mul3A_359 = vector.broadcast %squeeze3A : f32 to vector<16xf32>
      %mul3A_360 = arith.mulf %mul3A_359, %get3A_358 : vector<16xf32>
      %get3A_361 = arith.index_cast %scan3A_42 : i32 to index
      %get3A_362 = arith.constant 272 : index
      %get3A_363 = tpu.vector_load %arg9[%get3A_361, %get3A_362] {strides = array<i32>} : memref<64x768xf32, #tpu.memory_space<vmem>>, vector<1x16xf32>,
      %get3A_364 = vector.shape_cast %get3A_363 : vector<1x16xf32> to vector<16xf32>
      %mul3A_365 = vector.broadcast %squeeze3A_49 : f32 to vector<16xf32>
      %mul3A_366 = arith.mulf %mul3A_365, %get3A_364 : vector<16xf32>
      %add3A_367 = arith.addf %mul3A_360, %mul3A_366 : vector<16xf32>
      %swap3A_368 = arith.index_cast %scan3A_42 : i32 to index
      %swap3A_369 = arith.constant 272 : index
      %swap3A_370 = tpu.vector_load %arg8[%swap3A_368, %swap3A_369] {strides = array<i32>} : memref<64x768xf32, #tpu.memory_space<vmem>>, vector<1x16xf32>,
      %swap3A_371 = vector.shape_cast %swap3A_370 : vector<1x16xf32> to vector<16xf32>
      %swap3A_372 = vector.shape_cast %add3A_367 : vector<16xf32> to vector<1x16xf32>
      tpu.vector_store %arg8[%swap3A_368, %swap3A_369], %swap3A_372 {strides = array<i32>} : memref<64x768xf32, #tpu.memory_space<vmem>>, vector<1x16xf32>,
      %get3A_373 = arith.index_cast %scan3A_42 : i32 to index
      %get3A_374 = arith.constant 288 : index
      %get3A_375 = tpu.vector_load %arg8[%get3A_373, %get3A_374] {strides = array<i32>} : memref<64x768xf32, #tpu.memory_space<vmem>>, vector<1x16xf32>,
      %get3A_376 = vector.shape_cast %get3A_375 : vector<1x16xf32> to vector<16xf32>
      %mul3A_377 = vector.broadcast %squeeze3A : f32 to vector<16xf32>
      %mul3A_378 = arith.mulf %mul3A_377, %get3A_376 : vector<16xf32>
      %get3A_379 = arith.index_cast %scan3A_42 : i32 to index
      %get3A_380 = arith.constant 288 : index
      %get3A_381 = tpu.vector_load %arg9[%get3A_379, %get3A_380] {strides = array<i32>} : memref<64x768xf32, #tpu.memory_space<vmem>>, vector<1x16xf32>,
      %get3A_382 = vector.shape_cast %get3A_381 : vector<1x16xf32> to vector<16xf32>
      %mul3A_383 = vector.broadcast %squeeze3A_49 : f32 to vector<16xf32>
      %mul3A_384 = arith.mulf %mul3A_383, %get3A_382 : vector<16xf32>
      %add3A_385 = arith.addf %mul3A_378, %mul3A_384 : vector<16xf32>
      %swap3A_386 = arith.index_cast %scan3A_42 : i32 to index
      %swap3A_387 = arith.constant 288 : index
      %swap3A_388 = tpu.vector_load %arg8[%swap3A_386, %swap3A_387] {strides = array<i32>} : memref<64x768xf32, #tpu.memory_space<vmem>>, vector<1x16xf32>,
      %swap3A_389 = vector.shape_cast %swap3A_388 : vector<1x16xf32> to vector<16xf32>
      %swap3A_390 = vector.shape_cast %add3A_385 : vector<16xf32> to vector<1x16xf32>
      tpu.vector_store %arg8[%swap3A_386, %swap3A_387], %swap3A_390 {strides = array<i32>} : memref<64x768xf32, #tpu.memory_space<vmem>>, vector<1x16xf32>,
      %get3A_391 = arith.index_cast %scan3A_42 : i32 to index
      %get3A_392 = arith.constant 304 : index
      %get3A_393 = tpu.vector_load %arg8[%get3A_391, %get3A_392] {strides = array<i32>} : memref<64x768xf32, #tpu.memory_space<vmem>>, vector<1x16xf32>,
      %get3A_394 = vector.shape_cast %get3A_393 : vector<1x16xf32> to vector<16xf32>
      %mul3A_395 = vector.broadcast %squeeze3A : f32 to vector<16xf32>
      %mul3A_396 = arith.mulf %mul3A_395, %get3A_394 : vector<16xf32>
      %get3A_397 = arith.index_cast %scan3A_42 : i32 to index
      %get3A_398 = arith.constant 304 : index
      %get3A_399 = tpu.vector_load %arg9[%get3A_397, %get3A_398] {strides = array<i32>} : memref<64x768xf32, #tpu.memory_space<vmem>>, vector<1x16xf32>,
      %get3A_400 = vector.shape_cast %get3A_399 : vector<1x16xf32> to vector<16xf32>
      %mul3A_401 = vector.broadcast %squeeze3A_49 : f32 to vector<16xf32>
      %mul3A_402 = arith.mulf %mul3A_401, %get3A_400 : vector<16xf32>
      %add3A_403 = arith.addf %mul3A_396, %mul3A_402 : vector<16xf32>
      %swap3A_404 = arith.index_cast %scan3A_42 : i32 to index
      %swap3A_405 = arith.constant 304 : index
      %swap3A_406 = tpu.vector_load %arg8[%swap3A_404, %swap3A_405] {strides = array<i32>} : memref<64x768xf32, #tpu.memory_space<vmem>>, vector<1x16xf32>,
      %swap3A_407 = vector.shape_cast %swap3A_406 : vector<1x16xf32> to vector<16xf32>
      %swap3A_408 = vector.shape_cast %add3A_403 : vector<16xf32> to vector<1x16xf32>
      tpu.vector_store %arg8[%swap3A_404, %swap3A_405], %swap3A_408 {strides = array<i32>} : memref<64x768xf32, #tpu.memory_space<vmem>>, vector<1x16xf32>,
      %get3A_409 = arith.index_cast %scan3A_42 : i32 to index
      %get3A_410 = arith.constant 320 : index
      %get3A_411 = tpu.vector_load %arg8[%get3A_409, %get3A_410] {strides = array<i32>} : memref<64x768xf32, #tpu.memory_space<vmem>>, vector<1x16xf32>,
      %get3A_412 = vector.shape_cast %get3A_411 : vector<1x16xf32> to vector<16xf32>
      %mul3A_413 = vector.broadcast %squeeze3A : f32 to vector<16xf32>
      %mul3A_414 = arith.mulf %mul3A_413, %get3A_412 : vector<16xf32>
      %get3A_415 = arith.index_cast %scan3A_42 : i32 to index
      %get3A_416 = arith.constant 320 : index
      %get3A_417 = tpu.vector_load %arg9[%get3A_415, %get3A_416] {strides = array<i32>} : memref<64x768xf32, #tpu.memory_space<vmem>>, vector<1x16xf32>,
      %get3A_418 = vector.shape_cast %get3A_417 : vector<1x16xf32> to vector<16xf32>
      %mul3A_419 = vector.broadcast %squeeze3A_49 : f32 to vector<16xf32>
      %mul3A_420 = arith.mulf %mul3A_419, %get3A_418 : vector<16xf32>
      %add3A_421 = arith.addf %mul3A_414, %mul3A_420 : vector<16xf32>
      %swap3A_422 = arith.index_cast %scan3A_42 : i32 to index
      %swap3A_423 = arith.constant 320 : index
      %swap3A_424 = tpu.vector_load %arg8[%swap3A_422, %swap3A_423] {strides = array<i32>} : memref<64x768xf32, #tpu.memory_space<vmem>>, vector<1x16xf32>,
      %swap3A_425 = vector.shape_cast %swap3A_424 : vector<1x16xf32> to vector<16xf32>
      %swap3A_426 = vector.shape_cast %add3A_421 : vector<16xf32> to vector<1x16xf32>
      tpu.vector_store %arg8[%swap3A_422, %swap3A_423], %swap3A_426 {strides = array<i32>} : memref<64x768xf32, #tpu.memory_space<vmem>>, vector<1x16xf32>,
      %get3A_427 = arith.index_cast %scan3A_42 : i32 to index
      %get3A_428 = arith.constant 336 : index
      %get3A_429 = tpu.vector_load %arg8[%get3A_427, %get3A_428] {strides = array<i32>} : memref<64x768xf32, #tpu.memory_space<vmem>>, vector<1x16xf32>,
      %get3A_430 = vector.shape_cast %get3A_429 : vector<1x16xf32> to vector<16xf32>
      %mul3A_431 = vector.broadcast %squeeze3A : f32 to vector<16xf32>
      %mul3A_432 = arith.mulf %mul3A_431, %get3A_430 : vector<16xf32>
      %get3A_433 = arith.index_cast %scan3A_42 : i32 to index
      %get3A_434 = arith.constant 336 : index
      %get3A_435 = tpu.vector_load %arg9[%get3A_433, %get3A_434] {strides = array<i32>} : memref<64x768xf32, #tpu.memory_space<vmem>>, vector<1x16xf32>,
      %get3A_436 = vector.shape_cast %get3A_435 : vector<1x16xf32> to vector<16xf32>
      %mul3A_437 = vector.broadcast %squeeze3A_49 : f32 to vector<16xf32>
      %mul3A_438 = arith.mulf %mul3A_437, %get3A_436 : vector<16xf32>
      %add3A_439 = arith.addf %mul3A_432, %mul3A_438 : vector<16xf32>
      %swap3A_440 = arith.index_cast %scan3A_42 : i32 to index
      %swap3A_441 = arith.constant 336 : index
      %swap3A_442 = tpu.vector_load %arg8[%swap3A_440, %swap3A_441] {strides = array<i32>} : memref<64x768xf32, #tpu.memory_space<vmem>>, vector<1x16xf32>,
      %swap3A_443 = vector.shape_cast %swap3A_442 : vector<1x16xf32> to vector<16xf32>
      %swap3A_444 = vector.shape_cast %add3A_439 : vector<16xf32> to vector<1x16xf32>
      tpu.vector_store %arg8[%swap3A_440, %swap3A_441], %swap3A_444 {strides = array<i32>} : memref<64x768xf32, #tpu.memory_space<vmem>>, vector<1x16xf32>,
      %get3A_445 = arith.index_cast %scan3A_42 : i32 to index
      %get3A_446 = arith.constant 352 : index
      %get3A_447 = tpu.vector_load %arg8[%get3A_445, %get3A_446] {strides = array<i32>} : memref<64x768xf32, #tpu.memory_space<vmem>>, vector<1x16xf32>,
      %get3A_448 = vector.shape_cast %get3A_447 : vector<1x16xf32> to vector<16xf32>
      %mul3A_449 = vector.broadcast %squeeze3A : f32 to vector<16xf32>
      %mul3A_450 = arith.mulf %mul3A_449, %get3A_448 : vector<16xf32>
      %get3A_451 = arith.index_cast %scan3A_42 : i32 to index
      %get3A_452 = arith.constant 352 : index
      %get3A_453 = tpu.vector_load %arg9[%get3A_451, %get3A_452] {strides = array<i32>} : memref<64x768xf32, #tpu.memory_space<vmem>>, vector<1x16xf32>,
      %get3A_454 = vector.shape_cast %get3A_453 : vector<1x16xf32> to vector<16xf32>
      %mul3A_455 = vector.broadcast %squeeze3A_49 : f32 to vector<16xf32>
      %mul3A_456 = arith.mulf %mul3A_455, %get3A_454 : vector<16xf32>
      %add3A_457 = arith.addf %mul3A_450, %mul3A_456 : vector<16xf32>
      %swap3A_458 = arith.index_cast %scan3A_42 : i32 to index
      %swap3A_459 = arith.constant 352 : index
      %swap3A_460 = tpu.vector_load %arg8[%swap3A_458, %swap3A_459] {strides = array<i32>} : memref<64x768xf32, #tpu.memory_space<vmem>>, vector<1x16xf32>,
      %swap3A_461 = vector.shape_cast %swap3A_460 : vector<1x16xf32> to vector<16xf32>
      %swap3A_462 = vector.shape_cast %add3A_457 : vector<16xf32> to vector<1x16xf32>
      tpu.vector_store %arg8[%swap3A_458, %swap3A_459], %swap3A_462 {strides = array<i32>} : memref<64x768xf32, #tpu.memory_space<vmem>>, vector<1x16xf32>,
      %get3A_463 = arith.index_cast %scan3A_42 : i32 to index
      %get3A_464 = arith.constant 368 : index
      %get3A_465 = tpu.vector_load %arg8[%get3A_463, %get3A_464] {strides = array<i32>} : memref<64x768xf32, #tpu.memory_space<vmem>>, vector<1x16xf32>,
      %get3A_466 = vector.shape_cast %get3A_465 : vector<1x16xf32> to vector<16xf32>
      %mul3A_467 = vector.broadcast %squeeze3A : f32 to vector<16xf32>
      %mul3A_468 = arith.mulf %mul3A_467, %get3A_466 : vector<16xf32>
      %get3A_469 = arith.index_cast %scan3A_42 : i32 to index
      %get3A_470 = arith.constant 368 : index
      %get3A_471 = tpu.vector_load %arg9[%get3A_469, %get3A_470] {strides = array<i32>} : memref<64x768xf32, #tpu.memory_space<vmem>>, vector<1x16xf32>,
      %get3A_472 = vector.shape_cast %get3A_471 : vector<1x16xf32> to vector<16xf32>
      %mul3A_473 = vector.broadcast %squeeze3A_49 : f32 to vector<16xf32>
      %mul3A_474 = arith.mulf %mul3A_473, %get3A_472 : vector<16xf32>
      %add3A_475 = arith.addf %mul3A_468, %mul3A_474 : vector<16xf32>
      %swap3A_476 = arith.index_cast %scan3A_42 : i32 to index
      %swap3A_477 = arith.constant 368 : index
      %swap3A_478 = tpu.vector_load %arg8[%swap3A_476, %swap3A_477] {strides = array<i32>} : memref<64x768xf32, #tpu.memory_space<vmem>>, vector<1x16xf32>,
      %swap3A_479 = vector.shape_cast %swap3A_478 : vector<1x16xf32> to vector<16xf32>
      %swap3A_480 = vector.shape_cast %add3A_475 : vector<16xf32> to vector<1x16xf32>
      tpu.vector_store %arg8[%swap3A_476, %swap3A_477], %swap3A_480 {strides = array<i32>} : memref<64x768xf32, #tpu.memory_space<vmem>>, vector<1x16xf32>,
      %get3A_481 = arith.index_cast %scan3A_42 : i32 to index
      %get3A_482 = arith.constant 384 : index
      %get3A_483 = tpu.vector_load %arg8[%get3A_481, %get3A_482] {strides = array<i32>} : memref<64x768xf32, #tpu.memory_space<vmem>>, vector<1x16xf32>,
      %get3A_484 = vector.shape_cast %get3A_483 : vector<1x16xf32> to vector<16xf32>
      %mul3A_485 = vector.broadcast %squeeze3A : f32 to vector<16xf32>
      %mul3A_486 = arith.mulf %mul3A_485, %get3A_484 : vector<16xf32>
      %get3A_487 = arith.index_cast %scan3A_42 : i32 to index
      %get3A_488 = arith.constant 384 : index
      %get3A_489 = tpu.vector_load %arg9[%get3A_487, %get3A_488] {strides = array<i32>} : memref<64x768xf32, #tpu.memory_space<vmem>>, vector<1x16xf32>,
      %get3A_490 = vector.shape_cast %get3A_489 : vector<1x16xf32> to vector<16xf32>
      %mul3A_491 = vector.broadcast %squeeze3A_49 : f32 to vector<16xf32>
      %mul3A_492 = arith.mulf %mul3A_491, %get3A_490 : vector<16xf32>
      %add3A_493 = arith.addf %mul3A_486, %mul3A_492 : vector<16xf32>
      %swap3A_494 = arith.index_cast %scan3A_42 : i32 to index
      %swap3A_495 = arith.constant 384 : index
      %swap3A_496 = tpu.vector_load %arg8[%swap3A_494, %swap3A_495] {strides = array<i32>} : memref<64x768xf32, #tpu.memory_space<vmem>>, vector<1x16xf32>,
      %swap3A_497 = vector.shape_cast %swap3A_496 : vector<1x16xf32> to vector<16xf32>
      %swap3A_498 = vector.shape_cast %add3A_493 : vector<16xf32> to vector<1x16xf32>
      tpu.vector_store %arg8[%swap3A_494, %swap3A_495], %swap3A_498 {strides = array<i32>} : memref<64x768xf32, #tpu.memory_space<vmem>>, vector<1x16xf32>,
      %get3A_499 = arith.index_cast %scan3A_42 : i32 to index
      %get3A_500 = arith.constant 400 : index
      %get3A_501 = tpu.vector_load %arg8[%get3A_499, %get3A_500] {strides = array<i32>} : memref<64x768xf32, #tpu.memory_space<vmem>>, vector<1x16xf32>,
      %get3A_502 = vector.shape_cast %get3A_501 : vector<1x16xf32> to vector<16xf32>
      %mul3A_503 = vector.broadcast %squeeze3A : f32 to vector<16xf32>
      %mul3A_504 = arith.mulf %mul3A_503, %get3A_502 : vector<16xf32>
      %get3A_505 = arith.index_cast %scan3A_42 : i32 to index
      %get3A_506 = arith.constant 400 : index
      %get3A_507 = tpu.vector_load %arg9[%get3A_505, %get3A_506] {strides = array<i32>} : memref<64x768xf32, #tpu.memory_space<vmem>>, vector<1x16xf32>,
      %get3A_508 = vector.shape_cast %get3A_507 : vector<1x16xf32> to vector<16xf32>
      %mul3A_509 = vector.broadcast %squeeze3A_49 : f32 to vector<16xf32>
      %mul3A_510 = arith.mulf %mul3A_509, %get3A_508 : vector<16xf32>
      %add3A_511 = arith.addf %mul3A_504, %mul3A_510 : vector<16xf32>
      %swap3A_512 = arith.index_cast %scan3A_42 : i32 to index
      %swap3A_513 = arith.constant 400 : index
      %swap3A_514 = tpu.vector_load %arg8[%swap3A_512, %swap3A_513] {strides = array<i32>} : memref<64x768xf32, #tpu.memory_space<vmem>>, vector<1x16xf32>,
      %swap3A_515 = vector.shape_cast %swap3A_514 : vector<1x16xf32> to vector<16xf32>
      %swap3A_516 = vector.shape_cast %add3A_511 : vector<16xf32> to vector<1x16xf32>
      tpu.vector_store %arg8[%swap3A_512, %swap3A_513], %swap3A_516 {strides = array<i32>} : memref<64x768xf32, #tpu.memory_space<vmem>>, vector<1x16xf32>,
      %get3A_517 = arith.index_cast %scan3A_42 : i32 to index
      %get3A_518 = arith.constant 416 : index
      %get3A_519 = tpu.vector_load %arg8[%get3A_517, %get3A_518] {strides = array<i32>} : memref<64x768xf32, #tpu.memory_space<vmem>>, vector<1x16xf32>,
      %get3A_520 = vector.shape_cast %get3A_519 : vector<1x16xf32> to vector<16xf32>
      %mul3A_521 = vector.broadcast %squeeze3A : f32 to vector<16xf32>
      %mul3A_522 = arith.mulf %mul3A_521, %get3A_520 : vector<16xf32>
      %get3A_523 = arith.index_cast %scan3A_42 : i32 to index
      %get3A_524 = arith.constant 416 : index
      %get3A_525 = tpu.vector_load %arg9[%get3A_523, %get3A_524] {strides = array<i32>} : memref<64x768xf32, #tpu.memory_space<vmem>>, vector<1x16xf32>,
      %get3A_526 = vector.shape_cast %get3A_525 : vector<1x16xf32> to vector<16xf32>
      %mul3A_527 = vector.broadcast %squeeze3A_49 : f32 to vector<16xf32>
      %mul3A_528 = arith.mulf %mul3A_527, %get3A_526 : vector<16xf32>
      %add3A_529 = arith.addf %mul3A_522, %mul3A_528 : vector<16xf32>
      %swap3A_530 = arith.index_cast %scan3A_42 : i32 to index
      %swap3A_531 = arith.constant 416 : index
      %swap3A_532 = tpu.vector_load %arg8[%swap3A_530, %swap3A_531] {strides = array<i32>} : memref<64x768xf32, #tpu.memory_space<vmem>>, vector<1x16xf32>,
      %swap3A_533 = vector.shape_cast %swap3A_532 : vector<1x16xf32> to vector<16xf32>
      %swap3A_534 = vector.shape_cast %add3A_529 : vector<16xf32> to vector<1x16xf32>
      tpu.vector_store %arg8[%swap3A_530, %swap3A_531], %swap3A_534 {strides = array<i32>} : memref<64x768xf32, #tpu.memory_space<vmem>>, vector<1x16xf32>,
      %get3A_535 = arith.index_cast %scan3A_42 : i32 to index
      %get3A_536 = arith.constant 432 : index
      %get3A_537 = tpu.vector_load %arg8[%get3A_535, %get3A_536] {strides = array<i32>} : memref<64x768xf32, #tpu.memory_space<vmem>>, vector<1x16xf32>,
      %get3A_538 = vector.shape_cast %get3A_537 : vector<1x16xf32> to vector<16xf32>
      %mul3A_539 = vector.broadcast %squeeze3A : f32 to vector<16xf32>
      %mul3A_540 = arith.mulf %mul3A_539, %get3A_538 : vector<16xf32>
      %get3A_541 = arith.index_cast %scan3A_42 : i32 to index
      %get3A_542 = arith.constant 432 : index
      %get3A_543 = tpu.vector_load %arg9[%get3A_541, %get3A_542] {strides = array<i32>} : memref<64x768xf32, #tpu.memory_space<vmem>>, vector<1x16xf32>,
      %get3A_544 = vector.shape_cast %get3A_543 : vector<1x16xf32> to vector<16xf32>
      %mul3A_545 = vector.broadcast %squeeze3A_49 : f32 to vector<16xf32>
      %mul3A_546 = arith.mulf %mul3A_545, %get3A_544 : vector<16xf32>
      %add3A_547 = arith.addf %mul3A_540, %mul3A_546 : vector<16xf32>
      %swap3A_548 = arith.index_cast %scan3A_42 : i32 to index
      %swap3A_549 = arith.constant 432 : index
      %swap3A_550 = tpu.vector_load %arg8[%swap3A_548, %swap3A_549] {strides = array<i32>} : memref<64x768xf32, #tpu.memory_space<vmem>>, vector<1x16xf32>,
      %swap3A_551 = vector.shape_cast %swap3A_550 : vector<1x16xf32> to vector<16xf32>
      %swap3A_552 = vector.shape_cast %add3A_547 : vector<16xf32> to vector<1x16xf32>
      tpu.vector_store %arg8[%swap3A_548, %swap3A_549], %swap3A_552 {strides = array<i32>} : memref<64x768xf32, #tpu.memory_space<vmem>>, vector<1x16xf32>,
      %get3A_553 = arith.index_cast %scan3A_42 : i32 to index
      %get3A_554 = arith.constant 448 : index
      %get3A_555 = tpu.vector_load %arg8[%get3A_553, %get3A_554] {strides = array<i32>} : memref<64x768xf32, #tpu.memory_space<vmem>>, vector<1x16xf32>,
      %get3A_556 = vector.shape_cast %get3A_555 : vector<1x16xf32> to vector<16xf32>
      %mul3A_557 = vector.broadcast %squeeze3A : f32 to vector<16xf32>
      %mul3A_558 = arith.mulf %mul3A_557, %get3A_556 : vector<16xf32>
      %get3A_559 = arith.index_cast %scan3A_42 : i32 to index
      %get3A_560 = arith.constant 448 : index
      %get3A_561 = tpu.vector_load %arg9[%get3A_559, %get3A_560] {strides = array<i32>} : memref<64x768xf32, #tpu.memory_space<vmem>>, vector<1x16xf32>,
      %get3A_562 = vector.shape_cast %get3A_561 : vector<1x16xf32> to vector<16xf32>
      %mul3A_563 = vector.broadcast %squeeze3A_49 : f32 to vector<16xf32>
      %mul3A_564 = arith.mulf %mul3A_563, %get3A_562 : vector<16xf32>
      %add3A_565 = arith.addf %mul3A_558, %mul3A_564 : vector<16xf32>
      %swap3A_566 = arith.index_cast %scan3A_42 : i32 to index
      %swap3A_567 = arith.constant 448 : index
      %swap3A_568 = tpu.vector_load %arg8[%swap3A_566, %swap3A_567] {strides = array<i32>} : memref<64x768xf32, #tpu.memory_space<vmem>>, vector<1x16xf32>,
      %swap3A_569 = vector.shape_cast %swap3A_568 : vector<1x16xf32> to vector<16xf32>
      %swap3A_570 = vector.shape_cast %add3A_565 : vector<16xf32> to vector<1x16xf32>
      tpu.vector_store %arg8[%swap3A_566, %swap3A_567], %swap3A_570 {strides = array<i32>} : memref<64x768xf32, #tpu.memory_space<vmem>>, vector<1x16xf32>,
      %get3A_571 = arith.index_cast %scan3A_42 : i32 to index
      %get3A_572 = arith.constant 464 : index
      %get3A_573 = tpu.vector_load %arg8[%get3A_571, %get3A_572] {strides = array<i32>} : memref<64x768xf32, #tpu.memory_space<vmem>>, vector<1x16xf32>,
      %get3A_574 = vector.shape_cast %get3A_573 : vector<1x16xf32> to vector<16xf32>
      %mul3A_575 = vector.broadcast %squeeze3A : f32 to vector<16xf32>
      %mul3A_576 = arith.mulf %mul3A_575, %get3A_574 : vector<16xf32>
      %get3A_577 = arith.index_cast %scan3A_42 : i32 to index
      %get3A_578 = arith.constant 464 : index
      %get3A_579 = tpu.vector_load %arg9[%get3A_577, %get3A_578] {strides = array<i32>} : memref<64x768xf32, #tpu.memory_space<vmem>>, vector<1x16xf32>,
      %get3A_580 = vector.shape_cast %get3A_579 : vector<1x16xf32> to vector<16xf32>
      %mul3A_581 = vector.broadcast %squeeze3A_49 : f32 to vector<16xf32>
      %mul3A_582 = arith.mulf %mul3A_581, %get3A_580 : vector<16xf32>
      %add3A_583 = arith.addf %mul3A_576, %mul3A_582 : vector<16xf32>
      %swap3A_584 = arith.index_cast %scan3A_42 : i32 to index
      %swap3A_585 = arith.constant 464 : index
      %swap3A_586 = tpu.vector_load %arg8[%swap3A_584, %swap3A_585] {strides = array<i32>} : memref<64x768xf32, #tpu.memory_space<vmem>>, vector<1x16xf32>,
      %swap3A_587 = vector.shape_cast %swap3A_586 : vector<1x16xf32> to vector<16xf32>
      %swap3A_588 = vector.shape_cast %add3A_583 : vector<16xf32> to vector<1x16xf32>
      tpu.vector_store %arg8[%swap3A_584, %swap3A_585], %swap3A_588 {strides = array<i32>} : memref<64x768xf32, #tpu.memory_space<vmem>>, vector<1x16xf32>,
      %get3A_589 = arith.index_cast %scan3A_42 : i32 to index
      %get3A_590 = arith.constant 480 : index
      %get3A_591 = tpu.vector_load %arg8[%get3A_589, %get3A_590] {strides = array<i32>} : memref<64x768xf32, #tpu.memory_space<vmem>>, vector<1x16xf32>,
      %get3A_592 = vector.shape_cast %get3A_591 : vector<1x16xf32> to vector<16xf32>
      %mul3A_593 = vector.broadcast %squeeze3A : f32 to vector<16xf32>
      %mul3A_594 = arith.mulf %mul3A_593, %get3A_592 : vector<16xf32>
      %get3A_595 = arith.index_cast %scan3A_42 : i32 to index
      %get3A_596 = arith.constant 480 : index
      %get3A_597 = tpu.vector_load %arg9[%get3A_595, %get3A_596] {strides = array<i32>} : memref<64x768xf32, #tpu.memory_space<vmem>>, vector<1x16xf32>,
      %get3A_598 = vector.shape_cast %get3A_597 : vector<1x16xf32> to vector<16xf32>
      %mul3A_599 = vector.broadcast %squeeze3A_49 : f32 to vector<16xf32>
      %mul3A_600 = arith.mulf %mul3A_599, %get3A_598 : vector<16xf32>
      %add3A_601 = arith.addf %mul3A_594, %mul3A_600 : vector<16xf32>
      %swap3A_602 = arith.index_cast %scan3A_42 : i32 to index
      %swap3A_603 = arith.constant 480 : index
      %swap3A_604 = tpu.vector_load %arg8[%swap3A_602, %swap3A_603] {strides = array<i32>} : memref<64x768xf32, #tpu.memory_space<vmem>>, vector<1x16xf32>,
      %swap3A_605 = vector.shape_cast %swap3A_604 : vector<1x16xf32> to vector<16xf32>
      %swap3A_606 = vector.shape_cast %add3A_601 : vector<16xf32> to vector<1x16xf32>
      tpu.vector_store %arg8[%swap3A_602, %swap3A_603], %swap3A_606 {strides = array<i32>} : memref<64x768xf32, #tpu.memory_space<vmem>>, vector<1x16xf32>,
      %get3A_607 = arith.index_cast %scan3A_42 : i32 to index
      %get3A_608 = arith.constant 496 : index
      %get3A_609 = tpu.vector_load %arg8[%get3A_607, %get3A_608] {strides = array<i32>} : memref<64x768xf32, #tpu.memory_space<vmem>>, vector<1x16xf32>,
      %get3A_610 = vector.shape_cast %get3A_609 : vector<1x16xf32> to vector<16xf32>
      %mul3A_611 = vector.broadcast %squeeze3A : f32 to vector<16xf32>
      %mul3A_612 = arith.mulf %mul3A_611, %get3A_610 : vector<16xf32>
      %get3A_613 = arith.index_cast %scan3A_42 : i32 to index
      %get3A_614 = arith.constant 496 : index
      %get3A_615 = tpu.vector_load %arg9[%get3A_613, %get3A_614] {strides = array<i32>} : memref<64x768xf32, #tpu.memory_space<vmem>>, vector<1x16xf32>,
      %get3A_616 = vector.shape_cast %get3A_615 : vector<1x16xf32> to vector<16xf32>
      %mul3A_617 = vector.broadcast %squeeze3A_49 : f32 to vector<16xf32>
      %mul3A_618 = arith.mulf %mul3A_617, %get3A_616 : vector<16xf32>
      %add3A_619 = arith.addf %mul3A_612, %mul3A_618 : vector<16xf32>
      %swap3A_620 = arith.index_cast %scan3A_42 : i32 to index
      %swap3A_621 = arith.constant 496 : index
      %swap3A_622 = tpu.vector_load %arg8[%swap3A_620, %swap3A_621] {strides = array<i32>} : memref<64x768xf32, #tpu.memory_space<vmem>>, vector<1x16xf32>,
      %swap3A_623 = vector.shape_cast %swap3A_622 : vector<1x16xf32> to vector<16xf32>
      %swap3A_624 = vector.shape_cast %add3A_619 : vector<16xf32> to vector<1x16xf32>
      tpu.vector_store %arg8[%swap3A_620, %swap3A_621], %swap3A_624 {strides = array<i32>} : memref<64x768xf32, #tpu.memory_space<vmem>>, vector<1x16xf32>,
      %get3A_625 = arith.index_cast %scan3A_42 : i32 to index
      %get3A_626 = arith.constant 512 : index
      %get3A_627 = tpu.vector_load %arg8[%get3A_625, %get3A_626] {strides = array<i32>} : memref<64x768xf32, #tpu.memory_space<vmem>>, vector<1x16xf32>,
      %get3A_628 = vector.shape_cast %get3A_627 : vector<1x16xf32> to vector<16xf32>
      %mul3A_629 = vector.broadcast %squeeze3A : f32 to vector<16xf32>
      %mul3A_630 = arith.mulf %mul3A_629, %get3A_628 : vector<16xf32>
      %get3A_631 = arith.index_cast %scan3A_42 : i32 to index
      %get3A_632 = arith.constant 512 : index
      %get3A_633 = tpu.vector_load %arg9[%get3A_631, %get3A_632] {strides = array<i32>} : memref<64x768xf32, #tpu.memory_space<vmem>>, vector<1x16xf32>,
      %get3A_634 = vector.shape_cast %get3A_633 : vector<1x16xf32> to vector<16xf32>
      %mul3A_635 = vector.broadcast %squeeze3A_49 : f32 to vector<16xf32>
      %mul3A_636 = arith.mulf %mul3A_635, %get3A_634 : vector<16xf32>
      %add3A_637 = arith.addf %mul3A_630, %mul3A_636 : vector<16xf32>
      %swap3A_638 = arith.index_cast %scan3A_42 : i32 to index
      %swap3A_639 = arith.constant 512 : index
      %swap3A_640 = tpu.vector_load %arg8[%swap3A_638, %swap3A_639] {strides = array<i32>} : memref<64x768xf32, #tpu.memory_space<vmem>>, vector<1x16xf32>,
      %swap3A_641 = vector.shape_cast %swap3A_640 : vector<1x16xf32> to vector<16xf32>
      %swap3A_642 = vector.shape_cast %add3A_637 : vector<16xf32> to vector<1x16xf32>
      tpu.vector_store %arg8[%swap3A_638, %swap3A_639], %swap3A_642 {strides = array<i32>} : memref<64x768xf32, #tpu.memory_space<vmem>>, vector<1x16xf32>,
      %get3A_643 = arith.index_cast %scan3A_42 : i32 to index
      %get3A_644 = arith.constant 528 : index
      %get3A_645 = tpu.vector_load %arg8[%get3A_643, %get3A_644] {strides = array<i32>} : memref<64x768xf32, #tpu.memory_space<vmem>>, vector<1x16xf32>,
      %get3A_646 = vector.shape_cast %get3A_645 : vector<1x16xf32> to vector<16xf32>
      %mul3A_647 = vector.broadcast %squeeze3A : f32 to vector<16xf32>
      %mul3A_648 = arith.mulf %mul3A_647, %get3A_646 : vector<16xf32>
      %get3A_649 = arith.index_cast %scan3A_42 : i32 to index
      %get3A_650 = arith.constant 528 : index
      %get3A_651 = tpu.vector_load %arg9[%get3A_649, %get3A_650] {strides = array<i32>} : memref<64x768xf32, #tpu.memory_space<vmem>>, vector<1x16xf32>,
      %get3A_652 = vector.shape_cast %get3A_651 : vector<1x16xf32> to vector<16xf32>
      %mul3A_653 = vector.broadcast %squeeze3A_49 : f32 to vector<16xf32>
      %mul3A_654 = arith.mulf %mul3A_653, %get3A_652 : vector<16xf32>
      %add3A_655 = arith.addf %mul3A_648, %mul3A_654 : vector<16xf32>
      %swap3A_656 = arith.index_cast %scan3A_42 : i32 to index
      %swap3A_657 = arith.constant 528 : index
      %swap3A_658 = tpu.vector_load %arg8[%swap3A_656, %swap3A_657] {strides = array<i32>} : memref<64x768xf32, #tpu.memory_space<vmem>>, vector<1x16xf32>,
      %swap3A_659 = vector.shape_cast %swap3A_658 : vector<1x16xf32> to vector<16xf32>
      %swap3A_660 = vector.shape_cast %add3A_655 : vector<16xf32> to vector<1x16xf32>
      tpu.vector_store %arg8[%swap3A_656, %swap3A_657], %swap3A_660 {strides = array<i32>} : memref<64x768xf32, #tpu.memory_space<vmem>>, vector<1x16xf32>,
      %get3A_661 = arith.index_cast %scan3A_42 : i32 to index
      %get3A_662 = arith.constant 544 : index
      %get3A_663 = tpu.vector_load %arg8[%get3A_661, %get3A_662] {strides = array<i32>} : memref<64x768xf32, #tpu.memory_space<vmem>>, vector<1x16xf32>,
      %get3A_664 = vector.shape_cast %get3A_663 : vector<1x16xf32> to vector<16xf32>
      %mul3A_665 = vector.broadcast %squeeze3A : f32 to vector<16xf32>
      %mul3A_666 = arith.mulf %mul3A_665, %get3A_664 : vector<16xf32>
      %get3A_667 = arith.index_cast %scan3A_42 : i32 to index
      %get3A_668 = arith.constant 544 : index
      %get3A_669 = tpu.vector_load %arg9[%get3A_667, %get3A_668] {strides = array<i32>} : memref<64x768xf32, #tpu.memory_space<vmem>>, vector<1x16xf32>,
      %get3A_670 = vector.shape_cast %get3A_669 : vector<1x16xf32> to vector<16xf32>
      %mul3A_671 = vector.broadcast %squeeze3A_49 : f32 to vector<16xf32>
      %mul3A_672 = arith.mulf %mul3A_671, %get3A_670 : vector<16xf32>
      %add3A_673 = arith.addf %mul3A_666, %mul3A_672 : vector<16xf32>
      %swap3A_674 = arith.index_cast %scan3A_42 : i32 to index
      %swap3A_675 = arith.constant 544 : index
      %swap3A_676 = tpu.vector_load %arg8[%swap3A_674, %swap3A_675] {strides = array<i32>} : memref<64x768xf32, #tpu.memory_space<vmem>>, vector<1x16xf32>,
      %swap3A_677 = vector.shape_cast %swap3A_676 : vector<1x16xf32> to vector<16xf32>
      %swap3A_678 = vector.shape_cast %add3A_673 : vector<16xf32> to vector<1x16xf32>
      tpu.vector_store %arg8[%swap3A_674, %swap3A_675], %swap3A_678 {strides = array<i32>} : memref<64x768xf32, #tpu.memory_space<vmem>>, vector<1x16xf32>,
      %get3A_679 = arith.index_cast %scan3A_42 : i32 to index
      %get3A_680 = arith.constant 560 : index
      %get3A_681 = tpu.vector_load %arg8[%get3A_679, %get3A_680] {strides = array<i32>} : memref<64x768xf32, #tpu.memory_space<vmem>>, vector<1x16xf32>,
      %get3A_682 = vector.shape_cast %get3A_681 : vector<1x16xf32> to vector<16xf32>
      %mul3A_683 = vector.broadcast %squeeze3A : f32 to vector<16xf32>
      %mul3A_684 = arith.mulf %mul3A_683, %get3A_682 : vector<16xf32>
      %get3A_685 = arith.index_cast %scan3A_42 : i32 to index
      %get3A_686 = arith.constant 560 : index
      %get3A_687 = tpu.vector_load %arg9[%get3A_685, %get3A_686] {strides = array<i32>} : memref<64x768xf32, #tpu.memory_space<vmem>>, vector<1x16xf32>,
      %get3A_688 = vector.shape_cast %get3A_687 : vector<1x16xf32> to vector<16xf32>
      %mul3A_689 = vector.broadcast %squeeze3A_49 : f32 to vector<16xf32>
      %mul3A_690 = arith.mulf %mul3A_689, %get3A_688 : vector<16xf32>
      %add3A_691 = arith.addf %mul3A_684, %mul3A_690 : vector<16xf32>
      %swap3A_692 = arith.index_cast %scan3A_42 : i32 to index
      %swap3A_693 = arith.constant 560 : index
      %swap3A_694 = tpu.vector_load %arg8[%swap3A_692, %swap3A_693] {strides = array<i32>} : memref<64x768xf32, #tpu.memory_space<vmem>>, vector<1x16xf32>,
      %swap3A_695 = vector.shape_cast %swap3A_694 : vector<1x16xf32> to vector<16xf32>
      %swap3A_696 = vector.shape_cast %add3A_691 : vector<16xf32> to vector<1x16xf32>
      tpu.vector_store %arg8[%swap3A_692, %swap3A_693], %swap3A_696 {strides = array<i32>} : memref<64x768xf32, #tpu.memory_space<vmem>>, vector<1x16xf32>,
      %get3A_697 = arith.index_cast %scan3A_42 : i32 to index
      %get3A_698 = arith.constant 576 : index
      %get3A_699 = tpu.vector_load %arg8[%get3A_697, %get3A_698] {strides = array<i32>} : memref<64x768xf32, #tpu.memory_space<vmem>>, vector<1x16xf32>,
      %get3A_700 = vector.shape_cast %get3A_699 : vector<1x16xf32> to vector<16xf32>
      %mul3A_701 = vector.broadcast %squeeze3A : f32 to vector<16xf32>
      %mul3A_702 = arith.mulf %mul3A_701, %get3A_700 : vector<16xf32>
      %get3A_703 = arith.index_cast %scan3A_42 : i32 to index
      %get3A_704 = arith.constant 576 : index
      %get3A_705 = tpu.vector_load %arg9[%get3A_703, %get3A_704] {strides = array<i32>} : memref<64x768xf32, #tpu.memory_space<vmem>>, vector<1x16xf32>,
      %get3A_706 = vector.shape_cast %get3A_705 : vector<1x16xf32> to vector<16xf32>
      %mul3A_707 = vector.broadcast %squeeze3A_49 : f32 to vector<16xf32>
      %mul3A_708 = arith.mulf %mul3A_707, %get3A_706 : vector<16xf32>
      %add3A_709 = arith.addf %mul3A_702, %mul3A_708 : vector<16xf32>
      %swap3A_710 = arith.index_cast %scan3A_42 : i32 to index
      %swap3A_711 = arith.constant 576 : index
      %swap3A_712 = tpu.vector_load %arg8[%swap3A_710, %swap3A_711] {strides = array<i32>} : memref<64x768xf32, #tpu.memory_space<vmem>>, vector<1x16xf32>,
      %swap3A_713 = vector.shape_cast %swap3A_712 : vector<1x16xf32> to vector<16xf32>
      %swap3A_714 = vector.shape_cast %add3A_709 : vector<16xf32> to vector<1x16xf32>
      tpu.vector_store %arg8[%swap3A_710, %swap3A_711], %swap3A_714 {strides = array<i32>} : memref<64x768xf32, #tpu.memory_space<vmem>>, vector<1x16xf32>,
      %get3A_715 = arith.index_cast %scan3A_42 : i32 to index
      %get3A_716 = arith.constant 592 : index
      %get3A_717 = tpu.vector_load %arg8[%get3A_715, %get3A_716] {strides = array<i32>} : memref<64x768xf32, #tpu.memory_space<vmem>>, vector<1x16xf32>,
      %get3A_718 = vector.shape_cast %get3A_717 : vector<1x16xf32> to vector<16xf32>
      %mul3A_719 = vector.broadcast %squeeze3A : f32 to vector<16xf32>
      %mul3A_720 = arith.mulf %mul3A_719, %get3A_718 : vector<16xf32>
      %get3A_721 = arith.index_cast %scan3A_42 : i32 to index
      %get3A_722 = arith.constant 592 : index
      %get3A_723 = tpu.vector_load %arg9[%get3A_721, %get3A_722] {strides = array<i32>} : memref<64x768xf32, #tpu.memory_space<vmem>>, vector<1x16xf32>,
      %get3A_724 = vector.shape_cast %get3A_723 : vector<1x16xf32> to vector<16xf32>
      %mul3A_725 = vector.broadcast %squeeze3A_49 : f32 to vector<16xf32>
      %mul3A_726 = arith.mulf %mul3A_725, %get3A_724 : vector<16xf32>
      %add3A_727 = arith.addf %mul3A_720, %mul3A_726 : vector<16xf32>
      %swap3A_728 = arith.index_cast %scan3A_42 : i32 to index
      %swap3A_729 = arith.constant 592 : index
      %swap3A_730 = tpu.vector_load %arg8[%swap3A_728, %swap3A_729] {strides = array<i32>} : memref<64x768xf32, #tpu.memory_space<vmem>>, vector<1x16xf32>,
      %swap3A_731 = vector.shape_cast %swap3A_730 : vector<1x16xf32> to vector<16xf32>
      %swap3A_732 = vector.shape_cast %add3A_727 : vector<16xf32> to vector<1x16xf32>
      tpu.vector_store %arg8[%swap3A_728, %swap3A_729], %swap3A_732 {strides = array<i32>} : memref<64x768xf32, #tpu.memory_space<vmem>>, vector<1x16xf32>,
      %get3A_733 = arith.index_cast %scan3A_42 : i32 to index
      %get3A_734 = arith.constant 608 : index
      %get3A_735 = tpu.vector_load %arg8[%get3A_733, %get3A_734] {strides = array<i32>} : memref<64x768xf32, #tpu.memory_space<vmem>>, vector<1x16xf32>,
      %get3A_736 = vector.shape_cast %get3A_735 : vector<1x16xf32> to vector<16xf32>
      %mul3A_737 = vector.broadcast %squeeze3A : f32 to vector<16xf32>
      %mul3A_738 = arith.mulf %mul3A_737, %get3A_736 : vector<16xf32>
      %get3A_739 = arith.index_cast %scan3A_42 : i32 to index
      %get3A_740 = arith.constant 608 : index
      %get3A_741 = tpu.vector_load %arg9[%get3A_739, %get3A_740] {strides = array<i32>} : memref<64x768xf32, #tpu.memory_space<vmem>>, vector<1x16xf32>,
      %get3A_742 = vector.shape_cast %get3A_741 : vector<1x16xf32> to vector<16xf32>
      %mul3A_743 = vector.broadcast %squeeze3A_49 : f32 to vector<16xf32>
      %mul3A_744 = arith.mulf %mul3A_743, %get3A_742 : vector<16xf32>
      %add3A_745 = arith.addf %mul3A_738, %mul3A_744 : vector<16xf32>
      %swap3A_746 = arith.index_cast %scan3A_42 : i32 to index
      %swap3A_747 = arith.constant 608 : index
      %swap3A_748 = tpu.vector_load %arg8[%swap3A_746, %swap3A_747] {strides = array<i32>} : memref<64x768xf32, #tpu.memory_space<vmem>>, vector<1x16xf32>,
      %swap3A_749 = vector.shape_cast %swap3A_748 : vector<1x16xf32> to vector<16xf32>
      %swap3A_750 = vector.shape_cast %add3A_745 : vector<16xf32> to vector<1x16xf32>
      tpu.vector_store %arg8[%swap3A_746, %swap3A_747], %swap3A_750 {strides = array<i32>} : memref<64x768xf32, #tpu.memory_space<vmem>>, vector<1x16xf32>,
      %get3A_751 = arith.index_cast %scan3A_42 : i32 to index
      %get3A_752 = arith.constant 624 : index
      %get3A_753 = tpu.vector_load %arg8[%get3A_751, %get3A_752] {strides = array<i32>} : memref<64x768xf32, #tpu.memory_space<vmem>>, vector<1x16xf32>,
      %get3A_754 = vector.shape_cast %get3A_753 : vector<1x16xf32> to vector<16xf32>
      %mul3A_755 = vector.broadcast %squeeze3A : f32 to vector<16xf32>
      %mul3A_756 = arith.mulf %mul3A_755, %get3A_754 : vector<16xf32>
      %get3A_757 = arith.index_cast %scan3A_42 : i32 to index
      %get3A_758 = arith.constant 624 : index
      %get3A_759 = tpu.vector_load %arg9[%get3A_757, %get3A_758] {strides = array<i32>} : memref<64x768xf32, #tpu.memory_space<vmem>>, vector<1x16xf32>,
      %get3A_760 = vector.shape_cast %get3A_759 : vector<1x16xf32> to vector<16xf32>
      %mul3A_761 = vector.broadcast %squeeze3A_49 : f32 to vector<16xf32>
      %mul3A_762 = arith.mulf %mul3A_761, %get3A_760 : vector<16xf32>
      %add3A_763 = arith.addf %mul3A_756, %mul3A_762 : vector<16xf32>
      %swap3A_764 = arith.index_cast %scan3A_42 : i32 to index
      %swap3A_765 = arith.constant 624 : index
      %swap3A_766 = tpu.vector_load %arg8[%swap3A_764, %swap3A_765] {strides = array<i32>} : memref<64x768xf32, #tpu.memory_space<vmem>>, vector<1x16xf32>,
      %swap3A_767 = vector.shape_cast %swap3A_766 : vector<1x16xf32> to vector<16xf32>
      %swap3A_768 = vector.shape_cast %add3A_763 : vector<16xf32> to vector<1x16xf32>
      tpu.vector_store %arg8[%swap3A_764, %swap3A_765], %swap3A_768 {strides = array<i32>} : memref<64x768xf32, #tpu.memory_space<vmem>>, vector<1x16xf32>,
      %get3A_769 = arith.index_cast %scan3A_42 : i32 to index
      %get3A_770 = arith.constant 640 : index
      %get3A_771 = tpu.vector_load %arg8[%get3A_769, %get3A_770] {strides = array<i32>} : memref<64x768xf32, #tpu.memory_space<vmem>>, vector<1x16xf32>,
      %get3A_772 = vector.shape_cast %get3A_771 : vector<1x16xf32> to vector<16xf32>
      %mul3A_773 = vector.broadcast %squeeze3A : f32 to vector<16xf32>
      %mul3A_774 = arith.mulf %mul3A_773, %get3A_772 : vector<16xf32>
      %get3A_775 = arith.index_cast %scan3A_42 : i32 to index
      %get3A_776 = arith.constant 640 : index
      %get3A_777 = tpu.vector_load %arg9[%get3A_775, %get3A_776] {strides = array<i32>} : memref<64x768xf32, #tpu.memory_space<vmem>>, vector<1x16xf32>,
      %get3A_778 = vector.shape_cast %get3A_777 : vector<1x16xf32> to vector<16xf32>
      %mul3A_779 = vector.broadcast %squeeze3A_49 : f32 to vector<16xf32>
      %mul3A_780 = arith.mulf %mul3A_779, %get3A_778 : vector<16xf32>
      %add3A_781 = arith.addf %mul3A_774, %mul3A_780 : vector<16xf32>
      %swap3A_782 = arith.index_cast %scan3A_42 : i32 to index
      %swap3A_783 = arith.constant 640 : index
      %swap3A_784 = tpu.vector_load %arg8[%swap3A_782, %swap3A_783] {strides = array<i32>} : memref<64x768xf32, #tpu.memory_space<vmem>>, vector<1x16xf32>,
      %swap3A_785 = vector.shape_cast %swap3A_784 : vector<1x16xf32> to vector<16xf32>
      %swap3A_786 = vector.shape_cast %add3A_781 : vector<16xf32> to vector<1x16xf32>
      tpu.vector_store %arg8[%swap3A_782, %swap3A_783], %swap3A_786 {strides = array<i32>} : memref<64x768xf32, #tpu.memory_space<vmem>>, vector<1x16xf32>,
      %get3A_787 = arith.index_cast %scan3A_42 : i32 to index
      %get3A_788 = arith.constant 656 : index
      %get3A_789 = tpu.vector_load %arg8[%get3A_787, %get3A_788] {strides = array<i32>} : memref<64x768xf32, #tpu.memory_space<vmem>>, vector<1x16xf32>,
      %get3A_790 = vector.shape_cast %get3A_789 : vector<1x16xf32> to vector<16xf32>
      %mul3A_791 = vector.broadcast %squeeze3A : f32 to vector<16xf32>
      %mul3A_792 = arith.mulf %mul3A_791, %get3A_790 : vector<16xf32>
      %get3A_793 = arith.index_cast %scan3A_42 : i32 to index
      %get3A_794 = arith.constant 656 : index
      %get3A_795 = tpu.vector_load %arg9[%get3A_793, %get3A_794] {strides = array<i32>} : memref<64x768xf32, #tpu.memory_space<vmem>>, vector<1x16xf32>,
      %get3A_796 = vector.shape_cast %get3A_795 : vector<1x16xf32> to vector<16xf32>
      %mul3A_797 = vector.broadcast %squeeze3A_49 : f32 to vector<16xf32>
      %mul3A_798 = arith.mulf %mul3A_797, %get3A_796 : vector<16xf32>
      %add3A_799 = arith.addf %mul3A_792, %mul3A_798 : vector<16xf32>
      %swap3A_800 = arith.index_cast %scan3A_42 : i32 to index
      %swap3A_801 = arith.constant 656 : index
      %swap3A_802 = tpu.vector_load %arg8[%swap3A_800, %swap3A_801] {strides = array<i32>} : memref<64x768xf32, #tpu.memory_space<vmem>>, vector<1x16xf32>,
      %swap3A_803 = vector.shape_cast %swap3A_802 : vector<1x16xf32> to vector<16xf32>
      %swap3A_804 = vector.shape_cast %add3A_799 : vector<16xf32> to vector<1x16xf32>
      tpu.vector_store %arg8[%swap3A_800, %swap3A_801], %swap3A_804 {strides = array<i32>} : memref<64x768xf32, #tpu.memory_space<vmem>>, vector<1x16xf32>,
      %get3A_805 = arith.index_cast %scan3A_42 : i32 to index
      %get3A_806 = arith.constant 672 : index
      %get3A_807 = tpu.vector_load %arg8[%get3A_805, %get3A_806] {strides = array<i32>} : memref<64x768xf32, #tpu.memory_space<vmem>>, vector<1x16xf32>,
      %get3A_808 = vector.shape_cast %get3A_807 : vector<1x16xf32> to vector<16xf32>
      %mul3A_809 = vector.broadcast %squeeze3A : f32 to vector<16xf32>
      %mul3A_810 = arith.mulf %mul3A_809, %get3A_808 : vector<16xf32>
      %get3A_811 = arith.index_cast %scan3A_42 : i32 to index
      %get3A_812 = arith.constant 672 : index
      %get3A_813 = tpu.vector_load %arg9[%get3A_811, %get3A_812] {strides = array<i32>} : memref<64x768xf32, #tpu.memory_space<vmem>>, vector<1x16xf32>,
      %get3A_814 = vector.shape_cast %get3A_813 : vector<1x16xf32> to vector<16xf32>
      %mul3A_815 = vector.broadcast %squeeze3A_49 : f32 to vector<16xf32>
      %mul3A_816 = arith.mulf %mul3A_815, %get3A_814 : vector<16xf32>
      %add3A_817 = arith.addf %mul3A_810, %mul3A_816 : vector<16xf32>
      %swap3A_818 = arith.index_cast %scan3A_42 : i32 to index
      %swap3A_819 = arith.constant 672 : index
      %swap3A_820 = tpu.vector_load %arg8[%swap3A_818, %swap3A_819] {strides = array<i32>} : memref<64x768xf32, #tpu.memory_space<vmem>>, vector<1x16xf32>,
      %swap3A_821 = vector.shape_cast %swap3A_820 : vector<1x16xf32> to vector<16xf32>
      %swap3A_822 = vector.shape_cast %add3A_817 : vector<16xf32> to vector<1x16xf32>
      tpu.vector_store %arg8[%swap3A_818, %swap3A_819], %swap3A_822 {strides = array<i32>} : memref<64x768xf32, #tpu.memory_space<vmem>>, vector<1x16xf32>,
      %get3A_823 = arith.index_cast %scan3A_42 : i32 to index
      %get3A_824 = arith.constant 688 : index
      %get3A_825 = tpu.vector_load %arg8[%get3A_823, %get3A_824] {strides = array<i32>} : memref<64x768xf32, #tpu.memory_space<vmem>>, vector<1x16xf32>,
      %get3A_826 = vector.shape_cast %get3A_825 : vector<1x16xf32> to vector<16xf32>
      %mul3A_827 = vector.broadcast %squeeze3A : f32 to vector<16xf32>
      %mul3A_828 = arith.mulf %mul3A_827, %get3A_826 : vector<16xf32>
      %get3A_829 = arith.index_cast %scan3A_42 : i32 to index
      %get3A_830 = arith.constant 688 : index
      %get3A_831 = tpu.vector_load %arg9[%get3A_829, %get3A_830] {strides = array<i32>} : memref<64x768xf32, #tpu.memory_space<vmem>>, vector<1x16xf32>,
      %get3A_832 = vector.shape_cast %get3A_831 : vector<1x16xf32> to vector<16xf32>
      %mul3A_833 = vector.broadcast %squeeze3A_49 : f32 to vector<16xf32>
      %mul3A_834 = arith.mulf %mul3A_833, %get3A_832 : vector<16xf32>
      %add3A_835 = arith.addf %mul3A_828, %mul3A_834 : vector<16xf32>
      %swap3A_836 = arith.index_cast %scan3A_42 : i32 to index
      %swap3A_837 = arith.constant 688 : index
      %swap3A_838 = tpu.vector_load %arg8[%swap3A_836, %swap3A_837] {strides = array<i32>} : memref<64x768xf32, #tpu.memory_space<vmem>>, vector<1x16xf32>,
      %swap3A_839 = vector.shape_cast %swap3A_838 : vector<1x16xf32> to vector<16xf32>
      %swap3A_840 = vector.shape_cast %add3A_835 : vector<16xf32> to vector<1x16xf32>
      tpu.vector_store %arg8[%swap3A_836, %swap3A_837], %swap3A_840 {strides = array<i32>} : memref<64x768xf32, #tpu.memory_space<vmem>>, vector<1x16xf32>,
      %get3A_841 = arith.index_cast %scan3A_42 : i32 to index
      %get3A_842 = arith.constant 704 : index
      %get3A_843 = tpu.vector_load %arg8[%get3A_841, %get3A_842] {strides = array<i32>} : memref<64x768xf32, #tpu.memory_space<vmem>>, vector<1x16xf32>,
      %get3A_844 = vector.shape_cast %get3A_843 : vector<1x16xf32> to vector<16xf32>
      %mul3A_845 = vector.broadcast %squeeze3A : f32 to vector<16xf32>
      %mul3A_846 = arith.mulf %mul3A_845, %get3A_844 : vector<16xf32>
      %get3A_847 = arith.index_cast %scan3A_42 : i32 to index
      %get3A_848 = arith.constant 704 : index
      %get3A_849 = tpu.vector_load %arg9[%get3A_847, %get3A_848] {strides = array<i32>} : memref<64x768xf32, #tpu.memory_space<vmem>>, vector<1x16xf32>,
      %get3A_850 = vector.shape_cast %get3A_849 : vector<1x16xf32> to vector<16xf32>
      %mul3A_851 = vector.broadcast %squeeze3A_49 : f32 to vector<16xf32>
      %mul3A_852 = arith.mulf %mul3A_851, %get3A_850 : vector<16xf32>
      %add3A_853 = arith.addf %mul3A_846, %mul3A_852 : vector<16xf32>
      %swap3A_854 = arith.index_cast %scan3A_42 : i32 to index
      %swap3A_855 = arith.constant 704 : index
      %swap3A_856 = tpu.vector_load %arg8[%swap3A_854, %swap3A_855] {strides = array<i32>} : memref<64x768xf32, #tpu.memory_space<vmem>>, vector<1x16xf32>,
      %swap3A_857 = vector.shape_cast %swap3A_856 : vector<1x16xf32> to vector<16xf32>
      %swap3A_858 = vector.shape_cast %add3A_853 : vector<16xf32> to vector<1x16xf32>
      tpu.vector_store %arg8[%swap3A_854, %swap3A_855], %swap3A_858 {strides = array<i32>} : memref<64x768xf32, #tpu.memory_space<vmem>>, vector<1x16xf32>,
      %get3A_859 = arith.index_cast %scan3A_42 : i32 to index
      %get3A_860 = arith.constant 720 : index
      %get3A_861 = tpu.vector_load %arg8[%get3A_859, %get3A_860] {strides = array<i32>} : memref<64x768xf32, #tpu.memory_space<vmem>>, vector<1x16xf32>,
      %get3A_862 = vector.shape_cast %get3A_861 : vector<1x16xf32> to vector<16xf32>
      %mul3A_863 = vector.broadcast %squeeze3A : f32 to vector<16xf32>
      %mul3A_864 = arith.mulf %mul3A_863, %get3A_862 : vector<16xf32>
      %get3A_865 = arith.index_cast %scan3A_42 : i32 to index
      %get3A_866 = arith.constant 720 : index
      %get3A_867 = tpu.vector_load %arg9[%get3A_865, %get3A_866] {strides = array<i32>} : memref<64x768xf32, #tpu.memory_space<vmem>>, vector<1x16xf32>,
      %get3A_868 = vector.shape_cast %get3A_867 : vector<1x16xf32> to vector<16xf32>
      %mul3A_869 = vector.broadcast %squeeze3A_49 : f32 to vector<16xf32>
      %mul3A_870 = arith.mulf %mul3A_869, %get3A_868 : vector<16xf32>
      %add3A_871 = arith.addf %mul3A_864, %mul3A_870 : vector<16xf32>
      %swap3A_872 = arith.index_cast %scan3A_42 : i32 to index
      %swap3A_873 = arith.constant 720 : index
      %swap3A_874 = tpu.vector_load %arg8[%swap3A_872, %swap3A_873] {strides = array<i32>} : memref<64x768xf32, #tpu.memory_space<vmem>>, vector<1x16xf32>,
      %swap3A_875 = vector.shape_cast %swap3A_874 : vector<1x16xf32> to vector<16xf32>
      %swap3A_876 = vector.shape_cast %add3A_871 : vector<16xf32> to vector<1x16xf32>
      tpu.vector_store %arg8[%swap3A_872, %swap3A_873], %swap3A_876 {strides = array<i32>} : memref<64x768xf32, #tpu.memory_space<vmem>>, vector<1x16xf32>,
      %get3A_877 = arith.index_cast %scan3A_42 : i32 to index
      %get3A_878 = arith.constant 736 : index
      %get3A_879 = tpu.vector_load %arg8[%get3A_877, %get3A_878] {strides = array<i32>} : memref<64x768xf32, #tpu.memory_space<vmem>>, vector<1x16xf32>,
      %get3A_880 = vector.shape_cast %get3A_879 : vector<1x16xf32> to vector<16xf32>
      %mul3A_881 = vector.broadcast %squeeze3A : f32 to vector<16xf32>
      %mul3A_882 = arith.mulf %mul3A_881, %get3A_880 : vector<16xf32>
      %get3A_883 = arith.index_cast %scan3A_42 : i32 to index
      %get3A_884 = arith.constant 736 : index
      %get3A_885 = tpu.vector_load %arg9[%get3A_883, %get3A_884] {strides = array<i32>} : memref<64x768xf32, #tpu.memory_space<vmem>>, vector<1x16xf32>,
      %get3A_886 = vector.shape_cast %get3A_885 : vector<1x16xf32> to vector<16xf32>
      %mul3A_887 = vector.broadcast %squeeze3A_49 : f32 to vector<16xf32>
      %mul3A_888 = arith.mulf %mul3A_887, %get3A_886 : vector<16xf32>
      %add3A_889 = arith.addf %mul3A_882, %mul3A_888 : vector<16xf32>
      %swap3A_890 = arith.index_cast %scan3A_42 : i32 to index
      %swap3A_891 = arith.constant 736 : index
      %swap3A_892 = tpu.vector_load %arg8[%swap3A_890, %swap3A_891] {strides = array<i32>} : memref<64x768xf32, #tpu.memory_space<vmem>>, vector<1x16xf32>,
      %swap3A_893 = vector.shape_cast %swap3A_892 : vector<1x16xf32> to vector<16xf32>
      %swap3A_894 = vector.shape_cast %add3A_889 : vector<16xf32> to vector<1x16xf32>
      tpu.vector_store %arg8[%swap3A_890, %swap3A_891], %swap3A_894 {strides = array<i32>} : memref<64x768xf32, #tpu.memory_space<vmem>>, vector<1x16xf32>,
      %get3A_895 = arith.index_cast %scan3A_42 : i32 to index
      %get3A_896 = arith.constant 752 : index
      %get3A_897 = tpu.vector_load %arg8[%get3A_895, %get3A_896] {strides = array<i32>} : memref<64x768xf32, #tpu.memory_space<vmem>>, vector<1x16xf32>,
      %get3A_898 = vector.shape_cast %get3A_897 : vector<1x16xf32> to vector<16xf32>
      %mul3A_899 = vector.broadcast %squeeze3A : f32 to vector<16xf32>
      %mul3A_900 = arith.mulf %mul3A_899, %get3A_898 : vector<16xf32>
      %get3A_901 = arith.index_cast %scan3A_42 : i32 to index
      %get3A_902 = arith.constant 752 : index
      %get3A_903 = tpu.vector_load %arg9[%get3A_901, %get3A_902] {strides = array<i32>} : memref<64x768xf32, #tpu.memory_space<vmem>>, vector<1x16xf32>,
      %get3A_904 = vector.shape_cast %get3A_903 : vector<1x16xf32> to vector<16xf32>
      %mul3A_905 = vector.broadcast %squeeze3A_49 : f32 to vector<16xf32>
      %mul3A_906 = arith.mulf %mul3A_905, %get3A_904 : vector<16xf32>
      %add3A_907 = arith.addf %mul3A_900, %mul3A_906 : vector<16xf32>
      %swap3A_908 = arith.index_cast %scan3A_42 : i32 to index
      %swap3A_909 = arith.constant 752 : index
      %swap3A_910 = tpu.vector_load %arg8[%swap3A_908, %swap3A_909] {strides = array<i32>} : memref<64x768xf32, #tpu.memory_space<vmem>>, vector<1x16xf32>,
      %swap3A_911 = vector.shape_cast %swap3A_910 : vector<1x16xf32> to vector<16xf32>
      %swap3A_912 = vector.shape_cast %add3A_907 : vector<16xf32> to vector<1x16xf32>
      tpu.vector_store %arg8[%swap3A_908, %swap3A_909], %swap3A_912 {strides = array<i32>} : memref<64x768xf32, #tpu.memory_space<vmem>>, vector<1x16xf32>,
    }
    %scan3A_19 = arith.constant 64 : i32
    "tpu.region"() ({
      %run_scoped3A = tpu.sem_alloc : memref<!tpu.dma_semaphore, #tpu.memory_space<semaphore_mem>>
      %dma_start3A_42 = arith.constant 0 : i32
      %dma_start3A_43 = tpu.memref_slice %arg7[%add3A_4, %dma_start3A_42] : memref<4096x768xf32, #tpu.memory_space<hbm>> -> memref<64x768xf32, #tpu.memory_space<hbm>>
      %dma_start3A_44 = arith.constant 0 : i32
      %dma_start3A_45 = tpu.memref_slice %arg7[%add3A_4, %dma_start3A_44] : memref<4096x768xf32, #tpu.memory_space<hbm>> -> memref<64x768xf32, #tpu.memory_space<hbm>>
      tpu.enqueue_dma source(%arg8 : memref<64x768xf32, #tpu.memory_space<vmem>>) target(%dma_start3A_45 : memref<64x768xf32, #tpu.memory_space<hbm>>) target_semaphore(%run_scoped3A : memref<!tpu.dma_semaphore, #tpu.memory_space<semaphore_mem>>)
      %dma_wait3A_46 = arith.constant 0 : i32
      %dma_wait3A_47 = tpu.memref_slice %arg7[%add3A_4, %dma_wait3A_46] : memref<4096x768xf32, #tpu.memory_space<hbm>> -> memref<64x768xf32, #tpu.memory_space<hbm>>
      %dma_wait3A_48 = arith.constant 0 : i32
      %dma_wait3A_49 = tpu.memref_slice %arg7[%add3A_4, %dma_wait3A_48] : memref<4096x768xf32, #tpu.memory_space<hbm>> -> memref<64x768xf32, #tpu.memory_space<hbm>>
      tpu.wait_dma2 semaphore(%run_scoped3A : memref<!tpu.dma_semaphore, #tpu.memory_space<semaphore_mem>>) src(%arg8 : memref<64x768xf32, #tpu.memory_space<vmem>>) dst(%dma_wait3A_49 : memref<64x768xf32, #tpu.memory_space<hbm>>)
      tpu.yield
    }) : () -> ()
    %mul3A_20 = arith.constant 128 : i32
    %mul3A_21 = arith.muli %add3A, %mul3A_20 : i32
    %add3A_22 = arith.constant 64 : i32
    %add3A_23 = arith.addi %mul3A_21, %add3A_22 : i32
    "tpu.region"() ({
      %run_scoped3A = tpu.sem_alloc : memref<!tpu.dma_semaphore, #tpu.memory_space<semaphore_mem>>
      %dma_start3A_42 = tpu.memref_slice %arg3[%add3A_23] : memref<4096xi32, #tpu.memory_space<hbm>> -> memref<64xi32, #tpu.memory_space<hbm>>
      %dma_start3A_43 = tpu.memref_slice %arg3[%add3A_23] : memref<4096xi32, #tpu.memory_space<hbm>> -> memref<64xi32, #tpu.memory_space<hbm>>
      tpu.enqueue_dma source(%dma_start3A_43 : memref<64xi32, #tpu.memory_space<hbm>>) target(%arg10 : memref<64xi32, #tpu.memory_space<vmem>>) target_semaphore(%run_scoped3A : memref<!tpu.dma_semaphore, #tpu.memory_space<semaphore_mem>>)
      %dma_wait3A_44 = tpu.memref_slice %arg3[%add3A_23] : memref<4096xi32, #tpu.memory_space<hbm>> -> memref<64xi32, #tpu.memory_space<hbm>>
      %dma_wait3A_45 = tpu.memref_slice %arg3[%add3A_23] : memref<4096xi32, #tpu.memory_space<hbm>> -> memref<64xi32, #tpu.memory_space<hbm>>
      tpu.wait_dma2 semaphore(%run_scoped3A : memref<!tpu.dma_semaphore, #tpu.memory_space<semaphore_mem>>) src(%dma_wait3A_45 : memref<64xi32, #tpu.memory_space<hbm>>) dst(%arg10 : memref<64xi32, #tpu.memory_space<vmem>>)
      tpu.yield
    }) : () -> ()
    "tpu.region"() ({
      %run_scoped3A = tpu.sem_alloc : memref<!tpu.dma_semaphore, #tpu.memory_space<semaphore_mem>>
      %dma_start3A_42 = tpu.memref_slice %arg4[%add3A_23] : memref<4096xi32, #tpu.memory_space<hbm>> -> memref<64xi32, #tpu.memory_space<hbm>>
      %dma_start3A_43 = tpu.memref_slice %arg4[%add3A_23] : memref<4096xi32, #tpu.memory_space<hbm>> -> memref<64xi32, #tpu.memory_space<hbm>>
      tpu.enqueue_dma source(%dma_start3A_43 : memref<64xi32, #tpu.memory_space<hbm>>) target(%arg11 : memref<64xi32, #tpu.memory_space<vmem>>) target_semaphore(%run_scoped3A : memref<!tpu.dma_semaphore, #tpu.memory_space<semaphore_mem>>)
      %dma_wait3A_44 = tpu.memref_slice %arg4[%add3A_23] : memref<4096xi32, #tpu.memory_space<hbm>> -> memref<64xi32, #tpu.memory_space<hbm>>
      %dma_wait3A_45 = tpu.memref_slice %arg4[%add3A_23] : memref<4096xi32, #tpu.memory_space<hbm>> -> memref<64xi32, #tpu.memory_space<hbm>>
      tpu.wait_dma2 semaphore(%run_scoped3A : memref<!tpu.dma_semaphore, #tpu.memory_space<semaphore_mem>>) src(%dma_wait3A_45 : memref<64xi32, #tpu.memory_space<hbm>>) dst(%arg11 : memref<64xi32, #tpu.memory_space<vmem>>)
      tpu.yield
    }) : () -> ()
    "tpu.region"() ({
      %run_scoped3A = tpu.sem_alloc : memref<!tpu.dma_semaphore, #tpu.memory_space<semaphore_mem>>
      %dma_start3A_42 = arith.constant 0 : i32
      %dma_start3A_43 = tpu.memref_slice %arg12[%dma_start3A_42] : memref<80xf32, #tpu.memory_space<vmem>> -> memref<64xf32, #tpu.memory_space<vmem>>
      %dma_start3A_44 = tpu.memref_slice %arg5[%add3A_23] : memref<4096xf32, #tpu.memory_space<hbm>> -> memref<64xf32, #tpu.memory_space<hbm>>
      %dma_start3A_45 = arith.constant 0 : i32
      %dma_start3A_46 = tpu.memref_slice %arg12[%dma_start3A_45] : memref<80xf32, #tpu.memory_space<vmem>> -> memref<64xf32, #tpu.memory_space<vmem>>
      %dma_start3A_47 = tpu.memref_slice %arg5[%add3A_23] : memref<4096xf32, #tpu.memory_space<hbm>> -> memref<64xf32, #tpu.memory_space<hbm>>
      tpu.enqueue_dma source(%dma_start3A_47 : memref<64xf32, #tpu.memory_space<hbm>>) target(%dma_start3A_46 : memref<64xf32, #tpu.memory_space<vmem>>) target_semaphore(%run_scoped3A : memref<!tpu.dma_semaphore, #tpu.memory_space<semaphore_mem>>)
      %dma_wait3A_48 = arith.constant 0 : i32
      %dma_wait3A_49 = tpu.memref_slice %arg12[%dma_wait3A_48] : memref<80xf32, #tpu.memory_space<vmem>> -> memref<64xf32, #tpu.memory_space<vmem>>
      %dma_wait3A_50 = tpu.memref_slice %arg5[%add3A_23] : memref<4096xf32, #tpu.memory_space<hbm>> -> memref<64xf32, #tpu.memory_space<hbm>>
      %dma_wait3A_51 = arith.constant 0 : i32
      %dma_wait3A_52 = tpu.memref_slice %arg12[%dma_wait3A_51] : memref<80xf32, #tpu.memory_space<vmem>> -> memref<64xf32, #tpu.memory_space<vmem>>
      %dma_wait3A_53 = tpu.memref_slice %arg5[%add3A_23] : memref<4096xf32, #tpu.memory_space<hbm>> -> memref<64xf32, #tpu.memory_space<hbm>>
      tpu.wait_dma2 semaphore(%run_scoped3A : memref<!tpu.dma_semaphore, #tpu.memory_space<semaphore_mem>>) src(%dma_wait3A_53 : memref<64xf32, #tpu.memory_space<hbm>>) dst(%dma_wait3A_52 : memref<64xf32, #tpu.memory_space<vmem>>)
      tpu.yield
    }) : () -> ()
    "tpu.region"() ({
      %run_scoped3A = tpu.sem_alloc : memref<!tpu.dma_semaphore, #tpu.memory_space<semaphore_mem>>
      %dma_start3A_42 = arith.constant 0 : i32
      %dma_start3A_43 = tpu.memref_slice %arg13[%dma_start3A_42] : memref<80xf32, #tpu.memory_space<vmem>> -> memref<64xf32, #tpu.memory_space<vmem>>
      %dma_start3A_44 = tpu.memref_slice %arg6[%add3A_23] : memref<4096xf32, #tpu.memory_space<hbm>> -> memref<64xf32, #tpu.memory_space<hbm>>
      %dma_start3A_45 = arith.constant 0 : i32
      %dma_start3A_46 = tpu.memref_slice %arg13[%dma_start3A_45] : memref<80xf32, #tpu.memory_space<vmem>> -> memref<64xf32, #tpu.memory_space<vmem>>
      %dma_start3A_47 = tpu.memref_slice %arg6[%add3A_23] : memref<4096xf32, #tpu.memory_space<hbm>> -> memref<64xf32, #tpu.memory_space<hbm>>
      tpu.enqueue_dma source(%dma_start3A_47 : memref<64xf32, #tpu.memory_space<hbm>>) target(%dma_start3A_46 : memref<64xf32, #tpu.memory_space<vmem>>) target_semaphore(%run_scoped3A : memref<!tpu.dma_semaphore, #tpu.memory_space<semaphore_mem>>)
      %dma_wait3A_48 = arith.constant 0 : i32
      %dma_wait3A_49 = tpu.memref_slice %arg13[%dma_wait3A_48] : memref<80xf32, #tpu.memory_space<vmem>> -> memref<64xf32, #tpu.memory_space<vmem>>
      %dma_wait3A_50 = tpu.memref_slice %arg6[%add3A_23] : memref<4096xf32, #tpu.memory_space<hbm>> -> memref<64xf32, #tpu.memory_space<hbm>>
      %dma_wait3A_51 = arith.constant 0 : i32
      %dma_wait3A_52 = tpu.memref_slice %arg13[%dma_wait3A_51] : memref<80xf32, #tpu.memory_space<vmem>> -> memref<64xf32, #tpu.memory_space<vmem>>
      %dma_wait3A_53 = tpu.memref_slice %arg6[%add3A_23] : memref<4096xf32, #tpu.memory_space<hbm>> -> memref<64xf32, #tpu.memory_space<hbm>>
      tpu.wait_dma2 semaphore(%run_scoped3A : memref<!tpu.dma_semaphore, #tpu.memory_space<semaphore_mem>>) src(%dma_wait3A_53 : memref<64xf32, #tpu.memory_space<hbm>>) dst(%dma_wait3A_52 : memref<64xf32, #tpu.memory_space<vmem>>)
      tpu.yield
    }) : () -> ()
    %dma_start3A_24 = arith.constant 0 : i32
    %dma_start3A_25 = arith.constant 0 : i32
    %dma_start3A_26 = tpu.memref_slice %arg2[%dma_start3A_24, %dma_start3A_25] : memref<12032x768xf32, #tpu.memory_space<hbm>> -> memref<12032x768xf32, #tpu.memory_space<hbm>>
    tpu.enqueue_indirect_dma source(%dma_start3A_26 : memref<12032x768xf32, #tpu.memory_space<hbm>>) target(%arg8 : memref<64x768xf32, #tpu.memory_space<vmem>>) offsets(%arg10 : memref<64xi32, #tpu.memory_space<vmem>>) semaphore(%arg14 : memref<!tpu.dma_semaphore, #tpu.memory_space<semaphore_mem>>)
    %dma_wait3A_27 = arith.constant 0 : i32
    %dma_wait3A_28 = arith.constant 0 : i32
    %dma_wait3A_29 = tpu.memref_slice %arg2[%dma_wait3A_27, %dma_wait3A_28] : memref<12032x768xf32, #tpu.memory_space<hbm>> -> memref<12032x768xf32, #tpu.memory_space<hbm>>
    tpu.wait_indirect_dma semaphore(%arg14 : memref<!tpu.dma_semaphore, #tpu.memory_space<semaphore_mem>>) src(%dma_wait3A_29 : memref<12032x768xf32, #tpu.memory_space<hbm>>) dst(%arg8 : memref<64x768xf32, #tpu.memory_space<vmem>>)
    %dma_start3A_30 = arith.constant 0 : i32
    %dma_start3A_31 = arith.constant 0 : i32
    %dma_start3A_32 = tpu.memref_slice %arg2[%dma_start3A_30, %dma_start3A_31] : memref<12032x768xf32, #tpu.memory_space<hbm>> -> memref<12032x768xf32, #tpu.memory_space<hbm>>
    tpu.enqueue_indirect_dma source(%dma_start3A_32 : memref<12032x768xf32, #tpu.memory_space<hbm>>) target(%arg9 : memref<64x768xf32, #tpu.memory_space<vmem>>) offsets(%arg11 : memref<64xi32, #tpu.memory_space<vmem>>) semaphore(%arg15 : memref<!tpu.dma_semaphore, #tpu.memory_space<semaphore_mem>>)
    %dma_wait3A_33 = arith.constant 0 : i32
    %dma_wait3A_34 = arith.constant 0 : i32
    %dma_wait3A_35 = tpu.memref_slice %arg2[%dma_wait3A_33, %dma_wait3A_34] : memref<12032x768xf32, #tpu.memory_space<hbm>> -> memref<12032x768xf32, #tpu.memory_space<hbm>>
    tpu.wait_indirect_dma semaphore(%arg15 : memref<!tpu.dma_semaphore, #tpu.memory_space<semaphore_mem>>) src(%dma_wait3A_35 : memref<12032x768xf32, #tpu.memory_space<hbm>>) dst(%arg9 : memref<64x768xf32, #tpu.memory_space<vmem>>)
    %scan3A_36 = arith.constant 0 : i32
    %scan3A_37 = arith.constant 0 : i32
    %scan3A_38 = arith.constant 64 : i32
    %scan3A_39 = arith.addi %scan3A_37, %scan3A_38 : i32
    %scan3A_40 = arith.constant 1 : i32
    scf.for %scan3A_42 = %scan3A_37 to %scan3A_39 step %scan3A_40  : i32 {
      %get3A = arith.index_cast %scan3A_42 : i32 to index
      %get3A_43 = tpu.vector_load %arg12[%get3A] {strides = array<i32>} : memref<80xf32, #tpu.memory_space<vmem>>, vector<16xf32>,
      %get3A_44 = vector.shape_cast %get3A_43 : vector<16xf32> to vector<16xf32>
      %slice3A = vector.extract_strided_slice %get3A_44 {offsets = [0], sizes = [1], strides = [1]} : vector<16xf32> to vector<1xf32>
      %squeeze3A = vector.extract %slice3A[0] : f32 from vector<1xf32>
      %get3A_45 = arith.index_cast %scan3A_42 : i32 to index
      %get3A_46 = tpu.vector_load %arg13[%get3A_45] {strides = array<i32>} : memref<80xf32, #tpu.memory_space<vmem>>, vector<16xf32>,
      %get3A_47 = vector.shape_cast %get3A_46 : vector<16xf32> to vector<16xf32>
      %slice3A_48 = vector.extract_strided_slice %get3A_47 {offsets = [0], sizes = [1], strides = [1]} : vector<16xf32> to vector<1xf32>
      %squeeze3A_49 = vector.extract %slice3A_48[0] : f32 from vector<1xf32>
      %get3A_50 = arith.index_cast %scan3A_42 : i32 to index
      %get3A_51 = arith.constant 0 : index
      %get3A_52 = tpu.vector_load %arg8[%get3A_50, %get3A_51] {strides = array<i32>} : memref<64x768xf32, #tpu.memory_space<vmem>>, vector<1x16xf32>,
      %get3A_53 = vector.shape_cast %get3A_52 : vector<1x16xf32> to vector<16xf32>
      %mul3A_54 = vector.broadcast %squeeze3A : f32 to vector<16xf32>
      %mul3A_55 = arith.mulf %mul3A_54, %get3A_53 : vector<16xf32>
      %get3A_56 = arith.index_cast %scan3A_42 : i32 to index
      %get3A_57 = arith.constant 0 : index
      %get3A_58 = tpu.vector_load %arg9[%get3A_56, %get3A_57] {strides = array<i32>} : memref<64x768xf32, #tpu.memory_space<vmem>>, vector<1x16xf32>,
      %get3A_59 = vector.shape_cast %get3A_58 : vector<1x16xf32> to vector<16xf32>
      %mul3A_60 = vector.broadcast %squeeze3A_49 : f32 to vector<16xf32>
      %mul3A_61 = arith.mulf %mul3A_60, %get3A_59 : vector<16xf32>
      %add3A_62 = arith.addf %mul3A_55, %mul3A_61 : vector<16xf32>
      %swap3A = arith.index_cast %scan3A_42 : i32 to index
      %swap3A_63 = arith.constant 0 : index
      %swap3A_64 = tpu.vector_load %arg8[%swap3A, %swap3A_63] {strides = array<i32>} : memref<64x768xf32, #tpu.memory_space<vmem>>, vector<1x16xf32>,
      %swap3A_65 = vector.shape_cast %swap3A_64 : vector<1x16xf32> to vector<16xf32>
      %swap3A_66 = vector.shape_cast %add3A_62 : vector<16xf32> to vector<1x16xf32>
      tpu.vector_store %arg8[%swap3A, %swap3A_63], %swap3A_66 {strides = array<i32>} : memref<64x768xf32, #tpu.memory_space<vmem>>, vector<1x16xf32>,
      %get3A_67 = arith.index_cast %scan3A_42 : i32 to index
      %get3A_68 = arith.constant 16 : index
      %get3A_69 = tpu.vector_load %arg8[%get3A_67, %get3A_68] {strides = array<i32>} : memref<64x768xf32, #tpu.memory_space<vmem>>, vector<1x16xf32>,
      %get3A_70 = vector.shape_cast %get3A_69 : vector<1x16xf32> to vector<16xf32>
      %mul3A_71 = vector.broadcast %squeeze3A : f32 to vector<16xf32>
      %mul3A_72 = arith.mulf %mul3A_71, %get3A_70 : vector<16xf32>
      %get3A_73 = arith.index_cast %scan3A_42 : i32 to index
      %get3A_74 = arith.constant 16 : index
      %get3A_75 = tpu.vector_load %arg9[%get3A_73, %get3A_74] {strides = array<i32>} : memref<64x768xf32, #tpu.memory_space<vmem>>, vector<1x16xf32>,
      %get3A_76 = vector.shape_cast %get3A_75 : vector<1x16xf32> to vector<16xf32>
      %mul3A_77 = vector.broadcast %squeeze3A_49 : f32 to vector<16xf32>
      %mul3A_78 = arith.mulf %mul3A_77, %get3A_76 : vector<16xf32>
      %add3A_79 = arith.addf %mul3A_72, %mul3A_78 : vector<16xf32>
      %swap3A_80 = arith.index_cast %scan3A_42 : i32 to index
      %swap3A_81 = arith.constant 16 : index
      %swap3A_82 = tpu.vector_load %arg8[%swap3A_80, %swap3A_81] {strides = array<i32>} : memref<64x768xf32, #tpu.memory_space<vmem>>, vector<1x16xf32>,
      %swap3A_83 = vector.shape_cast %swap3A_82 : vector<1x16xf32> to vector<16xf32>
      %swap3A_84 = vector.shape_cast %add3A_79 : vector<16xf32> to vector<1x16xf32>
      tpu.vector_store %arg8[%swap3A_80, %swap3A_81], %swap3A_84 {strides = array<i32>} : memref<64x768xf32, #tpu.memory_space<vmem>>, vector<1x16xf32>,
      %get3A_85 = arith.index_cast %scan3A_42 : i32 to index
      %get3A_86 = arith.constant 32 : index
      %get3A_87 = tpu.vector_load %arg8[%get3A_85, %get3A_86] {strides = array<i32>} : memref<64x768xf32, #tpu.memory_space<vmem>>, vector<1x16xf32>,
      %get3A_88 = vector.shape_cast %get3A_87 : vector<1x16xf32> to vector<16xf32>
      %mul3A_89 = vector.broadcast %squeeze3A : f32 to vector<16xf32>
      %mul3A_90 = arith.mulf %mul3A_89, %get3A_88 : vector<16xf32>
      %get3A_91 = arith.index_cast %scan3A_42 : i32 to index
      %get3A_92 = arith.constant 32 : index
      %get3A_93 = tpu.vector_load %arg9[%get3A_91, %get3A_92] {strides = array<i32>} : memref<64x768xf32, #tpu.memory_space<vmem>>, vector<1x16xf32>,
      %get3A_94 = vector.shape_cast %get3A_93 : vector<1x16xf32> to vector<16xf32>
      %mul3A_95 = vector.broadcast %squeeze3A_49 : f32 to vector<16xf32>
      %mul3A_96 = arith.mulf %mul3A_95, %get3A_94 : vector<16xf32>
      %add3A_97 = arith.addf %mul3A_90, %mul3A_96 : vector<16xf32>
      %swap3A_98 = arith.index_cast %scan3A_42 : i32 to index
      %swap3A_99 = arith.constant 32 : index
      %swap3A_100 = tpu.vector_load %arg8[%swap3A_98, %swap3A_99] {strides = array<i32>} : memref<64x768xf32, #tpu.memory_space<vmem>>, vector<1x16xf32>,
      %swap3A_101 = vector.shape_cast %swap3A_100 : vector<1x16xf32> to vector<16xf32>
      %swap3A_102 = vector.shape_cast %add3A_97 : vector<16xf32> to vector<1x16xf32>
      tpu.vector_store %arg8[%swap3A_98, %swap3A_99], %swap3A_102 {strides = array<i32>} : memref<64x768xf32, #tpu.memory_space<vmem>>, vector<1x16xf32>,
      %get3A_103 = arith.index_cast %scan3A_42 : i32 to index
      %get3A_104 = arith.constant 48 : index
      %get3A_105 = tpu.vector_load %arg8[%get3A_103, %get3A_104] {strides = array<i32>} : memref<64x768xf32, #tpu.memory_space<vmem>>, vector<1x16xf32>,
      %get3A_106 = vector.shape_cast %get3A_105 : vector<1x16xf32> to vector<16xf32>
      %mul3A_107 = vector.broadcast %squeeze3A : f32 to vector<16xf32>
      %mul3A_108 = arith.mulf %mul3A_107, %get3A_106 : vector<16xf32>
      %get3A_109 = arith.index_cast %scan3A_42 : i32 to index
      %get3A_110 = arith.constant 48 : index
      %get3A_111 = tpu.vector_load %arg9[%get3A_109, %get3A_110] {strides = array<i32>} : memref<64x768xf32, #tpu.memory_space<vmem>>, vector<1x16xf32>,
      %get3A_112 = vector.shape_cast %get3A_111 : vector<1x16xf32> to vector<16xf32>
      %mul3A_113 = vector.broadcast %squeeze3A_49 : f32 to vector<16xf32>
      %mul3A_114 = arith.mulf %mul3A_113, %get3A_112 : vector<16xf32>
      %add3A_115 = arith.addf %mul3A_108, %mul3A_114 : vector<16xf32>
      %swap3A_116 = arith.index_cast %scan3A_42 : i32 to index
      %swap3A_117 = arith.constant 48 : index
      %swap3A_118 = tpu.vector_load %arg8[%swap3A_116, %swap3A_117] {strides = array<i32>} : memref<64x768xf32, #tpu.memory_space<vmem>>, vector<1x16xf32>,
      %swap3A_119 = vector.shape_cast %swap3A_118 : vector<1x16xf32> to vector<16xf32>
      %swap3A_120 = vector.shape_cast %add3A_115 : vector<16xf32> to vector<1x16xf32>
      tpu.vector_store %arg8[%swap3A_116, %swap3A_117], %swap3A_120 {strides = array<i32>} : memref<64x768xf32, #tpu.memory_space<vmem>>, vector<1x16xf32>,
      %get3A_121 = arith.index_cast %scan3A_42 : i32 to index
      %get3A_122 = arith.constant 64 : index
      %get3A_123 = tpu.vector_load %arg8[%get3A_121, %get3A_122] {strides = array<i32>} : memref<64x768xf32, #tpu.memory_space<vmem>>, vector<1x16xf32>,
      %get3A_124 = vector.shape_cast %get3A_123 : vector<1x16xf32> to vector<16xf32>
      %mul3A_125 = vector.broadcast %squeeze3A : f32 to vector<16xf32>
      %mul3A_126 = arith.mulf %mul3A_125, %get3A_124 : vector<16xf32>
      %get3A_127 = arith.index_cast %scan3A_42 : i32 to index
      %get3A_128 = arith.constant 64 : index
      %get3A_129 = tpu.vector_load %arg9[%get3A_127, %get3A_128] {strides = array<i32>} : memref<64x768xf32, #tpu.memory_space<vmem>>, vector<1x16xf32>,
      %get3A_130 = vector.shape_cast %get3A_129 : vector<1x16xf32> to vector<16xf32>
      %mul3A_131 = vector.broadcast %squeeze3A_49 : f32 to vector<16xf32>
      %mul3A_132 = arith.mulf %mul3A_131, %get3A_130 : vector<16xf32>
      %add3A_133 = arith.addf %mul3A_126, %mul3A_132 : vector<16xf32>
      %swap3A_134 = arith.index_cast %scan3A_42 : i32 to index
      %swap3A_135 = arith.constant 64 : index
      %swap3A_136 = tpu.vector_load %arg8[%swap3A_134, %swap3A_135] {strides = array<i32>} : memref<64x768xf32, #tpu.memory_space<vmem>>, vector<1x16xf32>,
      %swap3A_137 = vector.shape_cast %swap3A_136 : vector<1x16xf32> to vector<16xf32>
      %swap3A_138 = vector.shape_cast %add3A_133 : vector<16xf32> to vector<1x16xf32>
      tpu.vector_store %arg8[%swap3A_134, %swap3A_135], %swap3A_138 {strides = array<i32>} : memref<64x768xf32, #tpu.memory_space<vmem>>, vector<1x16xf32>,
      %get3A_139 = arith.index_cast %scan3A_42 : i32 to index
      %get3A_140 = arith.constant 80 : index
      %get3A_141 = tpu.vector_load %arg8[%get3A_139, %get3A_140] {strides = array<i32>} : memref<64x768xf32, #tpu.memory_space<vmem>>, vector<1x16xf32>,
      %get3A_142 = vector.shape_cast %get3A_141 : vector<1x16xf32> to vector<16xf32>
      %mul3A_143 = vector.broadcast %squeeze3A : f32 to vector<16xf32>
      %mul3A_144 = arith.mulf %mul3A_143, %get3A_142 : vector<16xf32>
      %get3A_145 = arith.index_cast %scan3A_42 : i32 to index
      %get3A_146 = arith.constant 80 : index
      %get3A_147 = tpu.vector_load %arg9[%get3A_145, %get3A_146] {strides = array<i32>} : memref<64x768xf32, #tpu.memory_space<vmem>>, vector<1x16xf32>,
      %get3A_148 = vector.shape_cast %get3A_147 : vector<1x16xf32> to vector<16xf32>
      %mul3A_149 = vector.broadcast %squeeze3A_49 : f32 to vector<16xf32>
      %mul3A_150 = arith.mulf %mul3A_149, %get3A_148 : vector<16xf32>
      %add3A_151 = arith.addf %mul3A_144, %mul3A_150 : vector<16xf32>
      %swap3A_152 = arith.index_cast %scan3A_42 : i32 to index
      %swap3A_153 = arith.constant 80 : index
      %swap3A_154 = tpu.vector_load %arg8[%swap3A_152, %swap3A_153] {strides = array<i32>} : memref<64x768xf32, #tpu.memory_space<vmem>>, vector<1x16xf32>,
      %swap3A_155 = vector.shape_cast %swap3A_154 : vector<1x16xf32> to vector<16xf32>
      %swap3A_156 = vector.shape_cast %add3A_151 : vector<16xf32> to vector<1x16xf32>
      tpu.vector_store %arg8[%swap3A_152, %swap3A_153], %swap3A_156 {strides = array<i32>} : memref<64x768xf32, #tpu.memory_space<vmem>>, vector<1x16xf32>,
      %get3A_157 = arith.index_cast %scan3A_42 : i32 to index
      %get3A_158 = arith.constant 96 : index
      %get3A_159 = tpu.vector_load %arg8[%get3A_157, %get3A_158] {strides = array<i32>} : memref<64x768xf32, #tpu.memory_space<vmem>>, vector<1x16xf32>,
      %get3A_160 = vector.shape_cast %get3A_159 : vector<1x16xf32> to vector<16xf32>
      %mul3A_161 = vector.broadcast %squeeze3A : f32 to vector<16xf32>
      %mul3A_162 = arith.mulf %mul3A_161, %get3A_160 : vector<16xf32>
      %get3A_163 = arith.index_cast %scan3A_42 : i32 to index
      %get3A_164 = arith.constant 96 : index
      %get3A_165 = tpu.vector_load %arg9[%get3A_163, %get3A_164] {strides = array<i32>} : memref<64x768xf32, #tpu.memory_space<vmem>>, vector<1x16xf32>,
      %get3A_166 = vector.shape_cast %get3A_165 : vector<1x16xf32> to vector<16xf32>
      %mul3A_167 = vector.broadcast %squeeze3A_49 : f32 to vector<16xf32>
      %mul3A_168 = arith.mulf %mul3A_167, %get3A_166 : vector<16xf32>
      %add3A_169 = arith.addf %mul3A_162, %mul3A_168 : vector<16xf32>
      %swap3A_170 = arith.index_cast %scan3A_42 : i32 to index
      %swap3A_171 = arith.constant 96 : index
      %swap3A_172 = tpu.vector_load %arg8[%swap3A_170, %swap3A_171] {strides = array<i32>} : memref<64x768xf32, #tpu.memory_space<vmem>>, vector<1x16xf32>,
      %swap3A_173 = vector.shape_cast %swap3A_172 : vector<1x16xf32> to vector<16xf32>
      %swap3A_174 = vector.shape_cast %add3A_169 : vector<16xf32> to vector<1x16xf32>
      tpu.vector_store %arg8[%swap3A_170, %swap3A_171], %swap3A_174 {strides = array<i32>} : memref<64x768xf32, #tpu.memory_space<vmem>>, vector<1x16xf32>,
      %get3A_175 = arith.index_cast %scan3A_42 : i32 to index
      %get3A_176 = arith.constant 112 : index
      %get3A_177 = tpu.vector_load %arg8[%get3A_175, %get3A_176] {strides = array<i32>} : memref<64x768xf32, #tpu.memory_space<vmem>>, vector<1x16xf32>,
      %get3A_178 = vector.shape_cast %get3A_177 : vector<1x16xf32> to vector<16xf32>
      %mul3A_179 = vector.broadcast %squeeze3A : f32 to vector<16xf32>
      %mul3A_180 = arith.mulf %mul3A_179, %get3A_178 : vector<16xf32>
      %get3A_181 = arith.index_cast %scan3A_42 : i32 to index
      %get3A_182 = arith.constant 112 : index
      %get3A_183 = tpu.vector_load %arg9[%get3A_181, %get3A_182] {strides = array<i32>} : memref<64x768xf32, #tpu.memory_space<vmem>>, vector<1x16xf32>,
      %get3A_184 = vector.shape_cast %get3A_183 : vector<1x16xf32> to vector<16xf32>
      %mul3A_185 = vector.broadcast %squeeze3A_49 : f32 to vector<16xf32>
      %mul3A_186 = arith.mulf %mul3A_185, %get3A_184 : vector<16xf32>
      %add3A_187 = arith.addf %mul3A_180, %mul3A_186 : vector<16xf32>
      %swap3A_188 = arith.index_cast %scan3A_42 : i32 to index
      %swap3A_189 = arith.constant 112 : index
      %swap3A_190 = tpu.vector_load %arg8[%swap3A_188, %swap3A_189] {strides = array<i32>} : memref<64x768xf32, #tpu.memory_space<vmem>>, vector<1x16xf32>,
      %swap3A_191 = vector.shape_cast %swap3A_190 : vector<1x16xf32> to vector<16xf32>
      %swap3A_192 = vector.shape_cast %add3A_187 : vector<16xf32> to vector<1x16xf32>
      tpu.vector_store %arg8[%swap3A_188, %swap3A_189], %swap3A_192 {strides = array<i32>} : memref<64x768xf32, #tpu.memory_space<vmem>>, vector<1x16xf32>,
      %get3A_193 = arith.index_cast %scan3A_42 : i32 to index
      %get3A_194 = arith.constant 128 : index
      %get3A_195 = tpu.vector_load %arg8[%get3A_193, %get3A_194] {strides = array<i32>} : memref<64x768xf32, #tpu.memory_space<vmem>>, vector<1x16xf32>,
      %get3A_196 = vector.shape_cast %get3A_195 : vector<1x16xf32> to vector<16xf32>
      %mul3A_197 = vector.broadcast %squeeze3A : f32 to vector<16xf32>
      %mul3A_198 = arith.mulf %mul3A_197, %get3A_196 : vector<16xf32>
      %get3A_199 = arith.index_cast %scan3A_42 : i32 to index
      %get3A_200 = arith.constant 128 : index
      %get3A_201 = tpu.vector_load %arg9[%get3A_199, %get3A_200] {strides = array<i32>} : memref<64x768xf32, #tpu.memory_space<vmem>>, vector<1x16xf32>,
      %get3A_202 = vector.shape_cast %get3A_201 : vector<1x16xf32> to vector<16xf32>
      %mul3A_203 = vector.broadcast %squeeze3A_49 : f32 to vector<16xf32>
      %mul3A_204 = arith.mulf %mul3A_203, %get3A_202 : vector<16xf32>
      %add3A_205 = arith.addf %mul3A_198, %mul3A_204 : vector<16xf32>
      %swap3A_206 = arith.index_cast %scan3A_42 : i32 to index
      %swap3A_207 = arith.constant 128 : index
      %swap3A_208 = tpu.vector_load %arg8[%swap3A_206, %swap3A_207] {strides = array<i32>} : memref<64x768xf32, #tpu.memory_space<vmem>>, vector<1x16xf32>,
      %swap3A_209 = vector.shape_cast %swap3A_208 : vector<1x16xf32> to vector<16xf32>
      %swap3A_210 = vector.shape_cast %add3A_205 : vector<16xf32> to vector<1x16xf32>
      tpu.vector_store %arg8[%swap3A_206, %swap3A_207], %swap3A_210 {strides = array<i32>} : memref<64x768xf32, #tpu.memory_space<vmem>>, vector<1x16xf32>,
      %get3A_211 = arith.index_cast %scan3A_42 : i32 to index
      %get3A_212 = arith.constant 144 : index
      %get3A_213 = tpu.vector_load %arg8[%get3A_211, %get3A_212] {strides = array<i32>} : memref<64x768xf32, #tpu.memory_space<vmem>>, vector<1x16xf32>,
      %get3A_214 = vector.shape_cast %get3A_213 : vector<1x16xf32> to vector<16xf32>
      %mul3A_215 = vector.broadcast %squeeze3A : f32 to vector<16xf32>
      %mul3A_216 = arith.mulf %mul3A_215, %get3A_214 : vector<16xf32>
      %get3A_217 = arith.index_cast %scan3A_42 : i32 to index
      %get3A_218 = arith.constant 144 : index
      %get3A_219 = tpu.vector_load %arg9[%get3A_217, %get3A_218] {strides = array<i32>} : memref<64x768xf32, #tpu.memory_space<vmem>>, vector<1x16xf32>,
      %get3A_220 = vector.shape_cast %get3A_219 : vector<1x16xf32> to vector<16xf32>
      %mul3A_221 = vector.broadcast %squeeze3A_49 : f32 to vector<16xf32>
      %mul3A_222 = arith.mulf %mul3A_221, %get3A_220 : vector<16xf32>
      %add3A_223 = arith.addf %mul3A_216, %mul3A_222 : vector<16xf32>
      %swap3A_224 = arith.index_cast %scan3A_42 : i32 to index
      %swap3A_225 = arith.constant 144 : index
      %swap3A_226 = tpu.vector_load %arg8[%swap3A_224, %swap3A_225] {strides = array<i32>} : memref<64x768xf32, #tpu.memory_space<vmem>>, vector<1x16xf32>,
      %swap3A_227 = vector.shape_cast %swap3A_226 : vector<1x16xf32> to vector<16xf32>
      %swap3A_228 = vector.shape_cast %add3A_223 : vector<16xf32> to vector<1x16xf32>
      tpu.vector_store %arg8[%swap3A_224, %swap3A_225], %swap3A_228 {strides = array<i32>} : memref<64x768xf32, #tpu.memory_space<vmem>>, vector<1x16xf32>,
      %get3A_229 = arith.index_cast %scan3A_42 : i32 to index
      %get3A_230 = arith.constant 160 : index
      %get3A_231 = tpu.vector_load %arg8[%get3A_229, %get3A_230] {strides = array<i32>} : memref<64x768xf32, #tpu.memory_space<vmem>>, vector<1x16xf32>,
      %get3A_232 = vector.shape_cast %get3A_231 : vector<1x16xf32> to vector<16xf32>
      %mul3A_233 = vector.broadcast %squeeze3A : f32 to vector<16xf32>
      %mul3A_234 = arith.mulf %mul3A_233, %get3A_232 : vector<16xf32>
      %get3A_235 = arith.index_cast %scan3A_42 : i32 to index
      %get3A_236 = arith.constant 160 : index
      %get3A_237 = tpu.vector_load %arg9[%get3A_235, %get3A_236] {strides = array<i32>} : memref<64x768xf32, #tpu.memory_space<vmem>>, vector<1x16xf32>,
      %get3A_238 = vector.shape_cast %get3A_237 : vector<1x16xf32> to vector<16xf32>
      %mul3A_239 = vector.broadcast %squeeze3A_49 : f32 to vector<16xf32>
      %mul3A_240 = arith.mulf %mul3A_239, %get3A_238 : vector<16xf32>
      %add3A_241 = arith.addf %mul3A_234, %mul3A_240 : vector<16xf32>
      %swap3A_242 = arith.index_cast %scan3A_42 : i32 to index
      %swap3A_243 = arith.constant 160 : index
      %swap3A_244 = tpu.vector_load %arg8[%swap3A_242, %swap3A_243] {strides = array<i32>} : memref<64x768xf32, #tpu.memory_space<vmem>>, vector<1x16xf32>,
      %swap3A_245 = vector.shape_cast %swap3A_244 : vector<1x16xf32> to vector<16xf32>
      %swap3A_246 = vector.shape_cast %add3A_241 : vector<16xf32> to vector<1x16xf32>
      tpu.vector_store %arg8[%swap3A_242, %swap3A_243], %swap3A_246 {strides = array<i32>} : memref<64x768xf32, #tpu.memory_space<vmem>>, vector<1x16xf32>,
      %get3A_247 = arith.index_cast %scan3A_42 : i32 to index
      %get3A_248 = arith.constant 176 : index
      %get3A_249 = tpu.vector_load %arg8[%get3A_247, %get3A_248] {strides = array<i32>} : memref<64x768xf32, #tpu.memory_space<vmem>>, vector<1x16xf32>,
      %get3A_250 = vector.shape_cast %get3A_249 : vector<1x16xf32> to vector<16xf32>
      %mul3A_251 = vector.broadcast %squeeze3A : f32 to vector<16xf32>
      %mul3A_252 = arith.mulf %mul3A_251, %get3A_250 : vector<16xf32>
      %get3A_253 = arith.index_cast %scan3A_42 : i32 to index
      %get3A_254 = arith.constant 176 : index
      %get3A_255 = tpu.vector_load %arg9[%get3A_253, %get3A_254] {strides = array<i32>} : memref<64x768xf32, #tpu.memory_space<vmem>>, vector<1x16xf32>,
      %get3A_256 = vector.shape_cast %get3A_255 : vector<1x16xf32> to vector<16xf32>
      %mul3A_257 = vector.broadcast %squeeze3A_49 : f32 to vector<16xf32>
      %mul3A_258 = arith.mulf %mul3A_257, %get3A_256 : vector<16xf32>
      %add3A_259 = arith.addf %mul3A_252, %mul3A_258 : vector<16xf32>
      %swap3A_260 = arith.index_cast %scan3A_42 : i32 to index
      %swap3A_261 = arith.constant 176 : index
      %swap3A_262 = tpu.vector_load %arg8[%swap3A_260, %swap3A_261] {strides = array<i32>} : memref<64x768xf32, #tpu.memory_space<vmem>>, vector<1x16xf32>,
      %swap3A_263 = vector.shape_cast %swap3A_262 : vector<1x16xf32> to vector<16xf32>
      %swap3A_264 = vector.shape_cast %add3A_259 : vector<16xf32> to vector<1x16xf32>
      tpu.vector_store %arg8[%swap3A_260, %swap3A_261], %swap3A_264 {strides = array<i32>} : memref<64x768xf32, #tpu.memory_space<vmem>>, vector<1x16xf32>,
      %get3A_265 = arith.index_cast %scan3A_42 : i32 to index
      %get3A_266 = arith.constant 192 : index
      %get3A_267 = tpu.vector_load %arg8[%get3A_265, %get3A_266] {strides = array<i32>} : memref<64x768xf32, #tpu.memory_space<vmem>>, vector<1x16xf32>,
      %get3A_268 = vector.shape_cast %get3A_267 : vector<1x16xf32> to vector<16xf32>
      %mul3A_269 = vector.broadcast %squeeze3A : f32 to vector<16xf32>
      %mul3A_270 = arith.mulf %mul3A_269, %get3A_268 : vector<16xf32>
      %get3A_271 = arith.index_cast %scan3A_42 : i32 to index
      %get3A_272 = arith.constant 192 : index
      %get3A_273 = tpu.vector_load %arg9[%get3A_271, %get3A_272] {strides = array<i32>} : memref<64x768xf32, #tpu.memory_space<vmem>>, vector<1x16xf32>,
      %get3A_274 = vector.shape_cast %get3A_273 : vector<1x16xf32> to vector<16xf32>
      %mul3A_275 = vector.broadcast %squeeze3A_49 : f32 to vector<16xf32>
      %mul3A_276 = arith.mulf %mul3A_275, %get3A_274 : vector<16xf32>
      %add3A_277 = arith.addf %mul3A_270, %mul3A_276 : vector<16xf32>
      %swap3A_278 = arith.index_cast %scan3A_42 : i32 to index
      %swap3A_279 = arith.constant 192 : index
      %swap3A_280 = tpu.vector_load %arg8[%swap3A_278, %swap3A_279] {strides = array<i32>} : memref<64x768xf32, #tpu.memory_space<vmem>>, vector<1x16xf32>,
      %swap3A_281 = vector.shape_cast %swap3A_280 : vector<1x16xf32> to vector<16xf32>
      %swap3A_282 = vector.shape_cast %add3A_277 : vector<16xf32> to vector<1x16xf32>
      tpu.vector_store %arg8[%swap3A_278, %swap3A_279], %swap3A_282 {strides = array<i32>} : memref<64x768xf32, #tpu.memory_space<vmem>>, vector<1x16xf32>,
      %get3A_283 = arith.index_cast %scan3A_42 : i32 to index
      %get3A_284 = arith.constant 208 : index
      %get3A_285 = tpu.vector_load %arg8[%get3A_283, %get3A_284] {strides = array<i32>} : memref<64x768xf32, #tpu.memory_space<vmem>>, vector<1x16xf32>,
      %get3A_286 = vector.shape_cast %get3A_285 : vector<1x16xf32> to vector<16xf32>
      %mul3A_287 = vector.broadcast %squeeze3A : f32 to vector<16xf32>
      %mul3A_288 = arith.mulf %mul3A_287, %get3A_286 : vector<16xf32>
      %get3A_289 = arith.index_cast %scan3A_42 : i32 to index
      %get3A_290 = arith.constant 208 : index
      %get3A_291 = tpu.vector_load %arg9[%get3A_289, %get3A_290] {strides = array<i32>} : memref<64x768xf32, #tpu.memory_space<vmem>>, vector<1x16xf32>,
      %get3A_292 = vector.shape_cast %get3A_291 : vector<1x16xf32> to vector<16xf32>
      %mul3A_293 = vector.broadcast %squeeze3A_49 : f32 to vector<16xf32>
      %mul3A_294 = arith.mulf %mul3A_293, %get3A_292 : vector<16xf32>
      %add3A_295 = arith.addf %mul3A_288, %mul3A_294 : vector<16xf32>
      %swap3A_296 = arith.index_cast %scan3A_42 : i32 to index
      %swap3A_297 = arith.constant 208 : index
      %swap3A_298 = tpu.vector_load %arg8[%swap3A_296, %swap3A_297] {strides = array<i32>} : memref<64x768xf32, #tpu.memory_space<vmem>>, vector<1x16xf32>,
      %swap3A_299 = vector.shape_cast %swap3A_298 : vector<1x16xf32> to vector<16xf32>
      %swap3A_300 = vector.shape_cast %add3A_295 : vector<16xf32> to vector<1x16xf32>
      tpu.vector_store %arg8[%swap3A_296, %swap3A_297], %swap3A_300 {strides = array<i32>} : memref<64x768xf32, #tpu.memory_space<vmem>>, vector<1x16xf32>,
      %get3A_301 = arith.index_cast %scan3A_42 : i32 to index
      %get3A_302 = arith.constant 224 : index
      %get3A_303 = tpu.vector_load %arg8[%get3A_301, %get3A_302] {strides = array<i32>} : memref<64x768xf32, #tpu.memory_space<vmem>>, vector<1x16xf32>,
      %get3A_304 = vector.shape_cast %get3A_303 : vector<1x16xf32> to vector<16xf32>
      %mul3A_305 = vector.broadcast %squeeze3A : f32 to vector<16xf32>
      %mul3A_306 = arith.mulf %mul3A_305, %get3A_304 : vector<16xf32>
      %get3A_307 = arith.index_cast %scan3A_42 : i32 to index
      %get3A_308 = arith.constant 224 : index
      %get3A_309 = tpu.vector_load %arg9[%get3A_307, %get3A_308] {strides = array<i32>} : memref<64x768xf32, #tpu.memory_space<vmem>>, vector<1x16xf32>,
      %get3A_310 = vector.shape_cast %get3A_309 : vector<1x16xf32> to vector<16xf32>
      %mul3A_311 = vector.broadcast %squeeze3A_49 : f32 to vector<16xf32>
      %mul3A_312 = arith.mulf %mul3A_311, %get3A_310 : vector<16xf32>
      %add3A_313 = arith.addf %mul3A_306, %mul3A_312 : vector<16xf32>
      %swap3A_314 = arith.index_cast %scan3A_42 : i32 to index
      %swap3A_315 = arith.constant 224 : index
      %swap3A_316 = tpu.vector_load %arg8[%swap3A_314, %swap3A_315] {strides = array<i32>} : memref<64x768xf32, #tpu.memory_space<vmem>>, vector<1x16xf32>,
      %swap3A_317 = vector.shape_cast %swap3A_316 : vector<1x16xf32> to vector<16xf32>
      %swap3A_318 = vector.shape_cast %add3A_313 : vector<16xf32> to vector<1x16xf32>
      tpu.vector_store %arg8[%swap3A_314, %swap3A_315], %swap3A_318 {strides = array<i32>} : memref<64x768xf32, #tpu.memory_space<vmem>>, vector<1x16xf32>,
      %get3A_319 = arith.index_cast %scan3A_42 : i32 to index
      %get3A_320 = arith.constant 240 : index
      %get3A_321 = tpu.vector_load %arg8[%get3A_319, %get3A_320] {strides = array<i32>} : memref<64x768xf32, #tpu.memory_space<vmem>>, vector<1x16xf32>,
      %get3A_322 = vector.shape_cast %get3A_321 : vector<1x16xf32> to vector<16xf32>
      %mul3A_323 = vector.broadcast %squeeze3A : f32 to vector<16xf32>
      %mul3A_324 = arith.mulf %mul3A_323, %get3A_322 : vector<16xf32>
      %get3A_325 = arith.index_cast %scan3A_42 : i32 to index
      %get3A_326 = arith.constant 240 : index
      %get3A_327 = tpu.vector_load %arg9[%get3A_325, %get3A_326] {strides = array<i32>} : memref<64x768xf32, #tpu.memory_space<vmem>>, vector<1x16xf32>,
      %get3A_328 = vector.shape_cast %get3A_327 : vector<1x16xf32> to vector<16xf32>
      %mul3A_329 = vector.broadcast %squeeze3A_49 : f32 to vector<16xf32>
      %mul3A_330 = arith.mulf %mul3A_329, %get3A_328 : vector<16xf32>
      %add3A_331 = arith.addf %mul3A_324, %mul3A_330 : vector<16xf32>
      %swap3A_332 = arith.index_cast %scan3A_42 : i32 to index
      %swap3A_333 = arith.constant 240 : index
      %swap3A_334 = tpu.vector_load %arg8[%swap3A_332, %swap3A_333] {strides = array<i32>} : memref<64x768xf32, #tpu.memory_space<vmem>>, vector<1x16xf32>,
      %swap3A_335 = vector.shape_cast %swap3A_334 : vector<1x16xf32> to vector<16xf32>
      %swap3A_336 = vector.shape_cast %add3A_331 : vector<16xf32> to vector<1x16xf32>
      tpu.vector_store %arg8[%swap3A_332, %swap3A_333], %swap3A_336 {strides = array<i32>} : memref<64x768xf32, #tpu.memory_space<vmem>>, vector<1x16xf32>,
      %get3A_337 = arith.index_cast %scan3A_42 : i32 to index
      %get3A_338 = arith.constant 256 : index
      %get3A_339 = tpu.vector_load %arg8[%get3A_337, %get3A_338] {strides = array<i32>} : memref<64x768xf32, #tpu.memory_space<vmem>>, vector<1x16xf32>,
      %get3A_340 = vector.shape_cast %get3A_339 : vector<1x16xf32> to vector<16xf32>
      %mul3A_341 = vector.broadcast %squeeze3A : f32 to vector<16xf32>
      %mul3A_342 = arith.mulf %mul3A_341, %get3A_340 : vector<16xf32>
      %get3A_343 = arith.index_cast %scan3A_42 : i32 to index
      %get3A_344 = arith.constant 256 : index
      %get3A_345 = tpu.vector_load %arg9[%get3A_343, %get3A_344] {strides = array<i32>} : memref<64x768xf32, #tpu.memory_space<vmem>>, vector<1x16xf32>,
      %get3A_346 = vector.shape_cast %get3A_345 : vector<1x16xf32> to vector<16xf32>
      %mul3A_347 = vector.broadcast %squeeze3A_49 : f32 to vector<16xf32>
      %mul3A_348 = arith.mulf %mul3A_347, %get3A_346 : vector<16xf32>
      %add3A_349 = arith.addf %mul3A_342, %mul3A_348 : vector<16xf32>
      %swap3A_350 = arith.index_cast %scan3A_42 : i32 to index
      %swap3A_351 = arith.constant 256 : index
      %swap3A_352 = tpu.vector_load %arg8[%swap3A_350, %swap3A_351] {strides = array<i32>} : memref<64x768xf32, #tpu.memory_space<vmem>>, vector<1x16xf32>,
      %swap3A_353 = vector.shape_cast %swap3A_352 : vector<1x16xf32> to vector<16xf32>
      %swap3A_354 = vector.shape_cast %add3A_349 : vector<16xf32> to vector<1x16xf32>
      tpu.vector_store %arg8[%swap3A_350, %swap3A_351], %swap3A_354 {strides = array<i32>} : memref<64x768xf32, #tpu.memory_space<vmem>>, vector<1x16xf32>,
      %get3A_355 = arith.index_cast %scan3A_42 : i32 to index
      %get3A_356 = arith.constant 272 : index
      %get3A_357 = tpu.vector_load %arg8[%get3A_355, %get3A_356] {strides = array<i32>} : memref<64x768xf32, #tpu.memory_space<vmem>>, vector<1x16xf32>,
      %get3A_358 = vector.shape_cast %get3A_357 : vector<1x16xf32> to vector<16xf32>
      %mul3A_359 = vector.broadcast %squeeze3A : f32 to vector<16xf32>
      %mul3A_360 = arith.mulf %mul3A_359, %get3A_358 : vector<16xf32>
      %get3A_361 = arith.index_cast %scan3A_42 : i32 to index
      %get3A_362 = arith.constant 272 : index
      %get3A_363 = tpu.vector_load %arg9[%get3A_361, %get3A_362] {strides = array<i32>} : memref<64x768xf32, #tpu.memory_space<vmem>>, vector<1x16xf32>,
      %get3A_364 = vector.shape_cast %get3A_363 : vector<1x16xf32> to vector<16xf32>
      %mul3A_365 = vector.broadcast %squeeze3A_49 : f32 to vector<16xf32>
      %mul3A_366 = arith.mulf %mul3A_365, %get3A_364 : vector<16xf32>
      %add3A_367 = arith.addf %mul3A_360, %mul3A_366 : vector<16xf32>
      %swap3A_368 = arith.index_cast %scan3A_42 : i32 to index
      %swap3A_369 = arith.constant 272 : index
      %swap3A_370 = tpu.vector_load %arg8[%swap3A_368, %swap3A_369] {strides = array<i32>} : memref<64x768xf32, #tpu.memory_space<vmem>>, vector<1x16xf32>,
      %swap3A_371 = vector.shape_cast %swap3A_370 : vector<1x16xf32> to vector<16xf32>
      %swap3A_372 = vector.shape_cast %add3A_367 : vector<16xf32> to vector<1x16xf32>
      tpu.vector_store %arg8[%swap3A_368, %swap3A_369], %swap3A_372 {strides = array<i32>} : memref<64x768xf32, #tpu.memory_space<vmem>>, vector<1x16xf32>,
      %get3A_373 = arith.index_cast %scan3A_42 : i32 to index
      %get3A_374 = arith.constant 288 : index
      %get3A_375 = tpu.vector_load %arg8[%get3A_373, %get3A_374] {strides = array<i32>} : memref<64x768xf32, #tpu.memory_space<vmem>>, vector<1x16xf32>,
      %get3A_376 = vector.shape_cast %get3A_375 : vector<1x16xf32> to vector<16xf32>
      %mul3A_377 = vector.broadcast %squeeze3A : f32 to vector<16xf32>
      %mul3A_378 = arith.mulf %mul3A_377, %get3A_376 : vector<16xf32>
      %get3A_379 = arith.index_cast %scan3A_42 : i32 to index
      %get3A_380 = arith.constant 288 : index
      %get3A_381 = tpu.vector_load %arg9[%get3A_379, %get3A_380] {strides = array<i32>} : memref<64x768xf32, #tpu.memory_space<vmem>>, vector<1x16xf32>,
      %get3A_382 = vector.shape_cast %get3A_381 : vector<1x16xf32> to vector<16xf32>
      %mul3A_383 = vector.broadcast %squeeze3A_49 : f32 to vector<16xf32>
      %mul3A_384 = arith.mulf %mul3A_383, %get3A_382 : vector<16xf32>
      %add3A_385 = arith.addf %mul3A_378, %mul3A_384 : vector<16xf32>
      %swap3A_386 = arith.index_cast %scan3A_42 : i32 to index
      %swap3A_387 = arith.constant 288 : index
      %swap3A_388 = tpu.vector_load %arg8[%swap3A_386, %swap3A_387] {strides = array<i32>} : memref<64x768xf32, #tpu.memory_space<vmem>>, vector<1x16xf32>,
      %swap3A_389 = vector.shape_cast %swap3A_388 : vector<1x16xf32> to vector<16xf32>
      %swap3A_390 = vector.shape_cast %add3A_385 : vector<16xf32> to vector<1x16xf32>
      tpu.vector_store %arg8[%swap3A_386, %swap3A_387], %swap3A_390 {strides = array<i32>} : memref<64x768xf32, #tpu.memory_space<vmem>>, vector<1x16xf32>,
      %get3A_391 = arith.index_cast %scan3A_42 : i32 to index
      %get3A_392 = arith.constant 304 : index
      %get3A_393 = tpu.vector_load %arg8[%get3A_391, %get3A_392] {strides = array<i32>} : memref<64x768xf32, #tpu.memory_space<vmem>>, vector<1x16xf32>,
      %get3A_394 = vector.shape_cast %get3A_393 : vector<1x16xf32> to vector<16xf32>
      %mul3A_395 = vector.broadcast %squeeze3A : f32 to vector<16xf32>
      %mul3A_396 = arith.mulf %mul3A_395, %get3A_394 : vector<16xf32>
      %get3A_397 = arith.index_cast %scan3A_42 : i32 to index
      %get3A_398 = arith.constant 304 : index
      %get3A_399 = tpu.vector_load %arg9[%get3A_397, %get3A_398] {strides = array<i32>} : memref<64x768xf32, #tpu.memory_space<vmem>>, vector<1x16xf32>,
      %get3A_400 = vector.shape_cast %get3A_399 : vector<1x16xf32> to vector<16xf32>
      %mul3A_401 = vector.broadcast %squeeze3A_49 : f32 to vector<16xf32>
      %mul3A_402 = arith.mulf %mul3A_401, %get3A_400 : vector<16xf32>
      %add3A_403 = arith.addf %mul3A_396, %mul3A_402 : vector<16xf32>
      %swap3A_404 = arith.index_cast %scan3A_42 : i32 to index
      %swap3A_405 = arith.constant 304 : index
      %swap3A_406 = tpu.vector_load %arg8[%swap3A_404, %swap3A_405] {strides = array<i32>} : memref<64x768xf32, #tpu.memory_space<vmem>>, vector<1x16xf32>,
      %swap3A_407 = vector.shape_cast %swap3A_406 : vector<1x16xf32> to vector<16xf32>
      %swap3A_408 = vector.shape_cast %add3A_403 : vector<16xf32> to vector<1x16xf32>
      tpu.vector_store %arg8[%swap3A_404, %swap3A_405], %swap3A_408 {strides = array<i32>} : memref<64x768xf32, #tpu.memory_space<vmem>>, vector<1x16xf32>,
      %get3A_409 = arith.index_cast %scan3A_42 : i32 to index
      %get3A_410 = arith.constant 320 : index
      %get3A_411 = tpu.vector_load %arg8[%get3A_409, %get3A_410] {strides = array<i32>} : memref<64x768xf32, #tpu.memory_space<vmem>>, vector<1x16xf32>,
      %get3A_412 = vector.shape_cast %get3A_411 : vector<1x16xf32> to vector<16xf32>
      %mul3A_413 = vector.broadcast %squeeze3A : f32 to vector<16xf32>
      %mul3A_414 = arith.mulf %mul3A_413, %get3A_412 : vector<16xf32>
      %get3A_415 = arith.index_cast %scan3A_42 : i32 to index
      %get3A_416 = arith.constant 320 : index
      %get3A_417 = tpu.vector_load %arg9[%get3A_415, %get3A_416] {strides = array<i32>} : memref<64x768xf32, #tpu.memory_space<vmem>>, vector<1x16xf32>,
      %get3A_418 = vector.shape_cast %get3A_417 : vector<1x16xf32> to vector<16xf32>
      %mul3A_419 = vector.broadcast %squeeze3A_49 : f32 to vector<16xf32>
      %mul3A_420 = arith.mulf %mul3A_419, %get3A_418 : vector<16xf32>
      %add3A_421 = arith.addf %mul3A_414, %mul3A_420 : vector<16xf32>
      %swap3A_422 = arith.index_cast %scan3A_42 : i32 to index
      %swap3A_423 = arith.constant 320 : index
      %swap3A_424 = tpu.vector_load %arg8[%swap3A_422, %swap3A_423] {strides = array<i32>} : memref<64x768xf32, #tpu.memory_space<vmem>>, vector<1x16xf32>,
      %swap3A_425 = vector.shape_cast %swap3A_424 : vector<1x16xf32> to vector<16xf32>
      %swap3A_426 = vector.shape_cast %add3A_421 : vector<16xf32> to vector<1x16xf32>
      tpu.vector_store %arg8[%swap3A_422, %swap3A_423], %swap3A_426 {strides = array<i32>} : memref<64x768xf32, #tpu.memory_space<vmem>>, vector<1x16xf32>,
      %get3A_427 = arith.index_cast %scan3A_42 : i32 to index
      %get3A_428 = arith.constant 336 : index
      %get3A_429 = tpu.vector_load %arg8[%get3A_427, %get3A_428] {strides = array<i32>} : memref<64x768xf32, #tpu.memory_space<vmem>>, vector<1x16xf32>,
      %get3A_430 = vector.shape_cast %get3A_429 : vector<1x16xf32> to vector<16xf32>
      %mul3A_431 = vector.broadcast %squeeze3A : f32 to vector<16xf32>
      %mul3A_432 = arith.mulf %mul3A_431, %get3A_430 : vector<16xf32>
      %get3A_433 = arith.index_cast %scan3A_42 : i32 to index
      %get3A_434 = arith.constant 336 : index
      %get3A_435 = tpu.vector_load %arg9[%get3A_433, %get3A_434] {strides = array<i32>} : memref<64x768xf32, #tpu.memory_space<vmem>>, vector<1x16xf32>,
      %get3A_436 = vector.shape_cast %get3A_435 : vector<1x16xf32> to vector<16xf32>
      %mul3A_437 = vector.broadcast %squeeze3A_49 : f32 to vector<16xf32>
      %mul3A_438 = arith.mulf %mul3A_437, %get3A_436 : vector<16xf32>
      %add3A_439 = arith.addf %mul3A_432, %mul3A_438 : vector<16xf32>
      %swap3A_440 = arith.index_cast %scan3A_42 : i32 to index
      %swap3A_441 = arith.constant 336 : index
      %swap3A_442 = tpu.vector_load %arg8[%swap3A_440, %swap3A_441] {strides = array<i32>} : memref<64x768xf32, #tpu.memory_space<vmem>>, vector<1x16xf32>,
      %swap3A_443 = vector.shape_cast %swap3A_442 : vector<1x16xf32> to vector<16xf32>
      %swap3A_444 = vector.shape_cast %add3A_439 : vector<16xf32> to vector<1x16xf32>
      tpu.vector_store %arg8[%swap3A_440, %swap3A_441], %swap3A_444 {strides = array<i32>} : memref<64x768xf32, #tpu.memory_space<vmem>>, vector<1x16xf32>,
      %get3A_445 = arith.index_cast %scan3A_42 : i32 to index
      %get3A_446 = arith.constant 352 : index
      %get3A_447 = tpu.vector_load %arg8[%get3A_445, %get3A_446] {strides = array<i32>} : memref<64x768xf32, #tpu.memory_space<vmem>>, vector<1x16xf32>,
      %get3A_448 = vector.shape_cast %get3A_447 : vector<1x16xf32> to vector<16xf32>
      %mul3A_449 = vector.broadcast %squeeze3A : f32 to vector<16xf32>
      %mul3A_450 = arith.mulf %mul3A_449, %get3A_448 : vector<16xf32>
      %get3A_451 = arith.index_cast %scan3A_42 : i32 to index
      %get3A_452 = arith.constant 352 : index
      %get3A_453 = tpu.vector_load %arg9[%get3A_451, %get3A_452] {strides = array<i32>} : memref<64x768xf32, #tpu.memory_space<vmem>>, vector<1x16xf32>,
      %get3A_454 = vector.shape_cast %get3A_453 : vector<1x16xf32> to vector<16xf32>
      %mul3A_455 = vector.broadcast %squeeze3A_49 : f32 to vector<16xf32>
      %mul3A_456 = arith.mulf %mul3A_455, %get3A_454 : vector<16xf32>
      %add3A_457 = arith.addf %mul3A_450, %mul3A_456 : vector<16xf32>
      %swap3A_458 = arith.index_cast %scan3A_42 : i32 to index
      %swap3A_459 = arith.constant 352 : index
      %swap3A_460 = tpu.vector_load %arg8[%swap3A_458, %swap3A_459] {strides = array<i32>} : memref<64x768xf32, #tpu.memory_space<vmem>>, vector<1x16xf32>,
      %swap3A_461 = vector.shape_cast %swap3A_460 : vector<1x16xf32> to vector<16xf32>
      %swap3A_462 = vector.shape_cast %add3A_457 : vector<16xf32> to vector<1x16xf32>
      tpu.vector_store %arg8[%swap3A_458, %swap3A_459], %swap3A_462 {strides = array<i32>} : memref<64x768xf32, #tpu.memory_space<vmem>>, vector<1x16xf32>,
      %get3A_463 = arith.index_cast %scan3A_42 : i32 to index
      %get3A_464 = arith.constant 368 : index
      %get3A_465 = tpu.vector_load %arg8[%get3A_463, %get3A_464] {strides = array<i32>} : memref<64x768xf32, #tpu.memory_space<vmem>>, vector<1x16xf32>,
      %get3A_466 = vector.shape_cast %get3A_465 : vector<1x16xf32> to vector<16xf32>
      %mul3A_467 = vector.broadcast %squeeze3A : f32 to vector<16xf32>
      %mul3A_468 = arith.mulf %mul3A_467, %get3A_466 : vector<16xf32>
      %get3A_469 = arith.index_cast %scan3A_42 : i32 to index
      %get3A_470 = arith.constant 368 : index
      %get3A_471 = tpu.vector_load %arg9[%get3A_469, %get3A_470] {strides = array<i32>} : memref<64x768xf32, #tpu.memory_space<vmem>>, vector<1x16xf32>,
      %get3A_472 = vector.shape_cast %get3A_471 : vector<1x16xf32> to vector<16xf32>
      %mul3A_473 = vector.broadcast %squeeze3A_49 : f32 to vector<16xf32>
      %mul3A_474 = arith.mulf %mul3A_473, %get3A_472 : vector<16xf32>
      %add3A_475 = arith.addf %mul3A_468, %mul3A_474 : vector<16xf32>
      %swap3A_476 = arith.index_cast %scan3A_42 : i32 to index
      %swap3A_477 = arith.constant 368 : index
      %swap3A_478 = tpu.vector_load %arg8[%swap3A_476, %swap3A_477] {strides = array<i32>} : memref<64x768xf32, #tpu.memory_space<vmem>>, vector<1x16xf32>,
      %swap3A_479 = vector.shape_cast %swap3A_478 : vector<1x16xf32> to vector<16xf32>
      %swap3A_480 = vector.shape_cast %add3A_475 : vector<16xf32> to vector<1x16xf32>
      tpu.vector_store %arg8[%swap3A_476, %swap3A_477], %swap3A_480 {strides = array<i32>} : memref<64x768xf32, #tpu.memory_space<vmem>>, vector<1x16xf32>,
      %get3A_481 = arith.index_cast %scan3A_42 : i32 to index
      %get3A_482 = arith.constant 384 : index
      %get3A_483 = tpu.vector_load %arg8[%get3A_481, %get3A_482] {strides = array<i32>} : memref<64x768xf32, #tpu.memory_space<vmem>>, vector<1x16xf32>,
      %get3A_484 = vector.shape_cast %get3A_483 : vector<1x16xf32> to vector<16xf32>
      %mul3A_485 = vector.broadcast %squeeze3A : f32 to vector<16xf32>
      %mul3A_486 = arith.mulf %mul3A_485, %get3A_484 : vector<16xf32>
      %get3A_487 = arith.index_cast %scan3A_42 : i32 to index
      %get3A_488 = arith.constant 384 : index
      %get3A_489 = tpu.vector_load %arg9[%get3A_487, %get3A_488] {strides = array<i32>} : memref<64x768xf32, #tpu.memory_space<vmem>>, vector<1x16xf32>,
      %get3A_490 = vector.shape_cast %get3A_489 : vector<1x16xf32> to vector<16xf32>
      %mul3A_491 = vector.broadcast %squeeze3A_49 : f32 to vector<16xf32>
      %mul3A_492 = arith.mulf %mul3A_491, %get3A_490 : vector<16xf32>
      %add3A_493 = arith.addf %mul3A_486, %mul3A_492 : vector<16xf32>
      %swap3A_494 = arith.index_cast %scan3A_42 : i32 to index
      %swap3A_495 = arith.constant 384 : index
      %swap3A_496 = tpu.vector_load %arg8[%swap3A_494, %swap3A_495] {strides = array<i32>} : memref<64x768xf32, #tpu.memory_space<vmem>>, vector<1x16xf32>,
      %swap3A_497 = vector.shape_cast %swap3A_496 : vector<1x16xf32> to vector<16xf32>
      %swap3A_498 = vector.shape_cast %add3A_493 : vector<16xf32> to vector<1x16xf32>
      tpu.vector_store %arg8[%swap3A_494, %swap3A_495], %swap3A_498 {strides = array<i32>} : memref<64x768xf32, #tpu.memory_space<vmem>>, vector<1x16xf32>,
      %get3A_499 = arith.index_cast %scan3A_42 : i32 to index
      %get3A_500 = arith.constant 400 : index
      %get3A_501 = tpu.vector_load %arg8[%get3A_499, %get3A_500] {strides = array<i32>} : memref<64x768xf32, #tpu.memory_space<vmem>>, vector<1x16xf32>,
      %get3A_502 = vector.shape_cast %get3A_501 : vector<1x16xf32> to vector<16xf32>
      %mul3A_503 = vector.broadcast %squeeze3A : f32 to vector<16xf32>
      %mul3A_504 = arith.mulf %mul3A_503, %get3A_502 : vector<16xf32>
      %get3A_505 = arith.index_cast %scan3A_42 : i32 to index
      %get3A_506 = arith.constant 400 : index
      %get3A_507 = tpu.vector_load %arg9[%get3A_505, %get3A_506] {strides = array<i32>} : memref<64x768xf32, #tpu.memory_space<vmem>>, vector<1x16xf32>,
      %get3A_508 = vector.shape_cast %get3A_507 : vector<1x16xf32> to vector<16xf32>
      %mul3A_509 = vector.broadcast %squeeze3A_49 : f32 to vector<16xf32>
      %mul3A_510 = arith.mulf %mul3A_509, %get3A_508 : vector<16xf32>
      %add3A_511 = arith.addf %mul3A_504, %mul3A_510 : vector<16xf32>
      %swap3A_512 = arith.index_cast %scan3A_42 : i32 to index
      %swap3A_513 = arith.constant 400 : index
      %swap3A_514 = tpu.vector_load %arg8[%swap3A_512, %swap3A_513] {strides = array<i32>} : memref<64x768xf32, #tpu.memory_space<vmem>>, vector<1x16xf32>,
      %swap3A_515 = vector.shape_cast %swap3A_514 : vector<1x16xf32> to vector<16xf32>
      %swap3A_516 = vector.shape_cast %add3A_511 : vector<16xf32> to vector<1x16xf32>
      tpu.vector_store %arg8[%swap3A_512, %swap3A_513], %swap3A_516 {strides = array<i32>} : memref<64x768xf32, #tpu.memory_space<vmem>>, vector<1x16xf32>,
      %get3A_517 = arith.index_cast %scan3A_42 : i32 to index
      %get3A_518 = arith.constant 416 : index
      %get3A_519 = tpu.vector_load %arg8[%get3A_517, %get3A_518] {strides = array<i32>} : memref<64x768xf32, #tpu.memory_space<vmem>>, vector<1x16xf32>,
      %get3A_520 = vector.shape_cast %get3A_519 : vector<1x16xf32> to vector<16xf32>
      %mul3A_521 = vector.broadcast %squeeze3A : f32 to vector<16xf32>
      %mul3A_522 = arith.mulf %mul3A_521, %get3A_520 : vector<16xf32>
      %get3A_523 = arith.index_cast %scan3A_42 : i32 to index
      %get3A_524 = arith.constant 416 : index
      %get3A_525 = tpu.vector_load %arg9[%get3A_523, %get3A_524] {strides = array<i32>} : memref<64x768xf32, #tpu.memory_space<vmem>>, vector<1x16xf32>,
      %get3A_526 = vector.shape_cast %get3A_525 : vector<1x16xf32> to vector<16xf32>
      %mul3A_527 = vector.broadcast %squeeze3A_49 : f32 to vector<16xf32>
      %mul3A_528 = arith.mulf %mul3A_527, %get3A_526 : vector<16xf32>
      %add3A_529 = arith.addf %mul3A_522, %mul3A_528 : vector<16xf32>
      %swap3A_530 = arith.index_cast %scan3A_42 : i32 to index
      %swap3A_531 = arith.constant 416 : index
      %swap3A_532 = tpu.vector_load %arg8[%swap3A_530, %swap3A_531] {strides = array<i32>} : memref<64x768xf32, #tpu.memory_space<vmem>>, vector<1x16xf32>,
      %swap3A_533 = vector.shape_cast %swap3A_532 : vector<1x16xf32> to vector<16xf32>
      %swap3A_534 = vector.shape_cast %add3A_529 : vector<16xf32> to vector<1x16xf32>
      tpu.vector_store %arg8[%swap3A_530, %swap3A_531], %swap3A_534 {strides = array<i32>} : memref<64x768xf32, #tpu.memory_space<vmem>>, vector<1x16xf32>,
      %get3A_535 = arith.index_cast %scan3A_42 : i32 to index
      %get3A_536 = arith.constant 432 : index
      %get3A_537 = tpu.vector_load %arg8[%get3A_535, %get3A_536] {strides = array<i32>} : memref<64x768xf32, #tpu.memory_space<vmem>>, vector<1x16xf32>,
      %get3A_538 = vector.shape_cast %get3A_537 : vector<1x16xf32> to vector<16xf32>
      %mul3A_539 = vector.broadcast %squeeze3A : f32 to vector<16xf32>
      %mul3A_540 = arith.mulf %mul3A_539, %get3A_538 : vector<16xf32>
      %get3A_541 = arith.index_cast %scan3A_42 : i32 to index
      %get3A_542 = arith.constant 432 : index
      %get3A_543 = tpu.vector_load %arg9[%get3A_541, %get3A_542] {strides = array<i32>} : memref<64x768xf32, #tpu.memory_space<vmem>>, vector<1x16xf32>,
      %get3A_544 = vector.shape_cast %get3A_543 : vector<1x16xf32> to vector<16xf32>
      %mul3A_545 = vector.broadcast %squeeze3A_49 : f32 to vector<16xf32>
      %mul3A_546 = arith.mulf %mul3A_545, %get3A_544 : vector<16xf32>
      %add3A_547 = arith.addf %mul3A_540, %mul3A_546 : vector<16xf32>
      %swap3A_548 = arith.index_cast %scan3A_42 : i32 to index
      %swap3A_549 = arith.constant 432 : index
      %swap3A_550 = tpu.vector_load %arg8[%swap3A_548, %swap3A_549] {strides = array<i32>} : memref<64x768xf32, #tpu.memory_space<vmem>>, vector<1x16xf32>,
      %swap3A_551 = vector.shape_cast %swap3A_550 : vector<1x16xf32> to vector<16xf32>
      %swap3A_552 = vector.shape_cast %add3A_547 : vector<16xf32> to vector<1x16xf32>
      tpu.vector_store %arg8[%swap3A_548, %swap3A_549], %swap3A_552 {strides = array<i32>} : memref<64x768xf32, #tpu.memory_space<vmem>>, vector<1x16xf32>,
      %get3A_553 = arith.index_cast %scan3A_42 : i32 to index
      %get3A_554 = arith.constant 448 : index
      %get3A_555 = tpu.vector_load %arg8[%get3A_553, %get3A_554] {strides = array<i32>} : memref<64x768xf32, #tpu.memory_space<vmem>>, vector<1x16xf32>,
      %get3A_556 = vector.shape_cast %get3A_555 : vector<1x16xf32> to vector<16xf32>
      %mul3A_557 = vector.broadcast %squeeze3A : f32 to vector<16xf32>
      %mul3A_558 = arith.mulf %mul3A_557, %get3A_556 : vector<16xf32>
      %get3A_559 = arith.index_cast %scan3A_42 : i32 to index
      %get3A_560 = arith.constant 448 : index
      %get3A_561 = tpu.vector_load %arg9[%get3A_559, %get3A_560] {strides = array<i32>} : memref<64x768xf32, #tpu.memory_space<vmem>>, vector<1x16xf32>,
      %get3A_562 = vector.shape_cast %get3A_561 : vector<1x16xf32> to vector<16xf32>
      %mul3A_563 = vector.broadcast %squeeze3A_49 : f32 to vector<16xf32>
      %mul3A_564 = arith.mulf %mul3A_563, %get3A_562 : vector<16xf32>
      %add3A_565 = arith.addf %mul3A_558, %mul3A_564 : vector<16xf32>
      %swap3A_566 = arith.index_cast %scan3A_42 : i32 to index
      %swap3A_567 = arith.constant 448 : index
      %swap3A_568 = tpu.vector_load %arg8[%swap3A_566, %swap3A_567] {strides = array<i32>} : memref<64x768xf32, #tpu.memory_space<vmem>>, vector<1x16xf32>,
      %swap3A_569 = vector.shape_cast %swap3A_568 : vector<1x16xf32> to vector<16xf32>
      %swap3A_570 = vector.shape_cast %add3A_565 : vector<16xf32> to vector<1x16xf32>
      tpu.vector_store %arg8[%swap3A_566, %swap3A_567], %swap3A_570 {strides = array<i32>} : memref<64x768xf32, #tpu.memory_space<vmem>>, vector<1x16xf32>,
      %get3A_571 = arith.index_cast %scan3A_42 : i32 to index
      %get3A_572 = arith.constant 464 : index
      %get3A_573 = tpu.vector_load %arg8[%get3A_571, %get3A_572] {strides = array<i32>} : memref<64x768xf32, #tpu.memory_space<vmem>>, vector<1x16xf32>,
      %get3A_574 = vector.shape_cast %get3A_573 : vector<1x16xf32> to vector<16xf32>
      %mul3A_575 = vector.broadcast %squeeze3A : f32 to vector<16xf32>
      %mul3A_576 = arith.mulf %mul3A_575, %get3A_574 : vector<16xf32>
      %get3A_577 = arith.index_cast %scan3A_42 : i32 to index
      %get3A_578 = arith.constant 464 : index
      %get3A_579 = tpu.vector_load %arg9[%get3A_577, %get3A_578] {strides = array<i32>} : memref<64x768xf32, #tpu.memory_space<vmem>>, vector<1x16xf32>,
      %get3A_580 = vector.shape_cast %get3A_579 : vector<1x16xf32> to vector<16xf32>
      %mul3A_581 = vector.broadcast %squeeze3A_49 : f32 to vector<16xf32>
      %mul3A_582 = arith.mulf %mul3A_581, %get3A_580 : vector<16xf32>
      %add3A_583 = arith.addf %mul3A_576, %mul3A_582 : vector<16xf32>
      %swap3A_584 = arith.index_cast %scan3A_42 : i32 to index
      %swap3A_585 = arith.constant 464 : index
      %swap3A_586 = tpu.vector_load %arg8[%swap3A_584, %swap3A_585] {strides = array<i32>} : memref<64x768xf32, #tpu.memory_space<vmem>>, vector<1x16xf32>,
      %swap3A_587 = vector.shape_cast %swap3A_586 : vector<1x16xf32> to vector<16xf32>
      %swap3A_588 = vector.shape_cast %add3A_583 : vector<16xf32> to vector<1x16xf32>
      tpu.vector_store %arg8[%swap3A_584, %swap3A_585], %swap3A_588 {strides = array<i32>} : memref<64x768xf32, #tpu.memory_space<vmem>>, vector<1x16xf32>,
      %get3A_589 = arith.index_cast %scan3A_42 : i32 to index
      %get3A_590 = arith.constant 480 : index
      %get3A_591 = tpu.vector_load %arg8[%get3A_589, %get3A_590] {strides = array<i32>} : memref<64x768xf32, #tpu.memory_space<vmem>>, vector<1x16xf32>,
      %get3A_592 = vector.shape_cast %get3A_591 : vector<1x16xf32> to vector<16xf32>
      %mul3A_593 = vector.broadcast %squeeze3A : f32 to vector<16xf32>
      %mul3A_594 = arith.mulf %mul3A_593, %get3A_592 : vector<16xf32>
      %get3A_595 = arith.index_cast %scan3A_42 : i32 to index
      %get3A_596 = arith.constant 480 : index
      %get3A_597 = tpu.vector_load %arg9[%get3A_595, %get3A_596] {strides = array<i32>} : memref<64x768xf32, #tpu.memory_space<vmem>>, vector<1x16xf32>,
      %get3A_598 = vector.shape_cast %get3A_597 : vector<1x16xf32> to vector<16xf32>
      %mul3A_599 = vector.broadcast %squeeze3A_49 : f32 to vector<16xf32>
      %mul3A_600 = arith.mulf %mul3A_599, %get3A_598 : vector<16xf32>
      %add3A_601 = arith.addf %mul3A_594, %mul3A_600 : vector<16xf32>
      %swap3A_602 = arith.index_cast %scan3A_42 : i32 to index
      %swap3A_603 = arith.constant 480 : index
      %swap3A_604 = tpu.vector_load %arg8[%swap3A_602, %swap3A_603] {strides = array<i32>} : memref<64x768xf32, #tpu.memory_space<vmem>>, vector<1x16xf32>,
      %swap3A_605 = vector.shape_cast %swap3A_604 : vector<1x16xf32> to vector<16xf32>
      %swap3A_606 = vector.shape_cast %add3A_601 : vector<16xf32> to vector<1x16xf32>
      tpu.vector_store %arg8[%swap3A_602, %swap3A_603], %swap3A_606 {strides = array<i32>} : memref<64x768xf32, #tpu.memory_space<vmem>>, vector<1x16xf32>,
      %get3A_607 = arith.index_cast %scan3A_42 : i32 to index
      %get3A_608 = arith.constant 496 : index
      %get3A_609 = tpu.vector_load %arg8[%get3A_607, %get3A_608] {strides = array<i32>} : memref<64x768xf32, #tpu.memory_space<vmem>>, vector<1x16xf32>,
      %get3A_610 = vector.shape_cast %get3A_609 : vector<1x16xf32> to vector<16xf32>
      %mul3A_611 = vector.broadcast %squeeze3A : f32 to vector<16xf32>
      %mul3A_612 = arith.mulf %mul3A_611, %get3A_610 : vector<16xf32>
      %get3A_613 = arith.index_cast %scan3A_42 : i32 to index
      %get3A_614 = arith.constant 496 : index
      %get3A_615 = tpu.vector_load %arg9[%get3A_613, %get3A_614] {strides = array<i32>} : memref<64x768xf32, #tpu.memory_space<vmem>>, vector<1x16xf32>,
      %get3A_616 = vector.shape_cast %get3A_615 : vector<1x16xf32> to vector<16xf32>
      %mul3A_617 = vector.broadcast %squeeze3A_49 : f32 to vector<16xf32>
      %mul3A_618 = arith.mulf %mul3A_617, %get3A_616 : vector<16xf32>
      %add3A_619 = arith.addf %mul3A_612, %mul3A_618 : vector<16xf32>
      %swap3A_620 = arith.index_cast %scan3A_42 : i32 to index
      %swap3A_621 = arith.constant 496 : index
      %swap3A_622 = tpu.vector_load %arg8[%swap3A_620, %swap3A_621] {strides = array<i32>} : memref<64x768xf32, #tpu.memory_space<vmem>>, vector<1x16xf32>,
      %swap3A_623 = vector.shape_cast %swap3A_622 : vector<1x16xf32> to vector<16xf32>
      %swap3A_624 = vector.shape_cast %add3A_619 : vector<16xf32> to vector<1x16xf32>
      tpu.vector_store %arg8[%swap3A_620, %swap3A_621], %swap3A_624 {strides = array<i32>} : memref<64x768xf32, #tpu.memory_space<vmem>>, vector<1x16xf32>,
      %get3A_625 = arith.index_cast %scan3A_42 : i32 to index
      %get3A_626 = arith.constant 512 : index
      %get3A_627 = tpu.vector_load %arg8[%get3A_625, %get3A_626] {strides = array<i32>} : memref<64x768xf32, #tpu.memory_space<vmem>>, vector<1x16xf32>,
      %get3A_628 = vector.shape_cast %get3A_627 : vector<1x16xf32> to vector<16xf32>
      %mul3A_629 = vector.broadcast %squeeze3A : f32 to vector<16xf32>
      %mul3A_630 = arith.mulf %mul3A_629, %get3A_628 : vector<16xf32>
      %get3A_631 = arith.index_cast %scan3A_42 : i32 to index
      %get3A_632 = arith.constant 512 : index
      %get3A_633 = tpu.vector_load %arg9[%get3A_631, %get3A_632] {strides = array<i32>} : memref<64x768xf32, #tpu.memory_space<vmem>>, vector<1x16xf32>,
      %get3A_634 = vector.shape_cast %get3A_633 : vector<1x16xf32> to vector<16xf32>
      %mul3A_635 = vector.broadcast %squeeze3A_49 : f32 to vector<16xf32>
      %mul3A_636 = arith.mulf %mul3A_635, %get3A_634 : vector<16xf32>
      %add3A_637 = arith.addf %mul3A_630, %mul3A_636 : vector<16xf32>
      %swap3A_638 = arith.index_cast %scan3A_42 : i32 to index
      %swap3A_639 = arith.constant 512 : index
      %swap3A_640 = tpu.vector_load %arg8[%swap3A_638, %swap3A_639] {strides = array<i32>} : memref<64x768xf32, #tpu.memory_space<vmem>>, vector<1x16xf32>,
      %swap3A_641 = vector.shape_cast %swap3A_640 : vector<1x16xf32> to vector<16xf32>
      %swap3A_642 = vector.shape_cast %add3A_637 : vector<16xf32> to vector<1x16xf32>
      tpu.vector_store %arg8[%swap3A_638, %swap3A_639], %swap3A_642 {strides = array<i32>} : memref<64x768xf32, #tpu.memory_space<vmem>>, vector<1x16xf32>,
      %get3A_643 = arith.index_cast %scan3A_42 : i32 to index
      %get3A_644 = arith.constant 528 : index
      %get3A_645 = tpu.vector_load %arg8[%get3A_643, %get3A_644] {strides = array<i32>} : memref<64x768xf32, #tpu.memory_space<vmem>>, vector<1x16xf32>,
      %get3A_646 = vector.shape_cast %get3A_645 : vector<1x16xf32> to vector<16xf32>
      %mul3A_647 = vector.broadcast %squeeze3A : f32 to vector<16xf32>
      %mul3A_648 = arith.mulf %mul3A_647, %get3A_646 : vector<16xf32>
      %get3A_649 = arith.index_cast %scan3A_42 : i32 to index
      %get3A_650 = arith.constant 528 : index
      %get3A_651 = tpu.vector_load %arg9[%get3A_649, %get3A_650] {strides = array<i32>} : memref<64x768xf32, #tpu.memory_space<vmem>>, vector<1x16xf32>,
      %get3A_652 = vector.shape_cast %get3A_651 : vector<1x16xf32> to vector<16xf32>
      %mul3A_653 = vector.broadcast %squeeze3A_49 : f32 to vector<16xf32>
      %mul3A_654 = arith.mulf %mul3A_653, %get3A_652 : vector<16xf32>
      %add3A_655 = arith.addf %mul3A_648, %mul3A_654 : vector<16xf32>
      %swap3A_656 = arith.index_cast %scan3A_42 : i32 to index
      %swap3A_657 = arith.constant 528 : index
      %swap3A_658 = tpu.vector_load %arg8[%swap3A_656, %swap3A_657] {strides = array<i32>} : memref<64x768xf32, #tpu.memory_space<vmem>>, vector<1x16xf32>,
      %swap3A_659 = vector.shape_cast %swap3A_658 : vector<1x16xf32> to vector<16xf32>
      %swap3A_660 = vector.shape_cast %add3A_655 : vector<16xf32> to vector<1x16xf32>
      tpu.vector_store %arg8[%swap3A_656, %swap3A_657], %swap3A_660 {strides = array<i32>} : memref<64x768xf32, #tpu.memory_space<vmem>>, vector<1x16xf32>,
      %get3A_661 = arith.index_cast %scan3A_42 : i32 to index
      %get3A_662 = arith.constant 544 : index
      %get3A_663 = tpu.vector_load %arg8[%get3A_661, %get3A_662] {strides = array<i32>} : memref<64x768xf32, #tpu.memory_space<vmem>>, vector<1x16xf32>,
      %get3A_664 = vector.shape_cast %get3A_663 : vector<1x16xf32> to vector<16xf32>
      %mul3A_665 = vector.broadcast %squeeze3A : f32 to vector<16xf32>
      %mul3A_666 = arith.mulf %mul3A_665, %get3A_664 : vector<16xf32>
      %get3A_667 = arith.index_cast %scan3A_42 : i32 to index
      %get3A_668 = arith.constant 544 : index
      %get3A_669 = tpu.vector_load %arg9[%get3A_667, %get3A_668] {strides = array<i32>} : memref<64x768xf32, #tpu.memory_space<vmem>>, vector<1x16xf32>,
      %get3A_670 = vector.shape_cast %get3A_669 : vector<1x16xf32> to vector<16xf32>
      %mul3A_671 = vector.broadcast %squeeze3A_49 : f32 to vector<16xf32>
      %mul3A_672 = arith.mulf %mul3A_671, %get3A_670 : vector<16xf32>
      %add3A_673 = arith.addf %mul3A_666, %mul3A_672 : vector<16xf32>
      %swap3A_674 = arith.index_cast %scan3A_42 : i32 to index
      %swap3A_675 = arith.constant 544 : index
      %swap3A_676 = tpu.vector_load %arg8[%swap3A_674, %swap3A_675] {strides = array<i32>} : memref<64x768xf32, #tpu.memory_space<vmem>>, vector<1x16xf32>,
      %swap3A_677 = vector.shape_cast %swap3A_676 : vector<1x16xf32> to vector<16xf32>
      %swap3A_678 = vector.shape_cast %add3A_673 : vector<16xf32> to vector<1x16xf32>
      tpu.vector_store %arg8[%swap3A_674, %swap3A_675], %swap3A_678 {strides = array<i32>} : memref<64x768xf32, #tpu.memory_space<vmem>>, vector<1x16xf32>,
      %get3A_679 = arith.index_cast %scan3A_42 : i32 to index
      %get3A_680 = arith.constant 560 : index
      %get3A_681 = tpu.vector_load %arg8[%get3A_679, %get3A_680] {strides = array<i32>} : memref<64x768xf32, #tpu.memory_space<vmem>>, vector<1x16xf32>,
      %get3A_682 = vector.shape_cast %get3A_681 : vector<1x16xf32> to vector<16xf32>
      %mul3A_683 = vector.broadcast %squeeze3A : f32 to vector<16xf32>
      %mul3A_684 = arith.mulf %mul3A_683, %get3A_682 : vector<16xf32>
      %get3A_685 = arith.index_cast %scan3A_42 : i32 to index
      %get3A_686 = arith.constant 560 : index
      %get3A_687 = tpu.vector_load %arg9[%get3A_685, %get3A_686] {strides = array<i32>} : memref<64x768xf32, #tpu.memory_space<vmem>>, vector<1x16xf32>,
      %get3A_688 = vector.shape_cast %get3A_687 : vector<1x16xf32> to vector<16xf32>
      %mul3A_689 = vector.broadcast %squeeze3A_49 : f32 to vector<16xf32>
      %mul3A_690 = arith.mulf %mul3A_689, %get3A_688 : vector<16xf32>
      %add3A_691 = arith.addf %mul3A_684, %mul3A_690 : vector<16xf32>
      %swap3A_692 = arith.index_cast %scan3A_42 : i32 to index
      %swap3A_693 = arith.constant 560 : index
      %swap3A_694 = tpu.vector_load %arg8[%swap3A_692, %swap3A_693] {strides = array<i32>} : memref<64x768xf32, #tpu.memory_space<vmem>>, vector<1x16xf32>,
      %swap3A_695 = vector.shape_cast %swap3A_694 : vector<1x16xf32> to vector<16xf32>
      %swap3A_696 = vector.shape_cast %add3A_691 : vector<16xf32> to vector<1x16xf32>
      tpu.vector_store %arg8[%swap3A_692, %swap3A_693], %swap3A_696 {strides = array<i32>} : memref<64x768xf32, #tpu.memory_space<vmem>>, vector<1x16xf32>,
      %get3A_697 = arith.index_cast %scan3A_42 : i32 to index
      %get3A_698 = arith.constant 576 : index
      %get3A_699 = tpu.vector_load %arg8[%get3A_697, %get3A_698] {strides = array<i32>} : memref<64x768xf32, #tpu.memory_space<vmem>>, vector<1x16xf32>,
      %get3A_700 = vector.shape_cast %get3A_699 : vector<1x16xf32> to vector<16xf32>
      %mul3A_701 = vector.broadcast %squeeze3A : f32 to vector<16xf32>
      %mul3A_702 = arith.mulf %mul3A_701, %get3A_700 : vector<16xf32>
      %get3A_703 = arith.index_cast %scan3A_42 : i32 to index
      %get3A_704 = arith.constant 576 : index
      %get3A_705 = tpu.vector_load %arg9[%get3A_703, %get3A_704] {strides = array<i32>} : memref<64x768xf32, #tpu.memory_space<vmem>>, vector<1x16xf32>,
      %get3A_706 = vector.shape_cast %get3A_705 : vector<1x16xf32> to vector<16xf32>
      %mul3A_707 = vector.broadcast %squeeze3A_49 : f32 to vector<16xf32>
      %mul3A_708 = arith.mulf %mul3A_707, %get3A_706 : vector<16xf32>
      %add3A_709 = arith.addf %mul3A_702, %mul3A_708 : vector<16xf32>
      %swap3A_710 = arith.index_cast %scan3A_42 : i32 to index
      %swap3A_711 = arith.constant 576 : index
      %swap3A_712 = tpu.vector_load %arg8[%swap3A_710, %swap3A_711] {strides = array<i32>} : memref<64x768xf32, #tpu.memory_space<vmem>>, vector<1x16xf32>,
      %swap3A_713 = vector.shape_cast %swap3A_712 : vector<1x16xf32> to vector<16xf32>
      %swap3A_714 = vector.shape_cast %add3A_709 : vector<16xf32> to vector<1x16xf32>
      tpu.vector_store %arg8[%swap3A_710, %swap3A_711], %swap3A_714 {strides = array<i32>} : memref<64x768xf32, #tpu.memory_space<vmem>>, vector<1x16xf32>,
      %get3A_715 = arith.index_cast %scan3A_42 : i32 to index
      %get3A_716 = arith.constant 592 : index
      %get3A_717 = tpu.vector_load %arg8[%get3A_715, %get3A_716] {strides = array<i32>} : memref<64x768xf32, #tpu.memory_space<vmem>>, vector<1x16xf32>,
      %get3A_718 = vector.shape_cast %get3A_717 : vector<1x16xf32> to vector<16xf32>
      %mul3A_719 = vector.broadcast %squeeze3A : f32 to vector<16xf32>
      %mul3A_720 = arith.mulf %mul3A_719, %get3A_718 : vector<16xf32>
      %get3A_721 = arith.index_cast %scan3A_42 : i32 to index
      %get3A_722 = arith.constant 592 : index
      %get3A_723 = tpu.vector_load %arg9[%get3A_721, %get3A_722] {strides = array<i32>} : memref<64x768xf32, #tpu.memory_space<vmem>>, vector<1x16xf32>,
      %get3A_724 = vector.shape_cast %get3A_723 : vector<1x16xf32> to vector<16xf32>
      %mul3A_725 = vector.broadcast %squeeze3A_49 : f32 to vector<16xf32>
      %mul3A_726 = arith.mulf %mul3A_725, %get3A_724 : vector<16xf32>
      %add3A_727 = arith.addf %mul3A_720, %mul3A_726 : vector<16xf32>
      %swap3A_728 = arith.index_cast %scan3A_42 : i32 to index
      %swap3A_729 = arith.constant 592 : index
      %swap3A_730 = tpu.vector_load %arg8[%swap3A_728, %swap3A_729] {strides = array<i32>} : memref<64x768xf32, #tpu.memory_space<vmem>>, vector<1x16xf32>,
      %swap3A_731 = vector.shape_cast %swap3A_730 : vector<1x16xf32> to vector<16xf32>
      %swap3A_732 = vector.shape_cast %add3A_727 : vector<16xf32> to vector<1x16xf32>
      tpu.vector_store %arg8[%swap3A_728, %swap3A_729], %swap3A_732 {strides = array<i32>} : memref<64x768xf32, #tpu.memory_space<vmem>>, vector<1x16xf32>,
      %get3A_733 = arith.index_cast %scan3A_42 : i32 to index
      %get3A_734 = arith.constant 608 : index
      %get3A_735 = tpu.vector_load %arg8[%get3A_733, %get3A_734] {strides = array<i32>} : memref<64x768xf32, #tpu.memory_space<vmem>>, vector<1x16xf32>,
      %get3A_736 = vector.shape_cast %get3A_735 : vector<1x16xf32> to vector<16xf32>
      %mul3A_737 = vector.broadcast %squeeze3A : f32 to vector<16xf32>
      %mul3A_738 = arith.mulf %mul3A_737, %get3A_736 : vector<16xf32>
      %get3A_739 = arith.index_cast %scan3A_42 : i32 to index
      %get3A_740 = arith.constant 608 : index
      %get3A_741 = tpu.vector_load %arg9[%get3A_739, %get3A_740] {strides = array<i32>} : memref<64x768xf32, #tpu.memory_space<vmem>>, vector<1x16xf32>,
      %get3A_742 = vector.shape_cast %get3A_741 : vector<1x16xf32> to vector<16xf32>
      %mul3A_743 = vector.broadcast %squeeze3A_49 : f32 to vector<16xf32>
      %mul3A_744 = arith.mulf %mul3A_743, %get3A_742 : vector<16xf32>
      %add3A_745 = arith.addf %mul3A_738, %mul3A_744 : vector<16xf32>
      %swap3A_746 = arith.index_cast %scan3A_42 : i32 to index
      %swap3A_747 = arith.constant 608 : index
      %swap3A_748 = tpu.vector_load %arg8[%swap3A_746, %swap3A_747] {strides = array<i32>} : memref<64x768xf32, #tpu.memory_space<vmem>>, vector<1x16xf32>,
      %swap3A_749 = vector.shape_cast %swap3A_748 : vector<1x16xf32> to vector<16xf32>
      %swap3A_750 = vector.shape_cast %add3A_745 : vector<16xf32> to vector<1x16xf32>
      tpu.vector_store %arg8[%swap3A_746, %swap3A_747], %swap3A_750 {strides = array<i32>} : memref<64x768xf32, #tpu.memory_space<vmem>>, vector<1x16xf32>,
      %get3A_751 = arith.index_cast %scan3A_42 : i32 to index
      %get3A_752 = arith.constant 624 : index
      %get3A_753 = tpu.vector_load %arg8[%get3A_751, %get3A_752] {strides = array<i32>} : memref<64x768xf32, #tpu.memory_space<vmem>>, vector<1x16xf32>,
      %get3A_754 = vector.shape_cast %get3A_753 : vector<1x16xf32> to vector<16xf32>
      %mul3A_755 = vector.broadcast %squeeze3A : f32 to vector<16xf32>
      %mul3A_756 = arith.mulf %mul3A_755, %get3A_754 : vector<16xf32>
      %get3A_757 = arith.index_cast %scan3A_42 : i32 to index
      %get3A_758 = arith.constant 624 : index
      %get3A_759 = tpu.vector_load %arg9[%get3A_757, %get3A_758] {strides = array<i32>} : memref<64x768xf32, #tpu.memory_space<vmem>>, vector<1x16xf32>,
      %get3A_760 = vector.shape_cast %get3A_759 : vector<1x16xf32> to vector<16xf32>
      %mul3A_761 = vector.broadcast %squeeze3A_49 : f32 to vector<16xf32>
      %mul3A_762 = arith.mulf %mul3A_761, %get3A_760 : vector<16xf32>
      %add3A_763 = arith.addf %mul3A_756, %mul3A_762 : vector<16xf32>
      %swap3A_764 = arith.index_cast %scan3A_42 : i32 to index
      %swap3A_765 = arith.constant 624 : index
      %swap3A_766 = tpu.vector_load %arg8[%swap3A_764, %swap3A_765] {strides = array<i32>} : memref<64x768xf32, #tpu.memory_space<vmem>>, vector<1x16xf32>,
      %swap3A_767 = vector.shape_cast %swap3A_766 : vector<1x16xf32> to vector<16xf32>
      %swap3A_768 = vector.shape_cast %add3A_763 : vector<16xf32> to vector<1x16xf32>
      tpu.vector_store %arg8[%swap3A_764, %swap3A_765], %swap3A_768 {strides = array<i32>} : memref<64x768xf32, #tpu.memory_space<vmem>>, vector<1x16xf32>,
      %get3A_769 = arith.index_cast %scan3A_42 : i32 to index
      %get3A_770 = arith.constant 640 : index
      %get3A_771 = tpu.vector_load %arg8[%get3A_769, %get3A_770] {strides = array<i32>} : memref<64x768xf32, #tpu.memory_space<vmem>>, vector<1x16xf32>,
      %get3A_772 = vector.shape_cast %get3A_771 : vector<1x16xf32> to vector<16xf32>
      %mul3A_773 = vector.broadcast %squeeze3A : f32 to vector<16xf32>
      %mul3A_774 = arith.mulf %mul3A_773, %get3A_772 : vector<16xf32>
      %get3A_775 = arith.index_cast %scan3A_42 : i32 to index
      %get3A_776 = arith.constant 640 : index
      %get3A_777 = tpu.vector_load %arg9[%get3A_775, %get3A_776] {strides = array<i32>} : memref<64x768xf32, #tpu.memory_space<vmem>>, vector<1x16xf32>,
      %get3A_778 = vector.shape_cast %get3A_777 : vector<1x16xf32> to vector<16xf32>
      %mul3A_779 = vector.broadcast %squeeze3A_49 : f32 to vector<16xf32>
      %mul3A_780 = arith.mulf %mul3A_779, %get3A_778 : vector<16xf32>
      %add3A_781 = arith.addf %mul3A_774, %mul3A_780 : vector<16xf32>
      %swap3A_782 = arith.index_cast %scan3A_42 : i32 to index
      %swap3A_783 = arith.constant 640 : index
      %swap3A_784 = tpu.vector_load %arg8[%swap3A_782, %swap3A_783] {strides = array<i32>} : memref<64x768xf32, #tpu.memory_space<vmem>>, vector<1x16xf32>,
      %swap3A_785 = vector.shape_cast %swap3A_784 : vector<1x16xf32> to vector<16xf32>
      %swap3A_786 = vector.shape_cast %add3A_781 : vector<16xf32> to vector<1x16xf32>
      tpu.vector_store %arg8[%swap3A_782, %swap3A_783], %swap3A_786 {strides = array<i32>} : memref<64x768xf32, #tpu.memory_space<vmem>>, vector<1x16xf32>,
      %get3A_787 = arith.index_cast %scan3A_42 : i32 to index
      %get3A_788 = arith.constant 656 : index
      %get3A_789 = tpu.vector_load %arg8[%get3A_787, %get3A_788] {strides = array<i32>} : memref<64x768xf32, #tpu.memory_space<vmem>>, vector<1x16xf32>,
      %get3A_790 = vector.shape_cast %get3A_789 : vector<1x16xf32> to vector<16xf32>
      %mul3A_791 = vector.broadcast %squeeze3A : f32 to vector<16xf32>
      %mul3A_792 = arith.mulf %mul3A_791, %get3A_790 : vector<16xf32>
      %get3A_793 = arith.index_cast %scan3A_42 : i32 to index
      %get3A_794 = arith.constant 656 : index
      %get3A_795 = tpu.vector_load %arg9[%get3A_793, %get3A_794] {strides = array<i32>} : memref<64x768xf32, #tpu.memory_space<vmem>>, vector<1x16xf32>,
      %get3A_796 = vector.shape_cast %get3A_795 : vector<1x16xf32> to vector<16xf32>
      %mul3A_797 = vector.broadcast %squeeze3A_49 : f32 to vector<16xf32>
      %mul3A_798 = arith.mulf %mul3A_797, %get3A_796 : vector<16xf32>
      %add3A_799 = arith.addf %mul3A_792, %mul3A_798 : vector<16xf32>
      %swap3A_800 = arith.index_cast %scan3A_42 : i32 to index
      %swap3A_801 = arith.constant 656 : index
      %swap3A_802 = tpu.vector_load %arg8[%swap3A_800, %swap3A_801] {strides = array<i32>} : memref<64x768xf32, #tpu.memory_space<vmem>>, vector<1x16xf32>,
      %swap3A_803 = vector.shape_cast %swap3A_802 : vector<1x16xf32> to vector<16xf32>
      %swap3A_804 = vector.shape_cast %add3A_799 : vector<16xf32> to vector<1x16xf32>
      tpu.vector_store %arg8[%swap3A_800, %swap3A_801], %swap3A_804 {strides = array<i32>} : memref<64x768xf32, #tpu.memory_space<vmem>>, vector<1x16xf32>,
      %get3A_805 = arith.index_cast %scan3A_42 : i32 to index
      %get3A_806 = arith.constant 672 : index
      %get3A_807 = tpu.vector_load %arg8[%get3A_805, %get3A_806] {strides = array<i32>} : memref<64x768xf32, #tpu.memory_space<vmem>>, vector<1x16xf32>,
      %get3A_808 = vector.shape_cast %get3A_807 : vector<1x16xf32> to vector<16xf32>
      %mul3A_809 = vector.broadcast %squeeze3A : f32 to vector<16xf32>
      %mul3A_810 = arith.mulf %mul3A_809, %get3A_808 : vector<16xf32>
      %get3A_811 = arith.index_cast %scan3A_42 : i32 to index
      %get3A_812 = arith.constant 672 : index
      %get3A_813 = tpu.vector_load %arg9[%get3A_811, %get3A_812] {strides = array<i32>} : memref<64x768xf32, #tpu.memory_space<vmem>>, vector<1x16xf32>,
      %get3A_814 = vector.shape_cast %get3A_813 : vector<1x16xf32> to vector<16xf32>
      %mul3A_815 = vector.broadcast %squeeze3A_49 : f32 to vector<16xf32>
      %mul3A_816 = arith.mulf %mul3A_815, %get3A_814 : vector<16xf32>
      %add3A_817 = arith.addf %mul3A_810, %mul3A_816 : vector<16xf32>
      %swap3A_818 = arith.index_cast %scan3A_42 : i32 to index
      %swap3A_819 = arith.constant 672 : index
      %swap3A_820 = tpu.vector_load %arg8[%swap3A_818, %swap3A_819] {strides = array<i32>} : memref<64x768xf32, #tpu.memory_space<vmem>>, vector<1x16xf32>,
      %swap3A_821 = vector.shape_cast %swap3A_820 : vector<1x16xf32> to vector<16xf32>
      %swap3A_822 = vector.shape_cast %add3A_817 : vector<16xf32> to vector<1x16xf32>
      tpu.vector_store %arg8[%swap3A_818, %swap3A_819], %swap3A_822 {strides = array<i32>} : memref<64x768xf32, #tpu.memory_space<vmem>>, vector<1x16xf32>,
      %get3A_823 = arith.index_cast %scan3A_42 : i32 to index
      %get3A_824 = arith.constant 688 : index
      %get3A_825 = tpu.vector_load %arg8[%get3A_823, %get3A_824] {strides = array<i32>} : memref<64x768xf32, #tpu.memory_space<vmem>>, vector<1x16xf32>,
      %get3A_826 = vector.shape_cast %get3A_825 : vector<1x16xf32> to vector<16xf32>
      %mul3A_827 = vector.broadcast %squeeze3A : f32 to vector<16xf32>
      %mul3A_828 = arith.mulf %mul3A_827, %get3A_826 : vector<16xf32>
      %get3A_829 = arith.index_cast %scan3A_42 : i32 to index
      %get3A_830 = arith.constant 688 : index
      %get3A_831 = tpu.vector_load %arg9[%get3A_829, %get3A_830] {strides = array<i32>} : memref<64x768xf32, #tpu.memory_space<vmem>>, vector<1x16xf32>,
      %get3A_832 = vector.shape_cast %get3A_831 : vector<1x16xf32> to vector<16xf32>
      %mul3A_833 = vector.broadcast %squeeze3A_49 : f32 to vector<16xf32>
      %mul3A_834 = arith.mulf %mul3A_833, %get3A_832 : vector<16xf32>
      %add3A_835 = arith.addf %mul3A_828, %mul3A_834 : vector<16xf32>
      %swap3A_836 = arith.index_cast %scan3A_42 : i32 to index
      %swap3A_837 = arith.constant 688 : index
      %swap3A_838 = tpu.vector_load %arg8[%swap3A_836, %swap3A_837] {strides = array<i32>} : memref<64x768xf32, #tpu.memory_space<vmem>>, vector<1x16xf32>,
      %swap3A_839 = vector.shape_cast %swap3A_838 : vector<1x16xf32> to vector<16xf32>
      %swap3A_840 = vector.shape_cast %add3A_835 : vector<16xf32> to vector<1x16xf32>
      tpu.vector_store %arg8[%swap3A_836, %swap3A_837], %swap3A_840 {strides = array<i32>} : memref<64x768xf32, #tpu.memory_space<vmem>>, vector<1x16xf32>,
      %get3A_841 = arith.index_cast %scan3A_42 : i32 to index
      %get3A_842 = arith.constant 704 : index
      %get3A_843 = tpu.vector_load %arg8[%get3A_841, %get3A_842] {strides = array<i32>} : memref<64x768xf32, #tpu.memory_space<vmem>>, vector<1x16xf32>,
      %get3A_844 = vector.shape_cast %get3A_843 : vector<1x16xf32> to vector<16xf32>
      %mul3A_845 = vector.broadcast %squeeze3A : f32 to vector<16xf32>
      %mul3A_846 = arith.mulf %mul3A_845, %get3A_844 : vector<16xf32>
      %get3A_847 = arith.index_cast %scan3A_42 : i32 to index
      %get3A_848 = arith.constant 704 : index
      %get3A_849 = tpu.vector_load %arg9[%get3A_847, %get3A_848] {strides = array<i32>} : memref<64x768xf32, #tpu.memory_space<vmem>>, vector<1x16xf32>,
      %get3A_850 = vector.shape_cast %get3A_849 : vector<1x16xf32> to vector<16xf32>
      %mul3A_851 = vector.broadcast %squeeze3A_49 : f32 to vector<16xf32>
      %mul3A_852 = arith.mulf %mul3A_851, %get3A_850 : vector<16xf32>
      %add3A_853 = arith.addf %mul3A_846, %mul3A_852 : vector<16xf32>
      %swap3A_854 = arith.index_cast %scan3A_42 : i32 to index
      %swap3A_855 = arith.constant 704 : index
      %swap3A_856 = tpu.vector_load %arg8[%swap3A_854, %swap3A_855] {strides = array<i32>} : memref<64x768xf32, #tpu.memory_space<vmem>>, vector<1x16xf32>,
      %swap3A_857 = vector.shape_cast %swap3A_856 : vector<1x16xf32> to vector<16xf32>
      %swap3A_858 = vector.shape_cast %add3A_853 : vector<16xf32> to vector<1x16xf32>
      tpu.vector_store %arg8[%swap3A_854, %swap3A_855], %swap3A_858 {strides = array<i32>} : memref<64x768xf32, #tpu.memory_space<vmem>>, vector<1x16xf32>,
      %get3A_859 = arith.index_cast %scan3A_42 : i32 to index
      %get3A_860 = arith.constant 720 : index
      %get3A_861 = tpu.vector_load %arg8[%get3A_859, %get3A_860] {strides = array<i32>} : memref<64x768xf32, #tpu.memory_space<vmem>>, vector<1x16xf32>,
      %get3A_862 = vector.shape_cast %get3A_861 : vector<1x16xf32> to vector<16xf32>
      %mul3A_863 = vector.broadcast %squeeze3A : f32 to vector<16xf32>
      %mul3A_864 = arith.mulf %mul3A_863, %get3A_862 : vector<16xf32>
      %get3A_865 = arith.index_cast %scan3A_42 : i32 to index
      %get3A_866 = arith.constant 720 : index
      %get3A_867 = tpu.vector_load %arg9[%get3A_865, %get3A_866] {strides = array<i32>} : memref<64x768xf32, #tpu.memory_space<vmem>>, vector<1x16xf32>,
      %get3A_868 = vector.shape_cast %get3A_867 : vector<1x16xf32> to vector<16xf32>
      %mul3A_869 = vector.broadcast %squeeze3A_49 : f32 to vector<16xf32>
      %mul3A_870 = arith.mulf %mul3A_869, %get3A_868 : vector<16xf32>
      %add3A_871 = arith.addf %mul3A_864, %mul3A_870 : vector<16xf32>
      %swap3A_872 = arith.index_cast %scan3A_42 : i32 to index
      %swap3A_873 = arith.constant 720 : index
      %swap3A_874 = tpu.vector_load %arg8[%swap3A_872, %swap3A_873] {strides = array<i32>} : memref<64x768xf32, #tpu.memory_space<vmem>>, vector<1x16xf32>,
      %swap3A_875 = vector.shape_cast %swap3A_874 : vector<1x16xf32> to vector<16xf32>
      %swap3A_876 = vector.shape_cast %add3A_871 : vector<16xf32> to vector<1x16xf32>
      tpu.vector_store %arg8[%swap3A_872, %swap3A_873], %swap3A_876 {strides = array<i32>} : memref<64x768xf32, #tpu.memory_space<vmem>>, vector<1x16xf32>,
      %get3A_877 = arith.index_cast %scan3A_42 : i32 to index
      %get3A_878 = arith.constant 736 : index
      %get3A_879 = tpu.vector_load %arg8[%get3A_877, %get3A_878] {strides = array<i32>} : memref<64x768xf32, #tpu.memory_space<vmem>>, vector<1x16xf32>,
      %get3A_880 = vector.shape_cast %get3A_879 : vector<1x16xf32> to vector<16xf32>
      %mul3A_881 = vector.broadcast %squeeze3A : f32 to vector<16xf32>
      %mul3A_882 = arith.mulf %mul3A_881, %get3A_880 : vector<16xf32>
      %get3A_883 = arith.index_cast %scan3A_42 : i32 to index
      %get3A_884 = arith.constant 736 : index
      %get3A_885 = tpu.vector_load %arg9[%get3A_883, %get3A_884] {strides = array<i32>} : memref<64x768xf32, #tpu.memory_space<vmem>>, vector<1x16xf32>,
      %get3A_886 = vector.shape_cast %get3A_885 : vector<1x16xf32> to vector<16xf32>
      %mul3A_887 = vector.broadcast %squeeze3A_49 : f32 to vector<16xf32>
      %mul3A_888 = arith.mulf %mul3A_887, %get3A_886 : vector<16xf32>
      %add3A_889 = arith.addf %mul3A_882, %mul3A_888 : vector<16xf32>
      %swap3A_890 = arith.index_cast %scan3A_42 : i32 to index
      %swap3A_891 = arith.constant 736 : index
      %swap3A_892 = tpu.vector_load %arg8[%swap3A_890, %swap3A_891] {strides = array<i32>} : memref<64x768xf32, #tpu.memory_space<vmem>>, vector<1x16xf32>,
      %swap3A_893 = vector.shape_cast %swap3A_892 : vector<1x16xf32> to vector<16xf32>
      %swap3A_894 = vector.shape_cast %add3A_889 : vector<16xf32> to vector<1x16xf32>
      tpu.vector_store %arg8[%swap3A_890, %swap3A_891], %swap3A_894 {strides = array<i32>} : memref<64x768xf32, #tpu.memory_space<vmem>>, vector<1x16xf32>,
      %get3A_895 = arith.index_cast %scan3A_42 : i32 to index
      %get3A_896 = arith.constant 752 : index
      %get3A_897 = tpu.vector_load %arg8[%get3A_895, %get3A_896] {strides = array<i32>} : memref<64x768xf32, #tpu.memory_space<vmem>>, vector<1x16xf32>,
      %get3A_898 = vector.shape_cast %get3A_897 : vector<1x16xf32> to vector<16xf32>
      %mul3A_899 = vector.broadcast %squeeze3A : f32 to vector<16xf32>
      %mul3A_900 = arith.mulf %mul3A_899, %get3A_898 : vector<16xf32>
      %get3A_901 = arith.index_cast %scan3A_42 : i32 to index
      %get3A_902 = arith.constant 752 : index
      %get3A_903 = tpu.vector_load %arg9[%get3A_901, %get3A_902] {strides = array<i32>} : memref<64x768xf32, #tpu.memory_space<vmem>>, vector<1x16xf32>,
      %get3A_904 = vector.shape_cast %get3A_903 : vector<1x16xf32> to vector<16xf32>
      %mul3A_905 = vector.broadcast %squeeze3A_49 : f32 to vector<16xf32>
      %mul3A_906 = arith.mulf %mul3A_905, %get3A_904 : vector<16xf32>
      %add3A_907 = arith.addf %mul3A_900, %mul3A_906 : vector<16xf32>
      %swap3A_908 = arith.index_cast %scan3A_42 : i32 to index
      %swap3A_909 = arith.constant 752 : index
      %swap3A_910 = tpu.vector_load %arg8[%swap3A_908, %swap3A_909] {strides = array<i32>} : memref<64x768xf32, #tpu.memory_space<vmem>>, vector<1x16xf32>,
      %swap3A_911 = vector.shape_cast %swap3A_910 : vector<1x16xf32> to vector<16xf32>
      %swap3A_912 = vector.shape_cast %add3A_907 : vector<16xf32> to vector<1x16xf32>
      tpu.vector_store %arg8[%swap3A_908, %swap3A_909], %swap3A_912 {strides = array<i32>} : memref<64x768xf32, #tpu.memory_space<vmem>>, vector<1x16xf32>,
    }
    %scan3A_41 = arith.constant 64 : i32
    "tpu.region"() ({
      %run_scoped3A = tpu.sem_alloc : memref<!tpu.dma_semaphore, #tpu.memory_space<semaphore_mem>>
      %dma_start3A_42 = arith.constant 0 : i32
      %dma_start3A_43 = tpu.memref_slice %arg7[%add3A_23, %dma_start3A_42] : memref<4096x768xf32, #tpu.memory_space<hbm>> -> memref<64x768xf32, #tpu.memory_space<hbm>>
      %dma_start3A_44 = arith.constant 0 : i32
      %dma_start3A_45 = tpu.memref_slice %arg7[%add3A_23, %dma_start3A_44] : memref<4096x768xf32, #tpu.memory_space<hbm>> -> memref<64x768xf32, #tpu.memory_space<hbm>>
      tpu.enqueue_dma source(%arg8 : memref<64x768xf32, #tpu.memory_space<vmem>>) target(%dma_start3A_45 : memref<64x768xf32, #tpu.memory_space<hbm>>) target_semaphore(%run_scoped3A : memref<!tpu.dma_semaphore, #tpu.memory_space<semaphore_mem>>)
      %dma_wait3A_46 = arith.constant 0 : i32
      %dma_wait3A_47 = tpu.memref_slice %arg7[%add3A_23, %dma_wait3A_46] : memref<4096x768xf32, #tpu.memory_space<hbm>> -> memref<64x768xf32, #tpu.memory_space<hbm>>
      %dma_wait3A_48 = arith.constant 0 : i32
      %dma_wait3A_49 = tpu.memref_slice %arg7[%add3A_23, %dma_wait3A_48] : memref<4096x768xf32, #tpu.memory_space<hbm>> -> memref<64x768xf32, #tpu.memory_space<hbm>>
      tpu.wait_dma2 semaphore(%run_scoped3A : memref<!tpu.dma_semaphore, #tpu.memory_space<semaphore_mem>>) src(%arg8 : memref<64x768xf32, #tpu.memory_space<vmem>>) dst(%dma_wait3A_49 : memref<64x768xf32, #tpu.memory_space<hbm>>)
      tpu.yield
    }) : () -> ()
    return
  }
}

module attributes {stable_mosaic.version = 14 : i64} {
  func.func @_ffn_body(%arg0: i32, %arg1: memref<1xi32, #tpu.memory_space<smem>>, %arg2: memref<6x47xi32, #tpu.memory_space<smem>>, %arg3: memref<256x768xf32, #tpu.memory_space<vmem>>, %arg4: memref<16x768x2048xf32, #tpu.memory_space<hbm>>, %arg5: memref<16x768x2048xf32, #tpu.memory_space<hbm>>, %arg6: memref<16x2048x768xf32, #tpu.memory_space<hbm>>, %arg7: memref<256x768xf32, #tpu.memory_space<vmem>>, %arg8: memref<2x768x2048xf32, #tpu.memory_space<vmem>>, %arg9: memref<2x768x2048xf32, #tpu.memory_space<vmem>>, %arg10: memref<2x2048x768xf32, #tpu.memory_space<vmem>>, %arg11: memref<2x!tpu.dma_semaphore, #tpu.memory_space<semaphore_mem>>, %arg12: memref<2x!tpu.dma_semaphore, #tpu.memory_space<semaphore_mem>>, %arg13: memref<2x!tpu.dma_semaphore, #tpu.memory_space<semaphore_mem>>) attributes {dimension_semantics = [#tpu.dimension_semantics<arbitrary>], iteration_bounds = array<i64: 47>, scalar_prefetch = 2 : i64, scratch_operands = 6 : i64, tpu.core_type = #tpu.core_type<tc>, window_params = [{transform_indices = @transform_0, window_bounds = array<i64: 256, 768>}, {}, {}, {}, {transform_indices = @transform_4, window_bounds = array<i64: 256, 768>}]} {
    %get3A = arith.constant 2 : index
    %get3A_0 = arith.index_cast %arg0 : i32 to index
    %get3A_1 = memref.load %arg2[%get3A, %get3A_0] : memref<6x47xi32, #tpu.memory_space<smem>>
    %eq3A = arith.constant 0 : i32
    %eq3A_2 = arith.cmpi eq, %arg0, %eq3A : i32
    %convert_element_type3A = arith.extui %eq3A_2 : i1 to i32
    %cond3A = arith.constant 0 : i32
    %cond3A_3 = arith.cmpi ne, %convert_element_type3A, %cond3A : i32
    scf.if %cond3A_3 {
      %get3A_25 = arith.constant 0 : index
      %get3A_26 = arith.constant 0 : index
      %get3A_27 = memref.load %arg2[%get3A_25, %get3A_26] : memref<6x47xi32, #tpu.memory_space<smem>>
      %dma_start3A = tpu.memref_slice %arg11[%get3A_1] : memref<2x!tpu.dma_semaphore, #tpu.memory_space<semaphore_mem>> -> memref<1x!tpu.dma_semaphore, #tpu.memory_space<semaphore_mem>>
      %dma_start3A_28 = tpu.memref_squeeze %dma_start3A : memref<1x!tpu.dma_semaphore, #tpu.memory_space<semaphore_mem>> -> memref<!tpu.dma_semaphore, #tpu.memory_space<semaphore_mem>>
      %dma_start3A_29 = arith.constant 0 : i32
      %dma_start3A_30 = arith.constant 0 : i32
      %dma_start3A_31 = tpu.memref_slice %arg8[%get3A_1, %dma_start3A_29, %dma_start3A_30] : memref<2x768x2048xf32, #tpu.memory_space<vmem>> -> memref<1x768x2048xf32, #tpu.memory_space<vmem>>
      %dma_start3A_32 = tpu.memref_squeeze %dma_start3A_31 : memref<1x768x2048xf32, #tpu.memory_space<vmem>> -> memref<768x2048xf32, #tpu.memory_space<vmem>>
      %dma_start3A_33 = arith.constant 0 : i32
      %dma_start3A_34 = arith.constant 0 : i32
      %dma_start3A_35 = tpu.memref_slice %arg4[%get3A_27, %dma_start3A_33, %dma_start3A_34] : memref<16x768x2048xf32, #tpu.memory_space<hbm>> -> memref<1x768x2048xf32, #tpu.memory_space<hbm>>
      %dma_start3A_36 = tpu.memref_squeeze %dma_start3A_35 : memref<1x768x2048xf32, #tpu.memory_space<hbm>> -> memref<768x2048xf32, #tpu.memory_space<hbm>>
      tpu.enqueue_dma source(%dma_start3A_36 : memref<768x2048xf32, #tpu.memory_space<hbm>>) target(%dma_start3A_32 : memref<768x2048xf32, #tpu.memory_space<vmem>>) target_semaphore(%dma_start3A_28 : memref<!tpu.dma_semaphore, #tpu.memory_space<semaphore_mem>>)
      %dma_start3A_37 = tpu.memref_slice %arg12[%get3A_1] : memref<2x!tpu.dma_semaphore, #tpu.memory_space<semaphore_mem>> -> memref<1x!tpu.dma_semaphore, #tpu.memory_space<semaphore_mem>>
      %dma_start3A_38 = tpu.memref_squeeze %dma_start3A_37 : memref<1x!tpu.dma_semaphore, #tpu.memory_space<semaphore_mem>> -> memref<!tpu.dma_semaphore, #tpu.memory_space<semaphore_mem>>
      %dma_start3A_39 = arith.constant 0 : i32
      %dma_start3A_40 = arith.constant 0 : i32
      %dma_start3A_41 = tpu.memref_slice %arg9[%get3A_1, %dma_start3A_39, %dma_start3A_40] : memref<2x768x2048xf32, #tpu.memory_space<vmem>> -> memref<1x768x2048xf32, #tpu.memory_space<vmem>>
      %dma_start3A_42 = tpu.memref_squeeze %dma_start3A_41 : memref<1x768x2048xf32, #tpu.memory_space<vmem>> -> memref<768x2048xf32, #tpu.memory_space<vmem>>
      %dma_start3A_43 = arith.constant 0 : i32
      %dma_start3A_44 = arith.constant 0 : i32
      %dma_start3A_45 = tpu.memref_slice %arg5[%get3A_27, %dma_start3A_43, %dma_start3A_44] : memref<16x768x2048xf32, #tpu.memory_space<hbm>> -> memref<1x768x2048xf32, #tpu.memory_space<hbm>>
      %dma_start3A_46 = tpu.memref_squeeze %dma_start3A_45 : memref<1x768x2048xf32, #tpu.memory_space<hbm>> -> memref<768x2048xf32, #tpu.memory_space<hbm>>
      tpu.enqueue_dma source(%dma_start3A_46 : memref<768x2048xf32, #tpu.memory_space<hbm>>) target(%dma_start3A_42 : memref<768x2048xf32, #tpu.memory_space<vmem>>) target_semaphore(%dma_start3A_38 : memref<!tpu.dma_semaphore, #tpu.memory_space<semaphore_mem>>)
      %dma_start3A_47 = tpu.memref_slice %arg13[%get3A_1] : memref<2x!tpu.dma_semaphore, #tpu.memory_space<semaphore_mem>> -> memref<1x!tpu.dma_semaphore, #tpu.memory_space<semaphore_mem>>
      %dma_start3A_48 = tpu.memref_squeeze %dma_start3A_47 : memref<1x!tpu.dma_semaphore, #tpu.memory_space<semaphore_mem>> -> memref<!tpu.dma_semaphore, #tpu.memory_space<semaphore_mem>>
      %dma_start3A_49 = arith.constant 0 : i32
      %dma_start3A_50 = arith.constant 0 : i32
      %dma_start3A_51 = tpu.memref_slice %arg10[%get3A_1, %dma_start3A_49, %dma_start3A_50] : memref<2x2048x768xf32, #tpu.memory_space<vmem>> -> memref<1x2048x768xf32, #tpu.memory_space<vmem>>
      %dma_start3A_52 = tpu.memref_squeeze %dma_start3A_51 : memref<1x2048x768xf32, #tpu.memory_space<vmem>> -> memref<2048x768xf32, #tpu.memory_space<vmem>>
      %dma_start3A_53 = arith.constant 0 : i32
      %dma_start3A_54 = arith.constant 0 : i32
      %dma_start3A_55 = tpu.memref_slice %arg6[%get3A_27, %dma_start3A_53, %dma_start3A_54] : memref<16x2048x768xf32, #tpu.memory_space<hbm>> -> memref<1x2048x768xf32, #tpu.memory_space<hbm>>
      %dma_start3A_56 = tpu.memref_squeeze %dma_start3A_55 : memref<1x2048x768xf32, #tpu.memory_space<hbm>> -> memref<2048x768xf32, #tpu.memory_space<hbm>>
      tpu.enqueue_dma source(%dma_start3A_56 : memref<2048x768xf32, #tpu.memory_space<hbm>>) target(%dma_start3A_52 : memref<2048x768xf32, #tpu.memory_space<vmem>>) target_semaphore(%dma_start3A_48 : memref<!tpu.dma_semaphore, #tpu.memory_space<semaphore_mem>>)
    } else {
    }
    %get3A_4 = arith.constant 3 : index
    %get3A_5 = arith.index_cast %arg0 : i32 to index
    %get3A_6 = memref.load %arg2[%get3A_4, %get3A_5] : memref<6x47xi32, #tpu.memory_space<smem>>
    %eq3A_7 = arith.constant 1 : i32
    %eq3A_8 = arith.cmpi eq, %get3A_6, %eq3A_7 : i32
    %convert_element_type3A_9 = arith.extui %eq3A_8 : i1 to i32
    %cond3A_10 = arith.constant 0 : i32
    %cond3A_11 = arith.cmpi ne, %convert_element_type3A_9, %cond3A_10 : i32
    scf.if %cond3A_11 {
      %get3A_25 = arith.constant 4 : index
      %get3A_26 = arith.index_cast %arg0 : i32 to index
      %get3A_27 = memref.load %arg2[%get3A_25, %get3A_26] : memref<6x47xi32, #tpu.memory_space<smem>>
      %get3A_28 = arith.constant 5 : index
      %get3A_29 = arith.index_cast %arg0 : i32 to index
      %get3A_30 = memref.load %arg2[%get3A_28, %get3A_29] : memref<6x47xi32, #tpu.memory_space<smem>>
      %dma_start3A = tpu.memref_slice %arg11[%get3A_30] : memref<2x!tpu.dma_semaphore, #tpu.memory_space<semaphore_mem>> -> memref<1x!tpu.dma_semaphore, #tpu.memory_space<semaphore_mem>>
      %dma_start3A_31 = tpu.memref_squeeze %dma_start3A : memref<1x!tpu.dma_semaphore, #tpu.memory_space<semaphore_mem>> -> memref<!tpu.dma_semaphore, #tpu.memory_space<semaphore_mem>>
      %dma_start3A_32 = arith.constant 0 : i32
      %dma_start3A_33 = arith.constant 0 : i32
      %dma_start3A_34 = tpu.memref_slice %arg8[%get3A_30, %dma_start3A_32, %dma_start3A_33] : memref<2x768x2048xf32, #tpu.memory_space<vmem>> -> memref<1x768x2048xf32, #tpu.memory_space<vmem>>
      %dma_start3A_35 = tpu.memref_squeeze %dma_start3A_34 : memref<1x768x2048xf32, #tpu.memory_space<vmem>> -> memref<768x2048xf32, #tpu.memory_space<vmem>>
      %dma_start3A_36 = arith.constant 0 : i32
      %dma_start3A_37 = arith.constant 0 : i32
      %dma_start3A_38 = tpu.memref_slice %arg4[%get3A_27, %dma_start3A_36, %dma_start3A_37] : memref<16x768x2048xf32, #tpu.memory_space<hbm>> -> memref<1x768x2048xf32, #tpu.memory_space<hbm>>
      %dma_start3A_39 = tpu.memref_squeeze %dma_start3A_38 : memref<1x768x2048xf32, #tpu.memory_space<hbm>> -> memref<768x2048xf32, #tpu.memory_space<hbm>>
      tpu.enqueue_dma source(%dma_start3A_39 : memref<768x2048xf32, #tpu.memory_space<hbm>>) target(%dma_start3A_35 : memref<768x2048xf32, #tpu.memory_space<vmem>>) target_semaphore(%dma_start3A_31 : memref<!tpu.dma_semaphore, #tpu.memory_space<semaphore_mem>>)
      %dma_start3A_40 = tpu.memref_slice %arg12[%get3A_30] : memref<2x!tpu.dma_semaphore, #tpu.memory_space<semaphore_mem>> -> memref<1x!tpu.dma_semaphore, #tpu.memory_space<semaphore_mem>>
      %dma_start3A_41 = tpu.memref_squeeze %dma_start3A_40 : memref<1x!tpu.dma_semaphore, #tpu.memory_space<semaphore_mem>> -> memref<!tpu.dma_semaphore, #tpu.memory_space<semaphore_mem>>
      %dma_start3A_42 = arith.constant 0 : i32
      %dma_start3A_43 = arith.constant 0 : i32
      %dma_start3A_44 = tpu.memref_slice %arg9[%get3A_30, %dma_start3A_42, %dma_start3A_43] : memref<2x768x2048xf32, #tpu.memory_space<vmem>> -> memref<1x768x2048xf32, #tpu.memory_space<vmem>>
      %dma_start3A_45 = tpu.memref_squeeze %dma_start3A_44 : memref<1x768x2048xf32, #tpu.memory_space<vmem>> -> memref<768x2048xf32, #tpu.memory_space<vmem>>
      %dma_start3A_46 = arith.constant 0 : i32
      %dma_start3A_47 = arith.constant 0 : i32
      %dma_start3A_48 = tpu.memref_slice %arg5[%get3A_27, %dma_start3A_46, %dma_start3A_47] : memref<16x768x2048xf32, #tpu.memory_space<hbm>> -> memref<1x768x2048xf32, #tpu.memory_space<hbm>>
      %dma_start3A_49 = tpu.memref_squeeze %dma_start3A_48 : memref<1x768x2048xf32, #tpu.memory_space<hbm>> -> memref<768x2048xf32, #tpu.memory_space<hbm>>
      tpu.enqueue_dma source(%dma_start3A_49 : memref<768x2048xf32, #tpu.memory_space<hbm>>) target(%dma_start3A_45 : memref<768x2048xf32, #tpu.memory_space<vmem>>) target_semaphore(%dma_start3A_41 : memref<!tpu.dma_semaphore, #tpu.memory_space<semaphore_mem>>)
      %dma_start3A_50 = tpu.memref_slice %arg13[%get3A_30] : memref<2x!tpu.dma_semaphore, #tpu.memory_space<semaphore_mem>> -> memref<1x!tpu.dma_semaphore, #tpu.memory_space<semaphore_mem>>
      %dma_start3A_51 = tpu.memref_squeeze %dma_start3A_50 : memref<1x!tpu.dma_semaphore, #tpu.memory_space<semaphore_mem>> -> memref<!tpu.dma_semaphore, #tpu.memory_space<semaphore_mem>>
      %dma_start3A_52 = arith.constant 0 : i32
      %dma_start3A_53 = arith.constant 0 : i32
      %dma_start3A_54 = tpu.memref_slice %arg10[%get3A_30, %dma_start3A_52, %dma_start3A_53] : memref<2x2048x768xf32, #tpu.memory_space<vmem>> -> memref<1x2048x768xf32, #tpu.memory_space<vmem>>
      %dma_start3A_55 = tpu.memref_squeeze %dma_start3A_54 : memref<1x2048x768xf32, #tpu.memory_space<vmem>> -> memref<2048x768xf32, #tpu.memory_space<vmem>>
      %dma_start3A_56 = arith.constant 0 : i32
      %dma_start3A_57 = arith.constant 0 : i32
      %dma_start3A_58 = tpu.memref_slice %arg6[%get3A_27, %dma_start3A_56, %dma_start3A_57] : memref<16x2048x768xf32, #tpu.memory_space<hbm>> -> memref<1x2048x768xf32, #tpu.memory_space<hbm>>
      %dma_start3A_59 = tpu.memref_squeeze %dma_start3A_58 : memref<1x2048x768xf32, #tpu.memory_space<hbm>> -> memref<2048x768xf32, #tpu.memory_space<hbm>>
      tpu.enqueue_dma source(%dma_start3A_59 : memref<2048x768xf32, #tpu.memory_space<hbm>>) target(%dma_start3A_55 : memref<2048x768xf32, #tpu.memory_space<vmem>>) target_semaphore(%dma_start3A_51 : memref<!tpu.dma_semaphore, #tpu.memory_space<semaphore_mem>>)
    } else {
    }
    %get3A_12 = arith.constant 1 : index
    %get3A_13 = arith.index_cast %arg0 : i32 to index
    %get3A_14 = memref.load %arg2[%get3A_12, %get3A_13] : memref<6x47xi32, #tpu.memory_space<smem>>
    %eq3A_15 = arith.constant 1 : i32
    %eq3A_16 = arith.cmpi eq, %get3A_14, %eq3A_15 : i32
    %convert_element_type3A_17 = arith.extui %eq3A_16 : i1 to i32
    %cond3A_18 = arith.constant 0 : i32
    %cond3A_19 = arith.cmpi ne, %convert_element_type3A_17, %cond3A_18 : i32
    scf.if %cond3A_19 {
      %dma_wait3A = arith.constant 0 : i32
      %dma_wait3A_25 = tpu.memref_slice %arg11[%get3A_1] : memref<2x!tpu.dma_semaphore, #tpu.memory_space<semaphore_mem>> -> memref<1x!tpu.dma_semaphore, #tpu.memory_space<semaphore_mem>>
      %dma_wait3A_26 = tpu.memref_squeeze %dma_wait3A_25 : memref<1x!tpu.dma_semaphore, #tpu.memory_space<semaphore_mem>> -> memref<!tpu.dma_semaphore, #tpu.memory_space<semaphore_mem>>
      %dma_wait3A_27 = arith.constant 0 : i32
      %dma_wait3A_28 = arith.constant 0 : i32
      %dma_wait3A_29 = tpu.memref_slice %arg8[%get3A_1, %dma_wait3A_27, %dma_wait3A_28] : memref<2x768x2048xf32, #tpu.memory_space<vmem>> -> memref<1x768x2048xf32, #tpu.memory_space<vmem>>
      %dma_wait3A_30 = tpu.memref_squeeze %dma_wait3A_29 : memref<1x768x2048xf32, #tpu.memory_space<vmem>> -> memref<768x2048xf32, #tpu.memory_space<vmem>>
      %dma_wait3A_31 = arith.constant 0 : i32
      %dma_wait3A_32 = arith.constant 0 : i32
      %dma_wait3A_33 = tpu.memref_slice %arg4[%dma_wait3A, %dma_wait3A_31, %dma_wait3A_32] : memref<16x768x2048xf32, #tpu.memory_space<hbm>> -> memref<1x768x2048xf32, #tpu.memory_space<hbm>>
      %dma_wait3A_34 = tpu.memref_squeeze %dma_wait3A_33 : memref<1x768x2048xf32, #tpu.memory_space<hbm>> -> memref<768x2048xf32, #tpu.memory_space<hbm>>
      tpu.wait_dma2 semaphore(%dma_wait3A_26 : memref<!tpu.dma_semaphore, #tpu.memory_space<semaphore_mem>>) src(%dma_wait3A_34 : memref<768x2048xf32, #tpu.memory_space<hbm>>) dst(%dma_wait3A_30 : memref<768x2048xf32, #tpu.memory_space<vmem>>)
      %dma_wait3A_35 = arith.constant 0 : i32
      %dma_wait3A_36 = tpu.memref_slice %arg12[%get3A_1] : memref<2x!tpu.dma_semaphore, #tpu.memory_space<semaphore_mem>> -> memref<1x!tpu.dma_semaphore, #tpu.memory_space<semaphore_mem>>
      %dma_wait3A_37 = tpu.memref_squeeze %dma_wait3A_36 : memref<1x!tpu.dma_semaphore, #tpu.memory_space<semaphore_mem>> -> memref<!tpu.dma_semaphore, #tpu.memory_space<semaphore_mem>>
      %dma_wait3A_38 = arith.constant 0 : i32
      %dma_wait3A_39 = arith.constant 0 : i32
      %dma_wait3A_40 = tpu.memref_slice %arg9[%get3A_1, %dma_wait3A_38, %dma_wait3A_39] : memref<2x768x2048xf32, #tpu.memory_space<vmem>> -> memref<1x768x2048xf32, #tpu.memory_space<vmem>>
      %dma_wait3A_41 = tpu.memref_squeeze %dma_wait3A_40 : memref<1x768x2048xf32, #tpu.memory_space<vmem>> -> memref<768x2048xf32, #tpu.memory_space<vmem>>
      %dma_wait3A_42 = arith.constant 0 : i32
      %dma_wait3A_43 = arith.constant 0 : i32
      %dma_wait3A_44 = tpu.memref_slice %arg5[%dma_wait3A_35, %dma_wait3A_42, %dma_wait3A_43] : memref<16x768x2048xf32, #tpu.memory_space<hbm>> -> memref<1x768x2048xf32, #tpu.memory_space<hbm>>
      %dma_wait3A_45 = tpu.memref_squeeze %dma_wait3A_44 : memref<1x768x2048xf32, #tpu.memory_space<hbm>> -> memref<768x2048xf32, #tpu.memory_space<hbm>>
      tpu.wait_dma2 semaphore(%dma_wait3A_37 : memref<!tpu.dma_semaphore, #tpu.memory_space<semaphore_mem>>) src(%dma_wait3A_45 : memref<768x2048xf32, #tpu.memory_space<hbm>>) dst(%dma_wait3A_41 : memref<768x2048xf32, #tpu.memory_space<vmem>>)
      %dma_wait3A_46 = arith.constant 0 : i32
      %dma_wait3A_47 = tpu.memref_slice %arg13[%get3A_1] : memref<2x!tpu.dma_semaphore, #tpu.memory_space<semaphore_mem>> -> memref<1x!tpu.dma_semaphore, #tpu.memory_space<semaphore_mem>>
      %dma_wait3A_48 = tpu.memref_squeeze %dma_wait3A_47 : memref<1x!tpu.dma_semaphore, #tpu.memory_space<semaphore_mem>> -> memref<!tpu.dma_semaphore, #tpu.memory_space<semaphore_mem>>
      %dma_wait3A_49 = arith.constant 0 : i32
      %dma_wait3A_50 = arith.constant 0 : i32
      %dma_wait3A_51 = tpu.memref_slice %arg10[%get3A_1, %dma_wait3A_49, %dma_wait3A_50] : memref<2x2048x768xf32, #tpu.memory_space<vmem>> -> memref<1x2048x768xf32, #tpu.memory_space<vmem>>
      %dma_wait3A_52 = tpu.memref_squeeze %dma_wait3A_51 : memref<1x2048x768xf32, #tpu.memory_space<vmem>> -> memref<2048x768xf32, #tpu.memory_space<vmem>>
      %dma_wait3A_53 = arith.constant 0 : i32
      %dma_wait3A_54 = arith.constant 0 : i32
      %dma_wait3A_55 = tpu.memref_slice %arg6[%dma_wait3A_46, %dma_wait3A_53, %dma_wait3A_54] : memref<16x2048x768xf32, #tpu.memory_space<hbm>> -> memref<1x2048x768xf32, #tpu.memory_space<hbm>>
      %dma_wait3A_56 = tpu.memref_squeeze %dma_wait3A_55 : memref<1x2048x768xf32, #tpu.memory_space<hbm>> -> memref<2048x768xf32, #tpu.memory_space<hbm>>
      tpu.wait_dma2 semaphore(%dma_wait3A_48 : memref<!tpu.dma_semaphore, #tpu.memory_space<semaphore_mem>>) src(%dma_wait3A_56 : memref<2048x768xf32, #tpu.memory_space<hbm>>) dst(%dma_wait3A_52 : memref<2048x768xf32, #tpu.memory_space<vmem>>)
    } else {
    }
    %get3A_20 = arith.constant 0 : index
    %get3A_21 = memref.load %arg1[%get3A_20] : memref<1xi32, #tpu.memory_space<smem>>
    %lt3A = arith.cmpi slt, %arg0, %get3A_21 : i32
    %convert_element_type3A_22 = arith.extui %lt3A : i1 to i32
    %cond3A_23 = arith.constant 0 : i32
    %cond3A_24 = arith.cmpi ne, %convert_element_type3A_22, %cond3A_23 : i32
    scf.if %cond3A_24 {
      %get3A_25 = arith.constant 0 : index
      %get3A_26 = arith.constant 0 : index
      %get3A_27 = vector.load %arg3[%get3A_25, %get3A_26] : memref<256x768xf32, #tpu.memory_space<vmem>>, vector<256x768xf32>
      %get3A_28 = arith.index_cast %get3A_1 : i32 to index
      %get3A_29 = arith.constant 0 : index
      %get3A_30 = arith.constant 0 : index
      %get3A_31 = vector.load %arg8[%get3A_28, %get3A_29, %get3A_30] : memref<2x768x2048xf32, #tpu.memory_space<vmem>>, vector<1x768x2048xf32>
      %get3A_32 = vector.shape_cast %get3A_31 : vector<1x768x2048xf32> to vector<768x2048xf32>
      %dot_general3A = arith.constant dense<0.000000e+00> : vector<256x2048xf32>
      %dot_general3A_33 = tpu.matmul %get3A_27, %get3A_32, %dot_general3A {dimension_numbers = #tpu.dot_dimension_numbers<[1], [0], [0], [1], [0, 0, 1, 1], [], []>, transpose_lhs_hint = false} : vector<256x768xf32>, vector<768x2048xf32>, vector<256x2048xf32> -> vector<256x2048xf32>
      %get3A_34 = arith.index_cast %get3A_1 : i32 to index
      %get3A_35 = arith.constant 0 : index
      %get3A_36 = arith.constant 0 : index
      %get3A_37 = vector.load %arg9[%get3A_34, %get3A_35, %get3A_36] : memref<2x768x2048xf32, #tpu.memory_space<vmem>>, vector<1x768x2048xf32>
      %get3A_38 = vector.shape_cast %get3A_37 : vector<1x768x2048xf32> to vector<768x2048xf32>
      %dot_general3A_39 = arith.constant dense<0.000000e+00> : vector<256x2048xf32>
      %dot_general3A_40 = tpu.matmul %get3A_27, %get3A_38, %dot_general3A_39 {dimension_numbers = #tpu.dot_dimension_numbers<[1], [0], [0], [1], [0, 0, 1, 1], [], []>, transpose_lhs_hint = false} : vector<256x768xf32>, vector<768x2048xf32>, vector<256x2048xf32> -> vector<256x2048xf32>
      %logistic3A = arith.negf %dot_general3A_33 : vector<256x2048xf32>
      %logistic3A_41 = math.exp %logistic3A : vector<256x2048xf32>
      %logistic3A_42 = arith.constant 1.000000e+00 : f32
      %logistic3A_43 = vector.broadcast %logistic3A_42 : f32 to vector<256x2048xf32>
      %logistic3A_44 = arith.addf %logistic3A_43, %logistic3A_41 : vector<256x2048xf32>
      %logistic3A_45 = arith.divf %logistic3A_43, %logistic3A_44 : vector<256x2048xf32>
      %mul3A = arith.mulf %dot_general3A_33, %logistic3A_45 : vector<256x2048xf32>
      %mul3A_46 = arith.mulf %mul3A, %dot_general3A_40 : vector<256x2048xf32>
      %get3A_47 = arith.index_cast %get3A_1 : i32 to index
      %get3A_48 = arith.constant 0 : index
      %get3A_49 = arith.constant 0 : index
      %get3A_50 = vector.load %arg10[%get3A_47, %get3A_48, %get3A_49] : memref<2x2048x768xf32, #tpu.memory_space<vmem>>, vector<1x2048x768xf32>
      %get3A_51 = vector.shape_cast %get3A_50 : vector<1x2048x768xf32> to vector<2048x768xf32>
      %dot_general3A_52 = arith.constant dense<0.000000e+00> : vector<256x768xf32>
      %dot_general3A_53 = tpu.matmul %mul3A_46, %get3A_51, %dot_general3A_52 {dimension_numbers = #tpu.dot_dimension_numbers<[1], [0], [0], [1], [0, 0, 1, 1], [], []>, transpose_lhs_hint = false} : vector<256x2048xf32>, vector<2048x768xf32>, vector<256x768xf32> -> vector<256x768xf32>
      %swap3A = arith.constant 0 : index
      %swap3A_54 = arith.constant 0 : index
      %swap3A_55 = vector.load %arg7[%swap3A, %swap3A_54] : memref<256x768xf32, #tpu.memory_space<vmem>>, vector<256x768xf32>
      tpu.vector_store %arg7[%swap3A, %swap3A_54], %dot_general3A_53 {strides = array<i32>} : memref<256x768xf32, #tpu.memory_space<vmem>>, vector<256x768xf32>,
    } else {
    }
    return
  }
  func.func @transform_0(%arg0: i32, %arg1: memref<1xi32, #tpu.memory_space<smem>>, %arg2: memref<6x47xi32, #tpu.memory_space<smem>>) -> (i32, i32) {
    %get3A = arith.constant 0 : index
    %get3A_0 = memref.load %arg1[%get3A] : memref<1xi32, #tpu.memory_space<smem>>
    %sub3A = arith.constant 1 : i32
    %sub3A_1 = arith.subi %get3A_0, %sub3A : i32
    %min3A = arith.minsi %arg0, %sub3A_1 : i32
    %c0_i32 = arith.constant 0 : i32
    %c0_i32_2 = arith.constant 0 : i32
    return %min3A, %c0_i32 : i32, i32
  }
  func.func @transform_4(%arg0: i32, %arg1: memref<1xi32, #tpu.memory_space<smem>>, %arg2: memref<6x47xi32, #tpu.memory_space<smem>>) -> (i32, i32) {
    %get3A = arith.constant 0 : index
    %get3A_0 = memref.load %arg1[%get3A] : memref<1xi32, #tpu.memory_space<smem>>
    %sub3A = arith.constant 1 : i32
    %sub3A_1 = arith.subi %get3A_0, %sub3A : i32
    %min3A = arith.minsi %arg0, %sub3A_1 : i32
    %c0_i32 = arith.constant 0 : i32
    %c0_i32_2 = arith.constant 0 : i32
    return %min3A, %c0_i32 : i32, i32
  }
}

</mosaic_0001>

<sc_bundles>
// kernel: kernel.5.cloned.1.call-start
scs
__scs_entry_jumppad:
0x0: {  	(pc) =	sbr.rel $0x88, $3  }
0x1: {  	(tag) =	ssettag $0x0;
	lr =	simm.s32 $0x1  }
0x2: {  	[smem:$0x3F9B] =	sst lr;
	_ =	strace $0xD0000000  }
0x3: {  	_ = 	snop  }
0x4: {  	_ = 	snop  }
0x5: {  	_ = 	snop  }
0x6: {  	_ = 	snop  }
0x7: {  	_ = 	snop  }
__scs_overlays_trampoline_lowered:
0x8: {  	[smem:$0x3FAA] =	sst s0  }
0x9: {  	[smem:$0x3FAB] =	sst s1  }
0xa: {  	[smem:$0x3FAC] =	sst s2  }
0xb: {  	[smem:$0x3FAD] =	sst s3  }
0xc: {  	[smem:$0x3FAE] =	sst s4  }
0xd: {  	[smem:$0x3FAF] =	sst s5  }
0xe: {  	[smem:$0x3FB0] =	sst s6  }
0xf: {  	[smem:$0x3FB1] =	sst s7  }
0x10: {  	[smem:$0x3FB2] =	sst s8  }
0x11: {  	[smem:$0x3FB3] =	sst s9;
	s0 =	simm.s32 @!p0 $0x0  }
0x12: {  	s1 =	sld [smem:$0x3F99];
	s0 =	simm.s32 @p0 $0x1  }
0x13: {  	[smem:$0x3FB4] =	sst s0;
	s0 =	simm.s32 @!p1 $0x0  }
0x14: {  	s2 =	sld [smem:$0x3F98];
	s0 =	simm.s32 @p1 $0x1  }
0x15: {  	[smem:$0x3FB5] =	sst s0;
	s0 =	simm.s32 @!p2 $0x0  }
0x16: {  	s3 =	sld [smem:$0x3FDB];
	s0 =	simm.s32 @p2 $0x1  }
0x17: {  	s4 =	simm.s32 $0x1BF5;
	[smem:$0x3FB7] =	sst s0  }
0x18: {  	s0 =	sld [smem:$0x3F9A];
	_ =	swait.ge [sflag:s4], $0x0  }
0x19: {  	s7 =	sld [smem:$0x3F9B]  }
0x1a: {  	s8 =	sadd.s32 $0xFFFFE003, lr  }
0x1b: {  	s9 =	sadd.s32 $0xFFFFFEF7, lr;
	s5 =	simm.s32 $0xFFFFFFFF;
	p2 =	slt.u32 s8, $0xFFFFF086  }
0x1c: {  	p1 =	slt.u32 s9, $0xF7A;
	s5 =	simm.s32 @!p2 $0x0  }
0x1d: {  	s5 =	simm.s32 @p1 $0x1;
	p0 =	seq.s32 s7, s2  }
0x1e: {  	s7 =	smul.u32 @!p0 $0xF7A, s2;
	p2 =	seq.s32 @!p0 s5, $0x0  }
0x1f: {  	s9 =	smul.u32 $0xF7A, s1;
	s8 =	simm.s32 @!p0 $0x1BF5;
	p2 =	por !p2, p0  }
0x20: {  	[sflag:s8] =	ssyncset.s32 @!p0 $0xFFFFF086;
	s6 =	sadd.s32 @!p0 s3, s7;
	s7 =	simm.s32 @!p0 $0x108  }
0x21: {  	s3 =	sadd.s32 s3, s9;
	s6 =	sadd.s32 @!p0 $0x88, s6;
	s7 =	simm.s32 @p2 $0x1082  }
0x22: {  	[simem:s7], [sflag:s8] =	dma.local @!p0 [hbm:s6], $0xF7A  }
0x23: {  	s9 =	sor.u32 $0xD0000000, s2;
	s6 =	simm.s32 $0x108;
	_ =	swait.ge @!p0 [sflag:s8], $0x0  }
0x24: {  	s3 =	sadd.s32 $0x88, s3;
	s6 =	simm.s32 @!p1 $0x1082;
	[sflag:s4] =	ssyncset.s32 $0xFFFFF086  }
0x25: {  	[simem:s6], [sflag:s4] =	dma.local [hbm:s3], $0xF7A  }
0x26: {  	[smem:$0x3F9B] =	sst s1;
	(tag) =	ssettag s2;
	_ =	strace s9  }
0x27: {  	s1 =	sld [smem:$0x3FAB]  }
0x28: {  	s2 =	sld [smem:$0x3FAC]  }
0x29: {  	s4 =	sld [smem:$0x3FAE]  }
0x2a: {  	p0 =	seq.s32 s5, $0x0;
	s5 =	sld [smem:$0x3FAF]  }
0x2b: {  	s6 =	sld [smem:$0x3FB0]  }
0x2c: {  	s7 =	sld [smem:$0x3FB1]  }
0x2d: {  	s3 =	simm.s32 $0x108;
	s8 =	sld [smem:$0x3FB2]  }
0x2e: {  	s3 =	simm.s32 @!p0 $0x1082;
	s9 =	sld [smem:$0x3FB3]  }
0x2f: {  	lr =	sadd.s32 s0, s3;
	s0 =	sld [smem:$0x3FAA]  }
0x30: {  	s3 =	sld [smem:$0x3FAD]  }
0x31: {  	[smem:$0x3FB6] =	sst s10  }
0x32: {  	s10 =	sld [smem:$0x3FB4];
	_ =	sdelay $0x3  }
0x33: {  	p0 =	seq.s32 s10, $0x1;
	s10 =	sld [smem:$0x3FB6];
	_ =	sdelay $0x3  }
0x34: {  	[smem:$0x3FB6] =	sst s10  }
0x35: {  	s10 =	sld [smem:$0x3FB5];
	_ =	sdelay $0x3  }
0x36: {  	p1 =	seq.s32 s10, $0x1;
	s10 =	sld [smem:$0x3FB6];
	_ =	sdelay $0x3  }
0x37: {  	[smem:$0x3FB6] =	sst s10  }
0x38: {  	s10 =	sld [smem:$0x3FB7]  }
0x39: {  	_ = 	snop;
	(pc) =	sbr.ind lr, $3  }
0x3a: {  	_ = 	snop  }
0x3b: {  	_ = 	snop  }
0x3c: {  	p2 =	seq.s32 s10, $0x1;
	s10 =	sld [smem:$0x3FB6]  }
0x3d: {  	_ =	shalt  }
0x3e: {  	_ =	shalt  }
0x3f: {  	_ =	shalt  }
0x40: {  	_ =	shalt  }
0x41: {  	_ =	shalt  }
0x42: {  	_ =	shalt  }
0x43: {  	_ =	shalt  }
0x44: {  	_ =	shalt  }
0x45: {  	_ =	shalt  }
0x46: {  	_ =	shalt  }
0x47: {  	_ =	shalt  }
0x48: {  	_ =	shalt  }
0x49: {  	_ =	shalt  }
0x4a: {  	_ =	shalt  }
0x4b: {  	_ =	shalt  }
0x4c: {  	_ =	shalt  }
0x4d: {  	_ =	shalt  }
0x4e: {  	_ =	shalt  }
0x4f: {  	_ =	shalt  }
0x50: {  	_ =	shalt  }
0x51: {  	_ =	shalt  }
0x52: {  	_ =	shalt  }
0x53: {  	_ =	shalt  }
0x54: {  	_ =	shalt  }
0x55: {  	_ =	shalt  }
0x56: {  	_ =	shalt  }
0x57: {  	_ =	shalt  }
0x58: {  	_ =	shalt  }
0x59: {  	_ =	shalt  }
0x5a: {  	_ =	shalt  }
0x5b: {  	_ =	shalt  }
0x5c: {  	_ =	shalt  }
0x5d: {  	_ =	shalt  }
0x5e: {  	_ =	shalt  }
0x5f: {  	_ =	shalt  }
0x60: {  	_ =	shalt  }
0x61: {  	_ =	shalt  }
0x62: {  	_ =	shalt  }
0x63: {  	_ =	shalt  }
0x64: {  	_ =	shalt  }
0x65: {  	_ =	shalt  }
0x66: {  	_ =	shalt  }
0x67: {  	_ =	shalt  }
0x68: {  	_ =	shalt  }
0x69: {  	_ =	shalt  }
0x6a: {  	_ =	shalt  }
0x6b: {  	_ =	shalt  }
0x6c: {  	_ =	shalt  }
0x6d: {  	_ =	shalt  }
0x6e: {  	_ =	shalt  }
0x6f: {  	_ =	shalt  }
0x70: {  	_ =	shalt  }
0x71: {  	_ =	shalt  }
0x72: {  	_ =	shalt  }
0x73: {  	_ =	shalt  }
0x74: {  	_ =	shalt  }
0x75: {  	_ =	shalt  }
0x76: {  	_ =	shalt  }
0x77: {  	_ =	shalt  }
0x78: {  	_ =	shalt  }
0x79: {  	_ =	shalt  }
0x7a: {  	_ =	shalt  }
0x7b: {  	_ =	shalt  }
0x7c: {  	_ =	shalt  }
0x7d: {  	_ =	shalt  }
0x7e: {  	_ =	shalt  }
0x7f: {  	_ =	shalt  }
0x80: {  	_ =	shalt  }
0x81: {  	_ =	shalt  }
0x82: {  	_ =	shalt  }
0x83: {  	_ =	shalt  }
0x84: {  	_ =	shalt  }
0x85: {  	_ =	shalt  }
0x86: {  	_ =	shalt  }
0x87: {  	_ =	shalt  }
.Lfunc_end0:
.L_simem_size_0:
called_computation_lowered:
.L_overlay_start_0:
0x88: {  	s2 =	sld [smem:$0x3FD9]  }
0x89: {  	s3 =	sld [smem:$0x3FFE];
	_ =	sdelay $0x1  }
0x8a: {  	s1 =	srdreg.scid  }
0x8b: {  	s0 =	sand.u32 $0x1, s1  }
0x8c: {  	s17 =	sshll.u32 s0, $0xA;
	s2 =	sadd.s32 s3, s2  }
0x8d: {  	s2 =	sadd.s32 s2, s17  }
0x8e: {  	[smem:$0x3FC2] =	sst s2  }
0x8f: {  	_ = 	snop  }
0x90: {  	s2 =	sld [smem:$0x3FC9];
	(tm) =	ssettm $0x1  }
0x91: {  	s18 =	sld [smem:$0x3FFB];
	_ =	sdelay $0x3  }
0x92: {  	_ =	strace s18  }
0x93: {  	s3 =	sld [smem:$0x3FFC];
	_ =	sdelay $0x3  }
0x94: {  	_ =	strace s3  }
0x95: {  	s3 =	sld [smem:$0x3FFD];
	_ =	sdelay $0x3  }
0x96: {  	_ =	strace s3  }
0x97: {  	_ =	strace $0x8FFFFFFF  }
0x98: {  	s19 =	sld [smem:$0x3FDB];
	_ =	sdelay $0x1  }
0x99: {  	s4 =	simm.s32 $_scs_section_size  }
0x9a: {  	s5 =	simm.s32 $_size__tile_overlayer_lowered;
	s6 =	simm.s32 $_tile_overlayer_lowered  }
0x9b: {  	s22 =	simm.s32 $0x1BFF;
	s21 =	sshll.u32 s6, $0x1;
	s3 =	sadd.s32 s4, s19  }
0x9c: {  	s7 =	simm.s32 $0x0;
	s20 =	sshll.u32 s5, $0x1;
	s5 =	sadd.s32 s21, s3  }
0x9d: {  	[timem:s7], [sflag:s22] =	dma.local [hbm:s5], s20  }
0x9e: {  	_ =	swait.ge [sflag:s22], s20  }
0x9f: {  	s4 =	ssub.s32 $0x0, s20;
	[sflag:s22] =	ssyncset.done $0x0  }
0xa0: {  	[sflag:s22] =	ssyncadd.s32 s4;
	_ =	sdelay $0x1  }
0xa1: {  	s23 =	simm.s32 $0x1B8B  }
0xa2: {  	_ =	swait.ge [sflag:s23], $0x1  }
0xa3: {  	[sflag:s23] =	ssyncset.done $0x0  }
0xa4: {  	s25 =	simm.s32 $0x1B8E;
	s24 =	sld [smem:$0x3FFE];
	[sflag:s23] =	ssyncadd.s32 $0xFFFFFFFF  }
0xa5: {  	s26 =	simm.s32 $execute0_lowered;
	[smem:$0x3FD2] =	sst s25  }
0xa6: {  	s5 =	sshll.u32 s26, $0x1;
	_ =	strace $0x80000046;
	[dreg:$0x1] =	wrdreg $0xFFFFFFFF  }
0xa7: {  	s28 =	simm.s32 $_size_execute0_lowered;
	s3 =	sadd.s32 s3, s5;
	[dreg:$0x0] =	wrdreg $0x0  }
0xa8: {  	s5 =	sshll.u32 s28, $0x1;
	[dreg:$0x2] =	wrdreg s3  }
0xa9: {  	[dreg:$0x3] =	wrdreg s5  }
0xaa: {  	[dreg:$0x4] =	wrdreg $0xC0  }
0xab: {  	_ =	task [dreg:s7], $0x5FFFF  }
0xac: {  	[dreg:$0x1] =	wrdreg $0xFFFFFFFF  }
0xad: {  	[dreg:$0x0] =	wrdreg $0x60  }
0xae: {  	[dreg:$0x2] =	wrdreg s2  }
0xaf: {  	[dreg:$0x3] =	wrdreg s24  }
0xb0: {  	[dreg:$0x4] =	wrdreg $0x9  }
0xb1: {  	_ =	task.clear_ibuf [dreg:s7], $0x5FFFF;
	_ =	strace $0x90000046  }
0xb2: {  	s29 =	simm.s32 $0x9;
	_ =	strace $0x80000048  }
0xb3: {  	_ =	swait.ge [sflag:s29], $0x1  }
0xb4: {  	[sflag:s29] =	ssyncadd.s32 $0xFFFFFFFF  }
0xb5: {  	_ =	strace $0x90000048  }
0xb6: {  	_ =	sfence  }
0xb7: {  	s30 =	sld [smem:$0x0];
	_ =	sdelay $0x2  }
0xb8: {  	s31 =	sshll.u32 s1, $0xD;
	s1 =	sshrl.u32 s1, $0x2  }
0xb9: {  	s3 =	sand.u32 $0x4000, s31;
	s1 =	sadd.s32 s1, s30  }
0xba: {  	s0 =	sor.u32 s3, s0;
	s1 =	sshll.u32 s1, $0x11  }
0xbb: {  	s0 =	sor.u32 s1, s0  }
0xbc: {  	s0 =	sadd.s32 $0x8F2B, s0  }
0xbd: {  	[sflag:s0] =	ssyncadd.remote.s32 $0x1  }
0xbe: {  	_ =	sfence.sel $0xFFFF  }
0xbf: {  	[dreg:$0x0] =	wrdreg $0xFFFFFFFF;
	(pc) =	sbr.abs _section_cstart, $3  }
0xc0: {  	[dreg:$0x1] =	wrdreg $0xFFFFFFFF  }
0xc1: {  	_ =	task.clear_ibuf [dreg:s7], $0x2FFFF;
	_ =	strace $0x9FFFFFFF  }
0xc2: {  	(tm) =	ssettm $0x7FFFFFFF  }
0xc3: {  	_ =	shalt  }
tec
execute0_lowered:
.L_overlay_start_1:
0x0: {  	(tag) =	ssettag $0x1  }
0x1: {  	s0 =	srdreg.scid  }
0x2: {  	s1 =	rddreg [dreg:$0x0];
	s2 =	stileid.u32  }
0x3: {  	s3 =	rddreg [dreg:$0x1];
	s25 =	simm.s32 $0x18000;
	s26 =	simm.s32 $0x18080  }
0x4: {  	s8 =	simm.s32 $0x3;
	s10 =	simm.s32 $0x1800;
	s11 =	simm.s32 $0x2000  }
0x5: {  	s12 =	simm.s32 $0x2800;
	s13 =	simm.s32 $0x3000;
	s14 =	simm.s32 $0x3800  }
0x6: {  	s15 =	simm.s32 $0x4000;
	s16 =	simm.s32 $0x4800;
	s17 =	simm.s32 $0x5000  }
0x7: {  	s18 =	simm.s32 $0x5800;
	s19 =	simm.s32 $0x6000;
	s20 =	simm.s32 $0x6800  }
0x8: {  	s21 =	simm.s32 $0x7000;
	s22 =	simm.s32 $0x7800;
	s28 =	simm.s32 $0xA000  }
0x9: {  	s29 =	simm.s32 $0xA800;
	s30 =	simm.s32 $0xB000;
	s31 =	simm.s32 $0xB800  }
0xa: {  	s0 =	sand.u32 $0x1, s0;
	s4 =	sshll.u32 s2, $0x5;
	s2 =	simm.s32 $0x0  }
0xb: {  	s6 =	sadd.s32 $0x600, s3;
	s5 =	sshll.u32 s0, $0x4;
	[smem:$0x7FF] =	sst s2  }
0xc: {  	s0 =	ssub.s32 $0x2, s0;
	_ =	strace $0x80000047;
	[dreg:$0x5] =	wrdreg s25  }
0xd: {  	s4 =	sor.u32 s5, s4;
	s23 =	sshrl.u32 s0, $0x1;
	[dreg:$0x6] =	wrdreg s26  }
0xe: {  	s25 =	simm.s32 $0x9000;
	s26 =	simm.s32 $0x9800;
	s5 =	smul.u32 $0x300, s4  }
0xf: {  	s4 =	sadd.s32 s3, s4;
	s0 =	ssub.s32 s0, s23;
	s23 =	simm.s32 $0x8000  }
0x10: {  	v2 =	vlaneseq.u32;
	[dreg:$0x7] =	wrdreg s4;
	s24 =	sadd.s32 $0x200, s4;
	s4 =	sadd.s32 $0x400, s3  }
0x11: {  	vm0 =	vmmov $0xffff;
	v1 =	vshrl.u32 v2, $0x3;
	s7 =	smax.u32 s0, $0x1;
	s1 =	sadd.s32 s1, s5;
	[dreg:$0x4] =	wrdreg s24  }
0x12: {  	v0 =	vand.u32 $0x7, v2;
	v2 =	vor.u32 $0x8, v2;
	v1 =	vmul.u32 $0x8, v1;
	s5 =	sadd.s32 $0x500, s3;
	s24 =	simm.s32 $0x8800;
	[dreg:$0x3] =	wrdreg s1  }
.LBB2_1:
0x13: {  	s9 =	rddreg [dreg:$0x3]  }
0x14: {  	[tilespmem:s2], [sflag:$0x3] =	stream.linear.gather [hbm4b:s9+s2], $0x18000, $0x38;
	[tilespmem:$0x18100] =	vst v63  }
0x15: {  	_ =	swait.ge [sflag:s8], $0x18000  }
0x16: {  	s1 =	rddreg [dreg:$0x4];
	[sflag:s8] =	ssyncset.done $0x0  }
0x17: {  	s3 =	rddreg [dreg:$0x5];
	[sflag:s8] =	ssyncadd.s32 $0xFFFE8000  }
0x18: {  	[tilespmem:s3], [sflag:$0x3] =	stream.linear.gather [hbm4b:s1+s2], $0x80, $0x38;
	[tilespmem:$0x18100] =	vst v63  }
0x19: {  	_ =	swait.ge [sflag:s8], $0x80  }
0x1a: {  	s0 =	rddreg [dreg:$0x6];
	[sflag:s8] =	ssyncset.done $0x0  }
0x1b: {  	s1 =	rddreg [dreg:$0x7];
	[sflag:s8] =	ssyncadd.s32 $0xFFFFFF80  }
0x1c: {  	[tilespmem:s0], [sflag:$0x3] =	stream.linear.gather [hbm4b:s1+s2], $0x80, $0x38;
	[tilespmem:$0x18100] =	vst v63  }
0x1d: {  	_ =	swait.ge [sflag:s8], $0x80  }
0x1e: {  	[sflag:s8] =	ssyncset.done $0x0  }
0x1f: {  	[sflag:s8] =	ssyncadd.s32 $0xFFFFFF80  }
0x20: {  	v3 =	vld [tilespmem:$0x18000];
	_ =	sdelay $0x4  }
0x21: {  	v4 =	vshrl.u32 v3, $0x3  }
0x22: {  	v4 =	vmul.u32 $0x30, v4  }
0x23: {  	v3 =	vand.u32 $0x7, v3  }
0x24: {  	v3 =	vor.u32 v3, v4  }
0x25: {  	v4 =	vperm.xlane v3, v0;
	_ =	sdelay $0x1  }
0x26: {  	v4 =	vadd.s32 v1, v4;
	_ =	sdelay $0x3  }
0x27: {  	v3 =	vperm.xlane v3, v2  }
0x28: {  	[hbm4b:s4+s2] =	stream.indirect_vreg.scatter [tilespmem:s2], [sflag:$0x1], $0x80, v4, vm0, $0xb8;
	[tilespmem:$0x18100] =	vst v63  }
0x29: {  	s3 =	simm.s32 $0x800;
	v3 =	vadd.s32 v1, v3  }
0x2a: {  	[hbm4b:s5+s2] =	stream.indirect_vreg.scatter [tilespmem:s3], [sflag:$0x1], $0x80, v4, vm0, $0xb8;
	[tilespmem:$0x18100] =	vst v63  }
0x2b: {  	s9 =	simm.s32 $0x1000  }
0x2c: {  	[hbm4b:s6+s2] =	stream.indirect_vreg.scatter [tilespmem:s9], [sflag:$0x1], $0x80, v4, vm0, $0xb8;
	[tilespmem:$0x18100] =	vst v63  }
0x2d: {  	_ = 	snop  }
0x2e: {  	[hbm4b:s4+s2] =	stream.indirect_vreg.scatter [tilespmem:s10], [sflag:$0x1], $0x80, v3, vm0, $0xb8;
	[tilespmem:$0x18100] =	vst v63  }
0x2f: {  	_ = 	snop  }
0x30: {  	[hbm4b:s5+s2] =	stream.indirect_vreg.scatter [tilespmem:s11], [sflag:$0x1], $0x80, v3, vm0, $0xb8;
	[tilespmem:$0x18100] =	vst v63  }
0x31: {  	_ = 	snop  }
0x32: {  	[hbm4b:s6+s2] =	stream.indirect_vreg.scatter [tilespmem:s12], [sflag:$0x1], $0x80, v3, vm0, $0xb8;
	[tilespmem:$0x18100] =	vst v63  }
0x33: {  	v3 =	vld [tilespmem:$0x18010];
	_ =	sdelay $0x4  }
0x34: {  	v49 =	vshrl.u32 v3, $0x3  }
0x35: {  	v4 =	vmul.u32 $0x30, v49  }
0x36: {  	v3 =	vand.u32 $0x7, v3  }
0x37: {  	v3 =	vor.u32 v3, v4  }
0x38: {  	v4 =	vperm.xlane v3, v0;
	_ =	sdelay $0x1  }
0x39: {  	v4 =	vadd.s32 v1, v4;
	_ =	sdelay $0x3  }
0x3a: {  	v3 =	vperm.xlane v3, v2  }
0x3b: {  	[hbm4b:s4+s2] =	stream.indirect_vreg.scatter [tilespmem:s13], [sflag:$0x1], $0x80, v4, vm0, $0xb8;
	[tilespmem:$0x18100] =	vst v63  }
0x3c: {  	v3 =	vadd.s32 v1, v3  }
0x3d: {  	[hbm4b:s5+s2] =	stream.indirect_vreg.scatter [tilespmem:s14], [sflag:$0x1], $0x80, v4, vm0, $0xb8;
	[tilespmem:$0x18100] =	vst v63  }
0x3e: {  	_ = 	snop  }
0x3f: {  	[hbm4b:s6+s2] =	stream.indirect_vreg.scatter [tilespmem:s15], [sflag:$0x1], $0x80, v4, vm0, $0xb8;
	[tilespmem:$0x18100] =	vst v63  }
0x40: {  	_ = 	snop  }
0x41: {  	[hbm4b:s4+s2] =	stream.indirect_vreg.scatter [tilespmem:s16], [sflag:$0x1], $0x80, v3, vm0, $0xb8;
	[tilespmem:$0x18100] =	vst v63  }
0x42: {  	_ = 	snop  }
0x43: {  	[hbm4b:s5+s2] =	stream.indirect_vreg.scatter [tilespmem:s17], [sflag:$0x1], $0x80, v3, vm0, $0xb8;
	[tilespmem:$0x18100] =	vst v63  }
0x44: {  	_ = 	snop  }
0x45: {  	[hbm4b:s6+s2] =	stream.indirect_vreg.scatter [tilespmem:s18], [sflag:$0x1], $0x80, v3, vm0, $0xb8;
	[tilespmem:$0x18100] =	vst v63  }
0x46: {  	v3 =	vld [tilespmem:$0x18020];
	_ =	sdelay $0x4  }
0x47: {  	v50 =	vshrl.u32 v3, $0x3  }
0x48: {  	v4 =	vmul.u32 $0x30, v50  }
0x49: {  	v3 =	vand.u32 $0x7, v3  }
0x4a: {  	v3 =	vor.u32 v3, v4  }
0x4b: {  	v4 =	vperm.xlane v3, v0;
	_ =	sdelay $0x1  }
0x4c: {  	v4 =	vadd.s32 v1, v4;
	_ =	sdelay $0x3  }
0x4d: {  	v3 =	vperm.xlane v3, v2  }
0x4e: {  	[hbm4b:s4+s2] =	stream.indirect_vreg.scatter [tilespmem:s19], [sflag:$0x1], $0x80, v4, vm0, $0xb8;
	[tilespmem:$0x18100] =	vst v63  }
0x4f: {  	v3 =	vadd.s32 v1, v3  }
0x50: {  	[hbm4b:s5+s2] =	stream.indirect_vreg.scatter [tilespmem:s20], [sflag:$0x1], $0x80, v4, vm0, $0xb8;
	[tilespmem:$0x18100] =	vst v63  }
0x51: {  	_ = 	snop  }
0x52: {  	[hbm4b:s6+s2] =	stream.indirect_vreg.scatter [tilespmem:s21], [sflag:$0x1], $0x80, v4, vm0, $0xb8;
	[tilespmem:$0x18100] =	vst v63  }
0x53: {  	_ = 	snop  }
0x54: {  	[hbm4b:s4+s2] =	stream.indirect_vreg.scatter [tilespmem:s22], [sflag:$0x1], $0x80, v3, vm0, $0xb8;
	[tilespmem:$0x18100] =	vst v63  }
0x55: {  	_ = 	snop  }
0x56: {  	[hbm4b:s5+s2] =	stream.indirect_vreg.scatter [tilespmem:s23], [sflag:$0x1], $0x80, v3, vm0, $0xb8;
	[tilespmem:$0x18100] =	vst v63  }
0x57: {  	_ = 	snop  }
0x58: {  	[hbm4b:s6+s2] =	stream.indirect_vreg.scatter [tilespmem:s24], [sflag:$0x1], $0x80, v3, vm0, $0xb8;
	[tilespmem:$0x18100] =	vst v63  }
0x59: {  	v3 =	vld [tilespmem:$0x18030];
	_ =	sdelay $0x4  }
0x5a: {  	v51 =	vshrl.u32 v3, $0x3  }
0x5b: {  	v4 =	vmul.u32 $0x30, v51  }
0x5c: {  	v3 =	vand.u32 $0x7, v3  }
0x5d: {  	v3 =	vor.u32 v3, v4  }
0x5e: {  	v4 =	vperm.xlane v3, v0;
	_ =	sdelay $0x1  }
0x5f: {  	v4 =	vadd.s32 v1, v4;
	_ =	sdelay $0x3  }
0x60: {  	v3 =	vperm.xlane v3, v2  }
0x61: {  	[hbm4b:s4+s2] =	stream.indirect_vreg.scatter [tilespmem:s25], [sflag:$0x1], $0x80, v4, vm0, $0xb8;
	[tilespmem:$0x18100] =	vst v63  }
0x62: {  	v3 =	vadd.s32 v1, v3  }
0x63: {  	[hbm4b:s5+s2] =	stream.indirect_vreg.scatter [tilespmem:s26], [sflag:$0x1], $0x80, v4, vm0, $0xb8;
	[tilespmem:$0x18100] =	vst v63  }
0x64: {  	_ = 	snop  }
0x65: {  	[hbm4b:s6+s2] =	stream.indirect_vreg.scatter [tilespmem:s28], [sflag:$0x1], $0x80, v4, vm0, $0xb8;
	[tilespmem:$0x18100] =	vst v63  }
0x66: {  	_ = 	snop  }
0x67: {  	[hbm4b:s4+s2] =	stream.indirect_vreg.scatter [tilespmem:s29], [sflag:$0x1], $0x80, v3, vm0, $0xb8;
	[tilespmem:$0x18100] =	vst v63  }
0x68: {  	_ = 	snop  }
0x69: {  	[hbm4b:s5+s2] =	stream.indirect_vreg.scatter [tilespmem:s30], [sflag:$0x1], $0x80, v3, vm0, $0xb8;
	[tilespmem:$0x18100] =	vst v63  }
0x6a: {  	_ = 	snop  }
0x6b: {  	[hbm4b:s6+s2] =	stream.indirect_vreg.scatter [tilespmem:s31], [sflag:$0x1], $0x80, v3, vm0, $0xb8;
	[tilespmem:$0x18100] =	vst v63  }
0x6c: {  	v3 =	vld [tilespmem:$0x18040];
	_ =	sdelay $0x4  }
0x6d: {  	v52 =	vshrl.u32 v3, $0x3  }
0x6e: {  	v4 =	vmul.u32 $0x30, v52  }
0x6f: {  	v3 =	vand.u32 $0x7, v3  }
0x70: {  	v3 =	vor.u32 v3, v4  }
0x71: {  	v4 =	vperm.xlane v3, v0;
	_ =	sdelay $0x1  }
0x72: {  	v4 =	vadd.s32 v1, v4;
	_ =	sdelay $0x3  }
0x73: {  	s1 =	simm.s32 $0xC000;
	v3 =	vperm.xlane v3, v2  }
0x74: {  	[hbm4b:s4+s2] =	stream.indirect_vreg.scatter [tilespmem:s1], [sflag:$0x1], $0x80, v4, vm0, $0xb8;
	[tilespmem:$0x18100] =	vst v63  }
0x75: {  	s0 =	simm.s32 $0xC800;
	v3 =	vadd.s32 v1, v3  }
0x76: {  	[hbm4b:s5+s2] =	stream.indirect_vreg.scatter [tilespmem:s0], [sflag:$0x1], $0x80, v4, vm0, $0xb8;
	[tilespmem:$0x18100] =	vst v63  }
0x77: {  	s0 =	simm.s32 $0xD000  }
0x78: {  	[hbm4b:s6+s2] =	stream.indirect_vreg.scatter [tilespmem:s0], [sflag:$0x1], $0x80, v4, vm0, $0xb8;
	[tilespmem:$0x18100] =	vst v63  }
0x79: {  	s0 =	simm.s32 $0xD800  }
0x7a: {  	[hbm4b:s4+s2] =	stream.indirect_vreg.scatter [tilespmem:s0], [sflag:$0x1], $0x80, v3, vm0, $0xb8;
	[tilespmem:$0x18100] =	vst v63  }
0x7b: {  	s0 =	simm.s32 $0xE000  }
0x7c: {  	[hbm4b:s5+s2] =	stream.indirect_vreg.scatter [tilespmem:s0], [sflag:$0x1], $0x80, v3, vm0, $0xb8;
	[tilespmem:$0x18100] =	vst v63  }
0x7d: {  	s0 =	simm.s32 $0xE800  }
0x7e: {  	[hbm4b:s6+s2] =	stream.indirect_vreg.scatter [tilespmem:s0], [sflag:$0x1], $0x80, v3, vm0, $0xb8;
	[tilespmem:$0x18100] =	vst v63  }
0x7f: {  	v3 =	vld [tilespmem:$0x18050];
	_ =	sdelay $0x4  }
0x80: {  	v53 =	vshrl.u32 v3, $0x3  }
0x81: {  	v4 =	vmul.u32 $0x30, v53  }
0x82: {  	v3 =	vand.u32 $0x7, v3  }
0x83: {  	v3 =	vor.u32 v3, v4  }
0x84: {  	v4 =	vperm.xlane v3, v0;
	_ =	sdelay $0x1  }
0x85: {  	v4 =	vadd.s32 v1, v4;
	_ =	sdelay $0x3  }
0x86: {  	s0 =	simm.s32 $0xF000;
	v3 =	vperm.xlane v3, v2  }
0x87: {  	[hbm4b:s4+s2] =	stream.indirect_vreg.scatter [tilespmem:s0], [sflag:$0x1], $0x80, v4, vm0, $0xb8;
	[tilespmem:$0x18100] =	vst v63  }
0x88: {  	v3 =	vadd.s32 v1, v3;
	s0 =	simm.s32 $0xF800  }
0x89: {  	[hbm4b:s5+s2] =	stream.indirect_vreg.scatter [tilespmem:s0], [sflag:$0x1], $0x80, v4, vm0, $0xb8;
	[tilespmem:$0x18100] =	vst v63  }
0x8a: {  	s0 =	simm.s32 $0x10000  }
0x8b: {  	[hbm4b:s6+s2] =	stream.indirect_vreg.scatter [tilespmem:s0], [sflag:$0x1], $0x80, v4, vm0, $0xb8;
	[tilespmem:$0x18100] =	vst v63  }
0x8c: {  	s0 =	simm.s32 $0x10800  }
0x8d: {  	[hbm4b:s4+s2] =	stream.indirect_vreg.scatter [tilespmem:s0], [sflag:$0x1], $0x80, v3, vm0, $0xb8;
	[tilespmem:$0x18100] =	vst v63  }
0x8e: {  	s0 =	simm.s32 $0x11000  }
0x8f: {  	[hbm4b:s5+s2] =	stream.indirect_vreg.scatter [tilespmem:s0], [sflag:$0x1], $0x80, v3, vm0, $0xb8;
	[tilespmem:$0x18100] =	vst v63  }
0x90: {  	s0 =	simm.s32 $0x11800  }
0x91: {  	[hbm4b:s6+s2] =	stream.indirect_vreg.scatter [tilespmem:s0], [sflag:$0x1], $0x80, v3, vm0, $0xb8;
	[tilespmem:$0x18100] =	vst v63  }
0x92: {  	v3 =	vld [tilespmem:$0x18060];
	_ =	sdelay $0x4  }
0x93: {  	v54 =	vshrl.u32 v3, $0x3  }
0x94: {  	v4 =	vmul.u32 $0x30, v54  }
0x95: {  	v3 =	vand.u32 $0x7, v3  }
0x96: {  	v3 =	vor.u32 v3, v4  }
0x97: {  	v4 =	vperm.xlane v3, v0;
	_ =	sdelay $0x1  }
0x98: {  	v4 =	vadd.s32 v1, v4;
	_ =	sdelay $0x3  }
0x99: {  	s0 =	simm.s32 $0x12000;
	v3 =	vperm.xlane v3, v2  }
0x9a: {  	[hbm4b:s4+s2] =	stream.indirect_vreg.scatter [tilespmem:s0], [sflag:$0x1], $0x80, v4, vm0, $0xb8;
	[tilespmem:$0x18100] =	vst v63  }
0x9b: {  	v3 =	vadd.s32 v1, v3;
	s0 =	simm.s32 $0x12800  }
0x9c: {  	[hbm4b:s5+s2] =	stream.indirect_vreg.scatter [tilespmem:s0], [sflag:$0x1], $0x80, v4, vm0, $0xb8;
	[tilespmem:$0x18100] =	vst v63  }
0x9d: {  	s0 =	simm.s32 $0x13000  }
0x9e: {  	[hbm4b:s6+s2] =	stream.indirect_vreg.scatter [tilespmem:s0], [sflag:$0x1], $0x80, v4, vm0, $0xb8;
	[tilespmem:$0x18100] =	vst v63  }
0x9f: {  	s0 =	simm.s32 $0x13800  }
0xa0: {  	[hbm4b:s4+s2] =	stream.indirect_vreg.scatter [tilespmem:s0], [sflag:$0x1], $0x80, v3, vm0, $0xb8;
	[tilespmem:$0x18100] =	vst v63  }
0xa1: {  	s0 =	simm.s32 $0x14000  }
0xa2: {  	[hbm4b:s5+s2] =	stream.indirect_vreg.scatter [tilespmem:s0], [sflag:$0x1], $0x80, v3, vm0, $0xb8;
	[tilespmem:$0x18100] =	vst v63  }
0xa3: {  	s0 =	simm.s32 $0x14800  }
0xa4: {  	[hbm4b:s6+s2] =	stream.indirect_vreg.scatter [tilespmem:s0], [sflag:$0x1], $0x80, v3, vm0, $0xb8;
	[tilespmem:$0x18100] =	vst v63  }
0xa5: {  	v3 =	vld [tilespmem:$0x18070];
	_ =	sdelay $0x4  }
0xa6: {  	v55 =	vshrl.u32 v3, $0x3  }
0xa7: {  	v4 =	vmul.u32 $0x30, v55  }
0xa8: {  	v3 =	vand.u32 $0x7, v3  }
0xa9: {  	v3 =	vor.u32 v3, v4  }
0xaa: {  	v4 =	vperm.xlane v3, v0;
	_ =	sdelay $0x1  }
0xab: {  	v4 =	vadd.s32 v1, v4;
	_ =	sdelay $0x3  }
0xac: {  	s0 =	simm.s32 $0x15000;
	v3 =	vperm.xlane v3, v2  }
0xad: {  	[hbm4b:s4+s2] =	stream.indirect_vreg.scatter [tilespmem:s0], [sflag:$0x1], $0x80, v4, vm0, $0xb8;
	[tilespmem:$0x18100] =	vst v63  }
0xae: {  	v3 =	vadd.s32 v1, v3;
	s0 =	simm.s32 $0x15800  }
0xaf: {  	[hbm4b:s5+s2] =	stream.indirect_vreg.scatter [tilespmem:s0], [sflag:$0x1], $0x80, v4, vm0, $0xb8;
	[tilespmem:$0x18100] =	vst v63  }
0xb0: {  	s0 =	simm.s32 $0x16000  }
0xb1: {  	[hbm4b:s6+s2] =	stream.indirect_vreg.scatter [tilespmem:s0], [sflag:$0x1], $0x80, v4, vm0, $0xb8;
	[tilespmem:$0x18100] =	vst v63  }
0xb2: {  	s0 =	simm.s32 $0x16800  }
0xb3: {  	[hbm4b:s4+s2] =	stream.indirect_vreg.scatter [tilespmem:s0], [sflag:$0x1], $0x80, v3, vm0, $0xb8;
	[tilespmem:$0x18100] =	vst v63  }
0xb4: {  	s0 =	simm.s32 $0x17000  }
0xb5: {  	[hbm4b:s5+s2] =	stream.indirect_vreg.scatter [tilespmem:s0], [sflag:$0x1], $0x80, v3, vm0, $0xb8;
	[tilespmem:$0x18100] =	vst v63  }
0xb6: {  	s0 =	simm.s32 $0x17800  }
0xb7: {  	[hbm4b:s6+s2] =	stream.indirect_vreg.scatter [tilespmem:s0], [sflag:$0x1], $0x80, v3, vm0, $0xb8;
	[tilespmem:$0x18100] =	vst v63  }
0xb8: {  	v3 =	vld [tilespmem:$0x18080];
	_ =	sdelay $0x4  }
0xb9: {  	v56 =	vshrl.u32 v3, $0x3  }
0xba: {  	v4 =	vmul.u32 $0x30, v56  }
0xbb: {  	v3 =	vand.u32 $0x7, v3  }
0xbc: {  	v3 =	vor.u32 v3, v4  }
0xbd: {  	v4 =	vperm.xlane v3, v0;
	_ =	sdelay $0x1  }
0xbe: {  	v4 =	vadd.s32 v1, v4;
	_ =	sdelay $0x3  }
0xbf: {  	v3 =	vperm.xlane v3, v2  }
0xc0: {  	[hbm4b:s4+s2] =	stream.indirect_vreg.scatter [tilespmem:s2], [sflag:$0x2], $0x80, v4, vm0, $0xb8;
	[tilespmem:$0x18100] =	vst v63  }
0xc1: {  	v3 =	vadd.s32 v1, v3  }
0xc2: {  	[hbm4b:s5+s2] =	stream.indirect_vreg.scatter [tilespmem:s3], [sflag:$0x2], $0x80, v4, vm0, $0xb8;
	[tilespmem:$0x18100] =	vst v63  }
0xc3: {  	_ = 	snop  }
0xc4: {  	[hbm4b:s6+s2] =	stream.indirect_vreg.scatter [tilespmem:s9], [sflag:$0x2], $0x80, v4, vm0, $0xb8;
	[tilespmem:$0x18100] =	vst v63  }
0xc5: {  	_ = 	snop  }
0xc6: {  	[hbm4b:s4+s2] =	stream.indirect_vreg.scatter [tilespmem:s10], [sflag:$0x2], $0x80, v3, vm0, $0xb8;
	[tilespmem:$0x18100] =	vst v63  }
0xc7: {  	_ = 	snop  }
0xc8: {  	[hbm4b:s5+s2] =	stream.indirect_vreg.scatter [tilespmem:s11], [sflag:$0x2], $0x80, v3, vm0, $0xb8;
	[tilespmem:$0x18100] =	vst v63  }
0xc9: {  	_ = 	snop  }
0xca: {  	[hbm4b:s6+s2] =	stream.indirect_vreg.scatter [tilespmem:s12], [sflag:$0x2], $0x80, v3, vm0, $0xb8;
	[tilespmem:$0x18100] =	vst v63  }
0xcb: {  	v3 =	vld [tilespmem:$0x18090];
	_ =	sdelay $0x4  }
0xcc: {  	v57 =	vshrl.u32 v3, $0x3  }
0xcd: {  	v4 =	vmul.u32 $0x30, v57  }
0xce: {  	v3 =	vand.u32 $0x7, v3  }
0xcf: {  	v3 =	vor.u32 v3, v4  }
0xd0: {  	v4 =	vperm.xlane v3, v0;
	_ =	sdelay $0x1  }
0xd1: {  	v4 =	vadd.s32 v1, v4;
	_ =	sdelay $0x3  }
0xd2: {  	v3 =	vperm.xlane v3, v2  }
0xd3: {  	[hbm4b:s4+s2] =	stream.indirect_vreg.scatter [tilespmem:s13], [sflag:$0x2], $0x80, v4, vm0, $0xb8;
	[tilespmem:$0x18100] =	vst v63  }
0xd4: {  	v3 =	vadd.s32 v1, v3  }
0xd5: {  	[hbm4b:s5+s2] =	stream.indirect_vreg.scatter [tilespmem:s14], [sflag:$0x2], $0x80, v4, vm0, $0xb8;
	[tilespmem:$0x18100] =	vst v63  }
0xd6: {  	_ = 	snop  }
0xd7: {  	[hbm4b:s6+s2] =	stream.indirect_vreg.scatter [tilespmem:s15], [sflag:$0x2], $0x80, v4, vm0, $0xb8;
	[tilespmem:$0x18100] =	vst v63  }
0xd8: {  	_ = 	snop  }
0xd9: {  	[hbm4b:s4+s2] =	stream.indirect_vreg.scatter [tilespmem:s16], [sflag:$0x2], $0x80, v3, vm0, $0xb8;
	[tilespmem:$0x18100] =	vst v63  }
0xda: {  	_ = 	snop  }
0xdb: {  	[hbm4b:s5+s2] =	stream.indirect_vreg.scatter [tilespmem:s17], [sflag:$0x2], $0x80, v3, vm0, $0xb8;
	[tilespmem:$0x18100] =	vst v63  }
0xdc: {  	_ = 	snop  }
0xdd: {  	[hbm4b:s6+s2] =	stream.indirect_vreg.scatter [tilespmem:s18], [sflag:$0x2], $0x80, v3, vm0, $0xb8;
	[tilespmem:$0x18100] =	vst v63  }
0xde: {  	v3 =	vld [tilespmem:$0x180A0];
	_ =	sdelay $0x4  }
0xdf: {  	v58 =	vshrl.u32 v3, $0x3  }
0xe0: {  	v4 =	vmul.u32 $0x30, v58  }
0xe1: {  	v3 =	vand.u32 $0x7, v3  }
0xe2: {  	v3 =	vor.u32 v3, v4  }
0xe3: {  	v4 =	vperm.xlane v3, v0;
	_ =	sdelay $0x1  }
0xe4: {  	v4 =	vadd.s32 v1, v4;
	_ =	sdelay $0x3  }
0xe5: {  	v3 =	vperm.xlane v3, v2  }
0xe6: {  	[hbm4b:s4+s2] =	stream.indirect_vreg.scatter [tilespmem:s19], [sflag:$0x2], $0x80, v4, vm0, $0xb8;
	[tilespmem:$0x18100] =	vst v63  }
0xe7: {  	v3 =	vadd.s32 v1, v3  }
0xe8: {  	[hbm4b:s5+s2] =	stream.indirect_vreg.scatter [tilespmem:s20], [sflag:$0x2], $0x80, v4, vm0, $0xb8;
	[tilespmem:$0x18100] =	vst v63  }
0xe9: {  	_ = 	snop  }
0xea: {  	[hbm4b:s6+s2] =	stream.indirect_vreg.scatter [tilespmem:s21], [sflag:$0x2], $0x80, v4, vm0, $0xb8;
	[tilespmem:$0x18100] =	vst v63  }
0xeb: {  	_ = 	snop  }
0xec: {  	[hbm4b:s4+s2] =	stream.indirect_vreg.scatter [tilespmem:s22], [sflag:$0x2], $0x80, v3, vm0, $0xb8;
	[tilespmem:$0x18100] =	vst v63  }
0xed: {  	_ = 	snop  }
0xee: {  	[hbm4b:s5+s2] =	stream.indirect_vreg.scatter [tilespmem:s23], [sflag:$0x2], $0x80, v3, vm0, $0xb8;
	[tilespmem:$0x18100] =	vst v63  }
0xef: {  	_ = 	snop  }
0xf0: {  	[hbm4b:s6+s2] =	stream.indirect_vreg.scatter [tilespmem:s24], [sflag:$0x2], $0x80, v3, vm0, $0xb8;
	[tilespmem:$0x18100] =	vst v63  }
0xf1: {  	v3 =	vld [tilespmem:$0x180B0];
	_ =	sdelay $0x4  }
0xf2: {  	v59 =	vshrl.u32 v3, $0x3  }
0xf3: {  	v4 =	vmul.u32 $0x30, v59  }
0xf4: {  	v3 =	vand.u32 $0x7, v3  }
0xf5: {  	v3 =	vor.u32 v3, v4  }
0xf6: {  	v4 =	vperm.xlane v3, v0;
	_ =	sdelay $0x1  }
0xf7: {  	v4 =	vadd.s32 v1, v4;
	_ =	sdelay $0x3  }
0xf8: {  	v3 =	vperm.xlane v3, v2  }
0xf9: {  	[hbm4b:s4+s2] =	stream.indirect_vreg.scatter [tilespmem:s25], [sflag:$0x2], $0x80, v4, vm0, $0xb8;
	[tilespmem:$0x18100] =	vst v63  }
0xfa: {  	v3 =	vadd.s32 v1, v3  }
0xfb: {  	[hbm4b:s5+s2] =	stream.indirect_vreg.scatter [tilespmem:s26], [sflag:$0x2], $0x80, v4, vm0, $0xb8;
	[tilespmem:$0x18100] =	vst v63  }
0xfc: {  	_ = 	snop  }
0xfd: {  	[hbm4b:s6+s2] =	stream.indirect_vreg.scatter [tilespmem:s28], [sflag:$0x2], $0x80, v4, vm0, $0xb8;
	[tilespmem:$0x18100] =	vst v63  }
0xfe: {  	_ = 	snop  }
0xff: {  	[hbm4b:s4+s2] =	stream.indirect_vreg.scatter [tilespmem:s29], [sflag:$0x2], $0x80, v3, vm0, $0xb8;
	[tilespmem:$0x18100] =	vst v63  }
0x100: {  	_ = 	snop  }
0x101: {  	[hbm4b:s5+s2] =	stream.indirect_vreg.scatter [tilespmem:s30], [sflag:$0x2], $0x80, v3, vm0, $0xb8;
	[tilespmem:$0x18100] =	vst v63  }
0x102: {  	_ = 	snop  }
0x103: {  	[hbm4b:s6+s2] =	stream.indirect_vreg.scatter [tilespmem:s31], [sflag:$0x2], $0x80, v3, vm0, $0xb8;
	[tilespmem:$0x18100] =	vst v63  }
0x104: {  	v3 =	vld [tilespmem:$0x180C0];
	_ =	sdelay $0x4  }
0x105: {  	v60 =	vshrl.u32 v3, $0x3  }
0x106: {  	v4 =	vmul.u32 $0x30, v60  }
0x107: {  	v3 =	vand.u32 $0x7, v3  }
0x108: {  	v3 =	vor.u32 v3, v4  }
0x109: {  	v4 =	vperm.xlane v3, v0;
	_ =	sdelay $0x1  }
0x10a: {  	v4 =	vadd.s32 v1, v4;
	_ =	sdelay $0x3  }
0x10b: {  	v3 =	vperm.xlane v3, v2  }
0x10c: {  	[hbm4b:s4+s2] =	stream.indirect_vreg.scatter [tilespmem:s1], [sflag:$0x2], $0x80, v4, vm0, $0xb8;
	[tilespmem:$0x18100] =	vst v63  }
0x10d: {  	s3 =	simm.s32 $0xC800;
	v3 =	vadd.s32 v1, v3  }
0x10e: {  	[hbm4b:s5+s2] =	stream.indirect_vreg.scatter [tilespmem:s3], [sflag:$0x2], $0x80, v4, vm0, $0xb8;
	[tilespmem:$0x18100] =	vst v63  }
0x10f: {  	s9 =	simm.s32 $0xD000  }
0x110: {  	[hbm4b:s6+s2] =	stream.indirect_vreg.scatter [tilespmem:s9], [sflag:$0x2], $0x80, v4, vm0, $0xb8;
	[tilespmem:$0x18100] =	vst v63  }
0x111: {  	s3 =	simm.s32 $0xD800  }
0x112: {  	[hbm4b:s4+s2] =	stream.indirect_vreg.scatter [tilespmem:s3], [sflag:$0x2], $0x80, v3, vm0, $0xb8;
	[tilespmem:$0x18100] =	vst v63  }
0x113: {  	s9 =	simm.s32 $0xE000  }
0x114: {  	[hbm4b:s5+s2] =	stream.indirect_vreg.scatter [tilespmem:s9], [sflag:$0x2], $0x80, v3, vm0, $0xb8;
	[tilespmem:$0x18100] =	vst v63  }
0x115: {  	s3 =	simm.s32 $0xE800  }
0x116: {  	[hbm4b:s6+s2] =	stream.indirect_vreg.scatter [tilespmem:s3], [sflag:$0x2], $0x80, v3, vm0, $0xb8;
	[tilespmem:$0x18100] =	vst v63  }
0x117: {  	v3 =	vld [tilespmem:$0x180D0];
	_ =	sdelay $0x4  }
0x118: {  	v61 =	vshrl.u32 v3, $0x3  }
0x119: {  	v4 =	vmul.u32 $0x30, v61  }
0x11a: {  	v3 =	vand.u32 $0x7, v3  }
0x11b: {  	v3 =	vor.u32 v3, v4  }
0x11c: {  	v4 =	vperm.xlane v3, v0;
	_ =	sdelay $0x1  }
0x11d: {  	v4 =	vadd.s32 v1, v4;
	_ =	sdelay $0x3  }
0x11e: {  	s9 =	simm.s32 $0xF000;
	v3 =	vperm.xlane v3, v2  }
0x11f: {  	[hbm4b:s4+s2] =	stream.indirect_vreg.scatter [tilespmem:s9], [sflag:$0x2], $0x80, v4, vm0, $0xb8;
	[tilespmem:$0x18100] =	vst v63  }
0x120: {  	s3 =	simm.s32 $0xF800;
	v3 =	vadd.s32 v1, v3  }
0x121: {  	[hbm4b:s5+s2] =	stream.indirect_vreg.scatter [tilespmem:s3], [sflag:$0x2], $0x80, v4, vm0, $0xb8;
	[tilespmem:$0x18100] =	vst v63  }
0x122: {  	s9 =	simm.s32 $0x10000  }
0x123: {  	[hbm4b:s6+s2] =	stream.indirect_vreg.scatter [tilespmem:s9], [sflag:$0x2], $0x80, v4, vm0, $0xb8;
	[tilespmem:$0x18100] =	vst v63  }
0x124: {  	s3 =	simm.s32 $0x10800  }
0x125: {  	[hbm4b:s4+s2] =	stream.indirect_vreg.scatter [tilespmem:s3], [sflag:$0x2], $0x80, v3, vm0, $0xb8;
	[tilespmem:$0x18100] =	vst v63  }
0x126: {  	s9 =	simm.s32 $0x11000  }
0x127: {  	[hbm4b:s5+s2] =	stream.indirect_vreg.scatter [tilespmem:s9], [sflag:$0x2], $0x80, v3, vm0, $0xb8;
	[tilespmem:$0x18100] =	vst v63  }
0x128: {  	s3 =	simm.s32 $0x11800  }
0x129: {  	[hbm4b:s6+s2] =	stream.indirect_vreg.scatter [tilespmem:s3], [sflag:$0x2], $0x80, v3, vm0, $0xb8;
	[tilespmem:$0x18100] =	vst v63  }
0x12a: {  	v3 =	vld [tilespmem:$0x180E0];
	_ =	sdelay $0x4  }
0x12b: {  	v62 =	vshrl.u32 v3, $0x3  }
0x12c: {  	v4 =	vmul.u32 $0x30, v62  }
0x12d: {  	v3 =	vand.u32 $0x7, v3  }
0x12e: {  	v3 =	vor.u32 v3, v4  }
0x12f: {  	v4 =	vperm.xlane v3, v0;
	_ =	sdelay $0x1  }
0x130: {  	v4 =	vadd.s32 v1, v4;
	_ =	sdelay $0x3  }
0x131: {  	s9 =	simm.s32 $0x12000;
	v3 =	vperm.xlane v3, v2  }
0x132: {  	[hbm4b:s4+s2] =	stream.indirect_vreg.scatter [tilespmem:s9], [sflag:$0x2], $0x80, v4, vm0, $0xb8;
	[tilespmem:$0x18100] =	vst v63  }
0x133: {  	s3 =	simm.s32 $0x12800;
	v3 =	vadd.s32 v1, v3  }
0x134: {  	[hbm4b:s5+s2] =	stream.indirect_vreg.scatter [tilespmem:s3], [sflag:$0x2], $0x80, v4, vm0, $0xb8;
	[tilespmem:$0x18100] =	vst v63  }
0x135: {  	s9 =	simm.s32 $0x13000  }
0x136: {  	[hbm4b:s6+s2] =	stream.indirect_vreg.scatter [tilespmem:s9], [sflag:$0x2], $0x80, v4, vm0, $0xb8;
	[tilespmem:$0x18100] =	vst v63  }
0x137: {  	s3 =	simm.s32 $0x13800  }
0x138: {  	[hbm4b:s4+s2] =	stream.indirect_vreg.scatter [tilespmem:s3], [sflag:$0x2], $0x80, v3, vm0, $0xb8;
	[tilespmem:$0x18100] =	vst v63  }
0x139: {  	s9 =	simm.s32 $0x14000  }
0x13a: {  	[hbm4b:s5+s2] =	stream.indirect_vreg.scatter [tilespmem:s9], [sflag:$0x2], $0x80, v3, vm0, $0xb8;
	[tilespmem:$0x18100] =	vst v63  }
0x13b: {  	s3 =	simm.s32 $0x14800  }
0x13c: {  	[hbm4b:s6+s2] =	stream.indirect_vreg.scatter [tilespmem:s3], [sflag:$0x2], $0x80, v3, vm0, $0xb8;
	[tilespmem:$0x18100] =	vst v63  }
0x13d: {  	v3 =	vld [tilespmem:$0x180F0];
	_ =	sdelay $0x4  }
0x13e: {  	v63 =	vshrl.u32 v3, $0x3  }
0x13f: {  	v4 =	vmul.u32 $0x30, v63  }
0x140: {  	v3 =	vand.u32 $0x7, v3  }
0x141: {  	v3 =	vor.u32 v3, v4  }
0x142: {  	v4 =	vperm.xlane v3, v0;
	_ =	sdelay $0x1  }
0x143: {  	v4 =	vadd.s32 v1, v4;
	_ =	sdelay $0x3  }
0x144: {  	s9 =	simm.s32 $0x15000;
	v3 =	vperm.xlane v3, v2  }
0x145: {  	[hbm4b:s4+s2] =	stream.indirect_vreg.scatter [tilespmem:s9], [sflag:$0x2], $0x80, v4, vm0, $0xb8;
	[tilespmem:$0x18100] =	vst v63  }
0x146: {  	s3 =	simm.s32 $0x15800;
	v3 =	vadd.s32 v1, v3  }
0x147: {  	[hbm4b:s5+s2] =	stream.indirect_vreg.scatter [tilespmem:s3], [sflag:$0x2], $0x80, v4, vm0, $0xb8;
	[tilespmem:$0x18100] =	vst v63  }
0x148: {  	s9 =	simm.s32 $0x16000  }
0x149: {  	[hbm4b:s6+s2] =	stream.indirect_vreg.scatter [tilespmem:s9], [sflag:$0x2], $0x80, v4, vm0, $0xb8;
	[tilespmem:$0x18100] =	vst v63  }
0x14a: {  	s3 =	simm.s32 $0x16800  }
0x14b: {  	[hbm4b:s4+s2] =	stream.indirect_vreg.scatter [tilespmem:s3], [sflag:$0x2], $0x80, v3, vm0, $0xb8;
	[tilespmem:$0x18100] =	vst v63  }
0x14c: {  	s9 =	simm.s32 $0x17000  }
0x14d: {  	[hbm4b:s5+s2] =	stream.indirect_vreg.scatter [tilespmem:s9], [sflag:$0x2], $0x80, v3, vm0, $0xb8;
	[tilespmem:$0x18100] =	vst v63  }
0x14e: {  	s3 =	simm.s32 $0x1  }
0x14f: {  	[hbm4b:s6+s2] =	stream.indirect_vreg.scatter [tilespmem:s0], [sflag:$0x2], $0x80, v3, vm0, $0xb8;
	[tilespmem:$0x18100] =	vst v63  }
0x150: {  	p0 =	sne.s32 s7, $0x1;
	_ =	swait.ge [sflag:s3], $0x18000  }
.Ltmp0:
0x151: {  	[sflag:s3] =	ssyncset.done $0x0;
	(pc) =	sbr.rel @p0 .LBB2_1-.Ltmp0, $4  }
0x152: {  	s9 =	simm.s32 $0x2;
	[sflag:s3] =	ssyncadd.s32 $0xFFFE8000  }
0x153: {  	_ =	swait.ge [sflag:s9], $0x18000  }
0x154: {  	[sflag:s9] =	ssyncset.done $0x0  }
0x155: {  	s7 =	sadd.s32 $0xFFFFFFFF, s7;
	[sflag:s9] =	ssyncadd.s32 $0xFFFE8000  }
0x156: {  	_ =	sfence.sel $0x180000  }
0x157: {  	[bflag:$0x0] =	sbarrier.arrive $0xFFFF  }
0x158: {  	_ =	strace $0x90000047  }
0x159: {  	s0 =	stileid.u32;
	[bflag:$0x2] =	sbarrier.arrive $0xFFFF  }
0x15a: {  	p0 =	sne.s32 s0, $0x0;
	s0 =	rddreg [dreg:$0x2]  }
0x15b: {  	s0 =	sadd.s32 @!p0 $0x100000, s0  }
0x15c: {  	[sflag:s0] =	ssyncadd.tile.s32 @!p0 $0x1;
	_ =	shalt  }
.Lfunc_end2:
_tile_overlayer_lowered:
.L_overlay_start_2:
0x15d: {  	(tag) =	ssettag $0x2  }
0x15e: {  	s0 =	rddreg [dreg:$0x0];
	s2 =	stileid.u32  }
0x15f: {  	s1 =	rddreg [dreg:$0x1];
	p0 =	sne.s32 s2, $0x0  }
0x160: {  	s3 =	rddreg [dreg:$0x2];
	[bflag:$0x3] =	sbarrier.arrive $0xFFFF;
	s2 =	simm.s32 @!p0 $0x1C03  }
0x161: {  	[timem:s3], [sflag:s2] =	dma.local @!p0 [hbm:s0], s1  }
0x162: {  	s0 =	simm.s32 @!p0 $0x3  }
0x163: {  	_ =	swait.ge @!p0 [sflag:s0], s1  }
0x164: {  	s1 =	ssub.s32 @!p0 $0x0, s1;
	[sflag:s0] =	ssyncset.done @!p0 $0x0  }
0x165: {  	[sflag:s0] =	ssyncadd.s32 @!p0 s1  }
0x166: {  	[bflag:$0x3] =	sbarrier.arrive $0xFFFF  }
0x167: {  	_ =	shalt  }

// kernel: kernel.8.cloned.1.call-start
scs
__scs_entry_jumppad:
0x0: {  	(pc) =	sbr.rel $0x88, $3  }
0x1: {  	(tag) =	ssettag $0x0;
	lr =	simm.s32 $0x1  }
0x2: {  	[smem:$0x3F9B] =	sst lr;
	_ =	strace $0xD0000000  }
0x3: {  	_ = 	snop  }
0x4: {  	_ = 	snop  }
0x5: {  	_ = 	snop  }
0x6: {  	_ = 	snop  }
0x7: {  	_ = 	snop  }
__scs_overlays_trampoline_lowered:
0x8: {  	[smem:$0x3FAA] =	sst s0  }
0x9: {  	[smem:$0x3FAB] =	sst s1  }
0xa: {  	[smem:$0x3FAC] =	sst s2  }
0xb: {  	[smem:$0x3FAD] =	sst s3  }
0xc: {  	[smem:$0x3FAE] =	sst s4  }
0xd: {  	[smem:$0x3FAF] =	sst s5  }
0xe: {  	[smem:$0x3FB0] =	sst s6  }
0xf: {  	[smem:$0x3FB1] =	sst s7  }
0x10: {  	[smem:$0x3FB2] =	sst s8  }
0x11: {  	[smem:$0x3FB3] =	sst s9;
	s0 =	simm.s32 @!p0 $0x0  }
0x12: {  	s1 =	sld [smem:$0x3F99];
	s0 =	simm.s32 @p0 $0x1  }
0x13: {  	[smem:$0x3FB4] =	sst s0;
	s0 =	simm.s32 @!p1 $0x0  }
0x14: {  	s2 =	sld [smem:$0x3F98];
	s0 =	simm.s32 @p1 $0x1  }
0x15: {  	[smem:$0x3FB5] =	sst s0;
	s0 =	simm.s32 @!p2 $0x0  }
0x16: {  	s3 =	sld [smem:$0x3FDB];
	s0 =	simm.s32 @p2 $0x1  }
0x17: {  	s4 =	simm.s32 $0x1BF5;
	[smem:$0x3FB7] =	sst s0  }
0x18: {  	s0 =	sld [smem:$0x3F9A];
	_ =	swait.ge [sflag:s4], $0x0  }
0x19: {  	s7 =	sld [smem:$0x3F9B]  }
0x1a: {  	s8 =	sadd.s32 $0xFFFFE003, lr  }
0x1b: {  	s9 =	sadd.s32 $0xFFFFFEF7, lr;
	s5 =	simm.s32 $0xFFFFFFFF;
	p2 =	slt.u32 s8, $0xFFFFF086  }
0x1c: {  	p1 =	slt.u32 s9, $0xF7A;
	s5 =	simm.s32 @!p2 $0x0  }
0x1d: {  	s5 =	simm.s32 @p1 $0x1;
	p0 =	seq.s32 s7, s2  }
0x1e: {  	s7 =	smul.u32 @!p0 $0xF7A, s2;
	p2 =	seq.s32 @!p0 s5, $0x0  }
0x1f: {  	s9 =	smul.u32 $0xF7A, s1;
	s8 =	simm.s32 @!p0 $0x1BF5;
	p2 =	por !p2, p0  }
0x20: {  	[sflag:s8] =	ssyncset.s32 @!p0 $0xFFFFF086;
	s6 =	sadd.s32 @!p0 s3, s7;
	s7 =	simm.s32 @!p0 $0x108  }
0x21: {  	s3 =	sadd.s32 s3, s9;
	s6 =	sadd.s32 @!p0 $0x88, s6;
	s7 =	simm.s32 @p2 $0x1082  }
0x22: {  	[simem:s7], [sflag:s8] =	dma.local @!p0 [hbm:s6], $0xF7A  }
0x23: {  	s9 =	sor.u32 $0xD0000000, s2;
	s6 =	simm.s32 $0x108;
	_ =	swait.ge @!p0 [sflag:s8], $0x0  }
0x24: {  	s3 =	sadd.s32 $0x88, s3;
	s6 =	simm.s32 @!p1 $0x1082;
	[sflag:s4] =	ssyncset.s32 $0xFFFFF086  }
0x25: {  	[simem:s6], [sflag:s4] =	dma.local [hbm:s3], $0xF7A  }
0x26: {  	[smem:$0x3F9B] =	sst s1;
	(tag) =	ssettag s2;
	_ =	strace s9  }
0x27: {  	s1 =	sld [smem:$0x3FAB]  }
0x28: {  	s2 =	sld [smem:$0x3FAC]  }
0x29: {  	s4 =	sld [smem:$0x3FAE]  }
0x2a: {  	p0 =	seq.s32 s5, $0x0;
	s5 =	sld [smem:$0x3FAF]  }
0x2b: {  	s6 =	sld [smem:$0x3FB0]  }
0x2c: {  	s7 =	sld [smem:$0x3FB1]  }
0x2d: {  	s3 =	simm.s32 $0x108;
	s8 =	sld [smem:$0x3FB2]  }
0x2e: {  	s3 =	simm.s32 @!p0 $0x1082;
	s9 =	sld [smem:$0x3FB3]  }
0x2f: {  	lr =	sadd.s32 s0, s3;
	s0 =	sld [smem:$0x3FAA]  }
0x30: {  	s3 =	sld [smem:$0x3FAD]  }
0x31: {  	[smem:$0x3FB6] =	sst s10  }
0x32: {  	s10 =	sld [smem:$0x3FB4];
	_ =	sdelay $0x3  }
0x33: {  	p0 =	seq.s32 s10, $0x1;
	s10 =	sld [smem:$0x3FB6];
	_ =	sdelay $0x3  }
0x34: {  	[smem:$0x3FB6] =	sst s10  }
0x35: {  	s10 =	sld [smem:$0x3FB5];
	_ =	sdelay $0x3  }
0x36: {  	p1 =	seq.s32 s10, $0x1;
	s10 =	sld [smem:$0x3FB6];
	_ =	sdelay $0x3  }
0x37: {  	[smem:$0x3FB6] =	sst s10  }
0x38: {  	s10 =	sld [smem:$0x3FB7]  }
0x39: {  	_ = 	snop;
	(pc) =	sbr.ind lr, $3  }
0x3a: {  	_ = 	snop  }
0x3b: {  	_ = 	snop  }
0x3c: {  	p2 =	seq.s32 s10, $0x1;
	s10 =	sld [smem:$0x3FB6]  }
0x3d: {  	_ =	shalt  }
0x3e: {  	_ =	shalt  }
0x3f: {  	_ =	shalt  }
0x40: {  	_ =	shalt  }
0x41: {  	_ =	shalt  }
0x42: {  	_ =	shalt  }
0x43: {  	_ =	shalt  }
0x44: {  	_ =	shalt  }
0x45: {  	_ =	shalt  }
0x46: {  	_ =	shalt  }
0x47: {  	_ =	shalt  }
0x48: {  	_ =	shalt  }
0x49: {  	_ =	shalt  }
0x4a: {  	_ =	shalt  }
0x4b: {  	_ =	shalt  }
0x4c: {  	_ =	shalt  }
0x4d: {  	_ =	shalt  }
0x4e: {  	_ =	shalt  }
0x4f: {  	_ =	shalt  }
0x50: {  	_ =	shalt  }
0x51: {  	_ =	shalt  }
0x52: {  	_ =	shalt  }
0x53: {  	_ =	shalt  }
0x54: {  	_ =	shalt  }
0x55: {  	_ =	shalt  }
0x56: {  	_ =	shalt  }
0x57: {  	_ =	shalt  }
0x58: {  	_ =	shalt  }
0x59: {  	_ =	shalt  }
0x5a: {  	_ =	shalt  }
0x5b: {  	_ =	shalt  }
0x5c: {  	_ =	shalt  }
0x5d: {  	_ =	shalt  }
0x5e: {  	_ =	shalt  }
0x5f: {  	_ =	shalt  }
0x60: {  	_ =	shalt  }
0x61: {  	_ =	shalt  }
0x62: {  	_ =	shalt  }
0x63: {  	_ =	shalt  }
0x64: {  	_ =	shalt  }
0x65: {  	_ =	shalt  }
0x66: {  	_ =	shalt  }
0x67: {  	_ =	shalt  }
0x68: {  	_ =	shalt  }
0x69: {  	_ =	shalt  }
0x6a: {  	_ =	shalt  }
0x6b: {  	_ =	shalt  }
0x6c: {  	_ =	shalt  }
0x6d: {  	_ =	shalt  }
0x6e: {  	_ =	shalt  }
0x6f: {  	_ =	shalt  }
0x70: {  	_ =	shalt  }
0x71: {  	_ =	shalt  }
0x72: {  	_ =	shalt  }
0x73: {  	_ =	shalt  }
0x74: {  	_ =	shalt  }
0x75: {  	_ =	shalt  }
0x76: {  	_ =	shalt  }
0x77: {  	_ =	shalt  }
0x78: {  	_ =	shalt  }
0x79: {  	_ =	shalt  }
0x7a: {  	_ =	shalt  }
0x7b: {  	_ =	shalt  }
0x7c: {  	_ =	shalt  }
0x7d: {  	_ =	shalt  }
0x7e: {  	_ =	shalt  }
0x7f: {  	_ =	shalt  }
0x80: {  	_ =	shalt  }
0x81: {  	_ =	shalt  }
0x82: {  	_ =	shalt  }
0x83: {  	_ =	shalt  }
0x84: {  	_ =	shalt  }
0x85: {  	_ =	shalt  }
0x86: {  	_ =	shalt  }
0x87: {  	_ =	shalt  }
.Lfunc_end0:
.L_simem_size_0:
called_computation.1_lowered:
.L_overlay_start_0:
0x88: {  	s2 =	sld [smem:$0x3FD9]  }
0x89: {  	s3 =	sld [smem:$0x3FFE];
	_ =	sdelay $0x1  }
0x8a: {  	s1 =	srdreg.scid  }
0x8b: {  	s0 =	sand.u32 $0x1, s1  }
0x8c: {  	s17 =	sshll.u32 s0, $0xA;
	s2 =	sadd.s32 s3, s2  }
0x8d: {  	s2 =	sadd.s32 s2, s17  }
0x8e: {  	[smem:$0x3FC2] =	sst s2  }
0x8f: {  	_ = 	snop  }
0x90: {  	s2 =	sld [smem:$0x3FD0];
	(tm) =	ssettm $0x1  }
0x91: {  	s18 =	sld [smem:$0x3FFB];
	_ =	sdelay $0x3  }
0x92: {  	_ =	strace s18  }
0x93: {  	s3 =	sld [smem:$0x3FFC];
	_ =	sdelay $0x3  }
0x94: {  	_ =	strace s3  }
0x95: {  	s3 =	sld [smem:$0x3FFD];
	_ =	sdelay $0x3  }
0x96: {  	_ =	strace s3  }
0x97: {  	_ =	strace $0x8FFFFFFF  }
0x98: {  	s19 =	sld [smem:$0x3FDB];
	_ =	sdelay $0x1  }
0x99: {  	s4 =	simm.s32 $_scs_section_size  }
0x9a: {  	s5 =	simm.s32 $_size__tile_overlayer_lowered;
	s6 =	simm.s32 $_tile_overlayer_lowered  }
0x9b: {  	s22 =	simm.s32 $0x1BFF;
	s21 =	sshll.u32 s6, $0x1;
	s3 =	sadd.s32 s4, s19  }
0x9c: {  	s7 =	simm.s32 $0x0;
	s20 =	sshll.u32 s5, $0x1;
	s5 =	sadd.s32 s21, s3  }
0x9d: {  	[timem:s7], [sflag:s22] =	dma.local [hbm:s5], s20  }
0x9e: {  	_ =	swait.ge [sflag:s22], s20  }
0x9f: {  	s4 =	ssub.s32 $0x0, s20;
	[sflag:s22] =	ssyncset.done $0x0  }
0xa0: {  	[sflag:s22] =	ssyncadd.s32 s4;
	_ =	sdelay $0x1  }
0xa1: {  	s23 =	simm.s32 $0x1B8B  }
0xa2: {  	_ =	swait.ge [sflag:s23], $0x1  }
0xa3: {  	[sflag:s23] =	ssyncset.done $0x0  }
0xa4: {  	s25 =	simm.s32 $0x1B8E;
	s24 =	sld [smem:$0x3FFE];
	[sflag:s23] =	ssyncadd.s32 $0xFFFFFFFF  }
0xa5: {  	s26 =	simm.s32 $execute0_lowered;
	[smem:$0x3FD2] =	sst s25  }
0xa6: {  	s5 =	sshll.u32 s26, $0x1;
	_ =	strace $0x80000049;
	[dreg:$0x1] =	wrdreg $0xFFFFFFFF  }
0xa7: {  	s28 =	simm.s32 $_size_execute0_lowered;
	s3 =	sadd.s32 s3, s5;
	[dreg:$0x0] =	wrdreg $0x0  }
0xa8: {  	s5 =	sshll.u32 s28, $0x1;
	[dreg:$0x2] =	wrdreg s3  }
0xa9: {  	[dreg:$0x3] =	wrdreg s5  }
0xaa: {  	[dreg:$0x4] =	wrdreg $0xC0  }
0xab: {  	_ =	task [dreg:s7], $0x5FFFF  }
0xac: {  	[dreg:$0x1] =	wrdreg $0xFFFFFFFF  }
0xad: {  	[dreg:$0x0] =	wrdreg $0x60  }
0xae: {  	[dreg:$0x2] =	wrdreg s24  }
0xaf: {  	[dreg:$0x3] =	wrdreg s2  }
0xb0: {  	[dreg:$0x4] =	wrdreg $0x9  }
0xb1: {  	_ =	task.clear_ibuf [dreg:s7], $0x5FFFF;
	_ =	strace $0x90000049  }
0xb2: {  	s29 =	simm.s32 $0x9;
	_ =	strace $0x8000004B  }
0xb3: {  	_ =	swait.ge [sflag:s29], $0x1  }
0xb4: {  	[sflag:s29] =	ssyncadd.s32 $0xFFFFFFFF  }
0xb5: {  	_ =	strace $0x9000004B  }
0xb6: {  	_ =	sfence  }
0xb7: {  	s30 =	sld [smem:$0x0];
	_ =	sdelay $0x2  }
0xb8: {  	s31 =	sshll.u32 s1, $0xD;
	s1 =	sshrl.u32 s1, $0x2  }
0xb9: {  	s3 =	sand.u32 $0x4000, s31;
	s1 =	sadd.s32 s1, s30  }
0xba: {  	s0 =	sor.u32 s3, s0;
	s1 =	sshll.u32 s1, $0x11  }
0xbb: {  	s0 =	sor.u32 s1, s0  }
0xbc: {  	s0 =	sadd.s32 $0x8F2B, s0  }
0xbd: {  	[sflag:s0] =	ssyncadd.remote.s32 $0x1  }
0xbe: {  	_ =	sfence.sel $0xFFFF  }
0xbf: {  	[dreg:$0x0] =	wrdreg $0xFFFFFFFF;
	(pc) =	sbr.abs _section_cstart, $3  }
0xc0: {  	[dreg:$0x1] =	wrdreg $0xFFFFFFFF  }
0xc1: {  	_ =	task.clear_ibuf [dreg:s7], $0x2FFFF;
	_ =	strace $0x9FFFFFFF  }
0xc2: {  	(tm) =	ssettm $0x7FFFFFFF  }
0xc3: {  	_ =	shalt  }
tec
execute0_lowered:
.L_overlay_start_1:
0x0: {  	(tag) =	ssettag $0x1  }
0x1: {  	s0 =	rddreg [dreg:$0x0]  }
0x2: {  	s2 =	rddreg [dreg:$0x1];
	s1 =	simm.s32 $0x0  }
0x3: {  	s4 =	srdreg.scid;
	s9 =	stileid.u32;
	s18 =	simm.s32 $0x3  }
0x4: {  	s29 =	simm.s32 $0x1;
	s28 =	simm.s32 $0x14000;
	s30 =	simm.s32 $0x15000  }
0x5: {  	s31 =	simm.s32 $0x15800;
	s17 =	simm.s32 $0x2;
	[smem:$0x7FF] =	sst s1  }
0x6: {  	s3 =	sadd.s32 $0x11AA00, s0;
	s5 =	sadd.s32 $0x200, s0;
	s4 =	sand.u32 $0x1, s4  }
0x7: {  	s9 =	sshll.u32 s9, $0x5;
	s7 =	ssub.s32 $0x2, s4;
	s4 =	sshll.u32 s4, $0x4  }
0x8: {  	s6 =	sadd.s32 $0x11A800, s0;
	s10 =	sadd.s32 $0x11A600, s0;
	s4 =	sor.u32 s4, s9  }
0x9: {  	_ =	strace $0x8000004A;
	s8 =	sshrl.u32 s7, $0x1;
	s20 =	sadd.s32 s5, s4  }
0xa: {  	s9 =	sadd.s32 $0x11AC00, s0;
	s21 =	sadd.s32 s0, s4;
	[dreg:$0x3] =	wrdreg s20  }
0xb: {  	s22 =	sadd.s32 s6, s4;
	s11 =	smul.u32 $0x300, s4;
	[dreg:$0x4] =	wrdreg s21  }
0xc: {  	s12 =	sor.u32 $0x8, s4;
	s4 =	sadd.s32 s10, s4;
	[dreg:$0x5] =	wrdreg s22  }
0xd: {  	s8 =	ssub.s32 s7, s8;
	s7 =	sadd.s32 $0x11AB00, s0;
	[dreg:$0x6] =	wrdreg s4  }
0xe: {  	s23 =	smul.u32 $0x300, s12;
	s5 =	sadd.s32 s5, s12;
	s0 =	sadd.s32 s0, s12  }
0xf: {  	s24 =	sadd.s32 s6, s12;
	s25 =	sadd.s32 s10, s12;
	s16 =	smax.u32 s8, $0x1  }
0x10: {  	s4 =	simm.s32 $0x10800;
	s6 =	simm.s32 $0x12800;
	[dreg:$0x8] =	wrdreg s5  }
0x11: {  	s8 =	simm.s32 $0x14800;
	s10 =	simm.s32 $0x16800;
	[dreg:$0x9] =	wrdreg s0  }
0x12: {  	s12 =	simm.s32 $0x0;
	s11 =	sadd.s32 s2, s11;
	[dreg:$0xa] =	wrdreg s24  }
0x13: {  	[dreg:$0xb] =	wrdreg s25;
	s5 =	simm.s32 $0x11800;
	s24 =	simm.s32 $0x12000  }
0x14: {  	v2 =	vlaneseq.u32;
	s25 =	simm.s32 $0x13000;
	s0 =	simm.s32 $0x16000;
	[dreg:$0x7] =	wrdreg s11  }
0x15: {  	vm0 =	vmmov $0xffff;
	v1 =	vshrl.u32 v2, $0x3;
	s26 =	sadd.s32 s2, s23;
	s23 =	simm.s32 $0x11000;
	s2 =	simm.s32 $0x17000  }
0x16: {  	v0 =	vand.u32 $0x7, v2;
	v2 =	vor.u32 $0x8, v2;
	v1 =	vmul.u32 $0x8, v1;
	s11 =	simm.s32 $0x17800;
	[dreg:$0xc] =	wrdreg s26;
	s26 =	simm.s32 $0x13800  }
.LBB2_1:
0x17: {  	s13 =	rddreg [dreg:$0x3];
	s14 =	simm.s32 $0x18000  }
0x18: {  	[tilespmem:s14], [sflag:$0x3] =	stream.linear.gather [hbm4b:s13+s1], $0x40, $0x38;
	[tilespmem:$0x18200] =	vst v63  }
0x19: {  	_ =	swait.ge [sflag:s18], $0x40  }
0x1a: {  	[sflag:s18] =	ssyncset.done $0x0  }
0x1b: {  	s20 =	simm.s32 $0x18080;
	s19 =	rddreg [dreg:$0x4];
	[sflag:s18] =	ssyncadd.s32 $0xFFFFFFC0  }
0x1c: {  	[tilespmem:s20], [sflag:$0x3] =	stream.linear.gather [hbm4b:s19+s1], $0x40, $0x38;
	[tilespmem:$0x18200] =	vst v63  }
0x1d: {  	_ =	swait.ge [sflag:s18], $0x40  }
0x1e: {  	[sflag:s18] =	ssyncset.done $0x0  }
0x1f: {  	s19 =	simm.s32 $0x18100;
	s21 =	rddreg [dreg:$0x5];
	[sflag:s18] =	ssyncadd.s32 $0xFFFFFFC0  }
0x20: {  	[tilespmem:s19], [sflag:$0x3] =	stream.linear.gather [hbm4b:s21+s1], $0x40, $0x38;
	[tilespmem:$0x18200] =	vst v63  }
0x21: {  	_ =	swait.ge [sflag:s18], $0x40  }
0x22: {  	[sflag:s18] =	ssyncset.done $0x0  }
0x23: {  	s13 =	simm.s32 $0x18180;
	s22 =	rddreg [dreg:$0x6];
	[sflag:s18] =	ssyncadd.s32 $0xFFFFFFC0  }
0x24: {  	[tilespmem:s13], [sflag:$0x3] =	stream.linear.gather [hbm4b:s22+s1], $0x40, $0x38;
	[tilespmem:$0x18200] =	vst v63  }
0x25: {  	_ =	swait.ge [sflag:s18], $0x40  }
0x26: {  	[sflag:s18] =	ssyncset.done $0x0  }
0x27: {  	[sflag:s18] =	ssyncadd.s32 $0xFFFFFFC0  }
0x28: {  	v3 =	vld [tilespmem:$0x18000];
	_ =	sdelay $0x4  }
0x29: {  	v4 =	vshrl.u32 v3, $0x3  }
0x2a: {  	v4 =	vmul.u32 $0x30, v4  }
0x2b: {  	v3 =	vand.u32 $0x7, v3  }
0x2c: {  	v3 =	vor.u32 v3, v4  }
0x2d: {  	v4 =	vperm.xlane v3, v0;
	_ =	sdelay $0x1  }
0x2e: {  	v4 =	vadd.s32 v1, v4;
	_ =	sdelay $0x3  }
0x2f: {  	v3 =	vperm.xlane v3, v2  }
0x30: {  	[tilespmem:s1], [sflag:$0x1] =	stream.indirect_vreg.gather [hbm4b:s3+s1], $0x80, v4, vm0, $0xb8;
	[tilespmem:$0x18200] =	vst v63  }
0x31: {  	s15 =	simm.s32 $0x800;
	v3 =	vadd.s32 v1, v3  }
0x32: {  	[tilespmem:s15], [sflag:$0x1] =	stream.indirect_vreg.gather [hbm4b:s7+s1], $0x80, v4, vm0, $0xb8;
	[tilespmem:$0x18200] =	vst v63  }
0x33: {  	s20 =	simm.s32 $0x1000  }
0x34: {  	[tilespmem:s20], [sflag:$0x1] =	stream.indirect_vreg.gather [hbm4b:s9+s1], $0x80, v4, vm0, $0xb8;
	[tilespmem:$0x18200] =	vst v63  }
0x35: {  	s21 =	simm.s32 $0x1800  }
0x36: {  	[tilespmem:s21], [sflag:$0x1] =	stream.indirect_vreg.gather [hbm4b:s3+s1], $0x80, v3, vm0, $0xb8;
	[tilespmem:$0x18200] =	vst v63  }
0x37: {  	s22 =	simm.s32 $0x2000  }
0x38: {  	[tilespmem:s22], [sflag:$0x1] =	stream.indirect_vreg.gather [hbm4b:s7+s1], $0x80, v3, vm0, $0xb8;
	[tilespmem:$0x18200] =	vst v63  }
0x39: {  	s15 =	simm.s32 $0x2800  }
0x3a: {  	[tilespmem:s15], [sflag:$0x1] =	stream.indirect_vreg.gather [hbm4b:s9+s1], $0x80, v3, vm0, $0xb8;
	[tilespmem:$0x18200] =	vst v63  }
0x3b: {  	v3 =	vld [tilespmem:$0x18010];
	_ =	sdelay $0x4  }
0x3c: {  	v4 =	vshrl.u32 v3, $0x3  }
0x3d: {  	v4 =	vmul.u32 $0x30, v4  }
0x3e: {  	v3 =	vand.u32 $0x7, v3  }
0x3f: {  	v3 =	vor.u32 v3, v4  }
0x40: {  	v4 =	vperm.xlane v3, v0;
	_ =	sdelay $0x1  }
0x41: {  	v4 =	vadd.s32 v1, v4;
	_ =	sdelay $0x3  }
0x42: {  	s20 =	simm.s32 $0x3000;
	v3 =	vperm.xlane v3, v2  }
0x43: {  	[tilespmem:s20], [sflag:$0x1] =	stream.indirect_vreg.gather [hbm4b:s3+s1], $0x80, v4, vm0, $0xb8;
	[tilespmem:$0x18200] =	vst v63  }
0x44: {  	s21 =	simm.s32 $0x3800;
	v3 =	vadd.s32 v1, v3  }
0x45: {  	[tilespmem:s21], [sflag:$0x1] =	stream.indirect_vreg.gather [hbm4b:s7+s1], $0x80, v4, vm0, $0xb8;
	[tilespmem:$0x18200] =	vst v63  }
0x46: {  	s22 =	simm.s32 $0x4000  }
0x47: {  	[tilespmem:s22], [sflag:$0x1] =	stream.indirect_vreg.gather [hbm4b:s9+s1], $0x80, v4, vm0, $0xb8;
	[tilespmem:$0x18200] =	vst v63  }
0x48: {  	s15 =	simm.s32 $0x4800  }
0x49: {  	[tilespmem:s15], [sflag:$0x1] =	stream.indirect_vreg.gather [hbm4b:s3+s1], $0x80, v3, vm0, $0xb8;
	[tilespmem:$0x18200] =	vst v63  }
0x4a: {  	s20 =	simm.s32 $0x5000  }
0x4b: {  	[tilespmem:s20], [sflag:$0x1] =	stream.indirect_vreg.gather [hbm4b:s7+s1], $0x80, v3, vm0, $0xb8;
	[tilespmem:$0x18200] =	vst v63  }
0x4c: {  	s21 =	simm.s32 $0x5800  }
0x4d: {  	[tilespmem:s21], [sflag:$0x1] =	stream.indirect_vreg.gather [hbm4b:s9+s1], $0x80, v3, vm0, $0xb8;
	[tilespmem:$0x18200] =	vst v63  }
0x4e: {  	v3 =	vld [tilespmem:$0x18020];
	_ =	sdelay $0x4  }
0x4f: {  	v4 =	vshrl.u32 v3, $0x3  }
0x50: {  	v4 =	vmul.u32 $0x30, v4  }
0x51: {  	v3 =	vand.u32 $0x7, v3  }
0x52: {  	v3 =	vor.u32 v3, v4  }
0x53: {  	v4 =	vperm.xlane v3, v0;
	_ =	sdelay $0x1  }
0x54: {  	v4 =	vadd.s32 v1, v4;
	_ =	sdelay $0x3  }
0x55: {  	s22 =	simm.s32 $0x6000;
	v3 =	vperm.xlane v3, v2  }
0x56: {  	[tilespmem:s22], [sflag:$0x1] =	stream.indirect_vreg.gather [hbm4b:s3+s1], $0x80, v4, vm0, $0xb8;
	[tilespmem:$0x18200] =	vst v63  }
0x57: {  	s15 =	simm.s32 $0x6800;
	v3 =	vadd.s32 v1, v3  }
0x58: {  	[tilespmem:s15], [sflag:$0x1] =	stream.indirect_vreg.gather [hbm4b:s7+s1], $0x80, v4, vm0, $0xb8;
	[tilespmem:$0x18200] =	vst v63  }
0x59: {  	s20 =	simm.s32 $0x7000  }
0x5a: {  	[tilespmem:s20], [sflag:$0x1] =	stream.indirect_vreg.gather [hbm4b:s9+s1], $0x80, v4, vm0, $0xb8;
	[tilespmem:$0x18200] =	vst v63  }
0x5b: {  	s21 =	simm.s32 $0x7800  }
0x5c: {  	[tilespmem:s21], [sflag:$0x1] =	stream.indirect_vreg.gather [hbm4b:s3+s1], $0x80, v3, vm0, $0xb8;
	[tilespmem:$0x18200] =	vst v63  }
0x5d: {  	s22 =	simm.s32 $0x8000  }
0x5e: {  	[tilespmem:s22], [sflag:$0x1] =	stream.indirect_vreg.gather [hbm4b:s7+s1], $0x80, v3, vm0, $0xb8;
	[tilespmem:$0x18200] =	vst v63  }
0x5f: {  	s15 =	simm.s32 $0x8800  }
0x60: {  	[tilespmem:s15], [sflag:$0x1] =	stream.indirect_vreg.gather [hbm4b:s9+s1], $0x80, v3, vm0, $0xb8;
	[tilespmem:$0x18200] =	vst v63  }
0x61: {  	v3 =	vld [tilespmem:$0x18030];
	_ =	sdelay $0x4  }
0x62: {  	v4 =	vshrl.u32 v3, $0x3  }
0x63: {  	v4 =	vmul.u32 $0x30, v4  }
0x64: {  	v3 =	vand.u32 $0x7, v3  }
0x65: {  	v3 =	vor.u32 v3, v4  }
0x66: {  	v4 =	vperm.xlane v3, v0;
	_ =	sdelay $0x1  }
0x67: {  	v4 =	vadd.s32 v1, v4;
	_ =	sdelay $0x3  }
0x68: {  	s20 =	simm.s32 $0x9000;
	v3 =	vperm.xlane v3, v2  }
0x69: {  	[tilespmem:s20], [sflag:$0x1] =	stream.indirect_vreg.gather [hbm4b:s3+s1], $0x80, v4, vm0, $0xb8;
	[tilespmem:$0x18200] =	vst v63  }
0x6a: {  	s21 =	simm.s32 $0x9800;
	v3 =	vadd.s32 v1, v3  }
0x6b: {  	[tilespmem:s21], [sflag:$0x1] =	stream.indirect_vreg.gather [hbm4b:s7+s1], $0x80, v4, vm0, $0xb8;
	[tilespmem:$0x18200] =	vst v63  }
0x6c: {  	s22 =	simm.s32 $0xA000  }
0x6d: {  	[tilespmem:s22], [sflag:$0x1] =	stream.indirect_vreg.gather [hbm4b:s9+s1], $0x80, v4, vm0, $0xb8;
	[tilespmem:$0x18200] =	vst v63  }
0x6e: {  	s15 =	simm.s32 $0xA800  }
0x6f: {  	[tilespmem:s15], [sflag:$0x1] =	stream.indirect_vreg.gather [hbm4b:s3+s1], $0x80, v3, vm0, $0xb8;
	[tilespmem:$0x18200] =	vst v63  }
0x70: {  	s20 =	simm.s32 $0xB000  }
0x71: {  	[tilespmem:s20], [sflag:$0x1] =	stream.indirect_vreg.gather [hbm4b:s7+s1], $0x80, v3, vm0, $0xb8;
	[tilespmem:$0x18200] =	vst v63  }
0x72: {  	s21 =	simm.s32 $0xB800  }
0x73: {  	[tilespmem:s21], [sflag:$0x1] =	stream.indirect_vreg.gather [hbm4b:s9+s1], $0x80, v3, vm0, $0xb8;
	[tilespmem:$0x18200] =	vst v63  }
0x74: {  	_ =	swait.ge [sflag:s29], $0xC000  }
0x75: {  	[sflag:s29] =	ssyncset.done $0x0  }
0x76: {  	[sflag:s29] =	ssyncadd.s32 $0xFFFF4000  }
0x77: {  	v3 =	vld [tilespmem:$0x18080];
	_ =	sdelay $0x4  }
0x78: {  	v4 =	vshrl.u32 v3, $0x3  }
0x79: {  	v4 =	vmul.u32 $0x30, v4  }
0x7a: {  	v3 =	vand.u32 $0x7, v3  }
0x7b: {  	v3 =	vor.u32 v3, v4  }
0x7c: {  	v4 =	vperm.xlane v3, v0;
	_ =	sdelay $0x1  }
0x7d: {  	v4 =	vadd.s32 v1, v4;
	_ =	sdelay $0x3  }
0x7e: {  	s22 =	simm.s32 $0xC000;
	v3 =	vperm.xlane v3, v2  }
0x7f: {  	[tilespmem:s22], [sflag:$0x2] =	stream.indirect_vreg.gather [hbm4b:s3+s1], $0x80, v4, vm0, $0xb8;
	[tilespmem:$0x18200] =	vst v63  }
0x80: {  	s15 =	simm.s32 $0xC800;
	v3 =	vadd.s32 v1, v3  }
0x81: {  	[tilespmem:s15], [sflag:$0x2] =	stream.indirect_vreg.gather [hbm4b:s7+s1], $0x80, v4, vm0, $0xb8;
	[tilespmem:$0x18200] =	vst v63  }
0x82: {  	s20 =	simm.s32 $0xD000  }
0x83: {  	[tilespmem:s20], [sflag:$0x2] =	stream.indirect_vreg.gather [hbm4b:s9+s1], $0x80, v4, vm0, $0xb8;
	[tilespmem:$0x18200] =	vst v63  }
0x84: {  	s21 =	simm.s32 $0xD800  }
0x85: {  	[tilespmem:s21], [sflag:$0x2] =	stream.indirect_vreg.gather [hbm4b:s3+s1], $0x80, v3, vm0, $0xb8;
	[tilespmem:$0x18200] =	vst v63  }
0x86: {  	s22 =	simm.s32 $0xE000  }
0x87: {  	[tilespmem:s22], [sflag:$0x2] =	stream.indirect_vreg.gather [hbm4b:s7+s1], $0x80, v3, vm0, $0xb8;
	[tilespmem:$0x18200] =	vst v63  }
0x88: {  	s15 =	simm.s32 $0xE800  }
0x89: {  	[tilespmem:s15], [sflag:$0x2] =	stream.indirect_vreg.gather [hbm4b:s9+s1], $0x80, v3, vm0, $0xb8;
	[tilespmem:$0x18200] =	vst v63  }
0x8a: {  	v3 =	vld [tilespmem:$0x18090];
	_ =	sdelay $0x4  }
0x8b: {  	v4 =	vshrl.u32 v3, $0x3  }
0x8c: {  	v4 =	vmul.u32 $0x30, v4  }
0x8d: {  	v3 =	vand.u32 $0x7, v3  }
0x8e: {  	v3 =	vor.u32 v3, v4  }
0x8f: {  	v4 =	vperm.xlane v3, v0;
	_ =	sdelay $0x1  }
0x90: {  	v4 =	vadd.s32 v1, v4;
	_ =	sdelay $0x3  }
0x91: {  	s20 =	simm.s32 $0xF000;
	v3 =	vperm.xlane v3, v2  }
0x92: {  	[tilespmem:s20], [sflag:$0x2] =	stream.indirect_vreg.gather [hbm4b:s3+s1], $0x80, v4, vm0, $0xb8;
	[tilespmem:$0x18200] =	vst v63  }
0x93: {  	s21 =	simm.s32 $0xF800;
	v3 =	vadd.s32 v1, v3  }
0x94: {  	[tilespmem:s21], [sflag:$0x2] =	stream.indirect_vreg.gather [hbm4b:s7+s1], $0x80, v4, vm0, $0xb8;
	[tilespmem:$0x18200] =	vst v63  }
0x95: {  	s22 =	simm.s32 $0x10000  }
0x96: {  	[tilespmem:s22], [sflag:$0x2] =	stream.indirect_vreg.gather [hbm4b:s9+s1], $0x80, v4, vm0, $0xb8;
	[tilespmem:$0x18200] =	vst v63  }
0x97: {  	_ = 	snop  }
0x98: {  	[tilespmem:s4], [sflag:$0x2] =	stream.indirect_vreg.gather [hbm4b:s3+s1], $0x80, v3, vm0, $0xb8;
	[tilespmem:$0x18200] =	vst v63  }
0x99: {  	_ = 	snop  }
0x9a: {  	[tilespmem:s23], [sflag:$0x2] =	stream.indirect_vreg.gather [hbm4b:s7+s1], $0x80, v3, vm0, $0xb8;
	[tilespmem:$0x18200] =	vst v63  }
0x9b: {  	_ = 	snop  }
0x9c: {  	[tilespmem:s5], [sflag:$0x2] =	stream.indirect_vreg.gather [hbm4b:s9+s1], $0x80, v3, vm0, $0xb8;
	[tilespmem:$0x18200] =	vst v63  }
0x9d: {  	v3 =	vld [tilespmem:$0x180A0];
	_ =	sdelay $0x4  }
0x9e: {  	v4 =	vshrl.u32 v3, $0x3  }
0x9f: {  	v4 =	vmul.u32 $0x30, v4  }
0xa0: {  	v3 =	vand.u32 $0x7, v3  }
0xa1: {  	v3 =	vor.u32 v3, v4  }
0xa2: {  	v4 =	vperm.xlane v3, v0;
	_ =	sdelay $0x1  }
0xa3: {  	v4 =	vadd.s32 v1, v4;
	_ =	sdelay $0x3  }
0xa4: {  	v3 =	vperm.xlane v3, v2  }
0xa5: {  	[tilespmem:s24], [sflag:$0x2] =	stream.indirect_vreg.gather [hbm4b:s3+s1], $0x80, v4, vm0, $0xb8;
	[tilespmem:$0x18200] =	vst v63  }
0xa6: {  	v3 =	vadd.s32 v1, v3  }
0xa7: {  	[tilespmem:s6], [sflag:$0x2] =	stream.indirect_vreg.gather [hbm4b:s7+s1], $0x80, v4, vm0, $0xb8;
	[tilespmem:$0x18200] =	vst v63  }
0xa8: {  	_ = 	snop  }
0xa9: {  	[tilespmem:s25], [sflag:$0x2] =	stream.indirect_vreg.gather [hbm4b:s9+s1], $0x80, v4, vm0, $0xb8;
	[tilespmem:$0x18200] =	vst v63  }
0xaa: {  	_ = 	snop  }
0xab: {  	[tilespmem:s26], [sflag:$0x2] =	stream.indirect_vreg.gather [hbm4b:s3+s1], $0x80, v3, vm0, $0xb8;
	[tilespmem:$0x18200] =	vst v63  }
0xac: {  	_ = 	snop  }
0xad: {  	[tilespmem:s28], [sflag:$0x2] =	stream.indirect_vreg.gather [hbm4b:s7+s1], $0x80, v3, vm0, $0xb8;
	[tilespmem:$0x18200] =	vst v63  }
0xae: {  	_ = 	snop  }
0xaf: {  	[tilespmem:s8], [sflag:$0x2] =	stream.indirect_vreg.gather [hbm4b:s9+s1], $0x80, v3, vm0, $0xb8;
	[tilespmem:$0x18200] =	vst v63  }
0xb0: {  	v3 =	vld [tilespmem:$0x180B0];
	_ =	sdelay $0x4  }
0xb1: {  	v4 =	vshrl.u32 v3, $0x3  }
0xb2: {  	v4 =	vmul.u32 $0x30, v4  }
0xb3: {  	v3 =	vand.u32 $0x7, v3  }
0xb4: {  	v3 =	vor.u32 v3, v4  }
0xb5: {  	v4 =	vperm.xlane v3, v0;
	_ =	sdelay $0x1  }
0xb6: {  	v4 =	vadd.s32 v1, v4;
	_ =	sdelay $0x3  }
0xb7: {  	v3 =	vperm.xlane v3, v2  }
0xb8: {  	[tilespmem:s30], [sflag:$0x2] =	stream.indirect_vreg.gather [hbm4b:s3+s1], $0x80, v4, vm0, $0xb8;
	[tilespmem:$0x18200] =	vst v63  }
0xb9: {  	v3 =	vadd.s32 v1, v3  }
0xba: {  	[tilespmem:s31], [sflag:$0x2] =	stream.indirect_vreg.gather [hbm4b:s7+s1], $0x80, v4, vm0, $0xb8;
	[tilespmem:$0x18200] =	vst v63  }
0xbb: {  	_ = 	snop  }
0xbc: {  	[tilespmem:s0], [sflag:$0x2] =	stream.indirect_vreg.gather [hbm4b:s9+s1], $0x80, v4, vm0, $0xb8;
	[tilespmem:$0x18200] =	vst v63  }
0xbd: {  	_ = 	snop  }
0xbe: {  	[tilespmem:s10], [sflag:$0x2] =	stream.indirect_vreg.gather [hbm4b:s3+s1], $0x80, v3, vm0, $0xb8;
	[tilespmem:$0x18200] =	vst v63  }
0xbf: {  	_ = 	snop  }
0xc0: {  	[tilespmem:s2], [sflag:$0x2] =	stream.indirect_vreg.gather [hbm4b:s7+s1], $0x80, v3, vm0, $0xb8;
	[tilespmem:$0x18200] =	vst v63  }
0xc1: {  	s15 =	simm.s32 $0x0  }
0xc2: {  	[tilespmem:s11], [sflag:$0x2] =	stream.indirect_vreg.gather [hbm4b:s9+s1], $0x80, v3, vm0, $0xb8;
	[tilespmem:$0x18200] =	vst v63  }
0xc3: {  	s14 =	smul.u32 $0x1800, s15;
	_ =	swait.ge [sflag:s17], $0xC000  }
0xc4: {  	s20 =	sand.u32 $0x380, s1;
	[sflag:s17] =	ssyncset.done $0x0  }
0xc5: {  	s21 =	sor.u32 s20, s14;
	[sflag:s17] =	ssyncadd.s32 $0xFFFF4000  }
0xc6: {  	v4 =	vld [tilespmem:s21+$0x10]  }
0xc7: {  	v3 =	vld [tilespmem:s21+$0xC010]  }
0xc8: {  	v6 =	vld [tilespmem:s21+$0x20]  }
0xc9: {  	v5 =	vld [tilespmem:s21+$0xC020]  }
0xca: {  	v10 =	vld [tilespmem:s21+$0x30]  }
0xcb: {  	v9 =	vld [tilespmem:s21+$0xC030]  }
0xcc: {  	v12 =	vld [tilespmem:s21+$0x40]  }
0xcd: {  	v11 =	vld [tilespmem:s21+$0xC040]  }
0xce: {  	v13 =	vld [tilespmem:s21+$0x60]  }
0xcf: {  	v14 =	vld [tilespmem:s21+$0x70]  }
0xd0: {  	v15 =	vld [tilespmem:s21+$0x400]  }
0xd1: {  	v16 =	vld [tilespmem:s21+$0x410]  }
0xd2: {  	v17 =	vld [tilespmem:s21+$0x420]  }
0xd3: {  	v18 =	vld [tilespmem:s21+$0x430]  }
0xd4: {  	v19 =	vld [tilespmem:s21+$0x440]  }
0xd5: {  	v20 =	vld [tilespmem:s21+$0x450]  }
0xd6: {  	v21 =	vld [tilespmem:s21+$0x460]  }
0xd7: {  	v22 =	vld [tilespmem:s21+$0x470]  }
0xd8: {  	v23 =	vld [tilespmem:s21+$0x800]  }
0xd9: {  	v24 =	vld [tilespmem:s21+$0x810]  }
0xda: {  	v25 =	vld [tilespmem:s21+$0x820]  }
0xdb: {  	v26 =	vld [tilespmem:s21+$0x830]  }
0xdc: {  	v27 =	vld [tilespmem:s21+$0x840]  }
0xdd: {  	v28 =	vld [tilespmem:s21+$0x850]  }
0xde: {  	v29 =	vld [tilespmem:s21+$0x860]  }
0xdf: {  	v30 =	vld [tilespmem:s21+$0x870]  }
0xe0: {  	v31 =	vld [tilespmem:s21+$0xC00]  }
0xe1: {  	v32 =	vld [tilespmem:s21+$0xC10]  }
0xe2: {  	v33 =	vld [tilespmem:s21+$0xC20]  }
0xe3: {  	v34 =	vld [tilespmem:s21+$0xC30]  }
0xe4: {  	v35 =	vld [tilespmem:s21+$0xC40]  }
0xe5: {  	v36 =	vld [tilespmem:s21+$0xC50]  }
0xe6: {  	v37 =	vld [tilespmem:s21+$0xC60]  }
0xe7: {  	v38 =	vld [tilespmem:s21+$0xC70]  }
0xe8: {  	v39 =	vld [tilespmem:s21+$0x1000]  }
0xe9: {  	v40 =	vld [tilespmem:s21+$0x1010]  }
0xea: {  	v41 =	vld [tilespmem:s21+$0x1020]  }
0xeb: {  	v42 =	vld [tilespmem:s21+$0x1030]  }
0xec: {  	v43 =	vld [tilespmem:s21+$0x1040]  }
0xed: {  	v45 =	vld [tilespmem:s21+$0x1060]  }
0xee: {  	v46 =	vld [tilespmem:s21+$0x1400]  }
0xef: {  	v47 =	vld [tilespmem:s21+$0x1410]  }
0xf0: {  	v48 =	vld [tilespmem:s21+$0xD410]  }
0xf1: {  	v49 =	vld [tilespmem:s21+$0xD430]  }
0xf2: {  	v50 =	vld [tilespmem:s21+$0x1420]  }
0xf3: {  	v7 =	vld.msk [tilespmem:s19+$0x0 ss:$0x0], $0xffff  }
0xf4: {  	v8 =	vld.msk [tilespmem:s13+$0x0 ss:$0x0], $0xffff  }
0xf5: {  	v51 =	vld [tilespmem:s21+$0x1430]  }
0xf6: {  	v52 =	vld [tilespmem:s21+$0xD420]  }
0xf7: {  	v53 =	vld [tilespmem:s21+$0xD400]  }
0xf8: {  	v54 =	vld [tilespmem:s21+$0x1070]  }
0xf9: {  	v55 =	vld [tilespmem:s21+$0xD070]  }
0xfa: {  	v57 =	vld [tilespmem:s21+$0xD050];
	v51 =	vmul.f32 v51, v7  }
0xfb: {  	v56 =	vld [tilespmem:s21+$0xD060];
	v49 =	vmul.f32 v49, v8;
	v50 =	vmul.f32 v50, v7  }
0xfc: {  	v44 =	vld [tilespmem:s21+$0x1050];
	v52 =	vmul.f32 v52, v8;
	v47 =	vmul.f32 v47, v7  }
0xfd: {  	v58 =	vld [tilespmem:s21+$0xD040];
	v48 =	vmul.f32 v48, v8;
	v46 =	vmul.f32 v46, v7  }
0xfe: {  	v63 =	vmul.f32 v53, v8;
	v53 =	vld [tilespmem:s21+$0xD030];
	v59 =	vmul.f32 v54, v7;
	v49 =	vadd.f32 v49, v51  }
0xff: {  	v60 =	vmul.f32 v55, v8;
	v62 =	vmul.f32 v57, v8;
	v57 =	vld [tilespmem:s21+$0xCC60];
	v50 =	vadd.f32 v52, v50  }
0x100: {  	v45 =	vmul.f32 v45, v7;
	v61 =	vmul.f32 v56, v8;
	v55 =	vld [tilespmem:s21+$0xC870];
	v47 =	vadd.f32 v48, v47;
	[tilespmem:s21+$0x1430] =	vst v49  }
0x101: {  	v44 =	vmul.f32 v44, v7;
	v43 =	vmul.f32 v43, v7;
	v56 =	vld [tilespmem:s21+$0xC860];
	v46 =	vadd.f32 v63, v46;
	[tilespmem:s21+$0x1420] =	vst v50  }
0x102: {  	v42 =	vmul.f32 v42, v7;
	v41 =	vmul.f32 v41, v7;
	v48 =	vld [tilespmem:s21+$0xD020];
	v52 =	vadd.f32 v60, v59;
	[tilespmem:s21+$0x1410] =	vst v47  }
0x103: {  	v12 =	vmul.f32 v12, v7;
	v11 =	vmul.f32 v11, v8;
	v45 =	vadd.f32 v61, v45;
	v59 =	vld [tilespmem:s21+$0xCC50];
	[tilespmem:s21+$0x1400] =	vst v46  }
0x104: {  	v40 =	vmul.f32 v40, v7;
	v63 =	vmul.f32 v58, v8;
	v44 =	vadd.f32 v62, v44;
	v60 =	vld [tilespmem:s21+$0xCC40];
	[tilespmem:s21+$0x1070] =	vst v52  }
0x105: {  	v39 =	vmul.f32 v39, v7;
	v61 =	vld [tilespmem:s21+$0xCC30];
	v11 =	vadd.f32 v11, v12;
	[tilespmem:s21+$0x1060] =	vst v45;
	v58 =	vmul.f32 v53, v8  }
0x106: {  	v37 =	vmul.f32 v37, v7;
	v62 =	vld [tilespmem:s21+$0xCC20];
	v43 =	vadd.f32 v63, v43;
	[tilespmem:s21+$0x1050] =	vst v44;
	v46 =	vmul.f32 v57, v8  }
0x107: {  	v38 =	vmul.f32 v38, v7;
	v49 =	vld [tilespmem:s21+$0xD010];
	[tilespmem:s21+$0x40] =	vst v11;
	v48 =	vmul.f32 v48, v8;
	v42 =	vadd.f32 v58, v42  }
0x108: {  	v36 =	vmul.f32 v36, v7;
	v50 =	vld [tilespmem:s21+$0xD000];
	[tilespmem:s21+$0x1040] =	vst v43;
	v54 =	vmul.f32 v59, v8;
	v37 =	vadd.f32 v46, v37  }
0x109: {  	v35 =	vmul.f32 v35, v7;
	v47 =	vld [tilespmem:s21+$0xCC70];
	v45 =	vmul.f32 v60, v8;
	v41 =	vadd.f32 v48, v41;
	[tilespmem:s21+$0x1030] =	vst v42  }
0x10a: {  	v34 =	vmul.f32 v34, v7;
	v63 =	vld [tilespmem:s21+$0xCC10];
	v44 =	vmul.f32 v61, v8;
	v36 =	vadd.f32 v54, v36;
	[tilespmem:s21+$0xC60] =	vst v37  }
0x10b: {  	v33 =	vmul.f32 v33, v7;
	v53 =	vld [tilespmem:s21+$0xCC00];
	v43 =	vmul.f32 v62, v8;
	v35 =	vadd.f32 v45, v35;
	[tilespmem:s21+$0x1020] =	vst v41  }
0x10c: {  	v32 =	vmul.f32 v32, v7;
	v58 =	vld [tilespmem:s21+$0xC840];
	v49 =	vmul.f32 v49, v8;
	v34 =	vadd.f32 v44, v34;
	[tilespmem:s21+$0xC50] =	vst v36  }
0x10d: {  	v31 =	vmul.f32 v31, v7;
	v59 =	vld [tilespmem:s21+$0xC830];
	v50 =	vmul.f32 v50, v8;
	v33 =	vadd.f32 v43, v33;
	[tilespmem:s21+$0xC40] =	vst v35  }
0x10e: {  	v6 =	vmul.f32 v6, v7;
	v60 =	vld [tilespmem:s21+$0xC820];
	v47 =	vmul.f32 v47, v8;
	v40 =	vadd.f32 v49, v40;
	[tilespmem:s21+$0xC30] =	vst v34  }
0x10f: {  	v5 =	vmul.f32 v5, v8;
	v61 =	vld [tilespmem:s21+$0xC810];
	v42 =	vmul.f32 v63, v8;
	v39 =	vadd.f32 v50, v39;
	[tilespmem:s21+$0xC20] =	vst v33  }
0x110: {  	v27 =	vmul.f32 v27, v7;
	v12 =	vld [tilespmem:s21+$0x1460];
	v38 =	vadd.f32 v47, v38;
	v41 =	vmul.f32 v53, v8;
	[tilespmem:s21+$0x1010] =	vst v40  }
0x111: {  	v5 =	vadd.f32 v5, v6;
	v6 =	vld [tilespmem:s21+$0x0];
	v32 =	vadd.f32 v42, v32;
	v37 =	vmul.f32 v58, v8;
	[tilespmem:s21+$0x1000] =	vst v39  }
0x112: {  	v26 =	vmul.f32 v26, v7;
	v57 =	vld [tilespmem:s21+$0xC850];
	v36 =	vmul.f32 v59, v8;
	[tilespmem:s21+$0xC70] =	vst v38;
	v31 =	vadd.f32 v41, v31  }
0x113: {  	v25 =	vmul.f32 v25, v7;
	v62 =	vld [tilespmem:s21+$0xC800];
	v35 =	vmul.f32 v60, v8;
	[tilespmem:s21+$0xC10] =	vst v32;
	v27 =	vadd.f32 v37, v27  }
0x114: {  	v24 =	vmul.f32 v24, v7;
	v63 =	vld [tilespmem:s21+$0xC470];
	v34 =	vmul.f32 v61, v8;
	v26 =	vadd.f32 v36, v26;
	[tilespmem:s21+$0xC00] =	vst v31  }
0x115: {  	v30 =	vmul.f32 v30, v7;
	v40 =	vmul.f32 v55, v8;
	v25 =	vadd.f32 v35, v25;
	v31 =	vld [tilespmem:s21+$0xC460];
	[tilespmem:s21+$0x840] =	vst v27  }
0x116: {  	v29 =	vmul.f32 v29, v7;
	v39 =	vmul.f32 v56, v8;
	v24 =	vadd.f32 v34, v24;
	v27 =	vld [tilespmem:s21+$0xC420];
	[tilespmem:s21+$0x830] =	vst v26  }
0x117: {  	v28 =	vmul.f32 v28, v7;
	v38 =	vmul.f32 v57, v8;
	v30 =	vadd.f32 v40, v30;
	v26 =	vld [tilespmem:s21+$0xC410];
	[tilespmem:s21+$0x820] =	vst v25  }
0x118: {  	v23 =	vmul.f32 v23, v7;
	v33 =	vmul.f32 v62, v8;
	v29 =	vadd.f32 v39, v29;
	v25 =	vld [tilespmem:s21+$0xC400];
	[tilespmem:s21+$0x810] =	vst v24  }
0x119: {  	v22 =	vmul.f32 v22, v7;
	v32 =	vmul.f32 v63, v8;
	v28 =	vadd.f32 v38, v28;
	[tilespmem:s21+$0x870] =	vst v30;
	v30 =	vld [tilespmem:s21+$0xC450]  }
0x11a: {  	v21 =	vmul.f32 v21, v7;
	v23 =	vadd.f32 v33, v23;
	[tilespmem:s21+$0x860] =	vst v29;
	v29 =	vld [tilespmem:s21+$0xC440];
	v31 =	vmul.f32 v31, v8  }
0x11b: {  	v17 =	vmul.f32 v17, v7;
	v22 =	vadd.f32 v32, v22;
	[tilespmem:s21+$0x850] =	vst v28;
	v28 =	vld [tilespmem:s21+$0xC430];
	v27 =	vmul.f32 v27, v8  }
0x11c: {  	v16 =	vmul.f32 v16, v7;
	[tilespmem:s21+$0x800] =	vst v23;
	v23 =	vld [tilespmem:s21+$0xC060];
	v26 =	vmul.f32 v26, v8;
	v21 =	vadd.f32 v31, v21  }
0x11d: {  	v15 =	vmul.f32 v15, v7;
	v24 =	vld [tilespmem:s21+$0xC070];
	[tilespmem:s21+$0x470] =	vst v22;
	v25 =	vmul.f32 v25, v8;
	v17 =	vadd.f32 v27, v17  }
0x11e: {  	v20 =	vmul.f32 v20, v7;
	v22 =	vld [tilespmem:s21+$0x50];
	v30 =	vmul.f32 v30, v8;
	v16 =	vadd.f32 v26, v16;
	[tilespmem:s21+$0x460] =	vst v21  }
0x11f: {  	v19 =	vmul.f32 v19, v7;
	v29 =	vmul.f32 v29, v8;
	v15 =	vadd.f32 v25, v15;
	v21 =	vld [tilespmem:s21+$0xC050];
	[tilespmem:s21+$0x420] =	vst v17  }
0x120: {  	v18 =	vmul.f32 v18, v7;
	v28 =	vmul.f32 v28, v8;
	v20 =	vadd.f32 v30, v20;
	v17 =	vld [tilespmem:s21+$0x1440];
	[tilespmem:s21+$0x410] =	vst v16  }
0x121: {  	v13 =	vmul.f32 v13, v7;
	v23 =	vmul.f32 v23, v8;
	v19 =	vadd.f32 v29, v19;
	[tilespmem:s21+$0x400] =	vst v15;
	v15 =	vld [tilespmem:s21+$0x1450]  }
0x122: {  	v14 =	vmul.f32 v14, v7;
	v24 =	vmul.f32 v24, v8;
	v18 =	vadd.f32 v28, v18;
	[tilespmem:s21+$0x450] =	vst v20;
	v20 =	vld [tilespmem:s21+$0xD440]  }
0x123: {  	v10 =	vmul.f32 v10, v7;
	v9 =	vmul.f32 v9, v8;
	v13 =	vadd.f32 v23, v13;
	[tilespmem:s21+$0x440] =	vst v19;
	v19 =	vld [tilespmem:s21+$0xD450]  }
0x124: {  	v4 =	vmul.f32 v4, v7;
	v3 =	vmul.f32 v3, v8;
	v14 =	vadd.f32 v24, v14;
	[tilespmem:s21+$0x430] =	vst v18;
	v18 =	vld [tilespmem:s21+$0xD460]  }
0x125: {  	v9 =	vadd.f32 v9, v10;
	v10 =	vmul.f32 v22, v7;
	v16 =	vld [tilespmem:s21+$0xD470];
	[tilespmem:s21+$0x60] =	vst v13;
	v13 =	vmul.f32 v21, v8  }
0x126: {  	v3 =	vadd.f32 v3, v4;
	[tilespmem:s21+$0x70] =	vst v14;
	v14 =	vld [tilespmem:s21+$0x1470]  }
0x127: {  	s20 =	simm.s32 $0x0;
	[tilespmem:s21+$0x30] =	vst v9;
	v9 =	vld [tilespmem:s21+$0xC000];
	v11 =	vmul.f32 v17, v7;
	v17 =	vmul.f32 v20, v8;
	v4 =	vadd.f32 v13, v10  }
0x128: {  	s14 =	simm.s32 $0x80;
	s22 =	smul.u32 $0x1800, s20;
	[tilespmem:s21+$0x20] =	vst v5;
	v5 =	vmul.f32 v15, v7;
	v10 =	vmul.f32 v19, v8  }
0x129: {  	s15 =	sand.u32 $0x380, s14;
	v11 =	vadd.f32 v17, v11;
	[tilespmem:s21+$0x50] =	vst v4;
	v4 =	vmul.f32 v12, v7;
	v12 =	vmul.f32 v18, v8  }
0x12a: {  	s20 =	sor.u32 s15, s22;
	[tilespmem:s21+$0x10] =	vst v3;
	v5 =	vadd.f32 v10, v5  }
0x12b: {  	v3 =	vld [tilespmem:s20+$0x10];
	v10 =	vmul.f32 v14, v7;
	[tilespmem:s21+$0x1440] =	vst v11;
	v11 =	vmul.f32 v16, v8;
	v12 =	vadd.f32 v12, v4  }
0x12c: {  	v7 =	vmul.f32 v6, v7;
	v8 =	vmul.f32 v9, v8;
	v4 =	vld [tilespmem:s20+$0xC010];
	[tilespmem:s21+$0x1450] =	vst v5  }
0x12d: {  	v9 =	vadd.f32 v11, v10;
	v6 =	vld [tilespmem:s20+$0x20];
	[tilespmem:s21+$0x1460] =	vst v12  }
0x12e: {  	v7 =	vadd.f32 v8, v7;
	v5 =	vld [tilespmem:s20+$0xC020]  }
0x12f: {  	v8 =	vld [tilespmem:s20+$0x30];
	[tilespmem:s21+$0x1470] =	vst v9  }
0x130: {  	v18 =	vld [tilespmem:s20+$0x430];
	[tilespmem:s21+$0x0] =	vst v7  }
0x131: {  	v7 =	vld [tilespmem:s20+$0xC030]  }
0x132: {  	v10 =	vld [tilespmem:s20+$0x40]  }
0x133: {  	v9 =	vld [tilespmem:s20+$0xC040]  }
0x134: {  	v12 =	vld [tilespmem:s20+$0x50]  }
0x135: {  	v11 =	vld [tilespmem:s20+$0xC050]  }
0x136: {  	v13 =	vld [tilespmem:s20+$0x60]  }
0x137: {  	v14 =	vld [tilespmem:s20+$0x70]  }
0x138: {  	v15 =	vld [tilespmem:s20+$0x400]  }
0x139: {  	v16 =	vld [tilespmem:s20+$0x410]  }
0x13a: {  	v17 =	vld [tilespmem:s20+$0x420]  }
0x13b: {  	v19 =	vld [tilespmem:s20+$0x440]  }
0x13c: {  	v20 =	vld [tilespmem:s20+$0x450]  }
0x13d: {  	v21 =	vld [tilespmem:s20+$0x460]  }
0x13e: {  	v22 =	vld [tilespmem:s20+$0x470]  }
0x13f: {  	v23 =	vld [tilespmem:s20+$0x800]  }
0x140: {  	v24 =	vld [tilespmem:s20+$0x810]  }
0x141: {  	v25 =	vld [tilespmem:s20+$0x820]  }
0x142: {  	v26 =	vld [tilespmem:s20+$0x830]  }
0x143: {  	v27 =	vld [tilespmem:s20+$0x840]  }
0x144: {  	v28 =	vld [tilespmem:s20+$0x850]  }
0x145: {  	v29 =	vld [tilespmem:s20+$0x860]  }
0x146: {  	v30 =	vld [tilespmem:s20+$0x870]  }
0x147: {  	v32 =	vld [tilespmem:s20+$0xC00]  }
0x148: {  	v34 =	vld [tilespmem:s20+$0xC10]  }
0x149: {  	v35 =	vld [tilespmem:s20+$0xC20]  }
0x14a: {  	v36 =	vld [tilespmem:s20+$0xC30]  }
0x14b: {  	v37 =	vld [tilespmem:s20+$0xC40]  }
0x14c: {  	v38 =	vld [tilespmem:s20+$0xC50]  }
0x14d: {  	v39 =	vld [tilespmem:s20+$0xC60]  }
0x14e: {  	v40 =	vld [tilespmem:s20+$0xC70]  }
0x14f: {  	v41 =	vld [tilespmem:s20+$0x1000]  }
0x150: {  	v42 =	vld [tilespmem:s20+$0x1010]  }
0x151: {  	v43 =	vld [tilespmem:s20+$0x1020]  }
0x152: {  	v44 =	vld [tilespmem:s20+$0x1030]  }
0x153: {  	v45 =	vld [tilespmem:s20+$0x1040]  }
0x154: {  	v46 =	vld [tilespmem:s20+$0x1050]  }
0x155: {  	v47 =	vld [tilespmem:s20+$0x1060]  }
0x156: {  	v48 =	vld [tilespmem:s20+$0x1400]  }
0x157: {  	v50 =	vld [tilespmem:s20+$0x1410]  }
0x158: {  	v49 =	vld [tilespmem:s20+$0xD410]  }
0x159: {  	s21 =	simm.s32 $0x2;
	v51 =	vld [tilespmem:s20+$0xD430]  }
.LBB2_2:
0x15a: {  	p0 =	sne.s32 s21, $0x3F;
	v52 =	vld [tilespmem:s20+$0x1420];
	s19 =	sadd.s32 $0x1, s19  }
0x15b: {  	s13 =	sadd.s32 $0x1, s13;
	v33 =	vld.msk [tilespmem:s19+$0x0 ss:$0x0], $0xffff  }
0x15c: {  	v31 =	vld.msk [tilespmem:s13+$0x0 ss:$0x0], $0xffff  }
0x15d: {  	v53 =	vld [tilespmem:s20+$0x1430]  }
0x15e: {  	v54 =	vld [tilespmem:s20+$0xD420]  }
0x15f: {  	v55 =	vld [tilespmem:s20+$0xD400]  }
0x160: {  	v56 =	vld [tilespmem:s20+$0x1070]  }
0x161: {  	v50 =	vmul.f32 v50, v33;
	v52 =	vmul.f32 v52, v33;
	v57 =	vld [tilespmem:s20+$0xD070]  }
0x162: {  	v51 =	vmul.f32 v51, v31;
	v58 =	vld [tilespmem:s20+$0xD060];
	v53 =	vmul.f32 v53, v33  }
0x163: {  	v49 =	vmul.f32 v49, v31;
	v59 =	vld [tilespmem:s20+$0xD050];
	v54 =	vmul.f32 v54, v31  }
0x164: {  	v48 =	vmul.f32 v48, v33;
	v60 =	vld [tilespmem:s20+$0xD040];
	v55 =	vmul.f32 v55, v31;
	v51 =	vadd.f32 v51, v53  }
0x165: {  	v49 =	vadd.f32 v49, v50;
	v53 =	vld [tilespmem:s20+$0xD030];
	v56 =	vmul.f32 v56, v33;
	v50 =	vadd.f32 v54, v52  }
0x166: {  	v47 =	vmul.f32 v47, v33;
	v52 =	vld [tilespmem:s20+$0xD020];
	v54 =	vmul.f32 v57, v31;
	v48 =	vadd.f32 v55, v48;
	[tilespmem:s20+$0x1430] =	vst v51  }
0x167: {  	v46 =	vmul.f32 v46, v33;
	v51 =	vld [tilespmem:s20+$0xD010];
	v55 =	vmul.f32 v58, v31;
	[tilespmem:s20+$0x1420] =	vst v50  }
0x168: {  	v45 =	vmul.f32 v45, v33;
	v50 =	vld [tilespmem:s20+$0xD000];
	v57 =	vmul.f32 v59, v31;
	v54 =	vadd.f32 v54, v56;
	[tilespmem:s20+$0x1410] =	vst v49  }
0x169: {  	v44 =	vmul.f32 v44, v33;
	v49 =	vld [tilespmem:s20+$0xCC70];
	v56 =	vmul.f32 v60, v31;
	v47 =	vadd.f32 v55, v47;
	[tilespmem:s20+$0x1400] =	vst v48  }
0x16a: {  	v43 =	vmul.f32 v43, v33;
	v48 =	vld [tilespmem:s20+$0xCC60];
	v53 =	vmul.f32 v53, v31;
	v46 =	vadd.f32 v57, v46;
	[tilespmem:s20+$0x1070] =	vst v54  }
0x16b: {  	v42 =	vmul.f32 v42, v33;
	v54 =	vld [tilespmem:s20+$0xCC50];
	v52 =	vmul.f32 v52, v31;
	v45 =	vadd.f32 v56, v45;
	[tilespmem:s20+$0x1060] =	vst v47  }
0x16c: {  	v41 =	vmul.f32 v41, v33;
	v47 =	vld [tilespmem:s20+$0xCC40];
	v51 =	vmul.f32 v51, v31;
	v44 =	vadd.f32 v53, v44;
	[tilespmem:s20+$0x1050] =	vst v46  }
0x16d: {  	v40 =	vmul.f32 v40, v33;
	v46 =	vld [tilespmem:s20+$0xCC30];
	v50 =	vmul.f32 v50, v31;
	v43 =	vadd.f32 v52, v43;
	[tilespmem:s20+$0x1040] =	vst v45  }
0x16e: {  	v39 =	vmul.f32 v39, v33;
	v45 =	vld [tilespmem:s20+$0xCC20];
	v49 =	vmul.f32 v49, v31;
	v42 =	vadd.f32 v51, v42;
	[tilespmem:s20+$0x1030] =	vst v44  }
0x16f: {  	v38 =	vmul.f32 v38, v33;
	v44 =	vld [tilespmem:s20+$0xCC10];
	v48 =	vmul.f32 v48, v31;
	v41 =	vadd.f32 v50, v41;
	[tilespmem:s20+$0x1020] =	vst v43  }
0x170: {  	v37 =	vmul.f32 v37, v33;
	v43 =	vld [tilespmem:s20+$0xCC00];
	v50 =	vmul.f32 v54, v31;
	v40 =	vadd.f32 v49, v40;
	[tilespmem:s20+$0x1010] =	vst v42  }
0x171: {  	v36 =	vmul.f32 v36, v33;
	v42 =	vld [tilespmem:s20+$0xC870];
	v47 =	vmul.f32 v47, v31;
	v39 =	vadd.f32 v48, v39;
	[tilespmem:s20+$0x1000] =	vst v41  }
0x172: {  	v35 =	vmul.f32 v35, v33;
	v41 =	vld [tilespmem:s20+$0xC860];
	v46 =	vmul.f32 v46, v31;
	v38 =	vadd.f32 v50, v38;
	[tilespmem:s20+$0xC70] =	vst v40  }
0x173: {  	v34 =	vmul.f32 v34, v33;
	v40 =	vld [tilespmem:s20+$0xC850];
	v45 =	vmul.f32 v45, v31;
	v37 =	vadd.f32 v47, v37;
	[tilespmem:s20+$0xC60] =	vst v39  }
0x174: {  	v32 =	vmul.f32 v32, v33;
	v39 =	vld [tilespmem:s20+$0xC840];
	v44 =	vmul.f32 v44, v31;
	v36 =	vadd.f32 v46, v36;
	[tilespmem:s20+$0xC50] =	vst v38  }
0x175: {  	v30 =	vmul.f32 v30, v33;
	v38 =	vld [tilespmem:s20+$0xC830];
	v43 =	vmul.f32 v43, v31;
	v35 =	vadd.f32 v45, v35;
	[tilespmem:s20+$0xC40] =	vst v37  }
0x176: {  	v29 =	vmul.f32 v29, v33;
	v37 =	vld [tilespmem:s20+$0xC820];
	v42 =	vmul.f32 v42, v31;
	v34 =	vadd.f32 v44, v34;
	[tilespmem:s20+$0xC30] =	vst v36  }
0x177: {  	v28 =	vmul.f32 v28, v33;
	v36 =	vld [tilespmem:s20+$0xC810];
	v41 =	vmul.f32 v41, v31;
	v32 =	vadd.f32 v43, v32;
	[tilespmem:s20+$0xC20] =	vst v35  }
0x178: {  	v27 =	vmul.f32 v27, v33;
	v35 =	vld [tilespmem:s20+$0xC800];
	v40 =	vmul.f32 v40, v31;
	v30 =	vadd.f32 v42, v30;
	[tilespmem:s20+$0xC10] =	vst v34  }
0x179: {  	v26 =	vmul.f32 v26, v33;
	v34 =	vld [tilespmem:s20+$0xC470];
	v39 =	vmul.f32 v39, v31;
	v29 =	vadd.f32 v41, v29;
	[tilespmem:s20+$0xC00] =	vst v32  }
0x17a: {  	v25 =	vmul.f32 v25, v33;
	v32 =	vld [tilespmem:s20+$0xC460];
	v38 =	vmul.f32 v38, v31;
	v28 =	vadd.f32 v40, v28;
	[tilespmem:s20+$0x870] =	vst v30  }
0x17b: {  	v24 =	vmul.f32 v24, v33;
	v30 =	vld [tilespmem:s20+$0xC450];
	v37 =	vmul.f32 v37, v31;
	v27 =	vadd.f32 v39, v27;
	[tilespmem:s20+$0x860] =	vst v29  }
0x17c: {  	v23 =	vmul.f32 v23, v33;
	v29 =	vld [tilespmem:s20+$0xC440];
	v36 =	vmul.f32 v36, v31;
	v26 =	vadd.f32 v38, v26;
	[tilespmem:s20+$0x850] =	vst v28  }
0x17d: {  	v22 =	vmul.f32 v22, v33;
	v28 =	vld [tilespmem:s20+$0xC430];
	v35 =	vmul.f32 v35, v31;
	v25 =	vadd.f32 v37, v25;
	[tilespmem:s20+$0x840] =	vst v27  }
0x17e: {  	v21 =	vmul.f32 v21, v33;
	v27 =	vld [tilespmem:s20+$0xC420];
	v34 =	vmul.f32 v34, v31;
	v24 =	vadd.f32 v36, v24;
	[tilespmem:s20+$0x830] =	vst v26  }
0x17f: {  	v20 =	vmul.f32 v20, v33;
	v26 =	vld [tilespmem:s20+$0xC410];
	v32 =	vmul.f32 v32, v31;
	v23 =	vadd.f32 v35, v23;
	[tilespmem:s20+$0x820] =	vst v25  }
0x180: {  	v19 =	vmul.f32 v19, v33;
	v25 =	vld [tilespmem:s20+$0xC400];
	v30 =	vmul.f32 v30, v31;
	v22 =	vadd.f32 v34, v22;
	[tilespmem:s20+$0x810] =	vst v24  }
0x181: {  	v18 =	vmul.f32 v18, v33;
	v24 =	vld [tilespmem:s20+$0xC070];
	v29 =	vmul.f32 v29, v31;
	v21 =	vadd.f32 v32, v21;
	[tilespmem:s20+$0x800] =	vst v23  }
0x182: {  	v17 =	vmul.f32 v17, v33;
	v23 =	vld [tilespmem:s20+$0xC060];
	v28 =	vmul.f32 v28, v31;
	v20 =	vadd.f32 v30, v20;
	[tilespmem:s20+$0x470] =	vst v22  }
0x183: {  	v16 =	vmul.f32 v16, v33;
	v22 =	vmul.f32 v27, v31;
	v19 =	vadd.f32 v29, v19;
	[tilespmem:s20+$0x460] =	vst v21;
	v21 =	vld [tilespmem:s20+$0xD440]  }
0x184: {  	v15 =	vmul.f32 v15, v33;
	v26 =	vmul.f32 v26, v31;
	v18 =	vadd.f32 v28, v18;
	[tilespmem:s20+$0x450] =	vst v20;
	v20 =	vld [tilespmem:s20+$0xD450]  }
0x185: {  	v14 =	vmul.f32 v14, v33;
	v25 =	vmul.f32 v25, v31;
	v17 =	vadd.f32 v22, v17;
	[tilespmem:s20+$0x440] =	vst v19;
	v19 =	vld [tilespmem:s20+$0xD460]  }
0x186: {  	v13 =	vmul.f32 v13, v33;
	v22 =	vmul.f32 v24, v31;
	v16 =	vadd.f32 v26, v16;
	[tilespmem:s20+$0x430] =	vst v18;
	v18 =	vld [tilespmem:s20+$0xD470]  }
0x187: {  	v12 =	vmul.f32 v12, v33;
	v23 =	vmul.f32 v23, v31;
	v15 =	vadd.f32 v25, v15;
	[tilespmem:s20+$0x420] =	vst v17;
	v17 =	vld [tilespmem:s20+$0x1440]  }
0x188: {  	v10 =	vmul.f32 v10, v33;
	v11 =	vmul.f32 v11, v31;
	v14 =	vadd.f32 v22, v14;
	[tilespmem:s20+$0x410] =	vst v16;
	v16 =	vld [tilespmem:s20+$0x1450]  }
0x189: {  	v8 =	vmul.f32 v8, v33;
	v9 =	vmul.f32 v9, v31;
	v13 =	vadd.f32 v23, v13;
	[tilespmem:s20+$0x400] =	vst v15;
	v15 =	vld [tilespmem:s20+$0x1460]  }
0x18a: {  	v6 =	vmul.f32 v6, v33;
	v7 =	vmul.f32 v7, v31;
	v11 =	vadd.f32 v11, v12;
	[tilespmem:s20+$0x70] =	vst v14;
	v12 =	vld [tilespmem:s20+$0x1470]  }
0x18b: {  	v3 =	vmul.f32 v3, v33;
	v5 =	vmul.f32 v5, v31;
	v9 =	vadd.f32 v9, v10;
	v14 =	vld [tilespmem:s20+$0x0];
	[tilespmem:s20+$0x60] =	vst v13  }
0x18c: {  	v4 =	vmul.f32 v4, v31;
	v7 =	vadd.f32 v7, v8;
	v10 =	vld [tilespmem:s20+$0xC000];
	[tilespmem:s20+$0x50] =	vst v11;
	v8 =	vmul.f32 v17, v33  }
0x18d: {  	s15 =	sshrl.u32 s21, $0x3;
	v5 =	vadd.f32 v5, v6;
	v6 =	vmul.f32 v21, v31;
	[tilespmem:s20+$0x40] =	vst v9;
	v9 =	vmul.f32 v16, v33  }
0x18e: {  	s14 =	sadd.s32 $0x80, s14;
	s15 =	smul.u32 $0x1800, s15;
	v3 =	vadd.f32 v4, v3;
	v4 =	vmul.f32 v20, v31;
	[tilespmem:s20+$0x30] =	vst v7;
	v7 =	vmul.f32 v15, v33  }
0x18f: {  	s22 =	sand.u32 $0x380, s14;
	[tilespmem:s20+$0x20] =	vst v5;
	v5 =	vadd.f32 v6, v8;
	v6 =	vmul.f32 v19, v31;
	v8 =	vmul.f32 v12, v33  }
0x190: {  	s15 =	sor.u32 s22, s15;
	v9 =	vadd.f32 v4, v9;
	v12 =	vmul.f32 v18, v31;
	v11 =	vmul.f32 v14, v33;
	[tilespmem:s20+$0x10] =	vst v3  }
0x191: {  	v3 =	vld [tilespmem:s15+$0x10];
	v10 =	vmul.f32 v10, v31;
	[tilespmem:s20+$0x1440] =	vst v5;
	v5 =	vadd.f32 v6, v7  }
0x192: {  	v7 =	vadd.f32 v12, v8;
	v4 =	vld [tilespmem:s15+$0xC010];
	[tilespmem:s20+$0x1450] =	vst v9  }
0x193: {  	v6 =	vld [tilespmem:s15+$0x20];
	v9 =	vadd.f32 v10, v11;
	[tilespmem:s20+$0x1460] =	vst v5  }
0x194: {  	v5 =	vld [tilespmem:s15+$0xC020];
	[tilespmem:s20+$0x1470] =	vst v7  }
0x195: {  	v8 =	vld [tilespmem:s15+$0x30];
	[tilespmem:s20+$0x0] =	vst v9;
	s20 =	smov.u32 s15  }
0x196: {  	v7 =	vld [tilespmem:s20+$0xC030]  }
0x197: {  	v10 =	vld [tilespmem:s20+$0x40]  }
0x198: {  	v9 =	vld [tilespmem:s20+$0xC040]  }
0x199: {  	v12 =	vld [tilespmem:s20+$0x50]  }
0x19a: {  	v11 =	vld [tilespmem:s20+$0xC050]  }
0x19b: {  	v13 =	vld [tilespmem:s20+$0x60]  }
0x19c: {  	v14 =	vld [tilespmem:s20+$0x70]  }
0x19d: {  	v15 =	vld [tilespmem:s20+$0x400]  }
0x19e: {  	v16 =	vld [tilespmem:s20+$0x410]  }
0x19f: {  	v17 =	vld [tilespmem:s20+$0x420]  }
0x1a0: {  	v18 =	vld [tilespmem:s20+$0x430]  }
0x1a1: {  	v19 =	vld [tilespmem:s20+$0x440]  }
0x1a2: {  	v20 =	vld [tilespmem:s20+$0x450]  }
0x1a3: {  	v21 =	vld [tilespmem:s20+$0x460]  }
0x1a4: {  	v22 =	vld [tilespmem:s20+$0x470]  }
0x1a5: {  	v23 =	vld [tilespmem:s20+$0x800]  }
0x1a6: {  	v24 =	vld [tilespmem:s20+$0x810]  }
0x1a7: {  	v25 =	vld [tilespmem:s20+$0x820]  }
0x1a8: {  	v26 =	vld [tilespmem:s20+$0x830]  }
0x1a9: {  	v27 =	vld [tilespmem:s20+$0x840]  }
0x1aa: {  	v28 =	vld [tilespmem:s20+$0x850]  }
0x1ab: {  	v29 =	vld [tilespmem:s20+$0x860]  }
0x1ac: {  	v30 =	vld [tilespmem:s20+$0x870]  }
0x1ad: {  	v32 =	vld [tilespmem:s20+$0xC00]  }
0x1ae: {  	v34 =	vld [tilespmem:s20+$0xC10]  }
0x1af: {  	v35 =	vld [tilespmem:s20+$0xC20]  }
0x1b0: {  	v36 =	vld [tilespmem:s20+$0xC30]  }
0x1b1: {  	v37 =	vld [tilespmem:s20+$0xC40]  }
0x1b2: {  	v38 =	vld [tilespmem:s20+$0xC50]  }
0x1b3: {  	v39 =	vld [tilespmem:s20+$0xC60]  }
0x1b4: {  	v40 =	vld [tilespmem:s20+$0xC70]  }
0x1b5: {  	v41 =	vld [tilespmem:s20+$0x1000]  }
0x1b6: {  	v42 =	vld [tilespmem:s20+$0x1010]  }
0x1b7: {  	v43 =	vld [tilespmem:s20+$0x1020]  }
0x1b8: {  	v44 =	vld [tilespmem:s20+$0x1030]  }
0x1b9: {  	v45 =	vld [tilespmem:s20+$0x1040]  }
0x1ba: {  	v46 =	vld [tilespmem:s20+$0x1050]  }
.Ltmp0:
0x1bb: {  	v47 =	vld [tilespmem:s20+$0x1060];
	(pc) =	sbr.rel @p0 .LBB2_2-.Ltmp0, $4  }
0x1bc: {  	v48 =	vld [tilespmem:s20+$0x1400]  }
0x1bd: {  	v50 =	vld [tilespmem:s20+$0x1410]  }
0x1be: {  	v49 =	vld [tilespmem:s20+$0xD410]  }
0x1bf: {  	s21 =	sadd.s32 $0x1, s21;
	v51 =	vld [tilespmem:s20+$0xD430]  }
0x1c0: {  	v52 =	vld [tilespmem:s20+$0x1420]  }
0x1c1: {  	s14 =	sadd.s32 $0x1, s19;
	v53 =	vld [tilespmem:s20+$0x1430]  }
0x1c2: {  	s13 =	sadd.s32 $0x1, s13;
	v31 =	vld.msk [tilespmem:s14+$0x0 ss:$0x0], $0xffff  }
0x1c3: {  	v33 =	vld.msk [tilespmem:s13+$0x0 ss:$0x0], $0xffff  }
0x1c4: {  	v54 =	vld [tilespmem:s20+$0xD420]  }
0x1c5: {  	v55 =	vld [tilespmem:s20+$0xD400]  }
0x1c6: {  	v56 =	vld [tilespmem:s20+$0x1070]  }
0x1c7: {  	v57 =	vld [tilespmem:s20+$0xD070];
	v53 =	vmul.f32 v53, v31  }
0x1c8: {  	v58 =	vld [tilespmem:s20+$0xD060];
	v51 =	vmul.f32 v51, v33;
	v52 =	vmul.f32 v52, v31  }
0x1c9: {  	v54 =	vmul.f32 v54, v33;
	v50 =	vmul.f32 v50, v31  }
0x1ca: {  	v49 =	vmul.f32 v49, v33;
	v48 =	vmul.f32 v48, v31  }
0x1cb: {  	v59 =	vld [tilespmem:s20+$0xD050];
	v62 =	vmul.f32 v55, v33;
	v63 =	vmul.f32 v56, v31  }
0x1cc: {  	v60 =	vld [tilespmem:s20+$0xD040];
	v57 =	vmul.f32 v57, v33;
	v47 =	vmul.f32 v47, v31;
	v51 =	vadd.f32 v51, v53  }
0x1cd: {  	v61 =	vld [tilespmem:s20+$0xD020];
	v58 =	vmul.f32 v58, v33;
	v46 =	vmul.f32 v46, v31;
	v52 =	vadd.f32 v54, v52  }
0x1ce: {  	v45 =	vmul.f32 v45, v31;
	v44 =	vmul.f32 v44, v31;
	v53 =	vld [tilespmem:s20+$0xD030];
	v49 =	vadd.f32 v49, v50;
	[tilespmem:s20+$0x1430] =	vst v51  }
0x1cf: {  	v43 =	vmul.f32 v43, v31;
	v42 =	vmul.f32 v42, v31;
	v50 =	vld [tilespmem:s20+$0xD000];
	v48 =	vadd.f32 v62, v48;
	[tilespmem:s20+$0x1420] =	vst v52  }
0x1d0: {  	v41 =	vmul.f32 v41, v31;
	v62 =	vmul.f32 v59, v33;
	v47 =	vadd.f32 v58, v47;
	v59 =	vld [tilespmem:s20+$0xCC20];
	[tilespmem:s20+$0x1410] =	vst v49  }
0x1d1: {  	v40 =	vmul.f32 v40, v31;
	v51 =	vld [tilespmem:s20+$0xD010];
	v52 =	vadd.f32 v57, v63;
	[tilespmem:s20+$0x1400] =	vst v48;
	v63 =	vmul.f32 v60, v33  }
0x1d2: {  	v39 =	vmul.f32 v39, v31;
	v58 =	vmul.f32 v61, v33;
	v49 =	vld [tilespmem:s20+$0xCC70];
	v46 =	vadd.f32 v62, v46;
	[tilespmem:s20+$0x1060] =	vst v47  }
0x1d3: {  	v38 =	vmul.f32 v38, v31;
	v48 =	vld [tilespmem:s20+$0xCC60];
	[tilespmem:s20+$0x1070] =	vst v52;
	v45 =	vadd.f32 v63, v45;
	v53 =	vmul.f32 v53, v33  }
0x1d4: {  	v37 =	vmul.f32 v37, v31;
	v47 =	vld [tilespmem:s20+$0xCC40];
	v43 =	vadd.f32 v58, v43;
	[tilespmem:s20+$0x1050] =	vst v46;
	v50 =	vmul.f32 v50, v33  }
0x1d5: {  	v35 =	vmul.f32 v35, v31;
	v57 =	vld [tilespmem:s20+$0xCC30];
	[tilespmem:s20+$0x1040] =	vst v45;
	v45 =	vmul.f32 v59, v33;
	v44 =	vadd.f32 v53, v44  }
0x1d6: {  	v36 =	vmul.f32 v36, v31;
	v52 =	vld [tilespmem:s20+$0xCC50];
	[tilespmem:s20+$0x1020] =	vst v43;
	v51 =	vmul.f32 v51, v33;
	v41 =	vadd.f32 v50, v41  }
0x1d7: {  	v34 =	vmul.f32 v34, v31;
	v60 =	vld [tilespmem:s20+$0xCC10];
	v49 =	vmul.f32 v49, v33;
	v35 =	vadd.f32 v45, v35;
	[tilespmem:s20+$0x1030] =	vst v44  }
0x1d8: {  	v30 =	vmul.f32 v30, v31;
	v63 =	vld [tilespmem:s20+$0xC860];
	v48 =	vmul.f32 v48, v33;
	v42 =	vadd.f32 v51, v42;
	[tilespmem:s20+$0x1000] =	vst v41  }
0x1d9: {  	v29 =	vmul.f32 v29, v31;
	v58 =	vld [tilespmem:s20+$0xC800];
	v47 =	vmul.f32 v47, v33;
	v40 =	vadd.f32 v49, v40;
	[tilespmem:s20+$0xC20] =	vst v35  }
0x1da: {  	v28 =	vmul.f32 v28, v31;
	v62 =	vld [tilespmem:s20+$0xC870];
	v46 =	vmul.f32 v57, v33;
	v39 =	vadd.f32 v48, v39;
	[tilespmem:s20+$0x1010] =	vst v42  }
0x1db: {  	v27 =	vmul.f32 v27, v31;
	v54 =	vld [tilespmem:s20+$0xC840];
	v52 =	vmul.f32 v52, v33;
	v37 =	vadd.f32 v47, v37;
	[tilespmem:s20+$0xC70] =	vst v40  }
0x1dc: {  	v26 =	vmul.f32 v26, v31;
	v53 =	vld [tilespmem:s20+$0xC850];
	v36 =	vadd.f32 v46, v36;
	v44 =	vmul.f32 v60, v33;
	[tilespmem:s20+$0xC60] =	vst v39  }
0x1dd: {  	v25 =	vmul.f32 v25, v31;
	v57 =	vld [tilespmem:s20+$0xC810];
	v41 =	vmul.f32 v63, v33;
	v38 =	vadd.f32 v52, v38;
	[tilespmem:s20+$0xC40] =	vst v37  }
0x1de: {  	v55 =	vld [tilespmem:s20+$0xC830];
	v23 =	vmul.f32 v23, v31;
	v35 =	vmul.f32 v58, v33;
	[tilespmem:s20+$0xC30] =	vst v36;
	v34 =	vadd.f32 v44, v34  }
0x1df: {  	v24 =	vmul.f32 v24, v31;
	v59 =	vld [tilespmem:s20+$0xC470];
	v42 =	vmul.f32 v62, v33;
	v29 =	vadd.f32 v41, v29;
	[tilespmem:s20+$0xC50] =	vst v38  }
0x1e0: {  	v56 =	vld [tilespmem:s20+$0xC820];
	v22 =	vmul.f32 v22, v31;
	v39 =	vmul.f32 v54, v33;
	v23 =	vadd.f32 v35, v23;
	[tilespmem:s20+$0xC10] =	vst v34  }
0x1e1: {  	v21 =	vmul.f32 v21, v31;
	v60 =	vld [tilespmem:s20+$0xC460];
	v40 =	vmul.f32 v53, v33;
	v30 =	vadd.f32 v42, v30;
	[tilespmem:s20+$0x860] =	vst v29  }
0x1e2: {  	v20 =	vmul.f32 v20, v31;
	v36 =	vmul.f32 v57, v33;
	v29 =	vld [tilespmem:s20+$0xC440];
	v27 =	vadd.f32 v39, v27;
	[tilespmem:s20+$0x800] =	vst v23  }
0x1e3: {  	v19 =	vmul.f32 v19, v31;
	v38 =	vmul.f32 v55, v33;
	v28 =	vadd.f32 v40, v28;
	[tilespmem:s20+$0x870] =	vst v30;
	v30 =	vld [tilespmem:s20+$0xC450]  }
0x1e4: {  	v10 =	vmul.f32 v10, v31;
	v61 =	vld [tilespmem:s20+$0xCC00];
	v34 =	vmul.f32 v59, v33;
	v24 =	vadd.f32 v36, v24;
	[tilespmem:s20+$0x840] =	vst v27  }
0x1e5: {  	v9 =	vmul.f32 v9, v33;
	v37 =	vmul.f32 v56, v33;
	v26 =	vadd.f32 v38, v26;
	[tilespmem:s20+$0x850] =	vst v28;
	v28 =	vld [tilespmem:s20+$0xC430]  }
0x1e6: {  	v12 =	vmul.f32 v12, v31;
	v11 =	vmul.f32 v11, v33;
	v27 =	vld [tilespmem:s20+$0xC420];
	v22 =	vadd.f32 v34, v22;
	[tilespmem:s20+$0x810] =	vst v24  }
0x1e7: {  	v9 =	vadd.f32 v9, v10;
	v10 =	vld [tilespmem:s20+$0xC000];
	v25 =	vadd.f32 v37, v25;
	v24 =	vmul.f32 v60, v33;
	[tilespmem:s20+$0x830] =	vst v26  }
0x1e8: {  	v11 =	vadd.f32 v11, v12;
	v26 =	vld [tilespmem:s20+$0xC410];
	[tilespmem:s20+$0x470] =	vst v22;
	v22 =	vmul.f32 v29, v33;
	v23 =	vmul.f32 v30, v33  }
0x1e9: {  	v18 =	vmul.f32 v18, v31;
	v43 =	vmul.f32 v61, v33;
	[tilespmem:s20+$0x820] =	vst v25;
	v25 =	vld [tilespmem:s20+$0xC400];
	v21 =	vadd.f32 v24, v21  }
0x1ea: {  	[tilespmem:s20+$0x50] =	vst v11;
	v61 =	vld [tilespmem:s20+$0xC070];
	v19 =	vadd.f32 v22, v19;
	v20 =	vadd.f32 v23, v20;
	v23 =	vmul.f32 v28, v33  }
0x1eb: {  	v17 =	vmul.f32 v17, v31;
	v24 =	vld [tilespmem:s20+$0xC060];
	[tilespmem:s20+$0x460] =	vst v21;
	v22 =	vmul.f32 v27, v33  }
0x1ec: {  	v21 =	vld [tilespmem:s20+$0xD440];
	[tilespmem:s20+$0x440] =	vst v19;
	v18 =	vadd.f32 v23, v18  }
0x1ed: {  	v16 =	vmul.f32 v16, v31;
	v19 =	vld [tilespmem:s20+$0xD460];
	v17 =	vadd.f32 v22, v17;
	[tilespmem:s20+$0x450] =	vst v20;
	v23 =	vmul.f32 v26, v33  }
0x1ee: {  	v15 =	vmul.f32 v15, v31;
	v22 =	vld [tilespmem:s20+$0xD470];
	[tilespmem:s20+$0x430] =	vst v18;
	v18 =	vmul.f32 v25, v33  }
0x1ef: {  	v14 =	vmul.f32 v14, v31;
	v20 =	vld [tilespmem:s20+$0xD450];
	[tilespmem:s20+$0x420] =	vst v17;
	v17 =	vmul.f32 v61, v33;
	v16 =	vadd.f32 v23, v16  }
0x1f0: {  	v8 =	vmul.f32 v8, v31;
	v7 =	vmul.f32 v7, v33;
	[tilespmem:s20+$0x40] =	vst v9;
	v15 =	vadd.f32 v18, v15;
	v18 =	vld [tilespmem:s20+$0x1440]  }
0x1f1: {  	v6 =	vmul.f32 v6, v31;
	v5 =	vmul.f32 v5, v33;
	v14 =	vadd.f32 v17, v14;
	[tilespmem:s20+$0x410] =	vst v16;
	v16 =	vld [tilespmem:s20+$0x1450]  }
0x1f2: {  	v3 =	vmul.f32 v3, v31;
	v4 =	vmul.f32 v4, v33;
	v7 =	vadd.f32 v7, v8;
	[tilespmem:s20+$0x400] =	vst v15;
	v15 =	vld [tilespmem:s20+$0x1460]  }
0x1f3: {  	v32 =	vmul.f32 v32, v31;
	v5 =	vadd.f32 v5, v6;
	[tilespmem:s20+$0x70] =	vst v14;
	v14 =	vld [tilespmem:s20+$0x1470]  }
0x1f4: {  	v13 =	vmul.f32 v13, v31;
	v12 =	vld [tilespmem:s20+$0x0];
	v3 =	vadd.f32 v4, v3;
	[tilespmem:s20+$0x30] =	vst v7;
	v23 =	vmul.f32 v24, v33  }
0x1f5: {  	[tilespmem:s20+$0x20] =	vst v5;
	v32 =	vadd.f32 v43, v32;
	v6 =	vmul.f32 v21, v33;
	v8 =	vmul.f32 v18, v31  }
0x1f6: {  	[tilespmem:s20+$0x10] =	vst v3;
	v13 =	vadd.f32 v23, v13;
	v4 =	vmul.f32 v20, v33;
	v9 =	vmul.f32 v16, v31  }
0x1f7: {  	[tilespmem:s20+$0xC00] =	vst v32;
	v7 =	vmul.f32 v15, v31;
	v5 =	vadd.f32 v6, v8;
	v6 =	vmul.f32 v19, v33  }
0x1f8: {  	[tilespmem:s20+$0x60] =	vst v13;
	v8 =	vmul.f32 v14, v31;
	v3 =	vadd.f32 v4, v9;
	v4 =	vmul.f32 v22, v33  }
0x1f9: {  	v10 =	vmul.f32 v10, v33;
	v9 =	vmul.f32 v12, v31;
	[tilespmem:s20+$0x1440] =	vst v5;
	v5 =	vadd.f32 v6, v7  }
0x1fa: {  	[tilespmem:s20+$0x1450] =	vst v3;
	v3 =	vadd.f32 v4, v8  }
0x1fb: {  	v4 =	vadd.f32 v10, v9;
	[tilespmem:s20+$0x1460] =	vst v5  }
0x1fc: {  	[tilespmem:s20+$0x1470] =	vst v3  }
0x1fd: {  	s21 =	rddreg [dreg:$0x7];
	s14 =	simm.s32 $0x0;
	[tilespmem:s20+$0x0] =	vst v4  }
0x1fe: {  	[hbm4b:s21+s14] =	stream.linear.scatter [tilespmem:s14], [sflag:$0x3], $0xC000, $0x38;
	[tilespmem:$0x18200] =	vst v63  }
0x1ff: {  	_ =	swait.ge [sflag:s18], $0xC000  }
0x200: {  	[sflag:s18] =	ssyncset.done $0x0  }
0x201: {  	s15 =	simm.s32 $0x18000;
	s22 =	rddreg [dreg:$0x8];
	[sflag:s18] =	ssyncadd.s32 $0xFFFF4000  }
0x202: {  	[tilespmem:s15], [sflag:$0x3] =	stream.linear.gather [hbm4b:s22+s14], $0x40, $0x38;
	[tilespmem:$0x18200] =	vst v63  }
0x203: {  	_ =	swait.ge [sflag:s18], $0x40  }
0x204: {  	[sflag:s18] =	ssyncset.done $0x0  }
0x205: {  	s20 =	simm.s32 $0x18080;
	s19 =	rddreg [dreg:$0x9];
	[sflag:s18] =	ssyncadd.s32 $0xFFFFFFC0  }
0x206: {  	[tilespmem:s20], [sflag:$0x3] =	stream.linear.gather [hbm4b:s19+s14], $0x40, $0x38;
	[tilespmem:$0x18200] =	vst v63  }
0x207: {  	_ =	swait.ge [sflag:s18], $0x40  }
0x208: {  	[sflag:s18] =	ssyncset.done $0x0  }
0x209: {  	s19 =	simm.s32 $0x18100;
	s21 =	rddreg [dreg:$0xa];
	[sflag:s18] =	ssyncadd.s32 $0xFFFFFFC0  }
0x20a: {  	[tilespmem:s19], [sflag:$0x3] =	stream.linear.gather [hbm4b:s21+s14], $0x40, $0x38;
	[tilespmem:$0x18200] =	vst v63  }
0x20b: {  	_ =	swait.ge [sflag:s18], $0x40  }
0x20c: {  	[sflag:s18] =	ssyncset.done $0x0  }
0x20d: {  	s13 =	simm.s32 $0x18180;
	s22 =	rddreg [dreg:$0xb];
	[sflag:s18] =	ssyncadd.s32 $0xFFFFFFC0  }
0x20e: {  	[tilespmem:s13], [sflag:$0x3] =	stream.linear.gather [hbm4b:s22+s14], $0x40, $0x38;
	[tilespmem:$0x18200] =	vst v63  }
0x20f: {  	_ =	swait.ge [sflag:s18], $0x40  }
0x210: {  	[sflag:s18] =	ssyncset.done $0x0  }
0x211: {  	[sflag:s18] =	ssyncadd.s32 $0xFFFFFFC0  }
0x212: {  	v3 =	vld [tilespmem:$0x18000];
	_ =	sdelay $0x4  }
0x213: {  	v4 =	vshrl.u32 v3, $0x3  }
0x214: {  	v4 =	vmul.u32 $0x30, v4  }
0x215: {  	v3 =	vand.u32 $0x7, v3  }
0x216: {  	v3 =	vor.u32 v3, v4  }
0x217: {  	v4 =	vperm.xlane v3, v0;
	_ =	sdelay $0x1  }
0x218: {  	v4 =	vadd.s32 v1, v4;
	_ =	sdelay $0x3  }
0x219: {  	v3 =	vperm.xlane v3, v2  }
0x21a: {  	[tilespmem:s14], [sflag:$0x1] =	stream.indirect_vreg.gather [hbm4b:s3+s14], $0x80, v4, vm0, $0xb8;
	[tilespmem:$0x18200] =	vst v63  }
0x21b: {  	s20 =	simm.s32 $0x800;
	v3 =	vadd.s32 v1, v3  }
0x21c: {  	[tilespmem:s20], [sflag:$0x1] =	stream.indirect_vreg.gather [hbm4b:s7+s14], $0x80, v4, vm0, $0xb8;
	[tilespmem:$0x18200] =	vst v63  }
0x21d: {  	s21 =	simm.s32 $0x1000  }
0x21e: {  	[tilespmem:s21], [sflag:$0x1] =	stream.indirect_vreg.gather [hbm4b:s9+s14], $0x80, v4, vm0, $0xb8;
	[tilespmem:$0x18200] =	vst v63  }
0x21f: {  	s22 =	simm.s32 $0x1800  }
0x220: {  	[tilespmem:s22], [sflag:$0x1] =	stream.indirect_vreg.gather [hbm4b:s3+s14], $0x80, v3, vm0, $0xb8;
	[tilespmem:$0x18200] =	vst v63  }
0x221: {  	s20 =	simm.s32 $0x2000  }
0x222: {  	[tilespmem:s20], [sflag:$0x1] =	stream.indirect_vreg.gather [hbm4b:s7+s14], $0x80, v3, vm0, $0xb8;
	[tilespmem:$0x18200] =	vst v63  }
0x223: {  	s21 =	simm.s32 $0x2800  }
0x224: {  	[tilespmem:s21], [sflag:$0x1] =	stream.indirect_vreg.gather [hbm4b:s9+s14], $0x80, v3, vm0, $0xb8;
	[tilespmem:$0x18200] =	vst v63  }
0x225: {  	v3 =	vld [tilespmem:$0x18010];
	_ =	sdelay $0x4  }
0x226: {  	v4 =	vshrl.u32 v3, $0x3  }
0x227: {  	v4 =	vmul.u32 $0x30, v4  }
0x228: {  	v3 =	vand.u32 $0x7, v3  }
0x229: {  	v3 =	vor.u32 v3, v4  }
0x22a: {  	v4 =	vperm.xlane v3, v0;
	_ =	sdelay $0x1  }
0x22b: {  	v4 =	vadd.s32 v1, v4;
	_ =	sdelay $0x3  }
0x22c: {  	s22 =	simm.s32 $0x3000;
	v3 =	vperm.xlane v3, v2  }
0x22d: {  	[tilespmem:s22], [sflag:$0x1] =	stream.indirect_vreg.gather [hbm4b:s3+s14], $0x80, v4, vm0, $0xb8;
	[tilespmem:$0x18200] =	vst v63  }
0x22e: {  	s20 =	simm.s32 $0x3800;
	v3 =	vadd.s32 v1, v3  }
0x22f: {  	[tilespmem:s20], [sflag:$0x1] =	stream.indirect_vreg.gather [hbm4b:s7+s14], $0x80, v4, vm0, $0xb8;
	[tilespmem:$0x18200] =	vst v63  }
0x230: {  	s21 =	simm.s32 $0x4000  }
0x231: {  	[tilespmem:s21], [sflag:$0x1] =	stream.indirect_vreg.gather [hbm4b:s9+s14], $0x80, v4, vm0, $0xb8;
	[tilespmem:$0x18200] =	vst v63  }
0x232: {  	s22 =	simm.s32 $0x4800  }
0x233: {  	[tilespmem:s22], [sflag:$0x1] =	stream.indirect_vreg.gather [hbm4b:s3+s14], $0x80, v3, vm0, $0xb8;
	[tilespmem:$0x18200] =	vst v63  }
0x234: {  	s20 =	simm.s32 $0x5000  }
0x235: {  	[tilespmem:s20], [sflag:$0x1] =	stream.indirect_vreg.gather [hbm4b:s7+s14], $0x80, v3, vm0, $0xb8;
	[tilespmem:$0x18200] =	vst v63  }
0x236: {  	s21 =	simm.s32 $0x5800  }
0x237: {  	[tilespmem:s21], [sflag:$0x1] =	stream.indirect_vreg.gather [hbm4b:s9+s14], $0x80, v3, vm0, $0xb8;
	[tilespmem:$0x18200] =	vst v63  }
0x238: {  	v3 =	vld [tilespmem:$0x18020];
	_ =	sdelay $0x4  }
0x239: {  	v4 =	vshrl.u32 v3, $0x3  }
0x23a: {  	v4 =	vmul.u32 $0x30, v4  }
0x23b: {  	v3 =	vand.u32 $0x7, v3  }
0x23c: {  	v3 =	vor.u32 v3, v4  }
0x23d: {  	v4 =	vperm.xlane v3, v0;
	_ =	sdelay $0x1  }
0x23e: {  	v4 =	vadd.s32 v1, v4;
	_ =	sdelay $0x3  }
0x23f: {  	s22 =	simm.s32 $0x6000;
	v3 =	vperm.xlane v3, v2  }
0x240: {  	[tilespmem:s22], [sflag:$0x1] =	stream.indirect_vreg.gather [hbm4b:s3+s14], $0x80, v4, vm0, $0xb8;
	[tilespmem:$0x18200] =	vst v63  }
0x241: {  	s20 =	simm.s32 $0x6800;
	v3 =	vadd.s32 v1, v3  }
0x242: {  	[tilespmem:s20], [sflag:$0x1] =	stream.indirect_vreg.gather [hbm4b:s7+s14], $0x80, v4, vm0, $0xb8;
	[tilespmem:$0x18200] =	vst v63  }
0x243: {  	s21 =	simm.s32 $0x7000  }
0x244: {  	[tilespmem:s21], [sflag:$0x1] =	stream.indirect_vreg.gather [hbm4b:s9+s14], $0x80, v4, vm0, $0xb8;
	[tilespmem:$0x18200] =	vst v63  }
0x245: {  	s22 =	simm.s32 $0x7800  }
0x246: {  	[tilespmem:s22], [sflag:$0x1] =	stream.indirect_vreg.gather [hbm4b:s3+s14], $0x80, v3, vm0, $0xb8;
	[tilespmem:$0x18200] =	vst v63  }
0x247: {  	s20 =	simm.s32 $0x8000  }
0x248: {  	[tilespmem:s20], [sflag:$0x1] =	stream.indirect_vreg.gather [hbm4b:s7+s14], $0x80, v3, vm0, $0xb8;
	[tilespmem:$0x18200] =	vst v63  }
0x249: {  	s21 =	simm.s32 $0x8800  }
0x24a: {  	[tilespmem:s21], [sflag:$0x1] =	stream.indirect_vreg.gather [hbm4b:s9+s14], $0x80, v3, vm0, $0xb8;
	[tilespmem:$0x18200] =	vst v63  }
0x24b: {  	v3 =	vld [tilespmem:$0x18030];
	_ =	sdelay $0x4  }
0x24c: {  	v4 =	vshrl.u32 v3, $0x3  }
0x24d: {  	v4 =	vmul.u32 $0x30, v4  }
0x24e: {  	v3 =	vand.u32 $0x7, v3  }
0x24f: {  	v3 =	vor.u32 v3, v4  }
0x250: {  	v4 =	vperm.xlane v3, v0;
	_ =	sdelay $0x1  }
0x251: {  	v4 =	vadd.s32 v1, v4;
	_ =	sdelay $0x3  }
0x252: {  	s22 =	simm.s32 $0x9000;
	v3 =	vperm.xlane v3, v2  }
0x253: {  	[tilespmem:s22], [sflag:$0x1] =	stream.indirect_vreg.gather [hbm4b:s3+s14], $0x80, v4, vm0, $0xb8;
	[tilespmem:$0x18200] =	vst v63  }
0x254: {  	s20 =	simm.s32 $0x9800;
	v3 =	vadd.s32 v1, v3  }
0x255: {  	[tilespmem:s20], [sflag:$0x1] =	stream.indirect_vreg.gather [hbm4b:s7+s14], $0x80, v4, vm0, $0xb8;
	[tilespmem:$0x18200] =	vst v63  }
0x256: {  	s21 =	simm.s32 $0xA000  }
0x257: {  	[tilespmem:s21], [sflag:$0x1] =	stream.indirect_vreg.gather [hbm4b:s9+s14], $0x80, v4, vm0, $0xb8;
	[tilespmem:$0x18200] =	vst v63  }
0x258: {  	s22 =	simm.s32 $0xA800  }
0x259: {  	[tilespmem:s22], [sflag:$0x1] =	stream.indirect_vreg.gather [hbm4b:s3+s14], $0x80, v3, vm0, $0xb8;
	[tilespmem:$0x18200] =	vst v63  }
0x25a: {  	s20 =	simm.s32 $0xB000  }
0x25b: {  	[tilespmem:s20], [sflag:$0x1] =	stream.indirect_vreg.gather [hbm4b:s7+s14], $0x80, v3, vm0, $0xb8;
	[tilespmem:$0x18200] =	vst v63  }
0x25c: {  	s21 =	simm.s32 $0xB800  }
0x25d: {  	[tilespmem:s21], [sflag:$0x1] =	stream.indirect_vreg.gather [hbm4b:s9+s14], $0x80, v3, vm0, $0xb8;
	[tilespmem:$0x18200] =	vst v63  }
0x25e: {  	_ =	swait.ge [sflag:s29], $0xC000  }
0x25f: {  	[sflag:s29] =	ssyncset.done $0x0  }
0x260: {  	[sflag:s29] =	ssyncadd.s32 $0xFFFF4000  }
0x261: {  	v3 =	vld [tilespmem:$0x18080];
	_ =	sdelay $0x4  }
0x262: {  	v4 =	vshrl.u32 v3, $0x3  }
0x263: {  	v4 =	vmul.u32 $0x30, v4  }
0x264: {  	v3 =	vand.u32 $0x7, v3  }
0x265: {  	v3 =	vor.u32 v3, v4  }
0x266: {  	v4 =	vperm.xlane v3, v0;
	_ =	sdelay $0x1  }
0x267: {  	v4 =	vadd.s32 v1, v4;
	_ =	sdelay $0x3  }
0x268: {  	s22 =	simm.s32 $0xC000;
	v3 =	vperm.xlane v3, v2  }
0x269: {  	[tilespmem:s22], [sflag:$0x2] =	stream.indirect_vreg.gather [hbm4b:s3+s14], $0x80, v4, vm0, $0xb8;
	[tilespmem:$0x18200] =	vst v63  }
0x26a: {  	s20 =	simm.s32 $0xC800;
	v3 =	vadd.s32 v1, v3  }
0x26b: {  	[tilespmem:s20], [sflag:$0x2] =	stream.indirect_vreg.gather [hbm4b:s7+s14], $0x80, v4, vm0, $0xb8;
	[tilespmem:$0x18200] =	vst v63  }
0x26c: {  	s21 =	simm.s32 $0xD000  }
0x26d: {  	[tilespmem:s21], [sflag:$0x2] =	stream.indirect_vreg.gather [hbm4b:s9+s14], $0x80, v4, vm0, $0xb8;
	[tilespmem:$0x18200] =	vst v63  }
0x26e: {  	s22 =	simm.s32 $0xD800  }
0x26f: {  	[tilespmem:s22], [sflag:$0x2] =	stream.indirect_vreg.gather [hbm4b:s3+s14], $0x80, v3, vm0, $0xb8;
	[tilespmem:$0x18200] =	vst v63  }
0x270: {  	s20 =	simm.s32 $0xE000  }
0x271: {  	[tilespmem:s20], [sflag:$0x2] =	stream.indirect_vreg.gather [hbm4b:s7+s14], $0x80, v3, vm0, $0xb8;
	[tilespmem:$0x18200] =	vst v63  }
0x272: {  	s21 =	simm.s32 $0xE800  }
0x273: {  	[tilespmem:s21], [sflag:$0x2] =	stream.indirect_vreg.gather [hbm4b:s9+s14], $0x80, v3, vm0, $0xb8;
	[tilespmem:$0x18200] =	vst v63  }
0x274: {  	v3 =	vld [tilespmem:$0x18090];
	_ =	sdelay $0x4  }
0x275: {  	v4 =	vshrl.u32 v3, $0x3  }
0x276: {  	v4 =	vmul.u32 $0x30, v4  }
0x277: {  	v3 =	vand.u32 $0x7, v3  }
0x278: {  	v3 =	vor.u32 v3, v4  }
0x279: {  	v4 =	vperm.xlane v3, v0;
	_ =	sdelay $0x1  }
0x27a: {  	v4 =	vadd.s32 v1, v4;
	_ =	sdelay $0x3  }
0x27b: {  	s22 =	simm.s32 $0xF000;
	v3 =	vperm.xlane v3, v2  }
0x27c: {  	[tilespmem:s22], [sflag:$0x2] =	stream.indirect_vreg.gather [hbm4b:s3+s14], $0x80, v4, vm0, $0xb8;
	[tilespmem:$0x18200] =	vst v63  }
0x27d: {  	s20 =	simm.s32 $0xF800;
	v3 =	vadd.s32 v1, v3  }
0x27e: {  	[tilespmem:s20], [sflag:$0x2] =	stream.indirect_vreg.gather [hbm4b:s7+s14], $0x80, v4, vm0, $0xb8;
	[tilespmem:$0x18200] =	vst v63  }
0x27f: {  	s21 =	simm.s32 $0x10000  }
0x280: {  	[tilespmem:s21], [sflag:$0x2] =	stream.indirect_vreg.gather [hbm4b:s9+s14], $0x80, v4, vm0, $0xb8;
	[tilespmem:$0x18200] =	vst v63  }
0x281: {  	_ = 	snop  }
0x282: {  	[tilespmem:s4], [sflag:$0x2] =	stream.indirect_vreg.gather [hbm4b:s3+s14], $0x80, v3, vm0, $0xb8;
	[tilespmem:$0x18200] =	vst v63  }
0x283: {  	_ = 	snop  }
0x284: {  	[tilespmem:s23], [sflag:$0x2] =	stream.indirect_vreg.gather [hbm4b:s7+s14], $0x80, v3, vm0, $0xb8;
	[tilespmem:$0x18200] =	vst v63  }
0x285: {  	_ = 	snop  }
0x286: {  	[tilespmem:s5], [sflag:$0x2] =	stream.indirect_vreg.gather [hbm4b:s9+s14], $0x80, v3, vm0, $0xb8;
	[tilespmem:$0x18200] =	vst v63  }
0x287: {  	v3 =	vld [tilespmem:$0x180A0];
	_ =	sdelay $0x4  }
0x288: {  	v4 =	vshrl.u32 v3, $0x3  }
0x289: {  	v4 =	vmul.u32 $0x30, v4  }
0x28a: {  	v3 =	vand.u32 $0x7, v3  }
0x28b: {  	v3 =	vor.u32 v3, v4  }
0x28c: {  	v4 =	vperm.xlane v3, v0;
	_ =	sdelay $0x1  }
0x28d: {  	v4 =	vadd.s32 v1, v4;
	_ =	sdelay $0x3  }
0x28e: {  	v3 =	vperm.xlane v3, v2  }
0x28f: {  	[tilespmem:s24], [sflag:$0x2] =	stream.indirect_vreg.gather [hbm4b:s3+s14], $0x80, v4, vm0, $0xb8;
	[tilespmem:$0x18200] =	vst v63  }
0x290: {  	v3 =	vadd.s32 v1, v3  }
0x291: {  	[tilespmem:s6], [sflag:$0x2] =	stream.indirect_vreg.gather [hbm4b:s7+s14], $0x80, v4, vm0, $0xb8;
	[tilespmem:$0x18200] =	vst v63  }
0x292: {  	_ = 	snop  }
0x293: {  	[tilespmem:s25], [sflag:$0x2] =	stream.indirect_vreg.gather [hbm4b:s9+s14], $0x80, v4, vm0, $0xb8;
	[tilespmem:$0x18200] =	vst v63  }
0x294: {  	_ = 	snop  }
0x295: {  	[tilespmem:s26], [sflag:$0x2] =	stream.indirect_vreg.gather [hbm4b:s3+s14], $0x80, v3, vm0, $0xb8;
	[tilespmem:$0x18200] =	vst v63  }
0x296: {  	_ = 	snop  }
0x297: {  	[tilespmem:s28], [sflag:$0x2] =	stream.indirect_vreg.gather [hbm4b:s7+s14], $0x80, v3, vm0, $0xb8;
	[tilespmem:$0x18200] =	vst v63  }
0x298: {  	_ = 	snop  }
0x299: {  	[tilespmem:s8], [sflag:$0x2] =	stream.indirect_vreg.gather [hbm4b:s9+s14], $0x80, v3, vm0, $0xb8;
	[tilespmem:$0x18200] =	vst v63  }
0x29a: {  	v3 =	vld [tilespmem:$0x180B0];
	_ =	sdelay $0x4  }
0x29b: {  	v4 =	vshrl.u32 v3, $0x3  }
0x29c: {  	v4 =	vmul.u32 $0x30, v4  }
0x29d: {  	v3 =	vand.u32 $0x7, v3  }
0x29e: {  	v3 =	vor.u32 v3, v4  }
0x29f: {  	v4 =	vperm.xlane v3, v0;
	_ =	sdelay $0x1  }
0x2a0: {  	v4 =	vadd.s32 v1, v4;
	_ =	sdelay $0x3  }
0x2a1: {  	v3 =	vperm.xlane v3, v2  }
0x2a2: {  	[tilespmem:s30], [sflag:$0x2] =	stream.indirect_vreg.gather [hbm4b:s3+s14], $0x80, v4, vm0, $0xb8;
	[tilespmem:$0x18200] =	vst v63  }
0x2a3: {  	v3 =	vadd.s32 v1, v3  }
0x2a4: {  	[tilespmem:s31], [sflag:$0x2] =	stream.indirect_vreg.gather [hbm4b:s7+s14], $0x80, v4, vm0, $0xb8;
	[tilespmem:$0x18200] =	vst v63  }
0x2a5: {  	_ = 	snop  }
0x2a6: {  	[tilespmem:s0], [sflag:$0x2] =	stream.indirect_vreg.gather [hbm4b:s9+s14], $0x80, v4, vm0, $0xb8;
	[tilespmem:$0x18200] =	vst v63  }
0x2a7: {  	_ = 	snop  }
0x2a8: {  	[tilespmem:s10], [sflag:$0x2] =	stream.indirect_vreg.gather [hbm4b:s3+s14], $0x80, v3, vm0, $0xb8;
	[tilespmem:$0x18200] =	vst v63  }
0x2a9: {  	_ = 	snop  }
0x2aa: {  	[tilespmem:s2], [sflag:$0x2] =	stream.indirect_vreg.gather [hbm4b:s7+s14], $0x80, v3, vm0, $0xb8;
	[tilespmem:$0x18200] =	vst v63  }
0x2ab: {  	s22 =	simm.s32 $0x0  }
0x2ac: {  	[tilespmem:s11], [sflag:$0x2] =	stream.indirect_vreg.gather [hbm4b:s9+s14], $0x80, v3, vm0, $0xb8;
	[tilespmem:$0x18200] =	vst v63  }
0x2ad: {  	s15 =	smul.u32 $0x1800, s22;
	_ =	swait.ge [sflag:s17], $0xC000  }
0x2ae: {  	s14 =	sand.u32 $0x380, s14;
	[sflag:s17] =	ssyncset.done $0x0  }
0x2af: {  	s21 =	sor.u32 s14, s15;
	[sflag:s17] =	ssyncadd.s32 $0xFFFF4000  }
0x2b0: {  	v4 =	vld [tilespmem:s21+$0x10]  }
0x2b1: {  	v3 =	vld [tilespmem:s21+$0xC010]  }
0x2b2: {  	v6 =	vld [tilespmem:s21+$0x20]  }
0x2b3: {  	v5 =	vld [tilespmem:s21+$0xC020]  }
0x2b4: {  	v10 =	vld [tilespmem:s21+$0x30]  }
0x2b5: {  	v9 =	vld [tilespmem:s21+$0xC030]  }
0x2b6: {  	v12 =	vld [tilespmem:s21+$0x40]  }
0x2b7: {  	v11 =	vld [tilespmem:s21+$0xC040]  }
0x2b8: {  	v13 =	vld [tilespmem:s21+$0x60]  }
0x2b9: {  	v14 =	vld [tilespmem:s21+$0x70]  }
0x2ba: {  	v15 =	vld [tilespmem:s21+$0x400]  }
0x2bb: {  	v16 =	vld [tilespmem:s21+$0x410]  }
0x2bc: {  	v17 =	vld [tilespmem:s21+$0x420]  }
0x2bd: {  	v18 =	vld [tilespmem:s21+$0x430]  }
0x2be: {  	v19 =	vld [tilespmem:s21+$0x440]  }
0x2bf: {  	v20 =	vld [tilespmem:s21+$0x450]  }
0x2c0: {  	v21 =	vld [tilespmem:s21+$0x460]  }
0x2c1: {  	v22 =	vld [tilespmem:s21+$0x470]  }
0x2c2: {  	v23 =	vld [tilespmem:s21+$0x800]  }
0x2c3: {  	v24 =	vld [tilespmem:s21+$0x810]  }
0x2c4: {  	v25 =	vld [tilespmem:s21+$0x820]  }
0x2c5: {  	v26 =	vld [tilespmem:s21+$0x830]  }
0x2c6: {  	v27 =	vld [tilespmem:s21+$0x840]  }
0x2c7: {  	v28 =	vld [tilespmem:s21+$0x850]  }
0x2c8: {  	v29 =	vld [tilespmem:s21+$0x860]  }
0x2c9: {  	v30 =	vld [tilespmem:s21+$0x870]  }
0x2ca: {  	v31 =	vld [tilespmem:s21+$0xC00]  }
0x2cb: {  	v32 =	vld [tilespmem:s21+$0xC10]  }
0x2cc: {  	v33 =	vld [tilespmem:s21+$0xC20]  }
0x2cd: {  	v34 =	vld [tilespmem:s21+$0xC30]  }
0x2ce: {  	v35 =	vld [tilespmem:s21+$0xC40]  }
0x2cf: {  	v36 =	vld [tilespmem:s21+$0xC50]  }
0x2d0: {  	v37 =	vld [tilespmem:s21+$0xC60]  }
0x2d1: {  	v38 =	vld [tilespmem:s21+$0xC70]  }
0x2d2: {  	v39 =	vld [tilespmem:s21+$0x1000]  }
0x2d3: {  	v40 =	vld [tilespmem:s21+$0x1010]  }
0x2d4: {  	v41 =	vld [tilespmem:s21+$0x1020]  }
0x2d5: {  	v42 =	vld [tilespmem:s21+$0x1030]  }
0x2d6: {  	v43 =	vld [tilespmem:s21+$0x1040]  }
0x2d7: {  	v44 =	vld [tilespmem:s21+$0x1050]  }
0x2d8: {  	v45 =	vld [tilespmem:s21+$0x1060]  }
0x2d9: {  	v46 =	vld [tilespmem:s21+$0x1400]  }
0x2da: {  	v47 =	vld [tilespmem:s21+$0x1410]  }
0x2db: {  	v48 =	vld [tilespmem:s21+$0xD410]  }
0x2dc: {  	v49 =	vld [tilespmem:s21+$0xD430]  }
0x2dd: {  	v50 =	vld [tilespmem:s21+$0x1420]  }
0x2de: {  	v7 =	vld.msk [tilespmem:s19+$0x0 ss:$0x0], $0xffff  }
0x2df: {  	v62 =	vld [tilespmem:s21+$0x1430]  }
0x2e0: {  	v8 =	vld.msk [tilespmem:s13+$0x0 ss:$0x0], $0xffff  }
0x2e1: {  	v52 =	vld [tilespmem:s21+$0xD420]  }
0x2e2: {  	v63 =	vld [tilespmem:s21+$0xD400]  }
0x2e3: {  	v54 =	vld [tilespmem:s21+$0x1070]  }
0x2e4: {  	v60 =	vld [tilespmem:s21+$0xD070];
	v51 =	vmul.f32 v62, v7  }
0x2e5: {  	v61 =	vld [tilespmem:s21+$0xD060];
	v49 =	vmul.f32 v49, v8;
	v50 =	vmul.f32 v50, v7  }
0x2e6: {  	v58 =	vld [tilespmem:s21+$0xD040];
	v52 =	vmul.f32 v52, v8;
	v47 =	vmul.f32 v47, v7  }
0x2e7: {  	v53 =	vld [tilespmem:s21+$0xD030];
	v48 =	vmul.f32 v48, v8;
	v46 =	vmul.f32 v46, v7  }
0x2e8: {  	v57 =	vld [tilespmem:s21+$0xCC60];
	v63 =	vmul.f32 v63, v8;
	v59 =	vmul.f32 v54, v7;
	v49 =	vadd.f32 v49, v51  }
0x2e9: {  	v55 =	vld [tilespmem:s21+$0xC870];
	v60 =	vmul.f32 v60, v8;
	v45 =	vmul.f32 v45, v7;
	v50 =	vadd.f32 v52, v50  }
0x2ea: {  	v56 =	vld [tilespmem:s21+$0xC860];
	v61 =	vmul.f32 v61, v8;
	v44 =	vmul.f32 v44, v7;
	v47 =	vadd.f32 v48, v47;
	[tilespmem:s21+$0x1430] =	vst v49  }
0x2eb: {  	v62 =	vld [tilespmem:s21+$0xD050];
	v43 =	vmul.f32 v43, v7;
	v42 =	vmul.f32 v42, v7;
	v46 =	vadd.f32 v63, v46;
	[tilespmem:s21+$0x1420] =	vst v50  }
0x2ec: {  	v12 =	vmul.f32 v12, v7;
	v11 =	vmul.f32 v11, v8;
	v48 =	vld [tilespmem:s21+$0xD020];
	v52 =	vadd.f32 v60, v59;
	[tilespmem:s21+$0x1410] =	vst v47  }
0x2ed: {  	v41 =	vmul.f32 v41, v7;
	v63 =	vmul.f32 v58, v8;
	v45 =	vadd.f32 v61, v45;
	v59 =	vld [tilespmem:s21+$0xCC50];
	[tilespmem:s21+$0x1400] =	vst v46  }
0x2ee: {  	v40 =	vmul.f32 v40, v7;
	v58 =	vmul.f32 v53, v8;
	v60 =	vld [tilespmem:s21+$0xCC40];
	v11 =	vadd.f32 v11, v12;
	[tilespmem:s21+$0x1070] =	vst v52  }
0x2ef: {  	v37 =	vmul.f32 v37, v7;
	v49 =	vld [tilespmem:s21+$0xD010];
	v43 =	vadd.f32 v63, v43;
	[tilespmem:s21+$0x1060] =	vst v45;
	v46 =	vmul.f32 v57, v8  }
0x2f0: {  	v39 =	vmul.f32 v39, v7;
	v50 =	vld [tilespmem:s21+$0xD000];
	v42 =	vadd.f32 v58, v42;
	[tilespmem:s21+$0x40] =	vst v11;
	v62 =	vmul.f32 v62, v8  }
0x2f1: {  	v38 =	vmul.f32 v38, v7;
	v47 =	vld [tilespmem:s21+$0xCC70];
	[tilespmem:s21+$0x1040] =	vst v43;
	v37 =	vadd.f32 v46, v37;
	v48 =	vmul.f32 v48, v8  }
0x2f2: {  	v36 =	vmul.f32 v36, v7;
	v61 =	vld [tilespmem:s21+$0xCC30];
	[tilespmem:s21+$0x1030] =	vst v42;
	v44 =	vadd.f32 v62, v44;
	v54 =	vmul.f32 v59, v8  }
0x2f3: {  	v35 =	vmul.f32 v35, v7;
	v63 =	vld [tilespmem:s21+$0xCC10];
	v45 =	vmul.f32 v60, v8;
	[tilespmem:s21+$0xC60] =	vst v37;
	v41 =	vadd.f32 v48, v41  }
0x2f4: {  	v34 =	vmul.f32 v34, v7;
	v58 =	vld [tilespmem:s21+$0xC840];
	v49 =	vmul.f32 v49, v8;
	[tilespmem:s21+$0x1050] =	vst v44;
	v36 =	vadd.f32 v54, v36  }
0x2f5: {  	v32 =	vmul.f32 v32, v7;
	v53 =	vld [tilespmem:s21+$0xCC00];
	v50 =	vmul.f32 v50, v8;
	v35 =	vadd.f32 v45, v35;
	[tilespmem:s21+$0x1020] =	vst v41  }
0x2f6: {  	v31 =	vmul.f32 v31, v7;
	v62 =	vld [tilespmem:s21+$0xCC20];
	v47 =	vmul.f32 v47, v8;
	v40 =	vadd.f32 v49, v40;
	[tilespmem:s21+$0xC50] =	vst v36  }
0x2f7: {  	v6 =	vmul.f32 v6, v7;
	v59 =	vld [tilespmem:s21+$0xC830];
	v44 =	vmul.f32 v61, v8;
	v39 =	vadd.f32 v50, v39;
	[tilespmem:s21+$0xC40] =	vst v35  }
0x2f8: {  	v5 =	vmul.f32 v5, v8;
	v60 =	vld [tilespmem:s21+$0xC820];
	v42 =	vmul.f32 v63, v8;
	v38 =	vadd.f32 v47, v38;
	[tilespmem:s21+$0x1010] =	vst v40  }
0x2f9: {  	v27 =	vmul.f32 v27, v7;
	v12 =	vld [tilespmem:s21+$0x1460];
	v37 =	vmul.f32 v58, v8;
	v34 =	vadd.f32 v44, v34;
	[tilespmem:s21+$0x1000] =	vst v39  }
0x2fa: {  	v5 =	vadd.f32 v5, v6;
	v6 =	vld [tilespmem:s21+$0x0];
	v41 =	vmul.f32 v53, v8;
	v32 =	vadd.f32 v42, v32;
	[tilespmem:s21+$0xC70] =	vst v38  }
0x2fb: {  	v33 =	vmul.f32 v33, v7;
	v57 =	vld [tilespmem:s21+$0xC850];
	v27 =	vadd.f32 v37, v27;
	v43 =	vmul.f32 v62, v8;
	[tilespmem:s21+$0xC30] =	vst v34  }
0x2fc: {  	v26 =	vmul.f32 v26, v7;
	v61 =	vld [tilespmem:s21+$0xC810];
	v36 =	vmul.f32 v59, v8;
	v31 =	vadd.f32 v41, v31;
	[tilespmem:s21+$0xC10] =	vst v32  }
0x2fd: {  	v25 =	vmul.f32 v25, v7;
	v62 =	vld [tilespmem:s21+$0xC800];
	v35 =	vmul.f32 v60, v8;
	[tilespmem:s21+$0x840] =	vst v27;
	v33 =	vadd.f32 v43, v33  }
0x2fe: {  	v30 =	vmul.f32 v30, v7;
	v63 =	vld [tilespmem:s21+$0xC470];
	v40 =	vmul.f32 v55, v8;
	v26 =	vadd.f32 v36, v26;
	[tilespmem:s21+$0xC00] =	vst v31  }
0x2ff: {  	v29 =	vmul.f32 v29, v7;
	v39 =	vmul.f32 v56, v8;
	v27 =	vld [tilespmem:s21+$0xC420];
	v25 =	vadd.f32 v35, v25;
	[tilespmem:s21+$0xC20] =	vst v33  }
0x300: {  	v28 =	vmul.f32 v28, v7;
	v38 =	vmul.f32 v57, v8;
	v30 =	vadd.f32 v40, v30;
	v31 =	vld [tilespmem:s21+$0xC460];
	[tilespmem:s21+$0x830] =	vst v26  }
0x301: {  	v24 =	vmul.f32 v24, v7;
	v34 =	vmul.f32 v61, v8;
	v29 =	vadd.f32 v39, v29;
	v26 =	vld [tilespmem:s21+$0xC410];
	[tilespmem:s21+$0x820] =	vst v25  }
0x302: {  	v23 =	vmul.f32 v23, v7;
	v28 =	vadd.f32 v38, v28;
	v25 =	vld [tilespmem:s21+$0xC400];
	[tilespmem:s21+$0x870] =	vst v30;
	v33 =	vmul.f32 v62, v8  }
0x303: {  	v22 =	vmul.f32 v22, v7;
	v32 =	vmul.f32 v63, v8;
	v24 =	vadd.f32 v34, v24;
	v30 =	vld [tilespmem:s21+$0xC450];
	[tilespmem:s21+$0x860] =	vst v29  }
0x304: {  	v17 =	vmul.f32 v17, v7;
	v29 =	vld [tilespmem:s21+$0xC440];
	[tilespmem:s21+$0x850] =	vst v28;
	v27 =	vmul.f32 v27, v8;
	v23 =	vadd.f32 v33, v23  }
0x305: {  	v21 =	vmul.f32 v21, v7;
	v22 =	vadd.f32 v32, v22;
	v28 =	vld [tilespmem:s21+$0xC430];
	[tilespmem:s21+$0x810] =	vst v24;
	v31 =	vmul.f32 v31, v8  }
0x306: {  	v16 =	vmul.f32 v16, v7;
	v17 =	vadd.f32 v27, v17;
	[tilespmem:s21+$0x800] =	vst v23;
	v23 =	vld [tilespmem:s21+$0xC060];
	v26 =	vmul.f32 v26, v8  }
0x307: {  	v15 =	vmul.f32 v15, v7;
	v24 =	vld [tilespmem:s21+$0xC070];
	[tilespmem:s21+$0x470] =	vst v22;
	v25 =	vmul.f32 v25, v8;
	v21 =	vadd.f32 v31, v21  }
0x308: {  	v20 =	vmul.f32 v20, v7;
	v22 =	vld [tilespmem:s21+$0x50];
	v30 =	vmul.f32 v30, v8;
	[tilespmem:s21+$0x420] =	vst v17;
	v16 =	vadd.f32 v26, v16  }
0x309: {  	v19 =	vmul.f32 v19, v7;
	v29 =	vmul.f32 v29, v8;
	v17 =	vld [tilespmem:s21+$0x1440];
	v15 =	vadd.f32 v25, v15;
	[tilespmem:s21+$0x460] =	vst v21  }
0x30a: {  	v18 =	vmul.f32 v18, v7;
	v28 =	vmul.f32 v28, v8;
	v20 =	vadd.f32 v30, v20;
	v21 =	vld [tilespmem:s21+$0xC050];
	[tilespmem:s21+$0x410] =	vst v16  }
0x30b: {  	v13 =	vmul.f32 v13, v7;
	v19 =	vadd.f32 v29, v19;
	[tilespmem:s21+$0x400] =	vst v15;
	v15 =	vld [tilespmem:s21+$0x1450];
	v23 =	vmul.f32 v23, v8  }
0x30c: {  	v14 =	vmul.f32 v14, v7;
	v24 =	vmul.f32 v24, v8;
	v18 =	vadd.f32 v28, v18;
	[tilespmem:s21+$0x450] =	vst v20;
	v20 =	vld [tilespmem:s21+$0xD440]  }
0x30d: {  	v10 =	vmul.f32 v10, v7;
	v9 =	vmul.f32 v9, v8;
	[tilespmem:s21+$0x440] =	vst v19;
	v19 =	vld [tilespmem:s21+$0xD450];
	v13 =	vadd.f32 v23, v13  }
0x30e: {  	v4 =	vmul.f32 v4, v7;
	v3 =	vmul.f32 v3, v8;
	v14 =	vadd.f32 v24, v14;
	[tilespmem:s21+$0x430] =	vst v18;
	v18 =	vld [tilespmem:s21+$0xD460]  }
0x30f: {  	v9 =	vadd.f32 v9, v10;
	v10 =	vmul.f32 v22, v7;
	v16 =	vld [tilespmem:s21+$0xD470];
	[tilespmem:s21+$0x60] =	vst v13;
	v13 =	vmul.f32 v21, v8  }
0x310: {  	v3 =	vadd.f32 v3, v4;
	[tilespmem:s21+$0x70] =	vst v14;
	v14 =	vld [tilespmem:s21+$0x1470]  }
0x311: {  	s15 =	simm.s32 $0x0;
	[tilespmem:s21+$0x30] =	vst v9;
	v9 =	vld [tilespmem:s21+$0xC000];
	v11 =	vmul.f32 v17, v7;
	v17 =	vmul.f32 v20, v8;
	v4 =	vadd.f32 v13, v10  }
0x312: {  	s14 =	simm.s32 $0x80;
	s20 =	smul.u32 $0x1800, s15;
	[tilespmem:s21+$0x20] =	vst v5;
	v5 =	vmul.f32 v15, v7;
	v10 =	vmul.f32 v19, v8  }
0x313: {  	s22 =	sand.u32 $0x380, s14;
	v11 =	vadd.f32 v17, v11;
	[tilespmem:s21+$0x50] =	vst v4;
	v4 =	vmul.f32 v12, v7;
	v12 =	vmul.f32 v18, v8  }
0x314: {  	s20 =	sor.u32 s22, s20;
	[tilespmem:s21+$0x10] =	vst v3;
	v5 =	vadd.f32 v10, v5  }
0x315: {  	v3 =	vld [tilespmem:s20+$0x10];
	v10 =	vmul.f32 v14, v7;
	[tilespmem:s21+$0x1440] =	vst v11;
	v11 =	vmul.f32 v16, v8;
	v12 =	vadd.f32 v12, v4  }
0x316: {  	v7 =	vmul.f32 v6, v7;
	v8 =	vmul.f32 v9, v8;
	v4 =	vld [tilespmem:s20+$0xC010];
	[tilespmem:s21+$0x1450] =	vst v5  }
0x317: {  	v9 =	vadd.f32 v11, v10;
	v6 =	vld [tilespmem:s20+$0x20];
	[tilespmem:s21+$0x1460] =	vst v12  }
0x318: {  	v7 =	vadd.f32 v8, v7;
	v5 =	vld [tilespmem:s20+$0xC020]  }
0x319: {  	[tilespmem:s21+$0x1470] =	vst v9;
	v8 =	vld [tilespmem:s20+$0x30]  }
0x31a: {  	[tilespmem:s21+$0x0] =	vst v7;
	v18 =	vld [tilespmem:s20+$0x430]  }
0x31b: {  	v7 =	vld [tilespmem:s20+$0xC030]  }
0x31c: {  	v10 =	vld [tilespmem:s20+$0x40]  }
0x31d: {  	v9 =	vld [tilespmem:s20+$0xC040]  }
0x31e: {  	v12 =	vld [tilespmem:s20+$0x50]  }
0x31f: {  	v11 =	vld [tilespmem:s20+$0xC050]  }
0x320: {  	v13 =	vld [tilespmem:s20+$0x60]  }
0x321: {  	v14 =	vld [tilespmem:s20+$0x70]  }
0x322: {  	v15 =	vld [tilespmem:s20+$0x400]  }
0x323: {  	v16 =	vld [tilespmem:s20+$0x410]  }
0x324: {  	v17 =	vld [tilespmem:s20+$0x420]  }
0x325: {  	v19 =	vld [tilespmem:s20+$0x440]  }
0x326: {  	v20 =	vld [tilespmem:s20+$0x450]  }
0x327: {  	v21 =	vld [tilespmem:s20+$0x460]  }
0x328: {  	v22 =	vld [tilespmem:s20+$0x470]  }
0x329: {  	v23 =	vld [tilespmem:s20+$0x800]  }
0x32a: {  	v24 =	vld [tilespmem:s20+$0x810]  }
0x32b: {  	v25 =	vld [tilespmem:s20+$0x820]  }
0x32c: {  	v26 =	vld [tilespmem:s20+$0x830]  }
0x32d: {  	v27 =	vld [tilespmem:s20+$0x840]  }
0x32e: {  	v28 =	vld [tilespmem:s20+$0x850]  }
0x32f: {  	v29 =	vld [tilespmem:s20+$0x860]  }
0x330: {  	v30 =	vld [tilespmem:s20+$0x870]  }
0x331: {  	v32 =	vld [tilespmem:s20+$0xC00]  }
0x332: {  	v34 =	vld [tilespmem:s20+$0xC10]  }
0x333: {  	v35 =	vld [tilespmem:s20+$0xC20]  }
0x334: {  	v36 =	vld [tilespmem:s20+$0xC30]  }
0x335: {  	v37 =	vld [tilespmem:s20+$0xC40]  }
0x336: {  	v38 =	vld [tilespmem:s20+$0xC50]  }
0x337: {  	v39 =	vld [tilespmem:s20+$0xC60]  }
0x338: {  	v40 =	vld [tilespmem:s20+$0xC70]  }
0x339: {  	v41 =	vld [tilespmem:s20+$0x1000]  }
0x33a: {  	v42 =	vld [tilespmem:s20+$0x1010]  }
0x33b: {  	v43 =	vld [tilespmem:s20+$0x1020]  }
0x33c: {  	v44 =	vld [tilespmem:s20+$0x1030]  }
0x33d: {  	v45 =	vld [tilespmem:s20+$0x1040]  }
0x33e: {  	v46 =	vld [tilespmem:s20+$0x1050]  }
0x33f: {  	v47 =	vld [tilespmem:s20+$0x1060]  }
0x340: {  	v48 =	vld [tilespmem:s20+$0x1400]  }
0x341: {  	v50 =	vld [tilespmem:s20+$0x1410]  }
0x342: {  	v49 =	vld [tilespmem:s20+$0xD410]  }
0x343: {  	s21 =	simm.s32 $0x2;
	v51 =	vld [tilespmem:s20+$0xD430]  }
.LBB2_4:
0x344: {  	p0 =	sne.s32 s21, $0x3F;
	v52 =	vld [tilespmem:s20+$0x1420];
	s19 =	sadd.s32 $0x1, s19  }
0x345: {  	s13 =	sadd.s32 $0x1, s13;
	v33 =	vld.msk [tilespmem:s19+$0x0 ss:$0x0], $0xffff  }
0x346: {  	v31 =	vld.msk [tilespmem:s13+$0x0 ss:$0x0], $0xffff  }
0x347: {  	v53 =	vld [tilespmem:s20+$0x1430]  }
0x348: {  	v54 =	vld [tilespmem:s20+$0xD420]  }
0x349: {  	v55 =	vld [tilespmem:s20+$0xD400]  }
0x34a: {  	v56 =	vld [tilespmem:s20+$0x1070]  }
0x34b: {  	v50 =	vmul.f32 v50, v33;
	v52 =	vmul.f32 v52, v33;
	v57 =	vld [tilespmem:s20+$0xD070]  }
0x34c: {  	v51 =	vmul.f32 v51, v31;
	v58 =	vld [tilespmem:s20+$0xD060];
	v53 =	vmul.f32 v53, v33  }
0x34d: {  	v49 =	vmul.f32 v49, v31;
	v59 =	vld [tilespmem:s20+$0xD050];
	v54 =	vmul.f32 v54, v31  }
0x34e: {  	v48 =	vmul.f32 v48, v33;
	v60 =	vld [tilespmem:s20+$0xD040];
	v55 =	vmul.f32 v55, v31;
	v51 =	vadd.f32 v51, v53  }
0x34f: {  	v49 =	vadd.f32 v49, v50;
	v53 =	vld [tilespmem:s20+$0xD030];
	v56 =	vmul.f32 v56, v33;
	v50 =	vadd.f32 v54, v52  }
0x350: {  	v47 =	vmul.f32 v47, v33;
	v52 =	vld [tilespmem:s20+$0xD020];
	v54 =	vmul.f32 v57, v31;
	v48 =	vadd.f32 v55, v48;
	[tilespmem:s20+$0x1430] =	vst v51  }
0x351: {  	v46 =	vmul.f32 v46, v33;
	v51 =	vld [tilespmem:s20+$0xD010];
	v55 =	vmul.f32 v58, v31;
	[tilespmem:s20+$0x1420] =	vst v50  }
0x352: {  	v45 =	vmul.f32 v45, v33;
	v50 =	vld [tilespmem:s20+$0xD000];
	v57 =	vmul.f32 v59, v31;
	v54 =	vadd.f32 v54, v56;
	[tilespmem:s20+$0x1410] =	vst v49  }
0x353: {  	v44 =	vmul.f32 v44, v33;
	v49 =	vld [tilespmem:s20+$0xCC70];
	v56 =	vmul.f32 v60, v31;
	v47 =	vadd.f32 v55, v47;
	[tilespmem:s20+$0x1400] =	vst v48  }
0x354: {  	v43 =	vmul.f32 v43, v33;
	v48 =	vld [tilespmem:s20+$0xCC60];
	v53 =	vmul.f32 v53, v31;
	v46 =	vadd.f32 v57, v46;
	[tilespmem:s20+$0x1070] =	vst v54  }
0x355: {  	v42 =	vmul.f32 v42, v33;
	v54 =	vld [tilespmem:s20+$0xCC50];
	v52 =	vmul.f32 v52, v31;
	v45 =	vadd.f32 v56, v45;
	[tilespmem:s20+$0x1060] =	vst v47  }
0x356: {  	v41 =	vmul.f32 v41, v33;
	v47 =	vld [tilespmem:s20+$0xCC40];
	v51 =	vmul.f32 v51, v31;
	v44 =	vadd.f32 v53, v44;
	[tilespmem:s20+$0x1050] =	vst v46  }
0x357: {  	v40 =	vmul.f32 v40, v33;
	v46 =	vld [tilespmem:s20+$0xCC30];
	v50 =	vmul.f32 v50, v31;
	v43 =	vadd.f32 v52, v43;
	[tilespmem:s20+$0x1040] =	vst v45  }
0x358: {  	v39 =	vmul.f32 v39, v33;
	v45 =	vld [tilespmem:s20+$0xCC20];
	v49 =	vmul.f32 v49, v31;
	v42 =	vadd.f32 v51, v42;
	[tilespmem:s20+$0x1030] =	vst v44  }
0x359: {  	v38 =	vmul.f32 v38, v33;
	v44 =	vld [tilespmem:s20+$0xCC10];
	v48 =	vmul.f32 v48, v31;
	v41 =	vadd.f32 v50, v41;
	[tilespmem:s20+$0x1020] =	vst v43  }
0x35a: {  	v37 =	vmul.f32 v37, v33;
	v43 =	vld [tilespmem:s20+$0xCC00];
	v50 =	vmul.f32 v54, v31;
	v40 =	vadd.f32 v49, v40;
	[tilespmem:s20+$0x1010] =	vst v42  }
0x35b: {  	v36 =	vmul.f32 v36, v33;
	v42 =	vld [tilespmem:s20+$0xC870];
	v47 =	vmul.f32 v47, v31;
	v39 =	vadd.f32 v48, v39;
	[tilespmem:s20+$0x1000] =	vst v41  }
0x35c: {  	v35 =	vmul.f32 v35, v33;
	v41 =	vld [tilespmem:s20+$0xC860];
	v46 =	vmul.f32 v46, v31;
	v38 =	vadd.f32 v50, v38;
	[tilespmem:s20+$0xC70] =	vst v40  }
0x35d: {  	v34 =	vmul.f32 v34, v33;
	v40 =	vld [tilespmem:s20+$0xC850];
	v45 =	vmul.f32 v45, v31;
	v37 =	vadd.f32 v47, v37;
	[tilespmem:s20+$0xC60] =	vst v39  }
0x35e: {  	v32 =	vmul.f32 v32, v33;
	v39 =	vld [tilespmem:s20+$0xC840];
	v44 =	vmul.f32 v44, v31;
	v36 =	vadd.f32 v46, v36;
	[tilespmem:s20+$0xC50] =	vst v38  }
0x35f: {  	v30 =	vmul.f32 v30, v33;
	v38 =	vld [tilespmem:s20+$0xC830];
	v43 =	vmul.f32 v43, v31;
	v35 =	vadd.f32 v45, v35;
	[tilespmem:s20+$0xC40] =	vst v37  }
0x360: {  	v29 =	vmul.f32 v29, v33;
	v37 =	vld [tilespmem:s20+$0xC820];
	v42 =	vmul.f32 v42, v31;
	v34 =	vadd.f32 v44, v34;
	[tilespmem:s20+$0xC30] =	vst v36  }
0x361: {  	v28 =	vmul.f32 v28, v33;
	v36 =	vld [tilespmem:s20+$0xC810];
	v41 =	vmul.f32 v41, v31;
	v32 =	vadd.f32 v43, v32;
	[tilespmem:s20+$0xC20] =	vst v35  }
0x362: {  	v27 =	vmul.f32 v27, v33;
	v35 =	vld [tilespmem:s20+$0xC800];
	v40 =	vmul.f32 v40, v31;
	v30 =	vadd.f32 v42, v30;
	[tilespmem:s20+$0xC10] =	vst v34  }
0x363: {  	v26 =	vmul.f32 v26, v33;
	v34 =	vld [tilespmem:s20+$0xC470];
	v39 =	vmul.f32 v39, v31;
	v29 =	vadd.f32 v41, v29;
	[tilespmem:s20+$0xC00] =	vst v32  }
0x364: {  	v25 =	vmul.f32 v25, v33;
	v32 =	vld [tilespmem:s20+$0xC460];
	v38 =	vmul.f32 v38, v31;
	v28 =	vadd.f32 v40, v28;
	[tilespmem:s20+$0x870] =	vst v30  }
0x365: {  	v24 =	vmul.f32 v24, v33;
	v30 =	vld [tilespmem:s20+$0xC450];
	v37 =	vmul.f32 v37, v31;
	v27 =	vadd.f32 v39, v27;
	[tilespmem:s20+$0x860] =	vst v29  }
0x366: {  	v23 =	vmul.f32 v23, v33;
	v29 =	vld [tilespmem:s20+$0xC440];
	v36 =	vmul.f32 v36, v31;
	v26 =	vadd.f32 v38, v26;
	[tilespmem:s20+$0x850] =	vst v28  }
0x367: {  	v22 =	vmul.f32 v22, v33;
	v28 =	vld [tilespmem:s20+$0xC430];
	v35 =	vmul.f32 v35, v31;
	v25 =	vadd.f32 v37, v25;
	[tilespmem:s20+$0x840] =	vst v27  }
0x368: {  	v21 =	vmul.f32 v21, v33;
	v27 =	vld [tilespmem:s20+$0xC420];
	v34 =	vmul.f32 v34, v31;
	v24 =	vadd.f32 v36, v24;
	[tilespmem:s20+$0x830] =	vst v26  }
0x369: {  	v20 =	vmul.f32 v20, v33;
	v26 =	vld [tilespmem:s20+$0xC410];
	v32 =	vmul.f32 v32, v31;
	v23 =	vadd.f32 v35, v23;
	[tilespmem:s20+$0x820] =	vst v25  }
0x36a: {  	v19 =	vmul.f32 v19, v33;
	v25 =	vld [tilespmem:s20+$0xC400];
	v30 =	vmul.f32 v30, v31;
	v22 =	vadd.f32 v34, v22;
	[tilespmem:s20+$0x810] =	vst v24  }
0x36b: {  	v18 =	vmul.f32 v18, v33;
	v24 =	vld [tilespmem:s20+$0xC070];
	v29 =	vmul.f32 v29, v31;
	v21 =	vadd.f32 v32, v21;
	[tilespmem:s20+$0x800] =	vst v23  }
0x36c: {  	v17 =	vmul.f32 v17, v33;
	v23 =	vld [tilespmem:s20+$0xC060];
	v28 =	vmul.f32 v28, v31;
	v20 =	vadd.f32 v30, v20;
	[tilespmem:s20+$0x470] =	vst v22  }
0x36d: {  	v16 =	vmul.f32 v16, v33;
	v22 =	vmul.f32 v27, v31;
	v19 =	vadd.f32 v29, v19;
	[tilespmem:s20+$0x460] =	vst v21;
	v21 =	vld [tilespmem:s20+$0xD440]  }
0x36e: {  	v15 =	vmul.f32 v15, v33;
	v26 =	vmul.f32 v26, v31;
	v18 =	vadd.f32 v28, v18;
	[tilespmem:s20+$0x450] =	vst v20;
	v20 =	vld [tilespmem:s20+$0xD450]  }
0x36f: {  	v14 =	vmul.f32 v14, v33;
	v25 =	vmul.f32 v25, v31;
	v17 =	vadd.f32 v22, v17;
	[tilespmem:s20+$0x440] =	vst v19;
	v19 =	vld [tilespmem:s20+$0xD460]  }
0x370: {  	v13 =	vmul.f32 v13, v33;
	v22 =	vmul.f32 v24, v31;
	v16 =	vadd.f32 v26, v16;
	[tilespmem:s20+$0x430] =	vst v18;
	v18 =	vld [tilespmem:s20+$0xD470]  }
0x371: {  	v12 =	vmul.f32 v12, v33;
	v23 =	vmul.f32 v23, v31;
	v15 =	vadd.f32 v25, v15;
	[tilespmem:s20+$0x420] =	vst v17;
	v17 =	vld [tilespmem:s20+$0x1440]  }
0x372: {  	v10 =	vmul.f32 v10, v33;
	v11 =	vmul.f32 v11, v31;
	v14 =	vadd.f32 v22, v14;
	[tilespmem:s20+$0x410] =	vst v16;
	v16 =	vld [tilespmem:s20+$0x1450]  }
0x373: {  	v8 =	vmul.f32 v8, v33;
	v9 =	vmul.f32 v9, v31;
	v13 =	vadd.f32 v23, v13;
	[tilespmem:s20+$0x400] =	vst v15;
	v15 =	vld [tilespmem:s20+$0x1460]  }
0x374: {  	v6 =	vmul.f32 v6, v33;
	v7 =	vmul.f32 v7, v31;
	v11 =	vadd.f32 v11, v12;
	[tilespmem:s20+$0x70] =	vst v14;
	v12 =	vld [tilespmem:s20+$0x1470]  }
0x375: {  	v3 =	vmul.f32 v3, v33;
	v5 =	vmul.f32 v5, v31;
	v9 =	vadd.f32 v9, v10;
	v14 =	vld [tilespmem:s20+$0x0];
	[tilespmem:s20+$0x60] =	vst v13  }
0x376: {  	v4 =	vmul.f32 v4, v31;
	v7 =	vadd.f32 v7, v8;
	v10 =	vld [tilespmem:s20+$0xC000];
	[tilespmem:s20+$0x50] =	vst v11;
	v8 =	vmul.f32 v17, v33  }
0x377: {  	s15 =	sshrl.u32 s21, $0x3;
	v5 =	vadd.f32 v5, v6;
	v6 =	vmul.f32 v21, v31;
	[tilespmem:s20+$0x40] =	vst v9;
	v9 =	vmul.f32 v16, v33  }
0x378: {  	s14 =	sadd.s32 $0x80, s14;
	s15 =	smul.u32 $0x1800, s15;
	v3 =	vadd.f32 v4, v3;
	v4 =	vmul.f32 v20, v31;
	[tilespmem:s20+$0x30] =	vst v7;
	v7 =	vmul.f32 v15, v33  }
0x379: {  	s22 =	sand.u32 $0x380, s14;
	[tilespmem:s20+$0x20] =	vst v5;
	v5 =	vadd.f32 v6, v8;
	v6 =	vmul.f32 v19, v31;
	v8 =	vmul.f32 v12, v33  }
0x37a: {  	s15 =	sor.u32 s22, s15;
	v9 =	vadd.f32 v4, v9;
	v12 =	vmul.f32 v18, v31;
	v11 =	vmul.f32 v14, v33;
	[tilespmem:s20+$0x10] =	vst v3  }
0x37b: {  	v3 =	vld [tilespmem:s15+$0x10];
	v10 =	vmul.f32 v10, v31;
	[tilespmem:s20+$0x1440] =	vst v5;
	v5 =	vadd.f32 v6, v7  }
0x37c: {  	v7 =	vadd.f32 v12, v8;
	v4 =	vld [tilespmem:s15+$0xC010];
	[tilespmem:s20+$0x1450] =	vst v9  }
0x37d: {  	v6 =	vld [tilespmem:s15+$0x20];
	v9 =	vadd.f32 v10, v11;
	[tilespmem:s20+$0x1460] =	vst v5  }
0x37e: {  	v5 =	vld [tilespmem:s15+$0xC020];
	[tilespmem:s20+$0x1470] =	vst v7  }
0x37f: {  	v8 =	vld [tilespmem:s15+$0x30];
	[tilespmem:s20+$0x0] =	vst v9;
	s20 =	smov.u32 s15  }
0x380: {  	v7 =	vld [tilespmem:s20+$0xC030]  }
0x381: {  	v10 =	vld [tilespmem:s20+$0x40]  }
0x382: {  	v9 =	vld [tilespmem:s20+$0xC040]  }
0x383: {  	v12 =	vld [tilespmem:s20+$0x50]  }
0x384: {  	v11 =	vld [tilespmem:s20+$0xC050]  }
0x385: {  	v13 =	vld [tilespmem:s20+$0x60]  }
0x386: {  	v14 =	vld [tilespmem:s20+$0x70]  }
0x387: {  	v15 =	vld [tilespmem:s20+$0x400]  }
0x388: {  	v16 =	vld [tilespmem:s20+$0x410]  }
0x389: {  	v17 =	vld [tilespmem:s20+$0x420]  }
0x38a: {  	v18 =	vld [tilespmem:s20+$0x430]  }
0x38b: {  	v19 =	vld [tilespmem:s20+$0x440]  }
0x38c: {  	v20 =	vld [tilespmem:s20+$0x450]  }
0x38d: {  	v21 =	vld [tilespmem:s20+$0x460]  }
0x38e: {  	v22 =	vld [tilespmem:s20+$0x470]  }
0x38f: {  	v23 =	vld [tilespmem:s20+$0x800]  }
0x390: {  	v24 =	vld [tilespmem:s20+$0x810]  }
0x391: {  	v25 =	vld [tilespmem:s20+$0x820]  }
0x392: {  	v26 =	vld [tilespmem:s20+$0x830]  }
0x393: {  	v27 =	vld [tilespmem:s20+$0x840]  }
0x394: {  	v28 =	vld [tilespmem:s20+$0x850]  }
0x395: {  	v29 =	vld [tilespmem:s20+$0x860]  }
0x396: {  	v30 =	vld [tilespmem:s20+$0x870]  }
0x397: {  	v32 =	vld [tilespmem:s20+$0xC00]  }
0x398: {  	v34 =	vld [tilespmem:s20+$0xC10]  }
0x399: {  	v35 =	vld [tilespmem:s20+$0xC20]  }
0x39a: {  	v36 =	vld [tilespmem:s20+$0xC30]  }
0x39b: {  	v37 =	vld [tilespmem:s20+$0xC40]  }
0x39c: {  	v38 =	vld [tilespmem:s20+$0xC50]  }
0x39d: {  	v39 =	vld [tilespmem:s20+$0xC60]  }
0x39e: {  	v40 =	vld [tilespmem:s20+$0xC70]  }
0x39f: {  	v41 =	vld [tilespmem:s20+$0x1000]  }
0x3a0: {  	v42 =	vld [tilespmem:s20+$0x1010]  }
0x3a1: {  	v43 =	vld [tilespmem:s20+$0x1020]  }
0x3a2: {  	v44 =	vld [tilespmem:s20+$0x1030]  }
0x3a3: {  	v45 =	vld [tilespmem:s20+$0x1040]  }
0x3a4: {  	v46 =	vld [tilespmem:s20+$0x1050]  }
.Ltmp1:
0x3a5: {  	v47 =	vld [tilespmem:s20+$0x1060];
	(pc) =	sbr.rel @p0 .LBB2_4-.Ltmp1, $4  }
0x3a6: {  	v48 =	vld [tilespmem:s20+$0x1400]  }
0x3a7: {  	v50 =	vld [tilespmem:s20+$0x1410]  }
0x3a8: {  	v49 =	vld [tilespmem:s20+$0xD410]  }
0x3a9: {  	s21 =	sadd.s32 $0x1, s21;
	v51 =	vld [tilespmem:s20+$0xD430]  }
0x3aa: {  	v52 =	vld [tilespmem:s20+$0x1420]  }
0x3ab: {  	s14 =	sadd.s32 $0x1, s19;
	v53 =	vld [tilespmem:s20+$0x1430]  }
0x3ac: {  	s13 =	sadd.s32 $0x1, s13;
	v31 =	vld.msk [tilespmem:s14+$0x0 ss:$0x0], $0xffff  }
0x3ad: {  	v33 =	vld.msk [tilespmem:s13+$0x0 ss:$0x0], $0xffff  }
0x3ae: {  	v54 =	vld [tilespmem:s20+$0xD420];
	_ =	sdelay $0x1  }
0x3af: {  	v55 =	vld [tilespmem:s20+$0xD400]  }
0x3b0: {  	v56 =	vld [tilespmem:s20+$0x1070]  }
0x3b1: {  	v58 =	vld [tilespmem:s20+$0xD060];
	v53 =	vmul.f32 v53, v31;
	v51 =	vmul.f32 v51, v33  }
0x3b2: {  	v57 =	vld [tilespmem:s20+$0xD070];
	v52 =	vmul.f32 v52, v31;
	v54 =	vmul.f32 v54, v33  }
0x3b3: {  	v59 =	vld [tilespmem:s20+$0xD050];
	v50 =	vmul.f32 v50, v31;
	v49 =	vmul.f32 v49, v33  }
0x3b4: {  	v60 =	vld [tilespmem:s20+$0xD040];
	v48 =	vmul.f32 v48, v31;
	v62 =	vmul.f32 v55, v33;
	v51 =	vadd.f32 v51, v53  }
0x3b5: {  	v61 =	vld [tilespmem:s20+$0xD020];
	v63 =	vmul.f32 v56, v31;
	v47 =	vmul.f32 v47, v31;
	v52 =	vadd.f32 v54, v52  }
0x3b6: {  	v58 =	vmul.f32 v58, v33;
	v55 =	vld [tilespmem:s20+$0xC460];
	v12 =	vmul.f32 v12, v31;
	v49 =	vadd.f32 v49, v50;
	[tilespmem:s20+$0x1430] =	vst v51  }
0x3b7: {  	v56 =	vld [tilespmem:s20+$0xC450];
	v11 =	vmul.f32 v11, v33;
	v10 =	vmul.f32 v10, v31;
	v48 =	vadd.f32 v62, v48;
	[tilespmem:s20+$0x1420] =	vst v52  }
0x3b8: {  	v9 =	vmul.f32 v9, v33;
	v8 =	vmul.f32 v8, v31;
	v53 =	vld [tilespmem:s20+$0xD030];
	v47 =	vadd.f32 v58, v47;
	[tilespmem:s20+$0x1410] =	vst v49  }
0x3b9: {  	v7 =	vmul.f32 v7, v33;
	v6 =	vmul.f32 v6, v31;
	v50 =	vld [tilespmem:s20+$0xD000];
	v11 =	vadd.f32 v11, v12;
	[tilespmem:s20+$0x1400] =	vst v48  }
0x3ba: {  	v5 =	vmul.f32 v5, v33;
	v3 =	vmul.f32 v3, v31;
	v58 =	vld [tilespmem:s20+$0xCC20];
	v9 =	vadd.f32 v9, v10;
	[tilespmem:s20+$0x1060] =	vst v47  }
0x3bb: {  	v4 =	vmul.f32 v4, v33;
	v62 =	vmul.f32 v59, v33;
	v59 =	vld [tilespmem:s20+$0xCC10];
	v7 =	vadd.f32 v7, v8;
	[tilespmem:s20+$0x50] =	vst v11  }
0x3bc: {  	v57 =	vmul.f32 v57, v33;
	v54 =	vld [tilespmem:s20+$0xC470];
	v5 =	vadd.f32 v5, v6;
	[tilespmem:s20+$0x40] =	vst v9  }
0x3bd: {  	v46 =	vmul.f32 v46, v31;
	v3 =	vadd.f32 v4, v3;
	v51 =	vld [tilespmem:s20+$0xD010];
	[tilespmem:s20+$0x30] =	vst v7  }
0x3be: {  	v45 =	vmul.f32 v45, v31;
	v49 =	vld [tilespmem:s20+$0xCC70];
	v52 =	vadd.f32 v57, v63;
	v63 =	vmul.f32 v60, v33;
	[tilespmem:s20+$0x20] =	vst v5  }
0x3bf: {  	v43 =	vmul.f32 v43, v31;
	v48 =	vld [tilespmem:s20+$0xCC60];
	v46 =	vadd.f32 v62, v46;
	v57 =	vmul.f32 v61, v33;
	[tilespmem:s20+$0x10] =	vst v3  }
0x3c0: {  	v44 =	vmul.f32 v44, v31;
	v47 =	vld [tilespmem:s20+$0xCC40];
	[tilespmem:s20+$0x1070] =	vst v52;
	v45 =	vadd.f32 v63, v45;
	v53 =	vmul.f32 v53, v33  }
0x3c1: {  	v41 =	vmul.f32 v41, v31;
	v60 =	vld [tilespmem:s20+$0xCC00];
	[tilespmem:s20+$0x1050] =	vst v46;
	v43 =	vadd.f32 v57, v43;
	v50 =	vmul.f32 v50, v33  }
0x3c2: {  	v35 =	vmul.f32 v35, v31;
	v61 =	vld [tilespmem:s20+$0xC870];
	[tilespmem:s20+$0x1040] =	vst v45;
	v45 =	vmul.f32 v58, v33;
	v44 =	vadd.f32 v53, v44  }
0x3c3: {  	v42 =	vmul.f32 v42, v31;
	v52 =	vld [tilespmem:s20+$0xCC50];
	[tilespmem:s20+$0x1020] =	vst v43;
	v51 =	vmul.f32 v51, v33;
	v41 =	vadd.f32 v50, v41  }
0x3c4: {  	v40 =	vmul.f32 v40, v31;
	v46 =	vld [tilespmem:s20+$0xCC30];
	v49 =	vmul.f32 v49, v33;
	v35 =	vadd.f32 v45, v35;
	[tilespmem:s20+$0x1030] =	vst v44  }
0x3c5: {  	v39 =	vmul.f32 v39, v31;
	v62 =	vld [tilespmem:s20+$0xC860];
	v48 =	vmul.f32 v48, v33;
	v42 =	vadd.f32 v51, v42;
	[tilespmem:s20+$0x1000] =	vst v41  }
0x3c6: {  	v37 =	vmul.f32 v37, v31;
	v57 =	vld [tilespmem:s20+$0xC440];
	v47 =	vmul.f32 v47, v33;
	v40 =	vadd.f32 v49, v40;
	[tilespmem:s20+$0xC20] =	vst v35  }
0x3c7: {  	v32 =	vmul.f32 v32, v31;
	v58 =	vld [tilespmem:s20+$0xC430];
	v43 =	vmul.f32 v60, v33;
	v39 =	vadd.f32 v48, v39;
	[tilespmem:s20+$0x1010] =	vst v42  }
0x3c8: {  	v38 =	vmul.f32 v38, v31;
	v50 =	vld [tilespmem:s20+$0xC830];
	v63 =	vmul.f32 v52, v33;
	v37 =	vadd.f32 v47, v37;
	[tilespmem:s20+$0xC70] =	vst v40  }
0x3c9: {  	v36 =	vmul.f32 v36, v31;
	v53 =	vld [tilespmem:s20+$0xC800];
	v46 =	vmul.f32 v46, v33;
	v32 =	vadd.f32 v43, v32;
	[tilespmem:s20+$0xC60] =	vst v39  }
0x3ca: {  	v34 =	vmul.f32 v34, v31;
	v60 =	vld [tilespmem:s20+$0xC410];
	v44 =	vmul.f32 v59, v33;
	v38 =	vadd.f32 v63, v38;
	[tilespmem:s20+$0xC40] =	vst v37  }
0x3cb: {  	v29 =	vmul.f32 v29, v31;
	v45 =	vld [tilespmem:s20+$0x1440];
	v41 =	vmul.f32 v62, v33;
	v36 =	vadd.f32 v46, v36;
	[tilespmem:s20+$0xC00] =	vst v32  }
0x3cc: {  	v21 =	vmul.f32 v21, v31;
	v48 =	vld [tilespmem:s20+$0xC850];
	v62 =	vmul.f32 v55, v33;
	v34 =	vadd.f32 v44, v34;
	[tilespmem:s20+$0xC50] =	vst v38  }
0x3cd: {  	v30 =	vmul.f32 v30, v31;
	v49 =	vld [tilespmem:s20+$0xC840];
	v42 =	vmul.f32 v61, v33;
	v29 =	vadd.f32 v41, v29;
	[tilespmem:s20+$0xC30] =	vst v36  }
0x3ce: {  	v23 =	vmul.f32 v23, v31;
	v51 =	vld [tilespmem:s20+$0xC820];
	v21 =	vadd.f32 v62, v21;
	v35 =	vmul.f32 v53, v33;
	[tilespmem:s20+$0xC10] =	vst v34  }
0x3cf: {  	v16 =	vmul.f32 v16, v31;
	v52 =	vld [tilespmem:s20+$0xC810];
	v41 =	vmul.f32 v60, v33;
	v30 =	vadd.f32 v42, v30;
	[tilespmem:s20+$0x860] =	vst v29  }
0x3d0: {  	v26 =	vmul.f32 v26, v31;
	v59 =	vld [tilespmem:s20+$0xC420];
	v38 =	vmul.f32 v50, v33;
	[tilespmem:s20+$0x460] =	vst v21;
	v23 =	vadd.f32 v35, v23  }
0x3d1: {  	v22 =	vmul.f32 v22, v31;
	v43 =	vld [tilespmem:s20+$0xD470];
	v34 =	vmul.f32 v54, v33;
	v16 =	vadd.f32 v41, v16;
	[tilespmem:s20+$0x870] =	vst v30  }
0x3d2: {  	v28 =	vmul.f32 v28, v31;
	v61 =	vld [tilespmem:s20+$0xC400];
	v40 =	vmul.f32 v48, v33;
	v26 =	vadd.f32 v38, v26;
	[tilespmem:s20+$0x800] =	vst v23  }
0x3d3: {  	v27 =	vmul.f32 v27, v31;
	v63 =	vld [tilespmem:s20+$0xC070];
	v39 =	vmul.f32 v49, v33;
	v22 =	vadd.f32 v34, v22;
	[tilespmem:s20+$0x410] =	vst v16  }
0x3d4: {  	v25 =	vmul.f32 v25, v31;
	v46 =	vld [tilespmem:s20+$0x1450];
	v37 =	vmul.f32 v51, v33;
	v28 =	vadd.f32 v40, v28;
	[tilespmem:s20+$0x830] =	vst v26  }
0x3d5: {  	v24 =	vmul.f32 v24, v31;
	v50 =	vld [tilespmem:s20+$0xC000];
	v36 =	vmul.f32 v52, v33;
	v27 =	vadd.f32 v39, v27;
	[tilespmem:s20+$0x470] =	vst v22  }
0x3d6: {  	v19 =	vmul.f32 v19, v31;
	v35 =	vmul.f32 v57, v33;
	v48 =	vld [tilespmem:s20+$0x1460];
	v25 =	vadd.f32 v37, v25;
	[tilespmem:s20+$0x850] =	vst v28  }
0x3d7: {  	v20 =	vmul.f32 v20, v31;
	v51 =	vld [tilespmem:s20+$0x0];
	v30 =	vmul.f32 v56, v33;
	v24 =	vadd.f32 v36, v24;
	[tilespmem:s20+$0x840] =	vst v27  }
0x3d8: {  	v18 =	vmul.f32 v18, v31;
	v34 =	vld [tilespmem:s20+$0xC060];
	v37 =	vmul.f32 v58, v33;
	v19 =	vadd.f32 v35, v19;
	[tilespmem:s20+$0x820] =	vst v25  }
0x3d9: {  	v17 =	vmul.f32 v17, v31;
	v38 =	vld [tilespmem:s20+$0xD450];
	v39 =	vmul.f32 v59, v33;
	v20 =	vadd.f32 v30, v20;
	[tilespmem:s20+$0x810] =	vst v24  }
0x3da: {  	v15 =	vmul.f32 v15, v31;
	v36 =	vld [tilespmem:s20+$0xD440];
	v42 =	vmul.f32 v61, v33;
	v18 =	vadd.f32 v37, v18;
	[tilespmem:s20+$0x440] =	vst v19  }
0x3db: {  	v14 =	vmul.f32 v14, v31;
	v40 =	vld [tilespmem:s20+$0xD460];
	v44 =	vmul.f32 v63, v33;
	v17 =	vadd.f32 v39, v17;
	[tilespmem:s20+$0x450] =	vst v20  }
0x3dc: {  	v49 =	vld [tilespmem:s20+$0x1470];
	v15 =	vadd.f32 v42, v15;
	v10 =	vmul.f32 v50, v33;
	v61 =	vmul.f32 v51, v31;
	[tilespmem:s20+$0x430] =	vst v18  }
0x3dd: {  	v13 =	vmul.f32 v13, v31;
	v14 =	vadd.f32 v44, v14;
	[tilespmem:s20+$0x420] =	vst v17;
	v47 =	vmul.f32 v34, v33  }
0x3de: {  	v54 =	vmul.f32 v46, v31;
	[tilespmem:s20+$0x400] =	vst v15;
	v55 =	vmul.f32 v38, v33;
	v63 =	vadd.f32 v10, v61  }
0x3df: {  	v52 =	vmul.f32 v45, v31;
	[tilespmem:s20+$0x70] =	vst v14;
	v53 =	vmul.f32 v36, v33;
	v13 =	vadd.f32 v47, v13  }
0x3e0: {  	v56 =	vmul.f32 v48, v31;
	v58 =	vmul.f32 v40, v33;
	v3 =	vadd.f32 v55, v54;
	[tilespmem:s20+$0x0] =	vst v63  }
0x3e1: {  	v60 =	vmul.f32 v43, v33;
	v59 =	vmul.f32 v49, v31;
	v57 =	vadd.f32 v53, v52;
	[tilespmem:s20+$0x60] =	vst v13  }
0x3e2: {  	v62 =	vadd.f32 v58, v56;
	[tilespmem:s20+$0x1450] =	vst v3  }
0x3e3: {  	s12 =	sadd.s32 $0x1, s12;
	v3 =	vadd.f32 v60, v59;
	[tilespmem:s20+$0x1440] =	vst v57  }
0x3e4: {  	p0 =	sne.s32 s12, s16;
	[tilespmem:s20+$0x1460] =	vst v62  }
.Ltmp2:
0x3e5: {  	s22 =	rddreg [dreg:$0xc];
	[tilespmem:s20+$0x1470] =	vst v3;
	(pc) =	sbr.rel @p0 .LBB2_1-.Ltmp2, $4  }
0x3e6: {  	[hbm4b:s22+s1] =	stream.linear.scatter [tilespmem:s1], [sflag:$0x3], $0xC000, $0x38;
	[tilespmem:$0x18200] =	vst v63  }
0x3e7: {  	_ =	swait.ge [sflag:s18], $0xC000  }
0x3e8: {  	[sflag:s18] =	ssyncset.done $0x0  }
0x3e9: {  	[sflag:s18] =	ssyncadd.s32 $0xFFFF4000  }
0x3ea: {  	_ =	sfence.sel $0x180000  }
0x3eb: {  	[bflag:$0x0] =	sbarrier.arrive $0xFFFF  }
0x3ec: {  	_ =	strace $0x9000004A  }
0x3ed: {  	s0 =	stileid.u32;
	[bflag:$0x2] =	sbarrier.arrive $0xFFFF  }
0x3ee: {  	p0 =	sne.s32 s0, $0x0;
	s0 =	rddreg [dreg:$0x2]  }
0x3ef: {  	s0 =	sadd.s32 @!p0 $0x100000, s0  }
0x3f0: {  	[sflag:s0] =	ssyncadd.tile.s32 @!p0 $0x1;
	_ =	shalt  }
.Lfunc_end2:
_tile_overlayer_lowered:
.L_overlay_start_2:
0x3f1: {  	(tag) =	ssettag $0x2  }
0x3f2: {  	s0 =	rddreg [dreg:$0x0];
	s2 =	stileid.u32  }
0x3f3: {  	s1 =	rddreg [dreg:$0x1];
	p0 =	sne.s32 s2, $0x0  }
0x3f4: {  	s3 =	rddreg [dreg:$0x2];
	[bflag:$0x3] =	sbarrier.arrive $0xFFFF;
	s2 =	simm.s32 @!p0 $0x1C03  }
0x3f5: {  	[timem:s3], [sflag:s2] =	dma.local @!p0 [hbm:s0], s1  }
0x3f6: {  	s0 =	simm.s32 @!p0 $0x3  }
0x3f7: {  	_ =	swait.ge @!p0 [sflag:s0], s1  }
0x3f8: {  	s1 =	ssub.s32 @!p0 $0x0, s1;
	[sflag:s0] =	ssyncset.done @!p0 $0x0  }
0x3f9: {  	[sflag:s0] =	ssyncadd.s32 @!p0 s1  }
0x3fa: {  	[bflag:$0x3] =	sbarrier.arrive $0xFFFF  }
0x3fb: {  	_ =	shalt  }

</sc_bundles>
